<compile_context>
chip_gen: v7x
topology: tpu7x:2x2x1
jax: 0.10.2.dev20260603
libtpu: 0.0.44.dev20260713+nightly
codegen_flags: <defaults>
</compile_context>

<pallas_src>
import functools

import jax
import jax.numpy as jnp
from jax import lax
from jax.experimental import pallas as pl
from jax.experimental.pallas import tpu as pltpu
from jax.experimental.pallas import tpu_sc as plsc

_NC = 2
_NS = 16
_K = 128
_BK = 128
_CH = 40
_BM = 256

_N = 10000
_NPAD = 10240
_ROWS_PER_SUB = _NPAD // _NS


def _sc_mesh():
    return plsc.VectorSubcoreMesh(
        core_axis_name="c", subcore_axis_name="s", num_cores=_NC,
        num_subcores=_NS)


def _sc_degrees(src_e, dst_e, onesA_hbm, onesB_hbm, z128_hbm, nb):
    @functools.partial(
        pl.kernel,
        out_type=jax.ShapeDtypeStruct((_NC, _NPAD, 128), jnp.float32),
        mesh=_sc_mesh(),
        scratch_types=[
            pltpu.VMEM((nb, _BK), jnp.int32),
            pltpu.VMEM((nb, _BK), jnp.int32),
            pltpu.VMEM((_BK, 128), jnp.float32),
            pltpu.VMEM((_BK, 128), jnp.float32),
            pltpu.VMEM_SHARED((_NPAD, 128), jnp.float32),
        ],
    )
    def k(src_hbm, dst_hbm, onesA_in, onesB_in, z_in, out_hbm,
          srcv, dstv, onesA, onesB, acc):
        cid = lax.axis_index("c")
        sid = lax.axis_index("s")
        wid = cid * _NS + sid
        pltpu.sync_copy(src_hbm.at[wid], srcv)
        pltpu.sync_copy(dst_hbm.at[wid], dstv)
        pltpu.sync_copy(onesA_in, onesA)
        pltpu.sync_copy(onesB_in, onesB)
        r0 = sid * _ROWS_PER_SUB
        def zero(i, c):
            pltpu.sync_copy(z_in, acc.at[pl.ds(r0 + i * _K, _K)])
            return c
        lax.fori_loop(0, _ROWS_PER_SUB // _K, zero, 0)
        plsc.subcore_barrier()
        def scat(j, c):
            pltpu.sync_copy(onesA, acc.at[srcv.at[j]], add=True)
            pltpu.sync_copy(onesB, acc.at[dstv.at[j]], add=True)
            return c
        lax.fori_loop(0, nb, scat, 0)
        plsc.subcore_barrier()
        pltpu.sync_copy(acc.at[pl.ds(r0, _ROWS_PER_SUB)],
                        out_hbm.at[cid].at[pl.ds(r0, _ROWS_PER_SUB)])

    return k(src_e, dst_e, onesA_hbm, onesB_hbm, z128_hbm)


def _sc_segsum_slices(table, src_r, dst_r, z128_hbm, nsl, nb):
    nsl_sc = nsl // _NC
    nch = nb // _CH

    @functools.partial(
        pl.kernel,
        out_type=jax.ShapeDtypeStruct((nsl, _NPAD, 128), jnp.float32),
        mesh=_sc_mesh(),
        scratch_types=[
            pltpu.VMEM((_CH, _BK), jnp.int32),
            pltpu.VMEM((_CH, _BK), jnp.int32),
            pltpu.VMEM((_BK, 128), jnp.float32),
            pltpu.VMEM((_BK, 128), jnp.float32),
            pltpu.VMEM_SHARED((_NPAD, 128), jnp.float32),
            pltpu.SemaphoreType.DMA,
            pltpu.SemaphoreType.DMA,
        ],
    )
    def k(tab_hbm, src_hbm, dst_hbm, z_in, out_hbm,
          srcv, dstv, buf0, buf1, acc, sem0, sem1):
        cid = lax.axis_index("c")
        sid = lax.axis_index("s")
        bufs = (buf0, buf1)
        sems = (sem0, sem1)
        r0 = sid * _ROWS_PER_SUB
        for t in range(nsl_sc):
            sl = cid * nsl_sc + t
            pltpu.sync_copy(z_in, buf0)
            def zero(i, c):
                pltpu.sync_copy(buf0, acc.at[pl.ds(r0 + i * _K, _K)])
                return c
            lax.fori_loop(0, _ROWS_PER_SUB // _K, zero, 0)
            plsc.subcore_barrier()
            tab = tab_hbm.at[sl]
            for h in range(nch):
                pltpu.sync_copy(src_hbm.at[sid].at[pl.ds(h * _CH, _CH)], srcv)
                pltpu.sync_copy(dst_hbm.at[sid].at[pl.ds(h * _CH, _CH)], dstv)
                pltpu.async_copy(tab.at[srcv.at[0]], buf0, sem0)
                pltpu.async_copy(tab.at[srcv.at[1]], buf1, sem1)
                def outer(i0, c):
                    for b in range(2):
                        j = 2 * i0 + b
                        pltpu.make_async_copy(
                            tab.at[srcv.at[j]], bufs[b], sems[b]).wait()
                        pltpu.sync_copy(bufs[b], acc.at[dstv.at[j]], add=True)
                        @pl.when(j + 2 < _CH)
                        def _():
                            pltpu.async_copy(
                                tab.at[srcv.at[j + 2]], bufs[b], sems[b])
                    return c
                lax.fori_loop(0, _CH // 2, outer, 0)
            plsc.subcore_barrier()
            pltpu.sync_copy(acc.at[pl.ds(r0, _ROWS_PER_SUB)],
                            out_hbm.at[sl].at[pl.ds(r0, _ROWS_PER_SUB)])
            if t + 1 < nsl_sc:
                plsc.subcore_barrier()

    return k(table, src_r, dst_r, z128_hbm)


def _sc_segsum_esplit(table, src_e, dst_e, z128_hbm, nb):
    @functools.partial(
        pl.kernel,
        out_type=jax.ShapeDtypeStruct((_NC, _NPAD, 128), jnp.float32),
        mesh=_sc_mesh(),
        scratch_types=[
            pltpu.VMEM((nb, _BK), jnp.int32),
            pltpu.VMEM((nb, _BK), jnp.int32),
            pltpu.VMEM((_BK, 128), jnp.float32),
            pltpu.VMEM((_BK, 128), jnp.float32),
            pltpu.VMEM_SHARED((_NPAD, 128), jnp.float32),
            pltpu.SemaphoreType.DMA,
            pltpu.SemaphoreType.DMA,
        ],
    )
    def k(tab_hbm, src_hbm, dst_hbm, z_in, out_hbm,
          srcv, dstv, buf0, buf1, acc, sem0, sem1):
        cid = lax.axis_index("c")
        sid = lax.axis_index("s")
        wid = cid * _NS + sid
        pltpu.sync_copy(src_hbm.at[wid], srcv)
        pltpu.sync_copy(dst_hbm.at[wid], dstv)
        bufs = (buf0, buf1)
        sems = (sem0, sem1)
        r0 = sid * _ROWS_PER_SUB
        pltpu.sync_copy(z_in, buf0)
        def zero(i, c):
            pltpu.sync_copy(buf0, acc.at[pl.ds(r0 + i * _K, _K)])
            return c
        lax.fori_loop(0, _ROWS_PER_SUB // _K, zero, 0)
        plsc.subcore_barrier()
        pltpu.async_copy(tab_hbm.at[srcv.at[0]], buf0, sem0)
        pltpu.async_copy(tab_hbm.at[srcv.at[1]], buf1, sem1)
        def outer(i0, c):
            for b in range(2):
                j = 2 * i0 + b
                pltpu.make_async_copy(
                    tab_hbm.at[srcv.at[j]], bufs[b], sems[b]).wait()
                pltpu.sync_copy(bufs[b], acc.at[dstv.at[j]], add=True)
                @pl.when(j + 2 < nb)
                def _():
                    pltpu.async_copy(
                        tab_hbm.at[srcv.at[j + 2]], bufs[b], sems[b])
            return c
        lax.fori_loop(0, nb // 2, outer, 0)
        plsc.subcore_barrier()
        pltpu.sync_copy(acc.at[pl.ds(r0, _ROWS_PER_SUB)],
                        out_hbm.at[cid].at[pl.ds(r0, _ROWS_PER_SUB)])

    return k(table, src_e, dst_e, z128_hbm)


def _tc_norms_xs(xpad, degs):
    def body(x_ref, degs_ref, xs_ref, ns_ref, nd_ref):
        dsrc = degs_ref[0, :, 0] + degs_ref[1, :, 0]
        ddst = degs_ref[0, :, 1] + degs_ref[1, :, 1]
        ns = lax.rsqrt(jnp.maximum(dsrc, 1.0))
        nd = lax.rsqrt(jnp.maximum(ddst, 1.0))
        ns_ref[...] = ns[:, None]
        nd_ref[...] = nd[:, None]
        xs_ref[0] = x_ref[...] * ns[:, None]

    grid = (_NPAD // _BM, 2)
    return pl.pallas_call(
        body,
        grid=grid,
        in_specs=[
            pl.BlockSpec((_BM, 128), lambda i, j: (i, j)),
            pl.BlockSpec((_NC, _BM, 128), lambda i, j: (0, i, 0)),
        ],
        out_specs=[
            pl.BlockSpec((1, _BM, 128), lambda i, j: (j, i, 0)),
            pl.BlockSpec((_BM, 1), lambda i, j: (i, 0)),
            pl.BlockSpec((_BM, 1), lambda i, j: (i, 0)),
        ],
        out_shape=[
            jax.ShapeDtypeStruct((2, _NPAD, 128), jnp.float32),
            jax.ShapeDtypeStruct((_NPAD, 1), jnp.float32),
            jax.ShapeDtypeStruct((_NPAD, 1), jnp.float32),
        ],
    )(xpad, degs)


def _tc_conv(agg_t, nd, ns, W, b, nsl_in, nsl_out):
    K = nsl_in * 128
    b_r = b.reshape(nsl_out, 1, 128)

    def body(agg_ref, nd_ref, ns_ref, W_ref, b_ref, out_ref):
        z = jnp.zeros((_BM, 128), jnp.float32)
        for s in range(nsl_in):
            z = z + jnp.dot(agg_ref[s], W_ref[s * 128:(s + 1) * 128, :],
                            preferred_element_type=jnp.float32)
        z = z * nd_ref[...] + b_ref[0]
        out_ref[0] = jnp.maximum(z, 0.0) * ns_ref[...]

    grid = (_NPAD // _BM, nsl_out)
    return pl.pallas_call(
        body,
        grid=grid,
        in_specs=[
            pl.BlockSpec((nsl_in, _BM, 128), lambda i, j: (0, i, 0)),
            pl.BlockSpec((_BM, 1), lambda i, j: (i, 0)),
            pl.BlockSpec((_BM, 1), lambda i, j: (i, 0)),
            pl.BlockSpec((K, 128), lambda i, j: (0, j)),
            pl.BlockSpec((1, 1, 128), lambda i, j: (j, 0, 0)),
        ],
        out_specs=pl.BlockSpec((1, _BM, 128), lambda i, j: (j, i, 0)),
        out_shape=jax.ShapeDtypeStruct((nsl_out, _NPAD, 128), jnp.float32),
    )(agg_t, nd, ns, W, b_r)


def _tc_conv_proj(agg_t, nd, ns, W2, b2, Wcp, nsl_in):
    K = nsl_in * 128
    b_r = b2.reshape(1, K)

    def body(agg_ref, nd_ref, ns_ref, W_ref, b_ref, Wc_ref, out_ref):
        z = jnp.zeros((_BM, K), jnp.float32)
        for s in range(nsl_in):
            z = z + jnp.dot(agg_ref[s], W_ref[s * 128:(s + 1) * 128, :],
                            preferred_element_type=jnp.float32)
        z = jnp.maximum(z * nd_ref[...] + b_ref[...], 0.0) * ns_ref[...]
        out_ref[...] = jnp.dot(z, Wc_ref[...],
                               preferred_element_type=jnp.float32)

    grid = (_NPAD // _BM,)
    return pl.pallas_call(
        body,
        grid=grid,
        in_specs=[
            pl.BlockSpec((nsl_in, _BM, 128), lambda i: (0, i, 0)),
            pl.BlockSpec((_BM, 1), lambda i: (i, 0)),
            pl.BlockSpec((_BM, 1), lambda i: (i, 0)),
            pl.BlockSpec((K, K), lambda i: (0, 0)),
            pl.BlockSpec((1, K), lambda i: (0, 0)),
            pl.BlockSpec((K, 128), lambda i: (0, 0)),
        ],
        out_specs=pl.BlockSpec((_BM, 128), lambda i: (i, 0)),
        out_shape=jax.ShapeDtypeStruct((_NPAD, 128), jnp.float32),
    )(agg_t, nd, ns, W2, b_r, Wcp)


def _tc_softmax(agg3p, nd, bc):
    bc_r = bc.reshape(1, 64)

    def body(p_ref, nd_ref, bc_ref, out_ref):
        z = (p_ref[0, :, :64] + p_ref[1, :, :64]) * nd_ref[...] + bc_ref[...]
        m = jnp.max(z, axis=1, keepdims=True)
        e = jnp.exp(z - m)
        out_ref[...] = e / jnp.sum(e, axis=1, keepdims=True)

    grid = (_NPAD // _BM,)
    return pl.pallas_call(
        body,
        grid=grid,
        in_specs=[
            pl.BlockSpec((_NC, _BM, 128), lambda i: (0, i, 0)),
            pl.BlockSpec((_BM, 1), lambda i: (i, 0)),
            pl.BlockSpec((1, 64), lambda i: (0, 0)),
        ],
        out_specs=pl.BlockSpec((_BM, 64), lambda i: (i, 0)),
        out_shape=jax.ShapeDtypeStruct((_NPAD, 64), jnp.float32),
    )(agg3p, nd, bc_r)


def kernel(x, edge_index, W1, b1, W2, b2, Wc, bc):
    N = x.shape[0]
    E = edge_index.shape[1]
    d_in = x.shape[1]

    epad = -(-E // (_NC * _NS * _BK)) * (_NC * _NS * _BK)
    src = edge_index[0]
    dst = edge_index[1]
    pad = epad - E
    srcp = jnp.concatenate([src, jnp.full((pad,), N, jnp.int32)])
    dstp = jnp.concatenate([dst, jnp.full((pad,), N, jnp.int32)])
    src16 = srcp.reshape(_NS, epad // (_NS * _BK), _BK)
    dst16 = dstp.reshape(_NS, epad // (_NS * _BK), _BK)
    src32 = srcp.reshape(_NC * _NS, epad // (_NC * _NS * _BK), _BK)
    dst32 = dstp.reshape(_NC * _NS, epad // (_NC * _NS * _BK), _BK)
    nb16 = epad // (_NS * _BK)
    nb32 = epad // (_NC * _NS * _BK)

    xpad = jnp.pad(x, ((0, _NPAD - N), (0, 0)))
    z128 = jnp.zeros((_K, 128), jnp.float32)
    onesA = jnp.zeros((_BK, 128), jnp.float32).at[:, 0].set(1.0)
    onesB = jnp.zeros((_BK, 128), jnp.float32).at[:, 1].set(1.0)
    Wcp = jnp.pad(Wc, ((0, 0), (0, 128 - Wc.shape[1])))

    degs = _sc_degrees(src32, dst32, onesA, onesB, z128, nb32)
    xs_t, ns, nd = _tc_norms_xs(xpad, degs)
    agg1 = _sc_segsum_slices(xs_t, src16, dst16, z128, d_in // 128, nb16)
    hs1 = _tc_conv(agg1, nd, ns, W1, b1, d_in // 128, W1.shape[1] // 128)
    agg2 = _sc_segsum_slices(hs1, src16, dst16, z128, W1.shape[1] // 128, nb16)
    t3 = _tc_conv_proj(agg2, nd, ns, W2, b2, Wcp, W2.shape[0] // 128)
    agg3p = _sc_segsum_esplit(t3, src32, dst32, z128, nb32)
    probs = _tc_softmax(agg3p, nd, bc)
    return probs[:N]

# --- scband reference (transcript-rebuilt; emitter-appended) ---
"""Pipeline reference for scband-simple-gnn-52055003628294 (READ-ONLY COPY).

The authoritative reference and input builder live on the scoring server;
editing this copy changes nothing except your own understanding.
"""

import jax, jax.numpy as jnp
import numpy as np

N_NODES = 10000
N_EDGES = 160000
D_IN = 256
D_H = 512
N_CLASSES = 64


def _degree_norms(src, dst):
    ones = jnp.ones((src.shape[0],), dtype=jnp.float32)
    deg_out = jax.ops.segment_sum(ones, src, num_segments=N_NODES)
    deg_in = jax.ops.segment_sum(ones, dst, num_segments=N_NODES)
    # DGL GraphConv(norm='both', allow_zero_in_degree=True): clamp degree to >=1
    norm_src = jnp.power(jnp.clip(deg_out, 1.0, None), -0.5)
    norm_dst = jnp.power(jnp.clip(deg_in, 1.0, None), -0.5)
    return norm_src, norm_dst


def _graph_conv(x, W, b, src, dst, norm_src, norm_dst):
    # in_feats > out_feats path of DGL GraphConv: project first, then aggregate
    h = x @ W
    h = h * norm_src[:, None]
    agg = jax.ops.segment_sum(h[src], dst, num_segments=N_NODES)
    agg = agg * norm_dst[:, None]
    return agg + b


def setup_inputs(seed: int = 0) -> dict:
    key = jax.random.key(seed)
    ks = jax.random.split(key, 9)
    x = jax.random.normal(ks[0], (N_NODES, D_IN), dtype=jnp.float32)
    # int32 in jax (int64 requires x64 mode); values in [0, N_NODES)
    edge_index = jax.random.randint(ks[1], (2, N_EDGES), 0, N_NODES, dtype=jnp.int32)
    W1 = jax.random.normal(ks[2], (D_IN, D_H), dtype=jnp.float32) * (1.0 / np.sqrt(D_IN))
    b1 = jnp.zeros((D_H,), dtype=jnp.float32)
    W2 = jax.random.normal(ks[3], (D_H, D_H), dtype=jnp.float32) * (1.0 / np.sqrt(D_H))
    b2 = jnp.zeros((D_H,), dtype=jnp.float32)
    Wc = jax.random.normal(ks[4], (D_H, N_CLASSES), dtype=jnp.float32) * (1.0 / np.sqrt(D_H))
    bc = jnp.zeros((N_CLASSES,), dtype=jnp.float32)
    return {"x": x, "edge_index": edge_index, "W1": W1, "b1": b1, "W2": W2, "b2": b2, "Wc": Wc, "bc": bc}


def reference(x, edge_index, W1, b1, W2, b2, Wc, bc):
    src = edge_index[0]
    dst = edge_index[1]
    norm_src, norm_dst = _degree_norms(src, dst)
    h = jax.nn.relu(_graph_conv(x, W1, b1, src, dst, norm_src, norm_dst))
    h = jax.nn.relu(_graph_conv(h, W2, b2, src, dst, norm_src, norm_dst))
    logits = _graph_conv(h, Wc, bc, src, dst, norm_src, norm_dst)
    probs = jax.nn.softmax(logits, axis=1)
    return probs

if __name__ == "__main__":
    import jax
    _d = setup_inputs()
    print(jax.jit(kernel)(*tuple(_d.values())))

</pallas_src>

<mosaic_0001>
#map = affine_map<(d0, d1) -> (0, 0, 0)>
#map1 = affine_map<(d0, d1) -> (0, 0)>
module attributes {stable_mosaic.version = 14 : i64} {
  func.func @k(%arg0: i32, %arg1: i32, %arg2: memref<32x40x128xi32, #tpu.memory_space<hbm>>, %arg3: memref<32x40x128xi32, #tpu.memory_space<hbm>>, %arg4: memref<128x128xf32, #tpu.memory_space<hbm>>, %arg5: memref<128x128xf32, #tpu.memory_space<hbm>>, %arg6: memref<128x128xf32, #tpu.memory_space<hbm>>, %arg7: memref<2x10240x128xf32, #tpu.memory_space<hbm>>, %arg8: memref<40x128xi32, #tpu.memory_space<vmem>>, %arg9: memref<40x128xi32, #tpu.memory_space<vmem>>, %arg10: memref<128x128xf32, #tpu.memory_space<vmem>>, %arg11: memref<128x128xf32, #tpu.memory_space<vmem>>, %arg12: memref<10240x128xf32, #tpu.memory_space<vmem_shared>>) attributes {dimension_semantics = [#tpu.dimension_semantics<core_parallel>, #tpu.dimension_semantics<subcore_parallel>], iteration_bounds = array<i64: 2, 16>, scalar_prefetch = 0 : i64, scratch_operands = 5 : i64, tpu.core_type = #tpu.core_type<sc_vector_subcore>, window_params = [{transform_indices = #map}, {transform_indices = #map}, {transform_indices = #map1}, {transform_indices = #map1}, {transform_indices = #map1}, {transform_indices = #map}]} {
    %mul3A = arith.constant 16 : i32
    %mul3A_0 = arith.muli %arg0, %mul3A : i32
    %add3A = arith.addi %mul3A_0, %arg1 : i32
    "tpu.region"() ({
      %run_scoped3A = tpu.sem_alloc : memref<!tpu.dma_semaphore, #tpu.memory_space<semaphore_mem>>
      %dma_start3A = arith.constant 0 : i32
      %dma_start3A_15 = arith.constant 0 : i32
      %dma_start3A_16 = tpu.memref_slice %arg2[%add3A, %dma_start3A, %dma_start3A_15] : memref<32x40x128xi32, #tpu.memory_space<hbm>> -> memref<1x40x128xi32, #tpu.memory_space<hbm>>
      %dma_start3A_17 = tpu.memref_squeeze %dma_start3A_16 : memref<1x40x128xi32, #tpu.memory_space<hbm>> -> memref<40x128xi32, #tpu.memory_space<hbm>>
      %dma_start3A_18 = arith.constant 0 : i32
      %dma_start3A_19 = arith.constant 0 : i32
      %dma_start3A_20 = tpu.memref_slice %arg2[%add3A, %dma_start3A_18, %dma_start3A_19] : memref<32x40x128xi32, #tpu.memory_space<hbm>> -> memref<1x40x128xi32, #tpu.memory_space<hbm>>
      %dma_start3A_21 = tpu.memref_squeeze %dma_start3A_20 : memref<1x40x128xi32, #tpu.memory_space<hbm>> -> memref<40x128xi32, #tpu.memory_space<hbm>>
      tpu.enqueue_dma source(%dma_start3A_21 : memref<40x128xi32, #tpu.memory_space<hbm>>) target(%arg8 : memref<40x128xi32, #tpu.memory_space<vmem>>) target_semaphore(%run_scoped3A : memref<!tpu.dma_semaphore, #tpu.memory_space<semaphore_mem>>)
      %dma_wait3A = arith.constant 0 : i32
      %dma_wait3A_22 = arith.constant 0 : i32
      %dma_wait3A_23 = tpu.memref_slice %arg2[%add3A, %dma_wait3A, %dma_wait3A_22] : memref<32x40x128xi32, #tpu.memory_space<hbm>> -> memref<1x40x128xi32, #tpu.memory_space<hbm>>
      %dma_wait3A_24 = tpu.memref_squeeze %dma_wait3A_23 : memref<1x40x128xi32, #tpu.memory_space<hbm>> -> memref<40x128xi32, #tpu.memory_space<hbm>>
      %dma_wait3A_25 = arith.constant 0 : i32
      %dma_wait3A_26 = arith.constant 0 : i32
      %dma_wait3A_27 = tpu.memref_slice %arg2[%add3A, %dma_wait3A_25, %dma_wait3A_26] : memref<32x40x128xi32, #tpu.memory_space<hbm>> -> memref<1x40x128xi32, #tpu.memory_space<hbm>>
      %dma_wait3A_28 = tpu.memref_squeeze %dma_wait3A_27 : memref<1x40x128xi32, #tpu.memory_space<hbm>> -> memref<40x128xi32, #tpu.memory_space<hbm>>
      tpu.wait_dma2 semaphore(%run_scoped3A : memref<!tpu.dma_semaphore, #tpu.memory_space<semaphore_mem>>) src(%dma_wait3A_28 : memref<40x128xi32, #tpu.memory_space<hbm>>) dst(%arg8 : memref<40x128xi32, #tpu.memory_space<vmem>>)
      tpu.yield
    }) : () -> ()
    "tpu.region"() ({
      %run_scoped3A = tpu.sem_alloc : memref<!tpu.dma_semaphore, #tpu.memory_space<semaphore_mem>>
      %dma_start3A = arith.constant 0 : i32
      %dma_start3A_15 = arith.constant 0 : i32
      %dma_start3A_16 = tpu.memref_slice %arg3[%add3A, %dma_start3A, %dma_start3A_15] : memref<32x40x128xi32, #tpu.memory_space<hbm>> -> memref<1x40x128xi32, #tpu.memory_space<hbm>>
      %dma_start3A_17 = tpu.memref_squeeze %dma_start3A_16 : memref<1x40x128xi32, #tpu.memory_space<hbm>> -> memref<40x128xi32, #tpu.memory_space<hbm>>
      %dma_start3A_18 = arith.constant 0 : i32
      %dma_start3A_19 = arith.constant 0 : i32
      %dma_start3A_20 = tpu.memref_slice %arg3[%add3A, %dma_start3A_18, %dma_start3A_19] : memref<32x40x128xi32, #tpu.memory_space<hbm>> -> memref<1x40x128xi32, #tpu.memory_space<hbm>>
      %dma_start3A_21 = tpu.memref_squeeze %dma_start3A_20 : memref<1x40x128xi32, #tpu.memory_space<hbm>> -> memref<40x128xi32, #tpu.memory_space<hbm>>
      tpu.enqueue_dma source(%dma_start3A_21 : memref<40x128xi32, #tpu.memory_space<hbm>>) target(%arg9 : memref<40x128xi32, #tpu.memory_space<vmem>>) target_semaphore(%run_scoped3A : memref<!tpu.dma_semaphore, #tpu.memory_space<semaphore_mem>>)
      %dma_wait3A = arith.constant 0 : i32
      %dma_wait3A_22 = arith.constant 0 : i32
      %dma_wait3A_23 = tpu.memref_slice %arg3[%add3A, %dma_wait3A, %dma_wait3A_22] : memref<32x40x128xi32, #tpu.memory_space<hbm>> -> memref<1x40x128xi32, #tpu.memory_space<hbm>>
      %dma_wait3A_24 = tpu.memref_squeeze %dma_wait3A_23 : memref<1x40x128xi32, #tpu.memory_space<hbm>> -> memref<40x128xi32, #tpu.memory_space<hbm>>
      %dma_wait3A_25 = arith.constant 0 : i32
      %dma_wait3A_26 = arith.constant 0 : i32
      %dma_wait3A_27 = tpu.memref_slice %arg3[%add3A, %dma_wait3A_25, %dma_wait3A_26] : memref<32x40x128xi32, #tpu.memory_space<hbm>> -> memref<1x40x128xi32, #tpu.memory_space<hbm>>
      %dma_wait3A_28 = tpu.memref_squeeze %dma_wait3A_27 : memref<1x40x128xi32, #tpu.memory_space<hbm>> -> memref<40x128xi32, #tpu.memory_space<hbm>>
      tpu.wait_dma2 semaphore(%run_scoped3A : memref<!tpu.dma_semaphore, #tpu.memory_space<semaphore_mem>>) src(%dma_wait3A_28 : memref<40x128xi32, #tpu.memory_space<hbm>>) dst(%arg9 : memref<40x128xi32, #tpu.memory_space<vmem>>)
      tpu.yield
    }) : () -> ()
    "tpu.region"() ({
      %run_scoped3A = tpu.sem_alloc : memref<!tpu.dma_semaphore, #tpu.memory_space<semaphore_mem>>
      tpu.enqueue_dma source(%arg4 : memref<128x128xf32, #tpu.memory_space<hbm>>) target(%arg10 : memref<128x128xf32, #tpu.memory_space<vmem>>) target_semaphore(%run_scoped3A : memref<!tpu.dma_semaphore, #tpu.memory_space<semaphore_mem>>)
      tpu.wait_dma2 semaphore(%run_scoped3A : memref<!tpu.dma_semaphore, #tpu.memory_space<semaphore_mem>>) src(%arg4 : memref<128x128xf32, #tpu.memory_space<hbm>>) dst(%arg10 : memref<128x128xf32, #tpu.memory_space<vmem>>)
      tpu.yield
    }) : () -> ()
    "tpu.region"() ({
      %run_scoped3A = tpu.sem_alloc : memref<!tpu.dma_semaphore, #tpu.memory_space<semaphore_mem>>
      tpu.enqueue_dma source(%arg5 : memref<128x128xf32, #tpu.memory_space<hbm>>) target(%arg11 : memref<128x128xf32, #tpu.memory_space<vmem>>) target_semaphore(%run_scoped3A : memref<!tpu.dma_semaphore, #tpu.memory_space<semaphore_mem>>)
      tpu.wait_dma2 semaphore(%run_scoped3A : memref<!tpu.dma_semaphore, #tpu.memory_space<semaphore_mem>>) src(%arg5 : memref<128x128xf32, #tpu.memory_space<hbm>>) dst(%arg11 : memref<128x128xf32, #tpu.memory_space<vmem>>)
      tpu.yield
    }) : () -> ()
    %mul3A_1 = arith.constant 640 : i32
    %mul3A_2 = arith.muli %arg1, %mul3A_1 : i32
    %scan3A = arith.constant 0 : i32
    %scan3A_3 = arith.constant 0 : i32
    %scan3A_4 = arith.constant 5 : i32
    %scan3A_5 = arith.addi %scan3A_3, %scan3A_4 : i32
    %scan3A_6 = arith.constant 1 : i32
    scf.for %scan3A_15 = %scan3A_3 to %scan3A_5 step %scan3A_6  : i32 {
      %mul3A_16 = arith.constant 128 : i32
      %mul3A_17 = arith.muli %scan3A_15, %mul3A_16 : i32
      %add3A_18 = arith.addi %mul3A_2, %mul3A_17 : i32
      "tpu.region"() ({
        %run_scoped3A = tpu.sem_alloc : memref<!tpu.dma_semaphore, #tpu.memory_space<semaphore_mem>>
        %dma_start3A = arith.constant 0 : i32
        %dma_start3A_19 = tpu.memref_slice %arg12[%add3A_18, %dma_start3A] : memref<10240x128xf32, #tpu.memory_space<vmem_shared>> -> memref<128x128xf32, #tpu.memory_space<vmem_shared>>
        tpu.enqueue_dma source(%arg6 : memref<128x128xf32, #tpu.memory_space<hbm>>) target(%dma_start3A_19 : memref<128x128xf32, #tpu.memory_space<vmem_shared>>) target_semaphore(%run_scoped3A : memref<!tpu.dma_semaphore, #tpu.memory_space<semaphore_mem>>)
        %dma_wait3A = arith.constant 0 : i32
        %dma_wait3A_20 = tpu.memref_slice %arg12[%add3A_18, %dma_wait3A] : memref<10240x128xf32, #tpu.memory_space<vmem_shared>> -> memref<128x128xf32, #tpu.memory_space<vmem_shared>>
        tpu.wait_dma2 semaphore(%run_scoped3A : memref<!tpu.dma_semaphore, #tpu.memory_space<semaphore_mem>>) src(%arg6 : memref<128x128xf32, #tpu.memory_space<hbm>>) dst(%dma_wait3A_20 : memref<128x128xf32, #tpu.memory_space<vmem_shared>>)
        tpu.yield
      }) : () -> ()
    }
    %scan3A_7 = arith.constant 5 : i32
    %barrier3A = arith.constant 0 : index
    tpu.barrier barrier_id(%barrier3A)
    %scan3A_8 = arith.constant 0 : i32
    %scan3A_9 = arith.constant 0 : i32
    %scan3A_10 = arith.constant 40 : i32
    %scan3A_11 = arith.addi %scan3A_9, %scan3A_10 : i32
    %scan3A_12 = arith.constant 1 : i32
    scf.for %scan3A_15 = %scan3A_9 to %scan3A_11 step %scan3A_12  : i32 {
      "tpu.region"() ({
        %run_scoped3A = tpu.sem_alloc : memref<!tpu.dma_semaphore, #tpu.memory_space<semaphore_mem>>
        %dma_start3A = arith.constant 0 : i32
        %dma_start3A_16 = tpu.memref_slice %arg8[%scan3A_15, %dma_start3A] : memref<40x128xi32, #tpu.memory_space<vmem>> -> memref<1x128xi32, #tpu.memory_space<vmem>>
        %dma_start3A_17 = tpu.memref_squeeze %dma_start3A_16 : memref<1x128xi32, #tpu.memory_space<vmem>> -> memref<128xi32, #tpu.memory_space<vmem>>
        %dma_start3A_18 = arith.constant 0 : i32
        %dma_start3A_19 = arith.constant 0 : i32
        %dma_start3A_20 = tpu.memref_slice %arg12[%dma_start3A_18, %dma_start3A_19] : memref<10240x128xf32, #tpu.memory_space<vmem_shared>> -> memref<10240x128xf32, #tpu.memory_space<vmem_shared>>
        tpu.enqueue_indirect_dma source(%arg10 : memref<128x128xf32, #tpu.memory_space<vmem>>) target(%dma_start3A_20 : memref<10240x128xf32, #tpu.memory_space<vmem_shared>>) offsets(%dma_start3A_17 : memref<128xi32, #tpu.memory_space<vmem>>) semaphore(%run_scoped3A : memref<!tpu.dma_semaphore, #tpu.memory_space<semaphore_mem>>) {add = true}
        %dma_wait3A = arith.constant 0 : i32
        %dma_wait3A_21 = tpu.memref_slice %arg8[%scan3A_15, %dma_wait3A] : memref<40x128xi32, #tpu.memory_space<vmem>> -> memref<1x128xi32, #tpu.memory_space<vmem>>
        %dma_wait3A_22 = tpu.memref_squeeze %dma_wait3A_21 : memref<1x128xi32, #tpu.memory_space<vmem>> -> memref<128xi32, #tpu.memory_space<vmem>>
        %dma_wait3A_23 = arith.constant 0 : i32
        %dma_wait3A_24 = arith.constant 0 : i32
        %dma_wait3A_25 = tpu.memref_slice %arg12[%dma_wait3A_23, %dma_wait3A_24] : memref<10240x128xf32, #tpu.memory_space<vmem_shared>> -> memref<10240x128xf32, #tpu.memory_space<vmem_shared>>
        tpu.wait_indirect_dma semaphore(%run_scoped3A : memref<!tpu.dma_semaphore, #tpu.memory_space<semaphore_mem>>) src(%arg10 : memref<128x128xf32, #tpu.memory_space<vmem>>) dst(%dma_wait3A_25 : memref<10240x128xf32, #tpu.memory_space<vmem_shared>>)
        tpu.yield
      }) : () -> ()
      "tpu.region"() ({
        %run_scoped3A = tpu.sem_alloc : memref<!tpu.dma_semaphore, #tpu.memory_space<semaphore_mem>>
        %dma_start3A = arith.constant 0 : i32
        %dma_start3A_16 = tpu.memref_slice %arg9[%scan3A_15, %dma_start3A] : memref<40x128xi32, #tpu.memory_space<vmem>> -> memref<1x128xi32, #tpu.memory_space<vmem>>
        %dma_start3A_17 = tpu.memref_squeeze %dma_start3A_16 : memref<1x128xi32, #tpu.memory_space<vmem>> -> memref<128xi32, #tpu.memory_space<vmem>>
        %dma_start3A_18 = arith.constant 0 : i32
        %dma_start3A_19 = arith.constant 0 : i32
        %dma_start3A_20 = tpu.memref_slice %arg12[%dma_start3A_18, %dma_start3A_19] : memref<10240x128xf32, #tpu.memory_space<vmem_shared>> -> memref<10240x128xf32, #tpu.memory_space<vmem_shared>>
        tpu.enqueue_indirect_dma source(%arg11 : memref<128x128xf32, #tpu.memory_space<vmem>>) target(%dma_start3A_20 : memref<10240x128xf32, #tpu.memory_space<vmem_shared>>) offsets(%dma_start3A_17 : memref<128xi32, #tpu.memory_space<vmem>>) semaphore(%run_scoped3A : memref<!tpu.dma_semaphore, #tpu.memory_space<semaphore_mem>>) {add = true}
        %dma_wait3A = arith.constant 0 : i32
        %dma_wait3A_21 = tpu.memref_slice %arg9[%scan3A_15, %dma_wait3A] : memref<40x128xi32, #tpu.memory_space<vmem>> -> memref<1x128xi32, #tpu.memory_space<vmem>>
        %dma_wait3A_22 = tpu.memref_squeeze %dma_wait3A_21 : memref<1x128xi32, #tpu.memory_space<vmem>> -> memref<128xi32, #tpu.memory_space<vmem>>
        %dma_wait3A_23 = arith.constant 0 : i32
        %dma_wait3A_24 = arith.constant 0 : i32
        %dma_wait3A_25 = tpu.memref_slice %arg12[%dma_wait3A_23, %dma_wait3A_24] : memref<10240x128xf32, #tpu.memory_space<vmem_shared>> -> memref<10240x128xf32, #tpu.memory_space<vmem_shared>>
        tpu.wait_indirect_dma semaphore(%run_scoped3A : memref<!tpu.dma_semaphore, #tpu.memory_space<semaphore_mem>>) src(%arg11 : memref<128x128xf32, #tpu.memory_space<vmem>>) dst(%dma_wait3A_25 : memref<10240x128xf32, #tpu.memory_space<vmem_shared>>)
        tpu.yield
      }) : () -> ()
    }
    %scan3A_13 = arith.constant 40 : i32
    %barrier3A_14 = arith.constant 0 : index
    tpu.barrier barrier_id(%barrier3A_14)
    "tpu.region"() ({
      %run_scoped3A = tpu.sem_alloc : memref<!tpu.dma_semaphore, #tpu.memory_space<semaphore_mem>>
      %dma_start3A = arith.constant 0 : i32
      %dma_start3A_15 = arith.constant 0 : i32
      %dma_start3A_16 = tpu.memref_slice %arg7[%arg0, %dma_start3A, %dma_start3A_15] : memref<2x10240x128xf32, #tpu.memory_space<hbm>> -> memref<1x10240x128xf32, #tpu.memory_space<hbm>>
      %dma_start3A_17 = tpu.memref_squeeze %dma_start3A_16 : memref<1x10240x128xf32, #tpu.memory_space<hbm>> -> memref<10240x128xf32, #tpu.memory_space<hbm>>
      %dma_start3A_18 = arith.constant 0 : i32
      %dma_start3A_19 = tpu.memref_slice %dma_start3A_17[%mul3A_2, %dma_start3A_18] : memref<10240x128xf32, #tpu.memory_space<hbm>> -> memref<640x128xf32, #tpu.memory_space<hbm>>
      %dma_start3A_20 = arith.constant 0 : i32
      %dma_start3A_21 = tpu.memref_slice %arg12[%mul3A_2, %dma_start3A_20] : memref<10240x128xf32, #tpu.memory_space<vmem_shared>> -> memref<640x128xf32, #tpu.memory_space<vmem_shared>>
      tpu.enqueue_dma source(%dma_start3A_21 : memref<640x128xf32, #tpu.memory_space<vmem_shared>>) target(%dma_start3A_19 : memref<640x128xf32, #tpu.memory_space<hbm>>) target_semaphore(%run_scoped3A : memref<!tpu.dma_semaphore, #tpu.memory_space<semaphore_mem>>)
      %dma_wait3A = arith.constant 0 : i32
      %dma_wait3A_22 = arith.constant 0 : i32
      %dma_wait3A_23 = tpu.memref_slice %arg7[%arg0, %dma_wait3A, %dma_wait3A_22] : memref<2x10240x128xf32, #tpu.memory_space<hbm>> -> memref<1x10240x128xf32, #tpu.memory_space<hbm>>
      %dma_wait3A_24 = tpu.memref_squeeze %dma_wait3A_23 : memref<1x10240x128xf32, #tpu.memory_space<hbm>> -> memref<10240x128xf32, #tpu.memory_space<hbm>>
      %dma_wait3A_25 = arith.constant 0 : i32
      %dma_wait3A_26 = tpu.memref_slice %dma_wait3A_24[%mul3A_2, %dma_wait3A_25] : memref<10240x128xf32, #tpu.memory_space<hbm>> -> memref<640x128xf32, #tpu.memory_space<hbm>>
      %dma_wait3A_27 = arith.constant 0 : i32
      %dma_wait3A_28 = tpu.memref_slice %arg12[%mul3A_2, %dma_wait3A_27] : memref<10240x128xf32, #tpu.memory_space<vmem_shared>> -> memref<640x128xf32, #tpu.memory_space<vmem_shared>>
      tpu.wait_dma2 semaphore(%run_scoped3A : memref<!tpu.dma_semaphore, #tpu.memory_space<semaphore_mem>>) src(%dma_wait3A_28 : memref<640x128xf32, #tpu.memory_space<vmem_shared>>) dst(%dma_wait3A_26 : memref<640x128xf32, #tpu.memory_space<hbm>>)
      tpu.yield
    }) : () -> ()
    return
  }
}

#map = affine_map<(d0, d1) -> (0, 0, 0)>
#map1 = affine_map<(d0, d1) -> (0, 0)>
module attributes {stable_mosaic.version = 14 : i64} {
  func.func @k(%arg0: i32, %arg1: i32, %arg2: memref<2x10240x128xf32, #tpu.memory_space<hbm>>, %arg3: memref<16x80x128xi32, #tpu.memory_space<hbm>>, %arg4: memref<16x80x128xi32, #tpu.memory_space<hbm>>, %arg5: memref<128x128xf32, #tpu.memory_space<hbm>>, %arg6: memref<2x10240x128xf32, #tpu.memory_space<hbm>>, %arg7: memref<40x128xi32, #tpu.memory_space<vmem>>, %arg8: memref<40x128xi32, #tpu.memory_space<vmem>>, %arg9: memref<128x128xf32, #tpu.memory_space<vmem>>, %arg10: memref<128x128xf32, #tpu.memory_space<vmem>>, %arg11: memref<10240x128xf32, #tpu.memory_space<vmem_shared>>, %arg12: memref<!tpu.dma_semaphore, #tpu.memory_space<semaphore_mem>>, %arg13: memref<!tpu.dma_semaphore, #tpu.memory_space<semaphore_mem>>) attributes {dimension_semantics = [#tpu.dimension_semantics<core_parallel>, #tpu.dimension_semantics<subcore_parallel>], iteration_bounds = array<i64: 2, 16>, scalar_prefetch = 0 : i64, scratch_operands = 7 : i64, tpu.core_type = #tpu.core_type<sc_vector_subcore>, window_params = [{transform_indices = #map}, {transform_indices = #map}, {transform_indices = #map}, {transform_indices = #map1}, {transform_indices = #map}]} {
    %mul3A = arith.constant 640 : i32
    %mul3A_0 = arith.muli %arg1, %mul3A : i32
    %mul3A_1 = arith.constant 1 : i32
    %mul3A_2 = arith.muli %arg0, %mul3A_1 : i32
    %add3A = arith.constant 0 : i32
    %add3A_3 = arith.addi %mul3A_2, %add3A : i32
    "tpu.region"() ({
      %run_scoped3A = tpu.sem_alloc : memref<!tpu.dma_semaphore, #tpu.memory_space<semaphore_mem>>
      tpu.enqueue_dma source(%arg5 : memref<128x128xf32, #tpu.memory_space<hbm>>) target(%arg9 : memref<128x128xf32, #tpu.memory_space<vmem>>) target_semaphore(%run_scoped3A : memref<!tpu.dma_semaphore, #tpu.memory_space<semaphore_mem>>)
      tpu.wait_dma2 semaphore(%run_scoped3A : memref<!tpu.dma_semaphore, #tpu.memory_space<semaphore_mem>>) src(%arg5 : memref<128x128xf32, #tpu.memory_space<hbm>>) dst(%arg9 : memref<128x128xf32, #tpu.memory_space<vmem>>)
      tpu.yield
    }) : () -> ()
    %scan3A = arith.constant 0 : i32
    %scan3A_4 = arith.constant 0 : i32
    %scan3A_5 = arith.constant 5 : i32
    %scan3A_6 = arith.addi %scan3A_4, %scan3A_5 : i32
    %scan3A_7 = arith.constant 1 : i32
    scf.for %scan3A_65 = %scan3A_4 to %scan3A_6 step %scan3A_7  : i32 {
      %mul3A_66 = arith.constant 128 : i32
      %mul3A_67 = arith.muli %scan3A_65, %mul3A_66 : i32
      %add3A_68 = arith.addi %mul3A_0, %mul3A_67 : i32
      "tpu.region"() ({
        %run_scoped3A = tpu.sem_alloc : memref<!tpu.dma_semaphore, #tpu.memory_space<semaphore_mem>>
        %dma_start3A_69 = arith.constant 0 : i32
        %dma_start3A_70 = tpu.memref_slice %arg11[%add3A_68, %dma_start3A_69] : memref<10240x128xf32, #tpu.memory_space<vmem_shared>> -> memref<128x128xf32, #tpu.memory_space<vmem_shared>>
        %dma_start3A_71 = arith.constant 0 : i32
        %dma_start3A_72 = tpu.memref_slice %arg11[%add3A_68, %dma_start3A_71] : memref<10240x128xf32, #tpu.memory_space<vmem_shared>> -> memref<128x128xf32, #tpu.memory_space<vmem_shared>>
        tpu.enqueue_dma source(%arg9 : memref<128x128xf32, #tpu.memory_space<vmem>>) target(%dma_start3A_72 : memref<128x128xf32, #tpu.memory_space<vmem_shared>>) target_semaphore(%run_scoped3A : memref<!tpu.dma_semaphore, #tpu.memory_space<semaphore_mem>>)
        %dma_wait3A = arith.constant 0 : i32
        %dma_wait3A_73 = tpu.memref_slice %arg11[%add3A_68, %dma_wait3A] : memref<10240x128xf32, #tpu.memory_space<vmem_shared>> -> memref<128x128xf32, #tpu.memory_space<vmem_shared>>
        %dma_wait3A_74 = arith.constant 0 : i32
        %dma_wait3A_75 = tpu.memref_slice %arg11[%add3A_68, %dma_wait3A_74] : memref<10240x128xf32, #tpu.memory_space<vmem_shared>> -> memref<128x128xf32, #tpu.memory_space<vmem_shared>>
        tpu.wait_dma2 semaphore(%run_scoped3A : memref<!tpu.dma_semaphore, #tpu.memory_space<semaphore_mem>>) src(%arg9 : memref<128x128xf32, #tpu.memory_space<vmem>>) dst(%dma_wait3A_75 : memref<128x128xf32, #tpu.memory_space<vmem_shared>>)
        tpu.yield
      }) : () -> ()
    }
    %scan3A_8 = arith.constant 5 : i32
    %barrier3A = arith.constant 0 : index
    tpu.barrier barrier_id(%barrier3A)
    "tpu.region"() ({
      %run_scoped3A = tpu.sem_alloc : memref<!tpu.dma_semaphore, #tpu.memory_space<semaphore_mem>>
      %dma_start3A_65 = arith.constant 0 : i32
      %dma_start3A_66 = arith.constant 0 : i32
      %dma_start3A_67 = tpu.memref_slice %arg3[%arg1, %dma_start3A_65, %dma_start3A_66] : memref<16x80x128xi32, #tpu.memory_space<hbm>> -> memref<1x80x128xi32, #tpu.memory_space<hbm>>
      %dma_start3A_68 = tpu.memref_squeeze %dma_start3A_67 : memref<1x80x128xi32, #tpu.memory_space<hbm>> -> memref<80x128xi32, #tpu.memory_space<hbm>>
      %dma_start3A_69 = arith.constant 0 : i32
      %dma_start3A_70 = arith.constant 0 : i32
      %dma_start3A_71 = tpu.memref_slice %dma_start3A_68[%dma_start3A_69, %dma_start3A_70] : memref<80x128xi32, #tpu.memory_space<hbm>> -> memref<40x128xi32, #tpu.memory_space<hbm>>
      %dma_start3A_72 = arith.constant 0 : i32
      %dma_start3A_73 = arith.constant 0 : i32
      %dma_start3A_74 = tpu.memref_slice %arg3[%arg1, %dma_start3A_72, %dma_start3A_73] : memref<16x80x128xi32, #tpu.memory_space<hbm>> -> memref<1x80x128xi32, #tpu.memory_space<hbm>>
      %dma_start3A_75 = tpu.memref_squeeze %dma_start3A_74 : memref<1x80x128xi32, #tpu.memory_space<hbm>> -> memref<80x128xi32, #tpu.memory_space<hbm>>
      %dma_start3A_76 = arith.constant 0 : i32
      %dma_start3A_77 = arith.constant 0 : i32
      %dma_start3A_78 = tpu.memref_slice %dma_start3A_75[%dma_start3A_76, %dma_start3A_77] : memref<80x128xi32, #tpu.memory_space<hbm>> -> memref<40x128xi32, #tpu.memory_space<hbm>>
      tpu.enqueue_dma source(%dma_start3A_78 : memref<40x128xi32, #tpu.memory_space<hbm>>) target(%arg7 : memref<40x128xi32, #tpu.memory_space<vmem>>) target_semaphore(%run_scoped3A : memref<!tpu.dma_semaphore, #tpu.memory_space<semaphore_mem>>)
      %dma_wait3A = arith.constant 0 : i32
      %dma_wait3A_79 = arith.constant 0 : i32
      %dma_wait3A_80 = tpu.memref_slice %arg3[%arg1, %dma_wait3A, %dma_wait3A_79] : memref<16x80x128xi32, #tpu.memory_space<hbm>> -> memref<1x80x128xi32, #tpu.memory_space<hbm>>
      %dma_wait3A_81 = tpu.memref_squeeze %dma_wait3A_80 : memref<1x80x128xi32, #tpu.memory_space<hbm>> -> memref<80x128xi32, #tpu.memory_space<hbm>>
      %dma_wait3A_82 = arith.constant 0 : i32
      %dma_wait3A_83 = arith.constant 0 : i32
      %dma_wait3A_84 = tpu.memref_slice %dma_wait3A_81[%dma_wait3A_82, %dma_wait3A_83] : memref<80x128xi32, #tpu.memory_space<hbm>> -> memref<40x128xi32, #tpu.memory_space<hbm>>
      %dma_wait3A_85 = arith.constant 0 : i32
      %dma_wait3A_86 = arith.constant 0 : i32
      %dma_wait3A_87 = tpu.memref_slice %arg3[%arg1, %dma_wait3A_85, %dma_wait3A_86] : memref<16x80x128xi32, #tpu.memory_space<hbm>> -> memref<1x80x128xi32, #tpu.memory_space<hbm>>
      %dma_wait3A_88 = tpu.memref_squeeze %dma_wait3A_87 : memref<1x80x128xi32, #tpu.memory_space<hbm>> -> memref<80x128xi32, #tpu.memory_space<hbm>>
      %dma_wait3A_89 = arith.constant 0 : i32
      %dma_wait3A_90 = arith.constant 0 : i32
      %dma_wait3A_91 = tpu.memref_slice %dma_wait3A_88[%dma_wait3A_89, %dma_wait3A_90] : memref<80x128xi32, #tpu.memory_space<hbm>> -> memref<40x128xi32, #tpu.memory_space<hbm>>
      tpu.wait_dma2 semaphore(%run_scoped3A : memref<!tpu.dma_semaphore, #tpu.memory_space<semaphore_mem>>) src(%dma_wait3A_91 : memref<40x128xi32, #tpu.memory_space<hbm>>) dst(%arg7 : memref<40x128xi32, #tpu.memory_space<vmem>>)
      tpu.yield
    }) : () -> ()
    "tpu.region"() ({
      %run_scoped3A = tpu.sem_alloc : memref<!tpu.dma_semaphore, #tpu.memory_space<semaphore_mem>>
      %dma_start3A_65 = arith.constant 0 : i32
      %dma_start3A_66 = arith.constant 0 : i32
      %dma_start3A_67 = tpu.memref_slice %arg4[%arg1, %dma_start3A_65, %dma_start3A_66] : memref<16x80x128xi32, #tpu.memory_space<hbm>> -> memref<1x80x128xi32, #tpu.memory_space<hbm>>
      %dma_start3A_68 = tpu.memref_squeeze %dma_start3A_67 : memref<1x80x128xi32, #tpu.memory_space<hbm>> -> memref<80x128xi32, #tpu.memory_space<hbm>>
      %dma_start3A_69 = arith.constant 0 : i32
      %dma_start3A_70 = arith.constant 0 : i32
      %dma_start3A_71 = tpu.memref_slice %dma_start3A_68[%dma_start3A_69, %dma_start3A_70] : memref<80x128xi32, #tpu.memory_space<hbm>> -> memref<40x128xi32, #tpu.memory_space<hbm>>
      %dma_start3A_72 = arith.constant 0 : i32
      %dma_start3A_73 = arith.constant 0 : i32
      %dma_start3A_74 = tpu.memref_slice %arg4[%arg1, %dma_start3A_72, %dma_start3A_73] : memref<16x80x128xi32, #tpu.memory_space<hbm>> -> memref<1x80x128xi32, #tpu.memory_space<hbm>>
      %dma_start3A_75 = tpu.memref_squeeze %dma_start3A_74 : memref<1x80x128xi32, #tpu.memory_space<hbm>> -> memref<80x128xi32, #tpu.memory_space<hbm>>
      %dma_start3A_76 = arith.constant 0 : i32
      %dma_start3A_77 = arith.constant 0 : i32
      %dma_start3A_78 = tpu.memref_slice %dma_start3A_75[%dma_start3A_76, %dma_start3A_77] : memref<80x128xi32, #tpu.memory_space<hbm>> -> memref<40x128xi32, #tpu.memory_space<hbm>>
      tpu.enqueue_dma source(%dma_start3A_78 : memref<40x128xi32, #tpu.memory_space<hbm>>) target(%arg8 : memref<40x128xi32, #tpu.memory_space<vmem>>) target_semaphore(%run_scoped3A : memref<!tpu.dma_semaphore, #tpu.memory_space<semaphore_mem>>)
      %dma_wait3A = arith.constant 0 : i32
      %dma_wait3A_79 = arith.constant 0 : i32
      %dma_wait3A_80 = tpu.memref_slice %arg4[%arg1, %dma_wait3A, %dma_wait3A_79] : memref<16x80x128xi32, #tpu.memory_space<hbm>> -> memref<1x80x128xi32, #tpu.memory_space<hbm>>
      %dma_wait3A_81 = tpu.memref_squeeze %dma_wait3A_80 : memref<1x80x128xi32, #tpu.memory_space<hbm>> -> memref<80x128xi32, #tpu.memory_space<hbm>>
      %dma_wait3A_82 = arith.constant 0 : i32
      %dma_wait3A_83 = arith.constant 0 : i32
      %dma_wait3A_84 = tpu.memref_slice %dma_wait3A_81[%dma_wait3A_82, %dma_wait3A_83] : memref<80x128xi32, #tpu.memory_space<hbm>> -> memref<40x128xi32, #tpu.memory_space<hbm>>
      %dma_wait3A_85 = arith.constant 0 : i32
      %dma_wait3A_86 = arith.constant 0 : i32
      %dma_wait3A_87 = tpu.memref_slice %arg4[%arg1, %dma_wait3A_85, %dma_wait3A_86] : memref<16x80x128xi32, #tpu.memory_space<hbm>> -> memref<1x80x128xi32, #tpu.memory_space<hbm>>
      %dma_wait3A_88 = tpu.memref_squeeze %dma_wait3A_87 : memref<1x80x128xi32, #tpu.memory_space<hbm>> -> memref<80x128xi32, #tpu.memory_space<hbm>>
      %dma_wait3A_89 = arith.constant 0 : i32
      %dma_wait3A_90 = arith.constant 0 : i32
      %dma_wait3A_91 = tpu.memref_slice %dma_wait3A_88[%dma_wait3A_89, %dma_wait3A_90] : memref<80x128xi32, #tpu.memory_space<hbm>> -> memref<40x128xi32, #tpu.memory_space<hbm>>
      tpu.wait_dma2 semaphore(%run_scoped3A : memref<!tpu.dma_semaphore, #tpu.memory_space<semaphore_mem>>) src(%dma_wait3A_91 : memref<40x128xi32, #tpu.memory_space<hbm>>) dst(%arg8 : memref<40x128xi32, #tpu.memory_space<vmem>>)
      tpu.yield
    }) : () -> ()
    %dma_start3A = arith.constant 0 : i32
    %dma_start3A_9 = arith.constant 0 : i32
    %dma_start3A_10 = tpu.memref_slice %arg7[%dma_start3A, %dma_start3A_9] : memref<40x128xi32, #tpu.memory_space<vmem>> -> memref<1x128xi32, #tpu.memory_space<vmem>>
    %dma_start3A_11 = tpu.memref_squeeze %dma_start3A_10 : memref<1x128xi32, #tpu.memory_space<vmem>> -> memref<128xi32, #tpu.memory_space<vmem>>
    %dma_start3A_12 = arith.constant 0 : i32
    %dma_start3A_13 = arith.constant 0 : i32
    %dma_start3A_14 = tpu.memref_slice %arg2[%add3A_3, %dma_start3A_12, %dma_start3A_13] : memref<2x10240x128xf32, #tpu.memory_space<hbm>> -> memref<1x10240x128xf32, #tpu.memory_space<hbm>>
    %dma_start3A_15 = tpu.memref_squeeze %dma_start3A_14 : memref<1x10240x128xf32, #tpu.memory_space<hbm>> -> memref<10240x128xf32, #tpu.memory_space<hbm>>
    %dma_start3A_16 = arith.constant 0 : i32
    %dma_start3A_17 = arith.constant 0 : i32
    %dma_start3A_18 = tpu.memref_slice %dma_start3A_15[%dma_start3A_16, %dma_start3A_17] : memref<10240x128xf32, #tpu.memory_space<hbm>> -> memref<10240x128xf32, #tpu.memory_space<hbm>>
    tpu.enqueue_indirect_dma source(%dma_start3A_18 : memref<10240x128xf32, #tpu.memory_space<hbm>>) target(%arg9 : memref<128x128xf32, #tpu.memory_space<vmem>>) offsets(%dma_start3A_11 : memref<128xi32, #tpu.memory_space<vmem>>) semaphore(%arg12 : memref<!tpu.dma_semaphore, #tpu.memory_space<semaphore_mem>>)
    %dma_start3A_19 = arith.constant 1 : i32
    %dma_start3A_20 = arith.constant 0 : i32
    %dma_start3A_21 = tpu.memref_slice %arg7[%dma_start3A_19, %dma_start3A_20] : memref<40x128xi32, #tpu.memory_space<vmem>> -> memref<1x128xi32, #tpu.memory_space<vmem>>
    %dma_start3A_22 = tpu.memref_squeeze %dma_start3A_21 : memref<1x128xi32, #tpu.memory_space<vmem>> -> memref<128xi32, #tpu.memory_space<vmem>>
    %dma_start3A_23 = arith.constant 0 : i32
    %dma_start3A_24 = arith.constant 0 : i32
    %dma_start3A_25 = tpu.memref_slice %arg2[%add3A_3, %dma_start3A_23, %dma_start3A_24] : memref<2x10240x128xf32, #tpu.memory_space<hbm>> -> memref<1x10240x128xf32, #tpu.memory_space<hbm>>
    %dma_start3A_26 = tpu.memref_squeeze %dma_start3A_25 : memref<1x10240x128xf32, #tpu.memory_space<hbm>> -> memref<10240x128xf32, #tpu.memory_space<hbm>>
    %dma_start3A_27 = arith.constant 0 : i32
    %dma_start3A_28 = arith.constant 0 : i32
    %dma_start3A_29 = tpu.memref_slice %dma_start3A_26[%dma_start3A_27, %dma_start3A_28] : memref<10240x128xf32, #tpu.memory_space<hbm>> -> memref<10240x128xf32, #tpu.memory_space<hbm>>
    tpu.enqueue_indirect_dma source(%dma_start3A_29 : memref<10240x128xf32, #tpu.memory_space<hbm>>) target(%arg10 : memref<128x128xf32, #tpu.memory_space<vmem>>) offsets(%dma_start3A_22 : memref<128xi32, #tpu.memory_space<vmem>>) semaphore(%arg13 : memref<!tpu.dma_semaphore, #tpu.memory_space<semaphore_mem>>)
    %scan3A_30 = arith.constant 0 : i32
    %scan3A_31 = arith.constant 0 : i32
    %scan3A_32 = arith.constant 20 : i32
    %scan3A_33 = arith.addi %scan3A_31, %scan3A_32 : i32
    %scan3A_34 = arith.constant 1 : i32
    scf.for %scan3A_65 = %scan3A_31 to %scan3A_33 step %scan3A_34  : i32 {
      %mul3A_66 = arith.constant 2 : i32
      %mul3A_67 = arith.muli %mul3A_66, %scan3A_65 : i32
      %add3A_68 = arith.constant 0 : i32
      %add3A_69 = arith.addi %mul3A_67, %add3A_68 : i32
      %dma_wait3A = arith.constant 0 : i32
      %dma_wait3A_70 = tpu.memref_slice %arg7[%add3A_69, %dma_wait3A] : memref<40x128xi32, #tpu.memory_space<vmem>> -> memref<1x128xi32, #tpu.memory_space<vmem>>
      %dma_wait3A_71 = tpu.memref_squeeze %dma_wait3A_70 : memref<1x128xi32, #tpu.memory_space<vmem>> -> memref<128xi32, #tpu.memory_space<vmem>>
      %dma_wait3A_72 = arith.constant 0 : i32
      %dma_wait3A_73 = arith.constant 0 : i32
      %dma_wait3A_74 = tpu.memref_slice %arg2[%add3A_3, %dma_wait3A_72, %dma_wait3A_73] : memref<2x10240x128xf32, #tpu.memory_space<hbm>> -> memref<1x10240x128xf32, #tpu.memory_space<hbm>>
      %dma_wait3A_75 = tpu.memref_squeeze %dma_wait3A_74 : memref<1x10240x128xf32, #tpu.memory_space<hbm>> -> memref<10240x128xf32, #tpu.memory_space<hbm>>
      %dma_wait3A_76 = arith.constant 0 : i32
      %dma_wait3A_77 = arith.constant 0 : i32
      %dma_wait3A_78 = tpu.memref_slice %dma_wait3A_75[%dma_wait3A_76, %dma_wait3A_77] : memref<10240x128xf32, #tpu.memory_space<hbm>> -> memref<10240x128xf32, #tpu.memory_space<hbm>>
      tpu.wait_indirect_dma semaphore(%arg12 : memref<!tpu.dma_semaphore, #tpu.memory_space<semaphore_mem>>) src(%dma_wait3A_78 : memref<10240x128xf32, #tpu.memory_space<hbm>>) dst(%arg9 : memref<128x128xf32, #tpu.memory_space<vmem>>)
      "tpu.region"() ({
        %run_scoped3A = tpu.sem_alloc : memref<!tpu.dma_semaphore, #tpu.memory_space<semaphore_mem>>
        %dma_start3A_104 = arith.constant 0 : i32
        %dma_start3A_105 = tpu.memref_slice %arg8[%add3A_69, %dma_start3A_104] : memref<40x128xi32, #tpu.memory_space<vmem>> -> memref<1x128xi32, #tpu.memory_space<vmem>>
        %dma_start3A_106 = tpu.memref_squeeze %dma_start3A_105 : memref<1x128xi32, #tpu.memory_space<vmem>> -> memref<128xi32, #tpu.memory_space<vmem>>
        %dma_start3A_107 = arith.constant 0 : i32
        %dma_start3A_108 = arith.constant 0 : i32
        %dma_start3A_109 = tpu.memref_slice %arg11[%dma_start3A_107, %dma_start3A_108] : memref<10240x128xf32, #tpu.memory_space<vmem_shared>> -> memref<10240x128xf32, #tpu.memory_space<vmem_shared>>
        tpu.enqueue_indirect_dma source(%arg9 : memref<128x128xf32, #tpu.memory_space<vmem>>) target(%dma_start3A_109 : memref<10240x128xf32, #tpu.memory_space<vmem_shared>>) offsets(%dma_start3A_106 : memref<128xi32, #tpu.memory_space<vmem>>) semaphore(%run_scoped3A : memref<!tpu.dma_semaphore, #tpu.memory_space<semaphore_mem>>) {add = true}
        %dma_wait3A_110 = arith.constant 0 : i32
        %dma_wait3A_111 = tpu.memref_slice %arg8[%add3A_69, %dma_wait3A_110] : memref<40x128xi32, #tpu.memory_space<vmem>> -> memref<1x128xi32, #tpu.memory_space<vmem>>
        %dma_wait3A_112 = tpu.memref_squeeze %dma_wait3A_111 : memref<1x128xi32, #tpu.memory_space<vmem>> -> memref<128xi32, #tpu.memory_space<vmem>>
        %dma_wait3A_113 = arith.constant 0 : i32
        %dma_wait3A_114 = arith.constant 0 : i32
        %dma_wait3A_115 = tpu.memref_slice %arg11[%dma_wait3A_113, %dma_wait3A_114] : memref<10240x128xf32, #tpu.memory_space<vmem_shared>> -> memref<10240x128xf32, #tpu.memory_space<vmem_shared>>
        tpu.wait_indirect_dma semaphore(%run_scoped3A : memref<!tpu.dma_semaphore, #tpu.memory_space<semaphore_mem>>) src(%arg9 : memref<128x128xf32, #tpu.memory_space<vmem>>) dst(%dma_wait3A_115 : memref<10240x128xf32, #tpu.memory_space<vmem_shared>>)
        tpu.yield
      }) : () -> ()
      %add3A_79 = arith.constant 2 : i32
      %add3A_80 = arith.addi %add3A_69, %add3A_79 : i32
      %lt3A = arith.constant 40 : i32
      %lt3A_81 = arith.cmpi slt, %add3A_80, %lt3A : i32
      %convert_element_type3A = arith.extui %lt3A_81 : i1 to i32
      %cond3A = arith.constant 0 : i32
      %cond3A_82 = arith.cmpi ne, %convert_element_type3A, %cond3A : i32
      scf.if %cond3A_82 {
        %add3A_104 = arith.constant 2 : i32
        %add3A_105 = arith.addi %add3A_69, %add3A_104 : i32
        %dma_start3A_106 = arith.constant 0 : i32
        %dma_start3A_107 = tpu.memref_slice %arg7[%add3A_105, %dma_start3A_106] : memref<40x128xi32, #tpu.memory_space<vmem>> -> memref<1x128xi32, #tpu.memory_space<vmem>>
        %dma_start3A_108 = tpu.memref_squeeze %dma_start3A_107 : memref<1x128xi32, #tpu.memory_space<vmem>> -> memref<128xi32, #tpu.memory_space<vmem>>
        %dma_start3A_109 = arith.constant 0 : i32
        %dma_start3A_110 = arith.constant 0 : i32
        %dma_start3A_111 = tpu.memref_slice %arg2[%add3A_3, %dma_start3A_109, %dma_start3A_110] : memref<2x10240x128xf32, #tpu.memory_space<hbm>> -> memref<1x10240x128xf32, #tpu.memory_space<hbm>>
        %dma_start3A_112 = tpu.memref_squeeze %dma_start3A_111 : memref<1x10240x128xf32, #tpu.memory_space<hbm>> -> memref<10240x128xf32, #tpu.memory_space<hbm>>
        %dma_start3A_113 = arith.constant 0 : i32
        %dma_start3A_114 = arith.constant 0 : i32
        %dma_start3A_115 = tpu.memref_slice %dma_start3A_112[%dma_start3A_113, %dma_start3A_114] : memref<10240x128xf32, #tpu.memory_space<hbm>> -> memref<10240x128xf32, #tpu.memory_space<hbm>>
        tpu.enqueue_indirect_dma source(%dma_start3A_115 : memref<10240x128xf32, #tpu.memory_space<hbm>>) target(%arg9 : memref<128x128xf32, #tpu.memory_space<vmem>>) offsets(%dma_start3A_108 : memref<128xi32, #tpu.memory_space<vmem>>) semaphore(%arg12 : memref<!tpu.dma_semaphore, #tpu.memory_space<semaphore_mem>>)
      } else {
      }
      %mul3A_83 = arith.constant 2 : i32
      %mul3A_84 = arith.muli %mul3A_83, %scan3A_65 : i32
      %add3A_85 = arith.constant 1 : i32
      %add3A_86 = arith.addi %mul3A_84, %add3A_85 : i32
      %dma_wait3A_87 = arith.constant 0 : i32
      %dma_wait3A_88 = tpu.memref_slice %arg7[%add3A_86, %dma_wait3A_87] : memref<40x128xi32, #tpu.memory_space<vmem>> -> memref<1x128xi32, #tpu.memory_space<vmem>>
      %dma_wait3A_89 = tpu.memref_squeeze %dma_wait3A_88 : memref<1x128xi32, #tpu.memory_space<vmem>> -> memref<128xi32, #tpu.memory_space<vmem>>
      %dma_wait3A_90 = arith.constant 0 : i32
      %dma_wait3A_91 = arith.constant 0 : i32
      %dma_wait3A_92 = tpu.memref_slice %arg2[%add3A_3, %dma_wait3A_90, %dma_wait3A_91] : memref<2x10240x128xf32, #tpu.memory_space<hbm>> -> memref<1x10240x128xf32, #tpu.memory_space<hbm>>
      %dma_wait3A_93 = tpu.memref_squeeze %dma_wait3A_92 : memref<1x10240x128xf32, #tpu.memory_space<hbm>> -> memref<10240x128xf32, #tpu.memory_space<hbm>>
      %dma_wait3A_94 = arith.constant 0 : i32
      %dma_wait3A_95 = arith.constant 0 : i32
      %dma_wait3A_96 = tpu.memref_slice %dma_wait3A_93[%dma_wait3A_94, %dma_wait3A_95] : memref<10240x128xf32, #tpu.memory_space<hbm>> -> memref<10240x128xf32, #tpu.memory_space<hbm>>
      tpu.wait_indirect_dma semaphore(%arg13 : memref<!tpu.dma_semaphore, #tpu.memory_space<semaphore_mem>>) src(%dma_wait3A_96 : memref<10240x128xf32, #tpu.memory_space<hbm>>) dst(%arg10 : memref<128x128xf32, #tpu.memory_space<vmem>>)
      "tpu.region"() ({
        %run_scoped3A = tpu.sem_alloc : memref<!tpu.dma_semaphore, #tpu.memory_space<semaphore_mem>>
        %dma_start3A_104 = arith.constant 0 : i32
        %dma_start3A_105 = tpu.memref_slice %arg8[%add3A_86, %dma_start3A_104] : memref<40x128xi32, #tpu.memory_space<vmem>> -> memref<1x128xi32, #tpu.memory_space<vmem>>
        %dma_start3A_106 = tpu.memref_squeeze %dma_start3A_105 : memref<1x128xi32, #tpu.memory_space<vmem>> -> memref<128xi32, #tpu.memory_space<vmem>>
        %dma_start3A_107 = arith.constant 0 : i32
        %dma_start3A_108 = arith.constant 0 : i32
        %dma_start3A_109 = tpu.memref_slice %arg11[%dma_start3A_107, %dma_start3A_108] : memref<10240x128xf32, #tpu.memory_space<vmem_shared>> -> memref<10240x128xf32, #tpu.memory_space<vmem_shared>>
        tpu.enqueue_indirect_dma source(%arg10 : memref<128x128xf32, #tpu.memory_space<vmem>>) target(%dma_start3A_109 : memref<10240x128xf32, #tpu.memory_space<vmem_shared>>) offsets(%dma_start3A_106 : memref<128xi32, #tpu.memory_space<vmem>>) semaphore(%run_scoped3A : memref<!tpu.dma_semaphore, #tpu.memory_space<semaphore_mem>>) {add = true}
        %dma_wait3A_110 = arith.constant 0 : i32
        %dma_wait3A_111 = tpu.memref_slice %arg8[%add3A_86, %dma_wait3A_110] : memref<40x128xi32, #tpu.memory_space<vmem>> -> memref<1x128xi32, #tpu.memory_space<vmem>>
        %dma_wait3A_112 = tpu.memref_squeeze %dma_wait3A_111 : memref<1x128xi32, #tpu.memory_space<vmem>> -> memref<128xi32, #tpu.memory_space<vmem>>
        %dma_wait3A_113 = arith.constant 0 : i32
        %dma_wait3A_114 = arith.constant 0 : i32
        %dma_wait3A_115 = tpu.memref_slice %arg11[%dma_wait3A_113, %dma_wait3A_114] : memref<10240x128xf32, #tpu.memory_space<vmem_shared>> -> memref<10240x128xf32, #tpu.memory_space<vmem_shared>>
        tpu.wait_indirect_dma semaphore(%run_scoped3A : memref<!tpu.dma_semaphore, #tpu.memory_space<semaphore_mem>>) src(%arg10 : memref<128x128xf32, #tpu.memory_space<vmem>>) dst(%dma_wait3A_115 : memref<10240x128xf32, #tpu.memory_space<vmem_shared>>)
        tpu.yield
      }) : () -> ()
      %add3A_97 = arith.constant 2 : i32
      %add3A_98 = arith.addi %add3A_86, %add3A_97 : i32
      %lt3A_99 = arith.constant 40 : i32
      %lt3A_100 = arith.cmpi slt, %add3A_98, %lt3A_99 : i32
      %convert_element_type3A_101 = arith.extui %lt3A_100 : i1 to i32
      %cond3A_102 = arith.constant 0 : i32
      %cond3A_103 = arith.cmpi ne, %convert_element_type3A_101, %cond3A_102 : i32
      scf.if %cond3A_103 {
        %add3A_104 = arith.constant 2 : i32
        %add3A_105 = arith.addi %add3A_86, %add3A_104 : i32
        %dma_start3A_106 = arith.constant 0 : i32
        %dma_start3A_107 = tpu.memref_slice %arg7[%add3A_105, %dma_start3A_106] : memref<40x128xi32, #tpu.memory_space<vmem>> -> memref<1x128xi32, #tpu.memory_space<vmem>>
        %dma_start3A_108 = tpu.memref_squeeze %dma_start3A_107 : memref<1x128xi32, #tpu.memory_space<vmem>> -> memref<128xi32, #tpu.memory_space<vmem>>
        %dma_start3A_109 = arith.constant 0 : i32
        %dma_start3A_110 = arith.constant 0 : i32
        %dma_start3A_111 = tpu.memref_slice %arg2[%add3A_3, %dma_start3A_109, %dma_start3A_110] : memref<2x10240x128xf32, #tpu.memory_space<hbm>> -> memref<1x10240x128xf32, #tpu.memory_space<hbm>>
        %dma_start3A_112 = tpu.memref_squeeze %dma_start3A_111 : memref<1x10240x128xf32, #tpu.memory_space<hbm>> -> memref<10240x128xf32, #tpu.memory_space<hbm>>
        %dma_start3A_113 = arith.constant 0 : i32
        %dma_start3A_114 = arith.constant 0 : i32
        %dma_start3A_115 = tpu.memref_slice %dma_start3A_112[%dma_start3A_113, %dma_start3A_114] : memref<10240x128xf32, #tpu.memory_space<hbm>> -> memref<10240x128xf32, #tpu.memory_space<hbm>>
        tpu.enqueue_indirect_dma source(%dma_start3A_115 : memref<10240x128xf32, #tpu.memory_space<hbm>>) target(%arg10 : memref<128x128xf32, #tpu.memory_space<vmem>>) offsets(%dma_start3A_108 : memref<128xi32, #tpu.memory_space<vmem>>) semaphore(%arg13 : memref<!tpu.dma_semaphore, #tpu.memory_space<semaphore_mem>>)
      } else {
      }
    }
    %scan3A_35 = arith.constant 20 : i32
    "tpu.region"() ({
      %run_scoped3A = tpu.sem_alloc : memref<!tpu.dma_semaphore, #tpu.memory_space<semaphore_mem>>
      %dma_start3A_65 = arith.constant 0 : i32
      %dma_start3A_66 = arith.constant 0 : i32
      %dma_start3A_67 = tpu.memref_slice %arg3[%arg1, %dma_start3A_65, %dma_start3A_66] : memref<16x80x128xi32, #tpu.memory_space<hbm>> -> memref<1x80x128xi32, #tpu.memory_space<hbm>>
      %dma_start3A_68 = tpu.memref_squeeze %dma_start3A_67 : memref<1x80x128xi32, #tpu.memory_space<hbm>> -> memref<80x128xi32, #tpu.memory_space<hbm>>
      %dma_start3A_69 = arith.constant 40 : i32
      %dma_start3A_70 = arith.constant 0 : i32
      %dma_start3A_71 = tpu.memref_slice %dma_start3A_68[%dma_start3A_69, %dma_start3A_70] : memref<80x128xi32, #tpu.memory_space<hbm>> -> memref<40x128xi32, #tpu.memory_space<hbm>>
      %dma_start3A_72 = arith.constant 0 : i32
      %dma_start3A_73 = arith.constant 0 : i32
      %dma_start3A_74 = tpu.memref_slice %arg3[%arg1, %dma_start3A_72, %dma_start3A_73] : memref<16x80x128xi32, #tpu.memory_space<hbm>> -> memref<1x80x128xi32, #tpu.memory_space<hbm>>
      %dma_start3A_75 = tpu.memref_squeeze %dma_start3A_74 : memref<1x80x128xi32, #tpu.memory_space<hbm>> -> memref<80x128xi32, #tpu.memory_space<hbm>>
      %dma_start3A_76 = arith.constant 40 : i32
      %dma_start3A_77 = arith.constant 0 : i32
      %dma_start3A_78 = tpu.memref_slice %dma_start3A_75[%dma_start3A_76, %dma_start3A_77] : memref<80x128xi32, #tpu.memory_space<hbm>> -> memref<40x128xi32, #tpu.memory_space<hbm>>
      tpu.enqueue_dma source(%dma_start3A_78 : memref<40x128xi32, #tpu.memory_space<hbm>>) target(%arg7 : memref<40x128xi32, #tpu.memory_space<vmem>>) target_semaphore(%run_scoped3A : memref<!tpu.dma_semaphore, #tpu.memory_space<semaphore_mem>>)
      %dma_wait3A = arith.constant 0 : i32
      %dma_wait3A_79 = arith.constant 0 : i32
      %dma_wait3A_80 = tpu.memref_slice %arg3[%arg1, %dma_wait3A, %dma_wait3A_79] : memref<16x80x128xi32, #tpu.memory_space<hbm>> -> memref<1x80x128xi32, #tpu.memory_space<hbm>>
      %dma_wait3A_81 = tpu.memref_squeeze %dma_wait3A_80 : memref<1x80x128xi32, #tpu.memory_space<hbm>> -> memref<80x128xi32, #tpu.memory_space<hbm>>
      %dma_wait3A_82 = arith.constant 40 : i32
      %dma_wait3A_83 = arith.constant 0 : i32
      %dma_wait3A_84 = tpu.memref_slice %dma_wait3A_81[%dma_wait3A_82, %dma_wait3A_83] : memref<80x128xi32, #tpu.memory_space<hbm>> -> memref<40x128xi32, #tpu.memory_space<hbm>>
      %dma_wait3A_85 = arith.constant 0 : i32
      %dma_wait3A_86 = arith.constant 0 : i32
      %dma_wait3A_87 = tpu.memref_slice %arg3[%arg1, %dma_wait3A_85, %dma_wait3A_86] : memref<16x80x128xi32, #tpu.memory_space<hbm>> -> memref<1x80x128xi32, #tpu.memory_space<hbm>>
      %dma_wait3A_88 = tpu.memref_squeeze %dma_wait3A_87 : memref<1x80x128xi32, #tpu.memory_space<hbm>> -> memref<80x128xi32, #tpu.memory_space<hbm>>
      %dma_wait3A_89 = arith.constant 40 : i32
      %dma_wait3A_90 = arith.constant 0 : i32
      %dma_wait3A_91 = tpu.memref_slice %dma_wait3A_88[%dma_wait3A_89, %dma_wait3A_90] : memref<80x128xi32, #tpu.memory_space<hbm>> -> memref<40x128xi32, #tpu.memory_space<hbm>>
      tpu.wait_dma2 semaphore(%run_scoped3A : memref<!tpu.dma_semaphore, #tpu.memory_space<semaphore_mem>>) src(%dma_wait3A_91 : memref<40x128xi32, #tpu.memory_space<hbm>>) dst(%arg7 : memref<40x128xi32, #tpu.memory_space<vmem>>)
      tpu.yield
    }) : () -> ()
    "tpu.region"() ({
      %run_scoped3A = tpu.sem_alloc : memref<!tpu.dma_semaphore, #tpu.memory_space<semaphore_mem>>
      %dma_start3A_65 = arith.constant 0 : i32
      %dma_start3A_66 = arith.constant 0 : i32
      %dma_start3A_67 = tpu.memref_slice %arg4[%arg1, %dma_start3A_65, %dma_start3A_66] : memref<16x80x128xi32, #tpu.memory_space<hbm>> -> memref<1x80x128xi32, #tpu.memory_space<hbm>>
      %dma_start3A_68 = tpu.memref_squeeze %dma_start3A_67 : memref<1x80x128xi32, #tpu.memory_space<hbm>> -> memref<80x128xi32, #tpu.memory_space<hbm>>
      %dma_start3A_69 = arith.constant 40 : i32
      %dma_start3A_70 = arith.constant 0 : i32
      %dma_start3A_71 = tpu.memref_slice %dma_start3A_68[%dma_start3A_69, %dma_start3A_70] : memref<80x128xi32, #tpu.memory_space<hbm>> -> memref<40x128xi32, #tpu.memory_space<hbm>>
      %dma_start3A_72 = arith.constant 0 : i32
      %dma_start3A_73 = arith.constant 0 : i32
      %dma_start3A_74 = tpu.memref_slice %arg4[%arg1, %dma_start3A_72, %dma_start3A_73] : memref<16x80x128xi32, #tpu.memory_space<hbm>> -> memref<1x80x128xi32, #tpu.memory_space<hbm>>
      %dma_start3A_75 = tpu.memref_squeeze %dma_start3A_74 : memref<1x80x128xi32, #tpu.memory_space<hbm>> -> memref<80x128xi32, #tpu.memory_space<hbm>>
      %dma_start3A_76 = arith.constant 40 : i32
      %dma_start3A_77 = arith.constant 0 : i32
      %dma_start3A_78 = tpu.memref_slice %dma_start3A_75[%dma_start3A_76, %dma_start3A_77] : memref<80x128xi32, #tpu.memory_space<hbm>> -> memref<40x128xi32, #tpu.memory_space<hbm>>
      tpu.enqueue_dma source(%dma_start3A_78 : memref<40x128xi32, #tpu.memory_space<hbm>>) target(%arg8 : memref<40x128xi32, #tpu.memory_space<vmem>>) target_semaphore(%run_scoped3A : memref<!tpu.dma_semaphore, #tpu.memory_space<semaphore_mem>>)
      %dma_wait3A = arith.constant 0 : i32
      %dma_wait3A_79 = arith.constant 0 : i32
      %dma_wait3A_80 = tpu.memref_slice %arg4[%arg1, %dma_wait3A, %dma_wait3A_79] : memref<16x80x128xi32, #tpu.memory_space<hbm>> -> memref<1x80x128xi32, #tpu.memory_space<hbm>>
      %dma_wait3A_81 = tpu.memref_squeeze %dma_wait3A_80 : memref<1x80x128xi32, #tpu.memory_space<hbm>> -> memref<80x128xi32, #tpu.memory_space<hbm>>
      %dma_wait3A_82 = arith.constant 40 : i32
      %dma_wait3A_83 = arith.constant 0 : i32
      %dma_wait3A_84 = tpu.memref_slice %dma_wait3A_81[%dma_wait3A_82, %dma_wait3A_83] : memref<80x128xi32, #tpu.memory_space<hbm>> -> memref<40x128xi32, #tpu.memory_space<hbm>>
      %dma_wait3A_85 = arith.constant 0 : i32
      %dma_wait3A_86 = arith.constant 0 : i32
      %dma_wait3A_87 = tpu.memref_slice %arg4[%arg1, %dma_wait3A_85, %dma_wait3A_86] : memref<16x80x128xi32, #tpu.memory_space<hbm>> -> memref<1x80x128xi32, #tpu.memory_space<hbm>>
      %dma_wait3A_88 = tpu.memref_squeeze %dma_wait3A_87 : memref<1x80x128xi32, #tpu.memory_space<hbm>> -> memref<80x128xi32, #tpu.memory_space<hbm>>
      %dma_wait3A_89 = arith.constant 40 : i32
      %dma_wait3A_90 = arith.constant 0 : i32
      %dma_wait3A_91 = tpu.memref_slice %dma_wait3A_88[%dma_wait3A_89, %dma_wait3A_90] : memref<80x128xi32, #tpu.memory_space<hbm>> -> memref<40x128xi32, #tpu.memory_space<hbm>>
      tpu.wait_dma2 semaphore(%run_scoped3A : memref<!tpu.dma_semaphore, #tpu.memory_space<semaphore_mem>>) src(%dma_wait3A_91 : memref<40x128xi32, #tpu.memory_space<hbm>>) dst(%arg8 : memref<40x128xi32, #tpu.memory_space<vmem>>)
      tpu.yield
    }) : () -> ()
    %dma_start3A_36 = arith.constant 0 : i32
    %dma_start3A_37 = arith.constant 0 : i32
    %dma_start3A_38 = tpu.memref_slice %arg7[%dma_start3A_36, %dma_start3A_37] : memref<40x128xi32, #tpu.memory_space<vmem>> -> memref<1x128xi32, #tpu.memory_space<vmem>>
    %dma_start3A_39 = tpu.memref_squeeze %dma_start3A_38 : memref<1x128xi32, #tpu.memory_space<vmem>> -> memref<128xi32, #tpu.memory_space<vmem>>
    %dma_start3A_40 = arith.constant 0 : i32
    %dma_start3A_41 = arith.constant 0 : i32
    %dma_start3A_42 = tpu.memref_slice %arg2[%add3A_3, %dma_start3A_40, %dma_start3A_41] : memref<2x10240x128xf32, #tpu.memory_space<hbm>> -> memref<1x10240x128xf32, #tpu.memory_space<hbm>>
    %dma_start3A_43 = tpu.memref_squeeze %dma_start3A_42 : memref<1x10240x128xf32, #tpu.memory_space<hbm>> -> memref<10240x128xf32, #tpu.memory_space<hbm>>
    %dma_start3A_44 = arith.constant 0 : i32
    %dma_start3A_45 = arith.constant 0 : i32
    %dma_start3A_46 = tpu.memref_slice %dma_start3A_43[%dma_start3A_44, %dma_start3A_45] : memref<10240x128xf32, #tpu.memory_space<hbm>> -> memref<10240x128xf32, #tpu.memory_space<hbm>>
    tpu.enqueue_indirect_dma source(%dma_start3A_46 : memref<10240x128xf32, #tpu.memory_space<hbm>>) target(%arg9 : memref<128x128xf32, #tpu.memory_space<vmem>>) offsets(%dma_start3A_39 : memref<128xi32, #tpu.memory_space<vmem>>) semaphore(%arg12 : memref<!tpu.dma_semaphore, #tpu.memory_space<semaphore_mem>>)
    %dma_start3A_47 = arith.constant 1 : i32
    %dma_start3A_48 = arith.constant 0 : i32
    %dma_start3A_49 = tpu.memref_slice %arg7[%dma_start3A_47, %dma_start3A_48] : memref<40x128xi32, #tpu.memory_space<vmem>> -> memref<1x128xi32, #tpu.memory_space<vmem>>
    %dma_start3A_50 = tpu.memref_squeeze %dma_start3A_49 : memref<1x128xi32, #tpu.memory_space<vmem>> -> memref<128xi32, #tpu.memory_space<vmem>>
    %dma_start3A_51 = arith.constant 0 : i32
    %dma_start3A_52 = arith.constant 0 : i32
    %dma_start3A_53 = tpu.memref_slice %arg2[%add3A_3, %dma_start3A_51, %dma_start3A_52] : memref<2x10240x128xf32, #tpu.memory_space<hbm>> -> memref<1x10240x128xf32, #tpu.memory_space<hbm>>
    %dma_start3A_54 = tpu.memref_squeeze %dma_start3A_53 : memref<1x10240x128xf32, #tpu.memory_space<hbm>> -> memref<10240x128xf32, #tpu.memory_space<hbm>>
    %dma_start3A_55 = arith.constant 0 : i32
    %dma_start3A_56 = arith.constant 0 : i32
    %dma_start3A_57 = tpu.memref_slice %dma_start3A_54[%dma_start3A_55, %dma_start3A_56] : memref<10240x128xf32, #tpu.memory_space<hbm>> -> memref<10240x128xf32, #tpu.memory_space<hbm>>
    tpu.enqueue_indirect_dma source(%dma_start3A_57 : memref<10240x128xf32, #tpu.memory_space<hbm>>) target(%arg10 : memref<128x128xf32, #tpu.memory_space<vmem>>) offsets(%dma_start3A_50 : memref<128xi32, #tpu.memory_space<vmem>>) semaphore(%arg13 : memref<!tpu.dma_semaphore, #tpu.memory_space<semaphore_mem>>)
    %scan3A_58 = arith.constant 0 : i32
    %scan3A_59 = arith.constant 0 : i32
    %scan3A_60 = arith.constant 20 : i32
    %scan3A_61 = arith.addi %scan3A_59, %scan3A_60 : i32
    %scan3A_62 = arith.constant 1 : i32
    scf.for %scan3A_65 = %scan3A_59 to %scan3A_61 step %scan3A_62  : i32 {
      %mul3A_66 = arith.constant 2 : i32
      %mul3A_67 = arith.muli %mul3A_66, %scan3A_65 : i32
      %add3A_68 = arith.constant 0 : i32
      %add3A_69 = arith.addi %mul3A_67, %add3A_68 : i32
      %dma_wait3A = arith.constant 0 : i32
      %dma_wait3A_70 = tpu.memref_slice %arg7[%add3A_69, %dma_wait3A] : memref<40x128xi32, #tpu.memory_space<vmem>> -> memref<1x128xi32, #tpu.memory_space<vmem>>
      %dma_wait3A_71 = tpu.memref_squeeze %dma_wait3A_70 : memref<1x128xi32, #tpu.memory_space<vmem>> -> memref<128xi32, #tpu.memory_space<vmem>>
      %dma_wait3A_72 = arith.constant 0 : i32
      %dma_wait3A_73 = arith.constant 0 : i32
      %dma_wait3A_74 = tpu.memref_slice %arg2[%add3A_3, %dma_wait3A_72, %dma_wait3A_73] : memref<2x10240x128xf32, #tpu.memory_space<hbm>> -> memref<1x10240x128xf32, #tpu.memory_space<hbm>>
      %dma_wait3A_75 = tpu.memref_squeeze %dma_wait3A_74 : memref<1x10240x128xf32, #tpu.memory_space<hbm>> -> memref<10240x128xf32, #tpu.memory_space<hbm>>
      %dma_wait3A_76 = arith.constant 0 : i32
      %dma_wait3A_77 = arith.constant 0 : i32
      %dma_wait3A_78 = tpu.memref_slice %dma_wait3A_75[%dma_wait3A_76, %dma_wait3A_77] : memref<10240x128xf32, #tpu.memory_space<hbm>> -> memref<10240x128xf32, #tpu.memory_space<hbm>>
      tpu.wait_indirect_dma semaphore(%arg12 : memref<!tpu.dma_semaphore, #tpu.memory_space<semaphore_mem>>) src(%dma_wait3A_78 : memref<10240x128xf32, #tpu.memory_space<hbm>>) dst(%arg9 : memref<128x128xf32, #tpu.memory_space<vmem>>)
      "tpu.region"() ({
        %run_scoped3A = tpu.sem_alloc : memref<!tpu.dma_semaphore, #tpu.memory_space<semaphore_mem>>
        %dma_start3A_104 = arith.constant 0 : i32
        %dma_start3A_105 = tpu.memref_slice %arg8[%add3A_69, %dma_start3A_104] : memref<40x128xi32, #tpu.memory_space<vmem>> -> memref<1x128xi32, #tpu.memory_space<vmem>>
        %dma_start3A_106 = tpu.memref_squeeze %dma_start3A_105 : memref<1x128xi32, #tpu.memory_space<vmem>> -> memref<128xi32, #tpu.memory_space<vmem>>
        %dma_start3A_107 = arith.constant 0 : i32
        %dma_start3A_108 = arith.constant 0 : i32
        %dma_start3A_109 = tpu.memref_slice %arg11[%dma_start3A_107, %dma_start3A_108] : memref<10240x128xf32, #tpu.memory_space<vmem_shared>> -> memref<10240x128xf32, #tpu.memory_space<vmem_shared>>
        tpu.enqueue_indirect_dma source(%arg9 : memref<128x128xf32, #tpu.memory_space<vmem>>) target(%dma_start3A_109 : memref<10240x128xf32, #tpu.memory_space<vmem_shared>>) offsets(%dma_start3A_106 : memref<128xi32, #tpu.memory_space<vmem>>) semaphore(%run_scoped3A : memref<!tpu.dma_semaphore, #tpu.memory_space<semaphore_mem>>) {add = true}
        %dma_wait3A_110 = arith.constant 0 : i32
        %dma_wait3A_111 = tpu.memref_slice %arg8[%add3A_69, %dma_wait3A_110] : memref<40x128xi32, #tpu.memory_space<vmem>> -> memref<1x128xi32, #tpu.memory_space<vmem>>
        %dma_wait3A_112 = tpu.memref_squeeze %dma_wait3A_111 : memref<1x128xi32, #tpu.memory_space<vmem>> -> memref<128xi32, #tpu.memory_space<vmem>>
        %dma_wait3A_113 = arith.constant 0 : i32
        %dma_wait3A_114 = arith.constant 0 : i32
        %dma_wait3A_115 = tpu.memref_slice %arg11[%dma_wait3A_113, %dma_wait3A_114] : memref<10240x128xf32, #tpu.memory_space<vmem_shared>> -> memref<10240x128xf32, #tpu.memory_space<vmem_shared>>
        tpu.wait_indirect_dma semaphore(%run_scoped3A : memref<!tpu.dma_semaphore, #tpu.memory_space<semaphore_mem>>) src(%arg9 : memref<128x128xf32, #tpu.memory_space<vmem>>) dst(%dma_wait3A_115 : memref<10240x128xf32, #tpu.memory_space<vmem_shared>>)
        tpu.yield
      }) : () -> ()
      %add3A_79 = arith.constant 2 : i32
      %add3A_80 = arith.addi %add3A_69, %add3A_79 : i32
      %lt3A = arith.constant 40 : i32
      %lt3A_81 = arith.cmpi slt, %add3A_80, %lt3A : i32
      %convert_element_type3A = arith.extui %lt3A_81 : i1 to i32
      %cond3A = arith.constant 0 : i32
      %cond3A_82 = arith.cmpi ne, %convert_element_type3A, %cond3A : i32
      scf.if %cond3A_82 {
        %add3A_104 = arith.constant 2 : i32
        %add3A_105 = arith.addi %add3A_69, %add3A_104 : i32
        %dma_start3A_106 = arith.constant 0 : i32
        %dma_start3A_107 = tpu.memref_slice %arg7[%add3A_105, %dma_start3A_106] : memref<40x128xi32, #tpu.memory_space<vmem>> -> memref<1x128xi32, #tpu.memory_space<vmem>>
        %dma_start3A_108 = tpu.memref_squeeze %dma_start3A_107 : memref<1x128xi32, #tpu.memory_space<vmem>> -> memref<128xi32, #tpu.memory_space<vmem>>
        %dma_start3A_109 = arith.constant 0 : i32
        %dma_start3A_110 = arith.constant 0 : i32
        %dma_start3A_111 = tpu.memref_slice %arg2[%add3A_3, %dma_start3A_109, %dma_start3A_110] : memref<2x10240x128xf32, #tpu.memory_space<hbm>> -> memref<1x10240x128xf32, #tpu.memory_space<hbm>>
        %dma_start3A_112 = tpu.memref_squeeze %dma_start3A_111 : memref<1x10240x128xf32, #tpu.memory_space<hbm>> -> memref<10240x128xf32, #tpu.memory_space<hbm>>
        %dma_start3A_113 = arith.constant 0 : i32
        %dma_start3A_114 = arith.constant 0 : i32
        %dma_start3A_115 = tpu.memref_slice %dma_start3A_112[%dma_start3A_113, %dma_start3A_114] : memref<10240x128xf32, #tpu.memory_space<hbm>> -> memref<10240x128xf32, #tpu.memory_space<hbm>>
        tpu.enqueue_indirect_dma source(%dma_start3A_115 : memref<10240x128xf32, #tpu.memory_space<hbm>>) target(%arg9 : memref<128x128xf32, #tpu.memory_space<vmem>>) offsets(%dma_start3A_108 : memref<128xi32, #tpu.memory_space<vmem>>) semaphore(%arg12 : memref<!tpu.dma_semaphore, #tpu.memory_space<semaphore_mem>>)
      } else {
      }
      %mul3A_83 = arith.constant 2 : i32
      %mul3A_84 = arith.muli %mul3A_83, %scan3A_65 : i32
      %add3A_85 = arith.constant 1 : i32
      %add3A_86 = arith.addi %mul3A_84, %add3A_85 : i32
      %dma_wait3A_87 = arith.constant 0 : i32
      %dma_wait3A_88 = tpu.memref_slice %arg7[%add3A_86, %dma_wait3A_87] : memref<40x128xi32, #tpu.memory_space<vmem>> -> memref<1x128xi32, #tpu.memory_space<vmem>>
      %dma_wait3A_89 = tpu.memref_squeeze %dma_wait3A_88 : memref<1x128xi32, #tpu.memory_space<vmem>> -> memref<128xi32, #tpu.memory_space<vmem>>
      %dma_wait3A_90 = arith.constant 0 : i32
      %dma_wait3A_91 = arith.constant 0 : i32
      %dma_wait3A_92 = tpu.memref_slice %arg2[%add3A_3, %dma_wait3A_90, %dma_wait3A_91] : memref<2x10240x128xf32, #tpu.memory_space<hbm>> -> memref<1x10240x128xf32, #tpu.memory_space<hbm>>
      %dma_wait3A_93 = tpu.memref_squeeze %dma_wait3A_92 : memref<1x10240x128xf32, #tpu.memory_space<hbm>> -> memref<10240x128xf32, #tpu.memory_space<hbm>>
      %dma_wait3A_94 = arith.constant 0 : i32
      %dma_wait3A_95 = arith.constant 0 : i32
      %dma_wait3A_96 = tpu.memref_slice %dma_wait3A_93[%dma_wait3A_94, %dma_wait3A_95] : memref<10240x128xf32, #tpu.memory_space<hbm>> -> memref<10240x128xf32, #tpu.memory_space<hbm>>
      tpu.wait_indirect_dma semaphore(%arg13 : memref<!tpu.dma_semaphore, #tpu.memory_space<semaphore_mem>>) src(%dma_wait3A_96 : memref<10240x128xf32, #tpu.memory_space<hbm>>) dst(%arg10 : memref<128x128xf32, #tpu.memory_space<vmem>>)
      "tpu.region"() ({
        %run_scoped3A = tpu.sem_alloc : memref<!tpu.dma_semaphore, #tpu.memory_space<semaphore_mem>>
        %dma_start3A_104 = arith.constant 0 : i32
        %dma_start3A_105 = tpu.memref_slice %arg8[%add3A_86, %dma_start3A_104] : memref<40x128xi32, #tpu.memory_space<vmem>> -> memref<1x128xi32, #tpu.memory_space<vmem>>
        %dma_start3A_106 = tpu.memref_squeeze %dma_start3A_105 : memref<1x128xi32, #tpu.memory_space<vmem>> -> memref<128xi32, #tpu.memory_space<vmem>>
        %dma_start3A_107 = arith.constant 0 : i32
        %dma_start3A_108 = arith.constant 0 : i32
        %dma_start3A_109 = tpu.memref_slice %arg11[%dma_start3A_107, %dma_start3A_108] : memref<10240x128xf32, #tpu.memory_space<vmem_shared>> -> memref<10240x128xf32, #tpu.memory_space<vmem_shared>>
        tpu.enqueue_indirect_dma source(%arg10 : memref<128x128xf32, #tpu.memory_space<vmem>>) target(%dma_start3A_109 : memref<10240x128xf32, #tpu.memory_space<vmem_shared>>) offsets(%dma_start3A_106 : memref<128xi32, #tpu.memory_space<vmem>>) semaphore(%run_scoped3A : memref<!tpu.dma_semaphore, #tpu.memory_space<semaphore_mem>>) {add = true}
        %dma_wait3A_110 = arith.constant 0 : i32
        %dma_wait3A_111 = tpu.memref_slice %arg8[%add3A_86, %dma_wait3A_110] : memref<40x128xi32, #tpu.memory_space<vmem>> -> memref<1x128xi32, #tpu.memory_space<vmem>>
        %dma_wait3A_112 = tpu.memref_squeeze %dma_wait3A_111 : memref<1x128xi32, #tpu.memory_space<vmem>> -> memref<128xi32, #tpu.memory_space<vmem>>
        %dma_wait3A_113 = arith.constant 0 : i32
        %dma_wait3A_114 = arith.constant 0 : i32
        %dma_wait3A_115 = tpu.memref_slice %arg11[%dma_wait3A_113, %dma_wait3A_114] : memref<10240x128xf32, #tpu.memory_space<vmem_shared>> -> memref<10240x128xf32, #tpu.memory_space<vmem_shared>>
        tpu.wait_indirect_dma semaphore(%run_scoped3A : memref<!tpu.dma_semaphore, #tpu.memory_space<semaphore_mem>>) src(%arg10 : memref<128x128xf32, #tpu.memory_space<vmem>>) dst(%dma_wait3A_115 : memref<10240x128xf32, #tpu.memory_space<vmem_shared>>)
        tpu.yield
      }) : () -> ()
      %add3A_97 = arith.constant 2 : i32
      %add3A_98 = arith.addi %add3A_86, %add3A_97 : i32
      %lt3A_99 = arith.constant 40 : i32
      %lt3A_100 = arith.cmpi slt, %add3A_98, %lt3A_99 : i32
      %convert_element_type3A_101 = arith.extui %lt3A_100 : i1 to i32
      %cond3A_102 = arith.constant 0 : i32
      %cond3A_103 = arith.cmpi ne, %convert_element_type3A_101, %cond3A_102 : i32
      scf.if %cond3A_103 {
        %add3A_104 = arith.constant 2 : i32
        %add3A_105 = arith.addi %add3A_86, %add3A_104 : i32
        %dma_start3A_106 = arith.constant 0 : i32
        %dma_start3A_107 = tpu.memref_slice %arg7[%add3A_105, %dma_start3A_106] : memref<40x128xi32, #tpu.memory_space<vmem>> -> memref<1x128xi32, #tpu.memory_space<vmem>>
        %dma_start3A_108 = tpu.memref_squeeze %dma_start3A_107 : memref<1x128xi32, #tpu.memory_space<vmem>> -> memref<128xi32, #tpu.memory_space<vmem>>
        %dma_start3A_109 = arith.constant 0 : i32
        %dma_start3A_110 = arith.constant 0 : i32
        %dma_start3A_111 = tpu.memref_slice %arg2[%add3A_3, %dma_start3A_109, %dma_start3A_110] : memref<2x10240x128xf32, #tpu.memory_space<hbm>> -> memref<1x10240x128xf32, #tpu.memory_space<hbm>>
        %dma_start3A_112 = tpu.memref_squeeze %dma_start3A_111 : memref<1x10240x128xf32, #tpu.memory_space<hbm>> -> memref<10240x128xf32, #tpu.memory_space<hbm>>
        %dma_start3A_113 = arith.constant 0 : i32
        %dma_start3A_114 = arith.constant 0 : i32
        %dma_start3A_115 = tpu.memref_slice %dma_start3A_112[%dma_start3A_113, %dma_start3A_114] : memref<10240x128xf32, #tpu.memory_space<hbm>> -> memref<10240x128xf32, #tpu.memory_space<hbm>>
        tpu.enqueue_indirect_dma source(%dma_start3A_115 : memref<10240x128xf32, #tpu.memory_space<hbm>>) target(%arg10 : memref<128x128xf32, #tpu.memory_space<vmem>>) offsets(%dma_start3A_108 : memref<128xi32, #tpu.memory_space<vmem>>) semaphore(%arg13 : memref<!tpu.dma_semaphore, #tpu.memory_space<semaphore_mem>>)
      } else {
      }
    }
    %scan3A_63 = arith.constant 20 : i32
    %barrier3A_64 = arith.constant 0 : index
    tpu.barrier barrier_id(%barrier3A_64)
    "tpu.region"() ({
      %run_scoped3A = tpu.sem_alloc : memref<!tpu.dma_semaphore, #tpu.memory_space<semaphore_mem>>
      %dma_start3A_65 = arith.constant 0 : i32
      %dma_start3A_66 = arith.constant 0 : i32
      %dma_start3A_67 = tpu.memref_slice %arg6[%add3A_3, %dma_start3A_65, %dma_start3A_66] : memref<2x10240x128xf32, #tpu.memory_space<hbm>> -> memref<1x10240x128xf32, #tpu.memory_space<hbm>>
      %dma_start3A_68 = tpu.memref_squeeze %dma_start3A_67 : memref<1x10240x128xf32, #tpu.memory_space<hbm>> -> memref<10240x128xf32, #tpu.memory_space<hbm>>
      %dma_start3A_69 = arith.constant 0 : i32
      %dma_start3A_70 = tpu.memref_slice %dma_start3A_68[%mul3A_0, %dma_start3A_69] : memref<10240x128xf32, #tpu.memory_space<hbm>> -> memref<640x128xf32, #tpu.memory_space<hbm>>
      %dma_start3A_71 = arith.constant 0 : i32
      %dma_start3A_72 = tpu.memref_slice %arg11[%mul3A_0, %dma_start3A_71] : memref<10240x128xf32, #tpu.memory_space<vmem_shared>> -> memref<640x128xf32, #tpu.memory_space<vmem_shared>>
      tpu.enqueue_dma source(%dma_start3A_72 : memref<640x128xf32, #tpu.memory_space<vmem_shared>>) target(%dma_start3A_70 : memref<640x128xf32, #tpu.memory_space<hbm>>) target_semaphore(%run_scoped3A : memref<!tpu.dma_semaphore, #tpu.memory_space<semaphore_mem>>)
      %dma_wait3A = arith.constant 0 : i32
      %dma_wait3A_73 = arith.constant 0 : i32
      %dma_wait3A_74 = tpu.memref_slice %arg6[%add3A_3, %dma_wait3A, %dma_wait3A_73] : memref<2x10240x128xf32, #tpu.memory_space<hbm>> -> memref<1x10240x128xf32, #tpu.memory_space<hbm>>
      %dma_wait3A_75 = tpu.memref_squeeze %dma_wait3A_74 : memref<1x10240x128xf32, #tpu.memory_space<hbm>> -> memref<10240x128xf32, #tpu.memory_space<hbm>>
      %dma_wait3A_76 = arith.constant 0 : i32
      %dma_wait3A_77 = tpu.memref_slice %dma_wait3A_75[%mul3A_0, %dma_wait3A_76] : memref<10240x128xf32, #tpu.memory_space<hbm>> -> memref<640x128xf32, #tpu.memory_space<hbm>>
      %dma_wait3A_78 = arith.constant 0 : i32
      %dma_wait3A_79 = tpu.memref_slice %arg11[%mul3A_0, %dma_wait3A_78] : memref<10240x128xf32, #tpu.memory_space<vmem_shared>> -> memref<640x128xf32, #tpu.memory_space<vmem_shared>>
      tpu.wait_dma2 semaphore(%run_scoped3A : memref<!tpu.dma_semaphore, #tpu.memory_space<semaphore_mem>>) src(%dma_wait3A_79 : memref<640x128xf32, #tpu.memory_space<vmem_shared>>) dst(%dma_wait3A_77 : memref<640x128xf32, #tpu.memory_space<hbm>>)
      tpu.yield
    }) : () -> ()
    return
  }
}

#map = affine_map<(d0, d1) -> (0, 0, 0)>
#map1 = affine_map<(d0, d1) -> (0, 0)>
module attributes {stable_mosaic.version = 14 : i64} {
  func.func @k(%arg0: i32, %arg1: i32, %arg2: memref<4x10240x128xf32, #tpu.memory_space<hbm>>, %arg3: memref<16x80x128xi32, #tpu.memory_space<hbm>>, %arg4: memref<16x80x128xi32, #tpu.memory_space<hbm>>, %arg5: memref<128x128xf32, #tpu.memory_space<hbm>>, %arg6: memref<4x10240x128xf32, #tpu.memory_space<hbm>>, %arg7: memref<40x128xi32, #tpu.memory_space<vmem>>, %arg8: memref<40x128xi32, #tpu.memory_space<vmem>>, %arg9: memref<128x128xf32, #tpu.memory_space<vmem>>, %arg10: memref<128x128xf32, #tpu.memory_space<vmem>>, %arg11: memref<10240x128xf32, #tpu.memory_space<vmem_shared>>, %arg12: memref<!tpu.dma_semaphore, #tpu.memory_space<semaphore_mem>>, %arg13: memref<!tpu.dma_semaphore, #tpu.memory_space<semaphore_mem>>) attributes {dimension_semantics = [#tpu.dimension_semantics<core_parallel>, #tpu.dimension_semantics<subcore_parallel>], iteration_bounds = array<i64: 2, 16>, scalar_prefetch = 0 : i64, scratch_operands = 7 : i64, tpu.core_type = #tpu.core_type<sc_vector_subcore>, window_params = [{transform_indices = #map}, {transform_indices = #map}, {transform_indices = #map}, {transform_indices = #map1}, {transform_indices = #map}]} {
    %mul3A = arith.constant 640 : i32
    %mul3A_0 = arith.muli %arg1, %mul3A : i32
    %mul3A_1 = arith.constant 2 : i32
    %mul3A_2 = arith.muli %arg0, %mul3A_1 : i32
    %add3A = arith.constant 0 : i32
    %add3A_3 = arith.addi %mul3A_2, %add3A : i32
    "tpu.region"() ({
      %run_scoped3A = tpu.sem_alloc : memref<!tpu.dma_semaphore, #tpu.memory_space<semaphore_mem>>
      tpu.enqueue_dma source(%arg5 : memref<128x128xf32, #tpu.memory_space<hbm>>) target(%arg9 : memref<128x128xf32, #tpu.memory_space<vmem>>) target_semaphore(%run_scoped3A : memref<!tpu.dma_semaphore, #tpu.memory_space<semaphore_mem>>)
      tpu.wait_dma2 semaphore(%run_scoped3A : memref<!tpu.dma_semaphore, #tpu.memory_space<semaphore_mem>>) src(%arg5 : memref<128x128xf32, #tpu.memory_space<hbm>>) dst(%arg9 : memref<128x128xf32, #tpu.memory_space<vmem>>)
      tpu.yield
    }) : () -> ()
    %scan3A = arith.constant 0 : i32
    %scan3A_4 = arith.constant 0 : i32
    %scan3A_5 = arith.constant 5 : i32
    %scan3A_6 = arith.addi %scan3A_4, %scan3A_5 : i32
    %scan3A_7 = arith.constant 1 : i32
    scf.for %scan3A_134 = %scan3A_4 to %scan3A_6 step %scan3A_7  : i32 {
      %mul3A_135 = arith.constant 128 : i32
      %mul3A_136 = arith.muli %scan3A_134, %mul3A_135 : i32
      %add3A_137 = arith.addi %mul3A_0, %mul3A_136 : i32
      "tpu.region"() ({
        %run_scoped3A = tpu.sem_alloc : memref<!tpu.dma_semaphore, #tpu.memory_space<semaphore_mem>>
        %dma_start3A_138 = arith.constant 0 : i32
        %dma_start3A_139 = tpu.memref_slice %arg11[%add3A_137, %dma_start3A_138] : memref<10240x128xf32, #tpu.memory_space<vmem_shared>> -> memref<128x128xf32, #tpu.memory_space<vmem_shared>>
        %dma_start3A_140 = arith.constant 0 : i32
        %dma_start3A_141 = tpu.memref_slice %arg11[%add3A_137, %dma_start3A_140] : memref<10240x128xf32, #tpu.memory_space<vmem_shared>> -> memref<128x128xf32, #tpu.memory_space<vmem_shared>>
        tpu.enqueue_dma source(%arg9 : memref<128x128xf32, #tpu.memory_space<vmem>>) target(%dma_start3A_141 : memref<128x128xf32, #tpu.memory_space<vmem_shared>>) target_semaphore(%run_scoped3A : memref<!tpu.dma_semaphore, #tpu.memory_space<semaphore_mem>>)
        %dma_wait3A = arith.constant 0 : i32
        %dma_wait3A_142 = tpu.memref_slice %arg11[%add3A_137, %dma_wait3A] : memref<10240x128xf32, #tpu.memory_space<vmem_shared>> -> memref<128x128xf32, #tpu.memory_space<vmem_shared>>
        %dma_wait3A_143 = arith.constant 0 : i32
        %dma_wait3A_144 = tpu.memref_slice %arg11[%add3A_137, %dma_wait3A_143] : memref<10240x128xf32, #tpu.memory_space<vmem_shared>> -> memref<128x128xf32, #tpu.memory_space<vmem_shared>>
        tpu.wait_dma2 semaphore(%run_scoped3A : memref<!tpu.dma_semaphore, #tpu.memory_space<semaphore_mem>>) src(%arg9 : memref<128x128xf32, #tpu.memory_space<vmem>>) dst(%dma_wait3A_144 : memref<128x128xf32, #tpu.memory_space<vmem_shared>>)
        tpu.yield
      }) : () -> ()
    }
    %scan3A_8 = arith.constant 5 : i32
    %barrier3A = arith.constant 0 : index
    tpu.barrier barrier_id(%barrier3A)
    "tpu.region"() ({
      %run_scoped3A = tpu.sem_alloc : memref<!tpu.dma_semaphore, #tpu.memory_space<semaphore_mem>>
      %dma_start3A_134 = arith.constant 0 : i32
      %dma_start3A_135 = arith.constant 0 : i32
      %dma_start3A_136 = tpu.memref_slice %arg3[%arg1, %dma_start3A_134, %dma_start3A_135] : memref<16x80x128xi32, #tpu.memory_space<hbm>> -> memref<1x80x128xi32, #tpu.memory_space<hbm>>
      %dma_start3A_137 = tpu.memref_squeeze %dma_start3A_136 : memref<1x80x128xi32, #tpu.memory_space<hbm>> -> memref<80x128xi32, #tpu.memory_space<hbm>>
      %dma_start3A_138 = arith.constant 0 : i32
      %dma_start3A_139 = arith.constant 0 : i32
      %dma_start3A_140 = tpu.memref_slice %dma_start3A_137[%dma_start3A_138, %dma_start3A_139] : memref<80x128xi32, #tpu.memory_space<hbm>> -> memref<40x128xi32, #tpu.memory_space<hbm>>
      %dma_start3A_141 = arith.constant 0 : i32
      %dma_start3A_142 = arith.constant 0 : i32
      %dma_start3A_143 = tpu.memref_slice %arg3[%arg1, %dma_start3A_141, %dma_start3A_142] : memref<16x80x128xi32, #tpu.memory_space<hbm>> -> memref<1x80x128xi32, #tpu.memory_space<hbm>>
      %dma_start3A_144 = tpu.memref_squeeze %dma_start3A_143 : memref<1x80x128xi32, #tpu.memory_space<hbm>> -> memref<80x128xi32, #tpu.memory_space<hbm>>
      %dma_start3A_145 = arith.constant 0 : i32
      %dma_start3A_146 = arith.constant 0 : i32
      %dma_start3A_147 = tpu.memref_slice %dma_start3A_144[%dma_start3A_145, %dma_start3A_146] : memref<80x128xi32, #tpu.memory_space<hbm>> -> memref<40x128xi32, #tpu.memory_space<hbm>>
      tpu.enqueue_dma source(%dma_start3A_147 : memref<40x128xi32, #tpu.memory_space<hbm>>) target(%arg7 : memref<40x128xi32, #tpu.memory_space<vmem>>) target_semaphore(%run_scoped3A : memref<!tpu.dma_semaphore, #tpu.memory_space<semaphore_mem>>)
      %dma_wait3A = arith.constant 0 : i32
      %dma_wait3A_148 = arith.constant 0 : i32
      %dma_wait3A_149 = tpu.memref_slice %arg3[%arg1, %dma_wait3A, %dma_wait3A_148] : memref<16x80x128xi32, #tpu.memory_space<hbm>> -> memref<1x80x128xi32, #tpu.memory_space<hbm>>
      %dma_wait3A_150 = tpu.memref_squeeze %dma_wait3A_149 : memref<1x80x128xi32, #tpu.memory_space<hbm>> -> memref<80x128xi32, #tpu.memory_space<hbm>>
      %dma_wait3A_151 = arith.constant 0 : i32
      %dma_wait3A_152 = arith.constant 0 : i32
      %dma_wait3A_153 = tpu.memref_slice %dma_wait3A_150[%dma_wait3A_151, %dma_wait3A_152] : memref<80x128xi32, #tpu.memory_space<hbm>> -> memref<40x128xi32, #tpu.memory_space<hbm>>
      %dma_wait3A_154 = arith.constant 0 : i32
      %dma_wait3A_155 = arith.constant 0 : i32
      %dma_wait3A_156 = tpu.memref_slice %arg3[%arg1, %dma_wait3A_154, %dma_wait3A_155] : memref<16x80x128xi32, #tpu.memory_space<hbm>> -> memref<1x80x128xi32, #tpu.memory_space<hbm>>
      %dma_wait3A_157 = tpu.memref_squeeze %dma_wait3A_156 : memref<1x80x128xi32, #tpu.memory_space<hbm>> -> memref<80x128xi32, #tpu.memory_space<hbm>>
      %dma_wait3A_158 = arith.constant 0 : i32
      %dma_wait3A_159 = arith.constant 0 : i32
      %dma_wait3A_160 = tpu.memref_slice %dma_wait3A_157[%dma_wait3A_158, %dma_wait3A_159] : memref<80x128xi32, #tpu.memory_space<hbm>> -> memref<40x128xi32, #tpu.memory_space<hbm>>
      tpu.wait_dma2 semaphore(%run_scoped3A : memref<!tpu.dma_semaphore, #tpu.memory_space<semaphore_mem>>) src(%dma_wait3A_160 : memref<40x128xi32, #tpu.memory_space<hbm>>) dst(%arg7 : memref<40x128xi32, #tpu.memory_space<vmem>>)
      tpu.yield
    }) : () -> ()
    "tpu.region"() ({
      %run_scoped3A = tpu.sem_alloc : memref<!tpu.dma_semaphore, #tpu.memory_space<semaphore_mem>>
      %dma_start3A_134 = arith.constant 0 : i32
      %dma_start3A_135 = arith.constant 0 : i32
      %dma_start3A_136 = tpu.memref_slice %arg4[%arg1, %dma_start3A_134, %dma_start3A_135] : memref<16x80x128xi32, #tpu.memory_space<hbm>> -> memref<1x80x128xi32, #tpu.memory_space<hbm>>
      %dma_start3A_137 = tpu.memref_squeeze %dma_start3A_136 : memref<1x80x128xi32, #tpu.memory_space<hbm>> -> memref<80x128xi32, #tpu.memory_space<hbm>>
      %dma_start3A_138 = arith.constant 0 : i32
      %dma_start3A_139 = arith.constant 0 : i32
      %dma_start3A_140 = tpu.memref_slice %dma_start3A_137[%dma_start3A_138, %dma_start3A_139] : memref<80x128xi32, #tpu.memory_space<hbm>> -> memref<40x128xi32, #tpu.memory_space<hbm>>
      %dma_start3A_141 = arith.constant 0 : i32
      %dma_start3A_142 = arith.constant 0 : i32
      %dma_start3A_143 = tpu.memref_slice %arg4[%arg1, %dma_start3A_141, %dma_start3A_142] : memref<16x80x128xi32, #tpu.memory_space<hbm>> -> memref<1x80x128xi32, #tpu.memory_space<hbm>>
      %dma_start3A_144 = tpu.memref_squeeze %dma_start3A_143 : memref<1x80x128xi32, #tpu.memory_space<hbm>> -> memref<80x128xi32, #tpu.memory_space<hbm>>
      %dma_start3A_145 = arith.constant 0 : i32
      %dma_start3A_146 = arith.constant 0 : i32
      %dma_start3A_147 = tpu.memref_slice %dma_start3A_144[%dma_start3A_145, %dma_start3A_146] : memref<80x128xi32, #tpu.memory_space<hbm>> -> memref<40x128xi32, #tpu.memory_space<hbm>>
      tpu.enqueue_dma source(%dma_start3A_147 : memref<40x128xi32, #tpu.memory_space<hbm>>) target(%arg8 : memref<40x128xi32, #tpu.memory_space<vmem>>) target_semaphore(%run_scoped3A : memref<!tpu.dma_semaphore, #tpu.memory_space<semaphore_mem>>)
      %dma_wait3A = arith.constant 0 : i32
      %dma_wait3A_148 = arith.constant 0 : i32
      %dma_wait3A_149 = tpu.memref_slice %arg4[%arg1, %dma_wait3A, %dma_wait3A_148] : memref<16x80x128xi32, #tpu.memory_space<hbm>> -> memref<1x80x128xi32, #tpu.memory_space<hbm>>
      %dma_wait3A_150 = tpu.memref_squeeze %dma_wait3A_149 : memref<1x80x128xi32, #tpu.memory_space<hbm>> -> memref<80x128xi32, #tpu.memory_space<hbm>>
      %dma_wait3A_151 = arith.constant 0 : i32
      %dma_wait3A_152 = arith.constant 0 : i32
      %dma_wait3A_153 = tpu.memref_slice %dma_wait3A_150[%dma_wait3A_151, %dma_wait3A_152] : memref<80x128xi32, #tpu.memory_space<hbm>> -> memref<40x128xi32, #tpu.memory_space<hbm>>
      %dma_wait3A_154 = arith.constant 0 : i32
      %dma_wait3A_155 = arith.constant 0 : i32
      %dma_wait3A_156 = tpu.memref_slice %arg4[%arg1, %dma_wait3A_154, %dma_wait3A_155] : memref<16x80x128xi32, #tpu.memory_space<hbm>> -> memref<1x80x128xi32, #tpu.memory_space<hbm>>
      %dma_wait3A_157 = tpu.memref_squeeze %dma_wait3A_156 : memref<1x80x128xi32, #tpu.memory_space<hbm>> -> memref<80x128xi32, #tpu.memory_space<hbm>>
      %dma_wait3A_158 = arith.constant 0 : i32
      %dma_wait3A_159 = arith.constant 0 : i32
      %dma_wait3A_160 = tpu.memref_slice %dma_wait3A_157[%dma_wait3A_158, %dma_wait3A_159] : memref<80x128xi32, #tpu.memory_space<hbm>> -> memref<40x128xi32, #tpu.memory_space<hbm>>
      tpu.wait_dma2 semaphore(%run_scoped3A : memref<!tpu.dma_semaphore, #tpu.memory_space<semaphore_mem>>) src(%dma_wait3A_160 : memref<40x128xi32, #tpu.memory_space<hbm>>) dst(%arg8 : memref<40x128xi32, #tpu.memory_space<vmem>>)
      tpu.yield
    }) : () -> ()
    %dma_start3A = arith.constant 0 : i32
    %dma_start3A_9 = arith.constant 0 : i32
    %dma_start3A_10 = tpu.memref_slice %arg7[%dma_start3A, %dma_start3A_9] : memref<40x128xi32, #tpu.memory_space<vmem>> -> memref<1x128xi32, #tpu.memory_space<vmem>>
    %dma_start3A_11 = tpu.memref_squeeze %dma_start3A_10 : memref<1x128xi32, #tpu.memory_space<vmem>> -> memref<128xi32, #tpu.memory_space<vmem>>
    %dma_start3A_12 = arith.constant 0 : i32
    %dma_start3A_13 = arith.constant 0 : i32
    %dma_start3A_14 = tpu.memref_slice %arg2[%add3A_3, %dma_start3A_12, %dma_start3A_13] : memref<4x10240x128xf32, #tpu.memory_space<hbm>> -> memref<1x10240x128xf32, #tpu.memory_space<hbm>>
    %dma_start3A_15 = tpu.memref_squeeze %dma_start3A_14 : memref<1x10240x128xf32, #tpu.memory_space<hbm>> -> memref<10240x128xf32, #tpu.memory_space<hbm>>
    %dma_start3A_16 = arith.constant 0 : i32
    %dma_start3A_17 = arith.constant 0 : i32
    %dma_start3A_18 = tpu.memref_slice %dma_start3A_15[%dma_start3A_16, %dma_start3A_17] : memref<10240x128xf32, #tpu.memory_space<hbm>> -> memref<10240x128xf32, #tpu.memory_space<hbm>>
    tpu.enqueue_indirect_dma source(%dma_start3A_18 : memref<10240x128xf32, #tpu.memory_space<hbm>>) target(%arg9 : memref<128x128xf32, #tpu.memory_space<vmem>>) offsets(%dma_start3A_11 : memref<128xi32, #tpu.memory_space<vmem>>) semaphore(%arg12 : memref<!tpu.dma_semaphore, #tpu.memory_space<semaphore_mem>>)
    %dma_start3A_19 = arith.constant 1 : i32
    %dma_start3A_20 = arith.constant 0 : i32
    %dma_start3A_21 = tpu.memref_slice %arg7[%dma_start3A_19, %dma_start3A_20] : memref<40x128xi32, #tpu.memory_space<vmem>> -> memref<1x128xi32, #tpu.memory_space<vmem>>
    %dma_start3A_22 = tpu.memref_squeeze %dma_start3A_21 : memref<1x128xi32, #tpu.memory_space<vmem>> -> memref<128xi32, #tpu.memory_space<vmem>>
    %dma_start3A_23 = arith.constant 0 : i32
    %dma_start3A_24 = arith.constant 0 : i32
    %dma_start3A_25 = tpu.memref_slice %arg2[%add3A_3, %dma_start3A_23, %dma_start3A_24] : memref<4x10240x128xf32, #tpu.memory_space<hbm>> -> memref<1x10240x128xf32, #tpu.memory_space<hbm>>
    %dma_start3A_26 = tpu.memref_squeeze %dma_start3A_25 : memref<1x10240x128xf32, #tpu.memory_space<hbm>> -> memref<10240x128xf32, #tpu.memory_space<hbm>>
    %dma_start3A_27 = arith.constant 0 : i32
    %dma_start3A_28 = arith.constant 0 : i32
    %dma_start3A_29 = tpu.memref_slice %dma_start3A_26[%dma_start3A_27, %dma_start3A_28] : memref<10240x128xf32, #tpu.memory_space<hbm>> -> memref<10240x128xf32, #tpu.memory_space<hbm>>
    tpu.enqueue_indirect_dma source(%dma_start3A_29 : memref<10240x128xf32, #tpu.memory_space<hbm>>) target(%arg10 : memref<128x128xf32, #tpu.memory_space<vmem>>) offsets(%dma_start3A_22 : memref<128xi32, #tpu.memory_space<vmem>>) semaphore(%arg13 : memref<!tpu.dma_semaphore, #tpu.memory_space<semaphore_mem>>)
    %scan3A_30 = arith.constant 0 : i32
    %scan3A_31 = arith.constant 0 : i32
    %scan3A_32 = arith.constant 20 : i32
    %scan3A_33 = arith.addi %scan3A_31, %scan3A_32 : i32
    %scan3A_34 = arith.constant 1 : i32
    scf.for %scan3A_134 = %scan3A_31 to %scan3A_33 step %scan3A_34  : i32 {
      %mul3A_135 = arith.constant 2 : i32
      %mul3A_136 = arith.muli %mul3A_135, %scan3A_134 : i32
      %add3A_137 = arith.constant 0 : i32
      %add3A_138 = arith.addi %mul3A_136, %add3A_137 : i32
      %dma_wait3A = arith.constant 0 : i32
      %dma_wait3A_139 = tpu.memref_slice %arg7[%add3A_138, %dma_wait3A] : memref<40x128xi32, #tpu.memory_space<vmem>> -> memref<1x128xi32, #tpu.memory_space<vmem>>
      %dma_wait3A_140 = tpu.memref_squeeze %dma_wait3A_139 : memref<1x128xi32, #tpu.memory_space<vmem>> -> memref<128xi32, #tpu.memory_space<vmem>>
      %dma_wait3A_141 = arith.constant 0 : i32
      %dma_wait3A_142 = arith.constant 0 : i32
      %dma_wait3A_143 = tpu.memref_slice %arg2[%add3A_3, %dma_wait3A_141, %dma_wait3A_142] : memref<4x10240x128xf32, #tpu.memory_space<hbm>> -> memref<1x10240x128xf32, #tpu.memory_space<hbm>>
      %dma_wait3A_144 = tpu.memref_squeeze %dma_wait3A_143 : memref<1x10240x128xf32, #tpu.memory_space<hbm>> -> memref<10240x128xf32, #tpu.memory_space<hbm>>
      %dma_wait3A_145 = arith.constant 0 : i32
      %dma_wait3A_146 = arith.constant 0 : i32
      %dma_wait3A_147 = tpu.memref_slice %dma_wait3A_144[%dma_wait3A_145, %dma_wait3A_146] : memref<10240x128xf32, #tpu.memory_space<hbm>> -> memref<10240x128xf32, #tpu.memory_space<hbm>>
      tpu.wait_indirect_dma semaphore(%arg12 : memref<!tpu.dma_semaphore, #tpu.memory_space<semaphore_mem>>) src(%dma_wait3A_147 : memref<10240x128xf32, #tpu.memory_space<hbm>>) dst(%arg9 : memref<128x128xf32, #tpu.memory_space<vmem>>)
      "tpu.region"() ({
        %run_scoped3A = tpu.sem_alloc : memref<!tpu.dma_semaphore, #tpu.memory_space<semaphore_mem>>
        %dma_start3A_173 = arith.constant 0 : i32
        %dma_start3A_174 = tpu.memref_slice %arg8[%add3A_138, %dma_start3A_173] : memref<40x128xi32, #tpu.memory_space<vmem>> -> memref<1x128xi32, #tpu.memory_space<vmem>>
        %dma_start3A_175 = tpu.memref_squeeze %dma_start3A_174 : memref<1x128xi32, #tpu.memory_space<vmem>> -> memref<128xi32, #tpu.memory_space<vmem>>
        %dma_start3A_176 = arith.constant 0 : i32
        %dma_start3A_177 = arith.constant 0 : i32
        %dma_start3A_178 = tpu.memref_slice %arg11[%dma_start3A_176, %dma_start3A_177] : memref<10240x128xf32, #tpu.memory_space<vmem_shared>> -> memref<10240x128xf32, #tpu.memory_space<vmem_shared>>
        tpu.enqueue_indirect_dma source(%arg9 : memref<128x128xf32, #tpu.memory_space<vmem>>) target(%dma_start3A_178 : memref<10240x128xf32, #tpu.memory_space<vmem_shared>>) offsets(%dma_start3A_175 : memref<128xi32, #tpu.memory_space<vmem>>) semaphore(%run_scoped3A : memref<!tpu.dma_semaphore, #tpu.memory_space<semaphore_mem>>) {add = true}
        %dma_wait3A_179 = arith.constant 0 : i32
        %dma_wait3A_180 = tpu.memref_slice %arg8[%add3A_138, %dma_wait3A_179] : memref<40x128xi32, #tpu.memory_space<vmem>> -> memref<1x128xi32, #tpu.memory_space<vmem>>
        %dma_wait3A_181 = tpu.memref_squeeze %dma_wait3A_180 : memref<1x128xi32, #tpu.memory_space<vmem>> -> memref<128xi32, #tpu.memory_space<vmem>>
        %dma_wait3A_182 = arith.constant 0 : i32
        %dma_wait3A_183 = arith.constant 0 : i32
        %dma_wait3A_184 = tpu.memref_slice %arg11[%dma_wait3A_182, %dma_wait3A_183] : memref<10240x128xf32, #tpu.memory_space<vmem_shared>> -> memref<10240x128xf32, #tpu.memory_space<vmem_shared>>
        tpu.wait_indirect_dma semaphore(%run_scoped3A : memref<!tpu.dma_semaphore, #tpu.memory_space<semaphore_mem>>) src(%arg9 : memref<128x128xf32, #tpu.memory_space<vmem>>) dst(%dma_wait3A_184 : memref<10240x128xf32, #tpu.memory_space<vmem_shared>>)
        tpu.yield
      }) : () -> ()
      %add3A_148 = arith.constant 2 : i32
      %add3A_149 = arith.addi %add3A_138, %add3A_148 : i32
      %lt3A = arith.constant 40 : i32
      %lt3A_150 = arith.cmpi slt, %add3A_149, %lt3A : i32
      %convert_element_type3A = arith.extui %lt3A_150 : i1 to i32
      %cond3A = arith.constant 0 : i32
      %cond3A_151 = arith.cmpi ne, %convert_element_type3A, %cond3A : i32
      scf.if %cond3A_151 {
        %add3A_173 = arith.constant 2 : i32
        %add3A_174 = arith.addi %add3A_138, %add3A_173 : i32
        %dma_start3A_175 = arith.constant 0 : i32
        %dma_start3A_176 = tpu.memref_slice %arg7[%add3A_174, %dma_start3A_175] : memref<40x128xi32, #tpu.memory_space<vmem>> -> memref<1x128xi32, #tpu.memory_space<vmem>>
        %dma_start3A_177 = tpu.memref_squeeze %dma_start3A_176 : memref<1x128xi32, #tpu.memory_space<vmem>> -> memref<128xi32, #tpu.memory_space<vmem>>
        %dma_start3A_178 = arith.constant 0 : i32
        %dma_start3A_179 = arith.constant 0 : i32
        %dma_start3A_180 = tpu.memref_slice %arg2[%add3A_3, %dma_start3A_178, %dma_start3A_179] : memref<4x10240x128xf32, #tpu.memory_space<hbm>> -> memref<1x10240x128xf32, #tpu.memory_space<hbm>>
        %dma_start3A_181 = tpu.memref_squeeze %dma_start3A_180 : memref<1x10240x128xf32, #tpu.memory_space<hbm>> -> memref<10240x128xf32, #tpu.memory_space<hbm>>
        %dma_start3A_182 = arith.constant 0 : i32
        %dma_start3A_183 = arith.constant 0 : i32
        %dma_start3A_184 = tpu.memref_slice %dma_start3A_181[%dma_start3A_182, %dma_start3A_183] : memref<10240x128xf32, #tpu.memory_space<hbm>> -> memref<10240x128xf32, #tpu.memory_space<hbm>>
        tpu.enqueue_indirect_dma source(%dma_start3A_184 : memref<10240x128xf32, #tpu.memory_space<hbm>>) target(%arg9 : memref<128x128xf32, #tpu.memory_space<vmem>>) offsets(%dma_start3A_177 : memref<128xi32, #tpu.memory_space<vmem>>) semaphore(%arg12 : memref<!tpu.dma_semaphore, #tpu.memory_space<semaphore_mem>>)
      } else {
      }
      %mul3A_152 = arith.constant 2 : i32
      %mul3A_153 = arith.muli %mul3A_152, %scan3A_134 : i32
      %add3A_154 = arith.constant 1 : i32
      %add3A_155 = arith.addi %mul3A_153, %add3A_154 : i32
      %dma_wait3A_156 = arith.constant 0 : i32
      %dma_wait3A_157 = tpu.memref_slice %arg7[%add3A_155, %dma_wait3A_156] : memref<40x128xi32, #tpu.memory_space<vmem>> -> memref<1x128xi32, #tpu.memory_space<vmem>>
      %dma_wait3A_158 = tpu.memref_squeeze %dma_wait3A_157 : memref<1x128xi32, #tpu.memory_space<vmem>> -> memref<128xi32, #tpu.memory_space<vmem>>
      %dma_wait3A_159 = arith.constant 0 : i32
      %dma_wait3A_160 = arith.constant 0 : i32
      %dma_wait3A_161 = tpu.memref_slice %arg2[%add3A_3, %dma_wait3A_159, %dma_wait3A_160] : memref<4x10240x128xf32, #tpu.memory_space<hbm>> -> memref<1x10240x128xf32, #tpu.memory_space<hbm>>
      %dma_wait3A_162 = tpu.memref_squeeze %dma_wait3A_161 : memref<1x10240x128xf32, #tpu.memory_space<hbm>> -> memref<10240x128xf32, #tpu.memory_space<hbm>>
      %dma_wait3A_163 = arith.constant 0 : i32
      %dma_wait3A_164 = arith.constant 0 : i32
      %dma_wait3A_165 = tpu.memref_slice %dma_wait3A_162[%dma_wait3A_163, %dma_wait3A_164] : memref<10240x128xf32, #tpu.memory_space<hbm>> -> memref<10240x128xf32, #tpu.memory_space<hbm>>
      tpu.wait_indirect_dma semaphore(%arg13 : memref<!tpu.dma_semaphore, #tpu.memory_space<semaphore_mem>>) src(%dma_wait3A_165 : memref<10240x128xf32, #tpu.memory_space<hbm>>) dst(%arg10 : memref<128x128xf32, #tpu.memory_space<vmem>>)
      "tpu.region"() ({
        %run_scoped3A = tpu.sem_alloc : memref<!tpu.dma_semaphore, #tpu.memory_space<semaphore_mem>>
        %dma_start3A_173 = arith.constant 0 : i32
        %dma_start3A_174 = tpu.memref_slice %arg8[%add3A_155, %dma_start3A_173] : memref<40x128xi32, #tpu.memory_space<vmem>> -> memref<1x128xi32, #tpu.memory_space<vmem>>
        %dma_start3A_175 = tpu.memref_squeeze %dma_start3A_174 : memref<1x128xi32, #tpu.memory_space<vmem>> -> memref<128xi32, #tpu.memory_space<vmem>>
        %dma_start3A_176 = arith.constant 0 : i32
        %dma_start3A_177 = arith.constant 0 : i32
        %dma_start3A_178 = tpu.memref_slice %arg11[%dma_start3A_176, %dma_start3A_177] : memref<10240x128xf32, #tpu.memory_space<vmem_shared>> -> memref<10240x128xf32, #tpu.memory_space<vmem_shared>>
        tpu.enqueue_indirect_dma source(%arg10 : memref<128x128xf32, #tpu.memory_space<vmem>>) target(%dma_start3A_178 : memref<10240x128xf32, #tpu.memory_space<vmem_shared>>) offsets(%dma_start3A_175 : memref<128xi32, #tpu.memory_space<vmem>>) semaphore(%run_scoped3A : memref<!tpu.dma_semaphore, #tpu.memory_space<semaphore_mem>>) {add = true}
        %dma_wait3A_179 = arith.constant 0 : i32
        %dma_wait3A_180 = tpu.memref_slice %arg8[%add3A_155, %dma_wait3A_179] : memref<40x128xi32, #tpu.memory_space<vmem>> -> memref<1x128xi32, #tpu.memory_space<vmem>>
        %dma_wait3A_181 = tpu.memref_squeeze %dma_wait3A_180 : memref<1x128xi32, #tpu.memory_space<vmem>> -> memref<128xi32, #tpu.memory_space<vmem>>
        %dma_wait3A_182 = arith.constant 0 : i32
        %dma_wait3A_183 = arith.constant 0 : i32
        %dma_wait3A_184 = tpu.memref_slice %arg11[%dma_wait3A_182, %dma_wait3A_183] : memref<10240x128xf32, #tpu.memory_space<vmem_shared>> -> memref<10240x128xf32, #tpu.memory_space<vmem_shared>>
        tpu.wait_indirect_dma semaphore(%run_scoped3A : memref<!tpu.dma_semaphore, #tpu.memory_space<semaphore_mem>>) src(%arg10 : memref<128x128xf32, #tpu.memory_space<vmem>>) dst(%dma_wait3A_184 : memref<10240x128xf32, #tpu.memory_space<vmem_shared>>)
        tpu.yield
      }) : () -> ()
      %add3A_166 = arith.constant 2 : i32
      %add3A_167 = arith.addi %add3A_155, %add3A_166 : i32
      %lt3A_168 = arith.constant 40 : i32
      %lt3A_169 = arith.cmpi slt, %add3A_167, %lt3A_168 : i32
      %convert_element_type3A_170 = arith.extui %lt3A_169 : i1 to i32
      %cond3A_171 = arith.constant 0 : i32
      %cond3A_172 = arith.cmpi ne, %convert_element_type3A_170, %cond3A_171 : i32
      scf.if %cond3A_172 {
        %add3A_173 = arith.constant 2 : i32
        %add3A_174 = arith.addi %add3A_155, %add3A_173 : i32
        %dma_start3A_175 = arith.constant 0 : i32
        %dma_start3A_176 = tpu.memref_slice %arg7[%add3A_174, %dma_start3A_175] : memref<40x128xi32, #tpu.memory_space<vmem>> -> memref<1x128xi32, #tpu.memory_space<vmem>>
        %dma_start3A_177 = tpu.memref_squeeze %dma_start3A_176 : memref<1x128xi32, #tpu.memory_space<vmem>> -> memref<128xi32, #tpu.memory_space<vmem>>
        %dma_start3A_178 = arith.constant 0 : i32
        %dma_start3A_179 = arith.constant 0 : i32
        %dma_start3A_180 = tpu.memref_slice %arg2[%add3A_3, %dma_start3A_178, %dma_start3A_179] : memref<4x10240x128xf32, #tpu.memory_space<hbm>> -> memref<1x10240x128xf32, #tpu.memory_space<hbm>>
        %dma_start3A_181 = tpu.memref_squeeze %dma_start3A_180 : memref<1x10240x128xf32, #tpu.memory_space<hbm>> -> memref<10240x128xf32, #tpu.memory_space<hbm>>
        %dma_start3A_182 = arith.constant 0 : i32
        %dma_start3A_183 = arith.constant 0 : i32
        %dma_start3A_184 = tpu.memref_slice %dma_start3A_181[%dma_start3A_182, %dma_start3A_183] : memref<10240x128xf32, #tpu.memory_space<hbm>> -> memref<10240x128xf32, #tpu.memory_space<hbm>>
        tpu.enqueue_indirect_dma source(%dma_start3A_184 : memref<10240x128xf32, #tpu.memory_space<hbm>>) target(%arg10 : memref<128x128xf32, #tpu.memory_space<vmem>>) offsets(%dma_start3A_177 : memref<128xi32, #tpu.memory_space<vmem>>) semaphore(%arg13 : memref<!tpu.dma_semaphore, #tpu.memory_space<semaphore_mem>>)
      } else {
      }
    }
    %scan3A_35 = arith.constant 20 : i32
    "tpu.region"() ({
      %run_scoped3A = tpu.sem_alloc : memref<!tpu.dma_semaphore, #tpu.memory_space<semaphore_mem>>
      %dma_start3A_134 = arith.constant 0 : i32
      %dma_start3A_135 = arith.constant 0 : i32
      %dma_start3A_136 = tpu.memref_slice %arg3[%arg1, %dma_start3A_134, %dma_start3A_135] : memref<16x80x128xi32, #tpu.memory_space<hbm>> -> memref<1x80x128xi32, #tpu.memory_space<hbm>>
      %dma_start3A_137 = tpu.memref_squeeze %dma_start3A_136 : memref<1x80x128xi32, #tpu.memory_space<hbm>> -> memref<80x128xi32, #tpu.memory_space<hbm>>
      %dma_start3A_138 = arith.constant 40 : i32
      %dma_start3A_139 = arith.constant 0 : i32
      %dma_start3A_140 = tpu.memref_slice %dma_start3A_137[%dma_start3A_138, %dma_start3A_139] : memref<80x128xi32, #tpu.memory_space<hbm>> -> memref<40x128xi32, #tpu.memory_space<hbm>>
      %dma_start3A_141 = arith.constant 0 : i32
      %dma_start3A_142 = arith.constant 0 : i32
      %dma_start3A_143 = tpu.memref_slice %arg3[%arg1, %dma_start3A_141, %dma_start3A_142] : memref<16x80x128xi32, #tpu.memory_space<hbm>> -> memref<1x80x128xi32, #tpu.memory_space<hbm>>
      %dma_start3A_144 = tpu.memref_squeeze %dma_start3A_143 : memref<1x80x128xi32, #tpu.memory_space<hbm>> -> memref<80x128xi32, #tpu.memory_space<hbm>>
      %dma_start3A_145 = arith.constant 40 : i32
      %dma_start3A_146 = arith.constant 0 : i32
      %dma_start3A_147 = tpu.memref_slice %dma_start3A_144[%dma_start3A_145, %dma_start3A_146] : memref<80x128xi32, #tpu.memory_space<hbm>> -> memref<40x128xi32, #tpu.memory_space<hbm>>
      tpu.enqueue_dma source(%dma_start3A_147 : memref<40x128xi32, #tpu.memory_space<hbm>>) target(%arg7 : memref<40x128xi32, #tpu.memory_space<vmem>>) target_semaphore(%run_scoped3A : memref<!tpu.dma_semaphore, #tpu.memory_space<semaphore_mem>>)
      %dma_wait3A = arith.constant 0 : i32
      %dma_wait3A_148 = arith.constant 0 : i32
      %dma_wait3A_149 = tpu.memref_slice %arg3[%arg1, %dma_wait3A, %dma_wait3A_148] : memref<16x80x128xi32, #tpu.memory_space<hbm>> -> memref<1x80x128xi32, #tpu.memory_space<hbm>>
      %dma_wait3A_150 = tpu.memref_squeeze %dma_wait3A_149 : memref<1x80x128xi32, #tpu.memory_space<hbm>> -> memref<80x128xi32, #tpu.memory_space<hbm>>
      %dma_wait3A_151 = arith.constant 40 : i32
      %dma_wait3A_152 = arith.constant 0 : i32
      %dma_wait3A_153 = tpu.memref_slice %dma_wait3A_150[%dma_wait3A_151, %dma_wait3A_152] : memref<80x128xi32, #tpu.memory_space<hbm>> -> memref<40x128xi32, #tpu.memory_space<hbm>>
      %dma_wait3A_154 = arith.constant 0 : i32
      %dma_wait3A_155 = arith.constant 0 : i32
      %dma_wait3A_156 = tpu.memref_slice %arg3[%arg1, %dma_wait3A_154, %dma_wait3A_155] : memref<16x80x128xi32, #tpu.memory_space<hbm>> -> memref<1x80x128xi32, #tpu.memory_space<hbm>>
      %dma_wait3A_157 = tpu.memref_squeeze %dma_wait3A_156 : memref<1x80x128xi32, #tpu.memory_space<hbm>> -> memref<80x128xi32, #tpu.memory_space<hbm>>
      %dma_wait3A_158 = arith.constant 40 : i32
      %dma_wait3A_159 = arith.constant 0 : i32
      %dma_wait3A_160 = tpu.memref_slice %dma_wait3A_157[%dma_wait3A_158, %dma_wait3A_159] : memref<80x128xi32, #tpu.memory_space<hbm>> -> memref<40x128xi32, #tpu.memory_space<hbm>>
      tpu.wait_dma2 semaphore(%run_scoped3A : memref<!tpu.dma_semaphore, #tpu.memory_space<semaphore_mem>>) src(%dma_wait3A_160 : memref<40x128xi32, #tpu.memory_space<hbm>>) dst(%arg7 : memref<40x128xi32, #tpu.memory_space<vmem>>)
      tpu.yield
    }) : () -> ()
    "tpu.region"() ({
      %run_scoped3A = tpu.sem_alloc : memref<!tpu.dma_semaphore, #tpu.memory_space<semaphore_mem>>
      %dma_start3A_134 = arith.constant 0 : i32
      %dma_start3A_135 = arith.constant 0 : i32
      %dma_start3A_136 = tpu.memref_slice %arg4[%arg1, %dma_start3A_134, %dma_start3A_135] : memref<16x80x128xi32, #tpu.memory_space<hbm>> -> memref<1x80x128xi32, #tpu.memory_space<hbm>>
      %dma_start3A_137 = tpu.memref_squeeze %dma_start3A_136 : memref<1x80x128xi32, #tpu.memory_space<hbm>> -> memref<80x128xi32, #tpu.memory_space<hbm>>
      %dma_start3A_138 = arith.constant 40 : i32
      %dma_start3A_139 = arith.constant 0 : i32
      %dma_start3A_140 = tpu.memref_slice %dma_start3A_137[%dma_start3A_138, %dma_start3A_139] : memref<80x128xi32, #tpu.memory_space<hbm>> -> memref<40x128xi32, #tpu.memory_space<hbm>>
      %dma_start3A_141 = arith.constant 0 : i32
      %dma_start3A_142 = arith.constant 0 : i32
      %dma_start3A_143 = tpu.memref_slice %arg4[%arg1, %dma_start3A_141, %dma_start3A_142] : memref<16x80x128xi32, #tpu.memory_space<hbm>> -> memref<1x80x128xi32, #tpu.memory_space<hbm>>
      %dma_start3A_144 = tpu.memref_squeeze %dma_start3A_143 : memref<1x80x128xi32, #tpu.memory_space<hbm>> -> memref<80x128xi32, #tpu.memory_space<hbm>>
      %dma_start3A_145 = arith.constant 40 : i32
      %dma_start3A_146 = arith.constant 0 : i32
      %dma_start3A_147 = tpu.memref_slice %dma_start3A_144[%dma_start3A_145, %dma_start3A_146] : memref<80x128xi32, #tpu.memory_space<hbm>> -> memref<40x128xi32, #tpu.memory_space<hbm>>
      tpu.enqueue_dma source(%dma_start3A_147 : memref<40x128xi32, #tpu.memory_space<hbm>>) target(%arg8 : memref<40x128xi32, #tpu.memory_space<vmem>>) target_semaphore(%run_scoped3A : memref<!tpu.dma_semaphore, #tpu.memory_space<semaphore_mem>>)
      %dma_wait3A = arith.constant 0 : i32
      %dma_wait3A_148 = arith.constant 0 : i32
      %dma_wait3A_149 = tpu.memref_slice %arg4[%arg1, %dma_wait3A, %dma_wait3A_148] : memref<16x80x128xi32, #tpu.memory_space<hbm>> -> memref<1x80x128xi32, #tpu.memory_space<hbm>>
      %dma_wait3A_150 = tpu.memref_squeeze %dma_wait3A_149 : memref<1x80x128xi32, #tpu.memory_space<hbm>> -> memref<80x128xi32, #tpu.memory_space<hbm>>
      %dma_wait3A_151 = arith.constant 40 : i32
      %dma_wait3A_152 = arith.constant 0 : i32
      %dma_wait3A_153 = tpu.memref_slice %dma_wait3A_150[%dma_wait3A_151, %dma_wait3A_152] : memref<80x128xi32, #tpu.memory_space<hbm>> -> memref<40x128xi32, #tpu.memory_space<hbm>>
      %dma_wait3A_154 = arith.constant 0 : i32
      %dma_wait3A_155 = arith.constant 0 : i32
      %dma_wait3A_156 = tpu.memref_slice %arg4[%arg1, %dma_wait3A_154, %dma_wait3A_155] : memref<16x80x128xi32, #tpu.memory_space<hbm>> -> memref<1x80x128xi32, #tpu.memory_space<hbm>>
      %dma_wait3A_157 = tpu.memref_squeeze %dma_wait3A_156 : memref<1x80x128xi32, #tpu.memory_space<hbm>> -> memref<80x128xi32, #tpu.memory_space<hbm>>
      %dma_wait3A_158 = arith.constant 40 : i32
      %dma_wait3A_159 = arith.constant 0 : i32
      %dma_wait3A_160 = tpu.memref_slice %dma_wait3A_157[%dma_wait3A_158, %dma_wait3A_159] : memref<80x128xi32, #tpu.memory_space<hbm>> -> memref<40x128xi32, #tpu.memory_space<hbm>>
      tpu.wait_dma2 semaphore(%run_scoped3A : memref<!tpu.dma_semaphore, #tpu.memory_space<semaphore_mem>>) src(%dma_wait3A_160 : memref<40x128xi32, #tpu.memory_space<hbm>>) dst(%arg8 : memref<40x128xi32, #tpu.memory_space<vmem>>)
      tpu.yield
    }) : () -> ()
    %dma_start3A_36 = arith.constant 0 : i32
    %dma_start3A_37 = arith.constant 0 : i32
    %dma_start3A_38 = tpu.memref_slice %arg7[%dma_start3A_36, %dma_start3A_37] : memref<40x128xi32, #tpu.memory_space<vmem>> -> memref<1x128xi32, #tpu.memory_space<vmem>>
    %dma_start3A_39 = tpu.memref_squeeze %dma_start3A_38 : memref<1x128xi32, #tpu.memory_space<vmem>> -> memref<128xi32, #tpu.memory_space<vmem>>
    %dma_start3A_40 = arith.constant 0 : i32
    %dma_start3A_41 = arith.constant 0 : i32
    %dma_start3A_42 = tpu.memref_slice %arg2[%add3A_3, %dma_start3A_40, %dma_start3A_41] : memref<4x10240x128xf32, #tpu.memory_space<hbm>> -> memref<1x10240x128xf32, #tpu.memory_space<hbm>>
    %dma_start3A_43 = tpu.memref_squeeze %dma_start3A_42 : memref<1x10240x128xf32, #tpu.memory_space<hbm>> -> memref<10240x128xf32, #tpu.memory_space<hbm>>
    %dma_start3A_44 = arith.constant 0 : i32
    %dma_start3A_45 = arith.constant 0 : i32
    %dma_start3A_46 = tpu.memref_slice %dma_start3A_43[%dma_start3A_44, %dma_start3A_45] : memref<10240x128xf32, #tpu.memory_space<hbm>> -> memref<10240x128xf32, #tpu.memory_space<hbm>>
    tpu.enqueue_indirect_dma source(%dma_start3A_46 : memref<10240x128xf32, #tpu.memory_space<hbm>>) target(%arg9 : memref<128x128xf32, #tpu.memory_space<vmem>>) offsets(%dma_start3A_39 : memref<128xi32, #tpu.memory_space<vmem>>) semaphore(%arg12 : memref<!tpu.dma_semaphore, #tpu.memory_space<semaphore_mem>>)
    %dma_start3A_47 = arith.constant 1 : i32
    %dma_start3A_48 = arith.constant 0 : i32
    %dma_start3A_49 = tpu.memref_slice %arg7[%dma_start3A_47, %dma_start3A_48] : memref<40x128xi32, #tpu.memory_space<vmem>> -> memref<1x128xi32, #tpu.memory_space<vmem>>
    %dma_start3A_50 = tpu.memref_squeeze %dma_start3A_49 : memref<1x128xi32, #tpu.memory_space<vmem>> -> memref<128xi32, #tpu.memory_space<vmem>>
    %dma_start3A_51 = arith.constant 0 : i32
    %dma_start3A_52 = arith.constant 0 : i32
    %dma_start3A_53 = tpu.memref_slice %arg2[%add3A_3, %dma_start3A_51, %dma_start3A_52] : memref<4x10240x128xf32, #tpu.memory_space<hbm>> -> memref<1x10240x128xf32, #tpu.memory_space<hbm>>
    %dma_start3A_54 = tpu.memref_squeeze %dma_start3A_53 : memref<1x10240x128xf32, #tpu.memory_space<hbm>> -> memref<10240x128xf32, #tpu.memory_space<hbm>>
    %dma_start3A_55 = arith.constant 0 : i32
    %dma_start3A_56 = arith.constant 0 : i32
    %dma_start3A_57 = tpu.memref_slice %dma_start3A_54[%dma_start3A_55, %dma_start3A_56] : memref<10240x128xf32, #tpu.memory_space<hbm>> -> memref<10240x128xf32, #tpu.memory_space<hbm>>
    tpu.enqueue_indirect_dma source(%dma_start3A_57 : memref<10240x128xf32, #tpu.memory_space<hbm>>) target(%arg10 : memref<128x128xf32, #tpu.memory_space<vmem>>) offsets(%dma_start3A_50 : memref<128xi32, #tpu.memory_space<vmem>>) semaphore(%arg13 : memref<!tpu.dma_semaphore, #tpu.memory_space<semaphore_mem>>)
    %scan3A_58 = arith.constant 0 : i32
    %scan3A_59 = arith.constant 0 : i32
    %scan3A_60 = arith.constant 20 : i32
    %scan3A_61 = arith.addi %scan3A_59, %scan3A_60 : i32
    %scan3A_62 = arith.constant 1 : i32
    scf.for %scan3A_134 = %scan3A_59 to %scan3A_61 step %scan3A_62  : i32 {
      %mul3A_135 = arith.constant 2 : i32
      %mul3A_136 = arith.muli %mul3A_135, %scan3A_134 : i32
      %add3A_137 = arith.constant 0 : i32
      %add3A_138 = arith.addi %mul3A_136, %add3A_137 : i32
      %dma_wait3A = arith.constant 0 : i32
      %dma_wait3A_139 = tpu.memref_slice %arg7[%add3A_138, %dma_wait3A] : memref<40x128xi32, #tpu.memory_space<vmem>> -> memref<1x128xi32, #tpu.memory_space<vmem>>
      %dma_wait3A_140 = tpu.memref_squeeze %dma_wait3A_139 : memref<1x128xi32, #tpu.memory_space<vmem>> -> memref<128xi32, #tpu.memory_space<vmem>>
      %dma_wait3A_141 = arith.constant 0 : i32
      %dma_wait3A_142 = arith.constant 0 : i32
      %dma_wait3A_143 = tpu.memref_slice %arg2[%add3A_3, %dma_wait3A_141, %dma_wait3A_142] : memref<4x10240x128xf32, #tpu.memory_space<hbm>> -> memref<1x10240x128xf32, #tpu.memory_space<hbm>>
      %dma_wait3A_144 = tpu.memref_squeeze %dma_wait3A_143 : memref<1x10240x128xf32, #tpu.memory_space<hbm>> -> memref<10240x128xf32, #tpu.memory_space<hbm>>
      %dma_wait3A_145 = arith.constant 0 : i32
      %dma_wait3A_146 = arith.constant 0 : i32
      %dma_wait3A_147 = tpu.memref_slice %dma_wait3A_144[%dma_wait3A_145, %dma_wait3A_146] : memref<10240x128xf32, #tpu.memory_space<hbm>> -> memref<10240x128xf32, #tpu.memory_space<hbm>>
      tpu.wait_indirect_dma semaphore(%arg12 : memref<!tpu.dma_semaphore, #tpu.memory_space<semaphore_mem>>) src(%dma_wait3A_147 : memref<10240x128xf32, #tpu.memory_space<hbm>>) dst(%arg9 : memref<128x128xf32, #tpu.memory_space<vmem>>)
      "tpu.region"() ({
        %run_scoped3A = tpu.sem_alloc : memref<!tpu.dma_semaphore, #tpu.memory_space<semaphore_mem>>
        %dma_start3A_173 = arith.constant 0 : i32
        %dma_start3A_174 = tpu.memref_slice %arg8[%add3A_138, %dma_start3A_173] : memref<40x128xi32, #tpu.memory_space<vmem>> -> memref<1x128xi32, #tpu.memory_space<vmem>>
        %dma_start3A_175 = tpu.memref_squeeze %dma_start3A_174 : memref<1x128xi32, #tpu.memory_space<vmem>> -> memref<128xi32, #tpu.memory_space<vmem>>
        %dma_start3A_176 = arith.constant 0 : i32
        %dma_start3A_177 = arith.constant 0 : i32
        %dma_start3A_178 = tpu.memref_slice %arg11[%dma_start3A_176, %dma_start3A_177] : memref<10240x128xf32, #tpu.memory_space<vmem_shared>> -> memref<10240x128xf32, #tpu.memory_space<vmem_shared>>
        tpu.enqueue_indirect_dma source(%arg9 : memref<128x128xf32, #tpu.memory_space<vmem>>) target(%dma_start3A_178 : memref<10240x128xf32, #tpu.memory_space<vmem_shared>>) offsets(%dma_start3A_175 : memref<128xi32, #tpu.memory_space<vmem>>) semaphore(%run_scoped3A : memref<!tpu.dma_semaphore, #tpu.memory_space<semaphore_mem>>) {add = true}
        %dma_wait3A_179 = arith.constant 0 : i32
        %dma_wait3A_180 = tpu.memref_slice %arg8[%add3A_138, %dma_wait3A_179] : memref<40x128xi32, #tpu.memory_space<vmem>> -> memref<1x128xi32, #tpu.memory_space<vmem>>
        %dma_wait3A_181 = tpu.memref_squeeze %dma_wait3A_180 : memref<1x128xi32, #tpu.memory_space<vmem>> -> memref<128xi32, #tpu.memory_space<vmem>>
        %dma_wait3A_182 = arith.constant 0 : i32
        %dma_wait3A_183 = arith.constant 0 : i32
        %dma_wait3A_184 = tpu.memref_slice %arg11[%dma_wait3A_182, %dma_wait3A_183] : memref<10240x128xf32, #tpu.memory_space<vmem_shared>> -> memref<10240x128xf32, #tpu.memory_space<vmem_shared>>
        tpu.wait_indirect_dma semaphore(%run_scoped3A : memref<!tpu.dma_semaphore, #tpu.memory_space<semaphore_mem>>) src(%arg9 : memref<128x128xf32, #tpu.memory_space<vmem>>) dst(%dma_wait3A_184 : memref<10240x128xf32, #tpu.memory_space<vmem_shared>>)
        tpu.yield
      }) : () -> ()
      %add3A_148 = arith.constant 2 : i32
      %add3A_149 = arith.addi %add3A_138, %add3A_148 : i32
      %lt3A = arith.constant 40 : i32
      %lt3A_150 = arith.cmpi slt, %add3A_149, %lt3A : i32
      %convert_element_type3A = arith.extui %lt3A_150 : i1 to i32
      %cond3A = arith.constant 0 : i32
      %cond3A_151 = arith.cmpi ne, %convert_element_type3A, %cond3A : i32
      scf.if %cond3A_151 {
        %add3A_173 = arith.constant 2 : i32
        %add3A_174 = arith.addi %add3A_138, %add3A_173 : i32
        %dma_start3A_175 = arith.constant 0 : i32
        %dma_start3A_176 = tpu.memref_slice %arg7[%add3A_174, %dma_start3A_175] : memref<40x128xi32, #tpu.memory_space<vmem>> -> memref<1x128xi32, #tpu.memory_space<vmem>>
        %dma_start3A_177 = tpu.memref_squeeze %dma_start3A_176 : memref<1x128xi32, #tpu.memory_space<vmem>> -> memref<128xi32, #tpu.memory_space<vmem>>
        %dma_start3A_178 = arith.constant 0 : i32
        %dma_start3A_179 = arith.constant 0 : i32
        %dma_start3A_180 = tpu.memref_slice %arg2[%add3A_3, %dma_start3A_178, %dma_start3A_179] : memref<4x10240x128xf32, #tpu.memory_space<hbm>> -> memref<1x10240x128xf32, #tpu.memory_space<hbm>>
        %dma_start3A_181 = tpu.memref_squeeze %dma_start3A_180 : memref<1x10240x128xf32, #tpu.memory_space<hbm>> -> memref<10240x128xf32, #tpu.memory_space<hbm>>
        %dma_start3A_182 = arith.constant 0 : i32
        %dma_start3A_183 = arith.constant 0 : i32
        %dma_start3A_184 = tpu.memref_slice %dma_start3A_181[%dma_start3A_182, %dma_start3A_183] : memref<10240x128xf32, #tpu.memory_space<hbm>> -> memref<10240x128xf32, #tpu.memory_space<hbm>>
        tpu.enqueue_indirect_dma source(%dma_start3A_184 : memref<10240x128xf32, #tpu.memory_space<hbm>>) target(%arg9 : memref<128x128xf32, #tpu.memory_space<vmem>>) offsets(%dma_start3A_177 : memref<128xi32, #tpu.memory_space<vmem>>) semaphore(%arg12 : memref<!tpu.dma_semaphore, #tpu.memory_space<semaphore_mem>>)
      } else {
      }
      %mul3A_152 = arith.constant 2 : i32
      %mul3A_153 = arith.muli %mul3A_152, %scan3A_134 : i32
      %add3A_154 = arith.constant 1 : i32
      %add3A_155 = arith.addi %mul3A_153, %add3A_154 : i32
      %dma_wait3A_156 = arith.constant 0 : i32
      %dma_wait3A_157 = tpu.memref_slice %arg7[%add3A_155, %dma_wait3A_156] : memref<40x128xi32, #tpu.memory_space<vmem>> -> memref<1x128xi32, #tpu.memory_space<vmem>>
      %dma_wait3A_158 = tpu.memref_squeeze %dma_wait3A_157 : memref<1x128xi32, #tpu.memory_space<vmem>> -> memref<128xi32, #tpu.memory_space<vmem>>
      %dma_wait3A_159 = arith.constant 0 : i32
      %dma_wait3A_160 = arith.constant 0 : i32
      %dma_wait3A_161 = tpu.memref_slice %arg2[%add3A_3, %dma_wait3A_159, %dma_wait3A_160] : memref<4x10240x128xf32, #tpu.memory_space<hbm>> -> memref<1x10240x128xf32, #tpu.memory_space<hbm>>
      %dma_wait3A_162 = tpu.memref_squeeze %dma_wait3A_161 : memref<1x10240x128xf32, #tpu.memory_space<hbm>> -> memref<10240x128xf32, #tpu.memory_space<hbm>>
      %dma_wait3A_163 = arith.constant 0 : i32
      %dma_wait3A_164 = arith.constant 0 : i32
      %dma_wait3A_165 = tpu.memref_slice %dma_wait3A_162[%dma_wait3A_163, %dma_wait3A_164] : memref<10240x128xf32, #tpu.memory_space<hbm>> -> memref<10240x128xf32, #tpu.memory_space<hbm>>
      tpu.wait_indirect_dma semaphore(%arg13 : memref<!tpu.dma_semaphore, #tpu.memory_space<semaphore_mem>>) src(%dma_wait3A_165 : memref<10240x128xf32, #tpu.memory_space<hbm>>) dst(%arg10 : memref<128x128xf32, #tpu.memory_space<vmem>>)
      "tpu.region"() ({
        %run_scoped3A = tpu.sem_alloc : memref<!tpu.dma_semaphore, #tpu.memory_space<semaphore_mem>>
        %dma_start3A_173 = arith.constant 0 : i32
        %dma_start3A_174 = tpu.memref_slice %arg8[%add3A_155, %dma_start3A_173] : memref<40x128xi32, #tpu.memory_space<vmem>> -> memref<1x128xi32, #tpu.memory_space<vmem>>
        %dma_start3A_175 = tpu.memref_squeeze %dma_start3A_174 : memref<1x128xi32, #tpu.memory_space<vmem>> -> memref<128xi32, #tpu.memory_space<vmem>>
        %dma_start3A_176 = arith.constant 0 : i32
        %dma_start3A_177 = arith.constant 0 : i32
        %dma_start3A_178 = tpu.memref_slice %arg11[%dma_start3A_176, %dma_start3A_177] : memref<10240x128xf32, #tpu.memory_space<vmem_shared>> -> memref<10240x128xf32, #tpu.memory_space<vmem_shared>>
        tpu.enqueue_indirect_dma source(%arg10 : memref<128x128xf32, #tpu.memory_space<vmem>>) target(%dma_start3A_178 : memref<10240x128xf32, #tpu.memory_space<vmem_shared>>) offsets(%dma_start3A_175 : memref<128xi32, #tpu.memory_space<vmem>>) semaphore(%run_scoped3A : memref<!tpu.dma_semaphore, #tpu.memory_space<semaphore_mem>>) {add = true}
        %dma_wait3A_179 = arith.constant 0 : i32
        %dma_wait3A_180 = tpu.memref_slice %arg8[%add3A_155, %dma_wait3A_179] : memref<40x128xi32, #tpu.memory_space<vmem>> -> memref<1x128xi32, #tpu.memory_space<vmem>>
        %dma_wait3A_181 = tpu.memref_squeeze %dma_wait3A_180 : memref<1x128xi32, #tpu.memory_space<vmem>> -> memref<128xi32, #tpu.memory_space<vmem>>
        %dma_wait3A_182 = arith.constant 0 : i32
        %dma_wait3A_183 = arith.constant 0 : i32
        %dma_wait3A_184 = tpu.memref_slice %arg11[%dma_wait3A_182, %dma_wait3A_183] : memref<10240x128xf32, #tpu.memory_space<vmem_shared>> -> memref<10240x128xf32, #tpu.memory_space<vmem_shared>>
        tpu.wait_indirect_dma semaphore(%run_scoped3A : memref<!tpu.dma_semaphore, #tpu.memory_space<semaphore_mem>>) src(%arg10 : memref<128x128xf32, #tpu.memory_space<vmem>>) dst(%dma_wait3A_184 : memref<10240x128xf32, #tpu.memory_space<vmem_shared>>)
        tpu.yield
      }) : () -> ()
      %add3A_166 = arith.constant 2 : i32
      %add3A_167 = arith.addi %add3A_155, %add3A_166 : i32
      %lt3A_168 = arith.constant 40 : i32
      %lt3A_169 = arith.cmpi slt, %add3A_167, %lt3A_168 : i32
      %convert_element_type3A_170 = arith.extui %lt3A_169 : i1 to i32
      %cond3A_171 = arith.constant 0 : i32
      %cond3A_172 = arith.cmpi ne, %convert_element_type3A_170, %cond3A_171 : i32
      scf.if %cond3A_172 {
        %add3A_173 = arith.constant 2 : i32
        %add3A_174 = arith.addi %add3A_155, %add3A_173 : i32
        %dma_start3A_175 = arith.constant 0 : i32
        %dma_start3A_176 = tpu.memref_slice %arg7[%add3A_174, %dma_start3A_175] : memref<40x128xi32, #tpu.memory_space<vmem>> -> memref<1x128xi32, #tpu.memory_space<vmem>>
        %dma_start3A_177 = tpu.memref_squeeze %dma_start3A_176 : memref<1x128xi32, #tpu.memory_space<vmem>> -> memref<128xi32, #tpu.memory_space<vmem>>
        %dma_start3A_178 = arith.constant 0 : i32
        %dma_start3A_179 = arith.constant 0 : i32
        %dma_start3A_180 = tpu.memref_slice %arg2[%add3A_3, %dma_start3A_178, %dma_start3A_179] : memref<4x10240x128xf32, #tpu.memory_space<hbm>> -> memref<1x10240x128xf32, #tpu.memory_space<hbm>>
        %dma_start3A_181 = tpu.memref_squeeze %dma_start3A_180 : memref<1x10240x128xf32, #tpu.memory_space<hbm>> -> memref<10240x128xf32, #tpu.memory_space<hbm>>
        %dma_start3A_182 = arith.constant 0 : i32
        %dma_start3A_183 = arith.constant 0 : i32
        %dma_start3A_184 = tpu.memref_slice %dma_start3A_181[%dma_start3A_182, %dma_start3A_183] : memref<10240x128xf32, #tpu.memory_space<hbm>> -> memref<10240x128xf32, #tpu.memory_space<hbm>>
        tpu.enqueue_indirect_dma source(%dma_start3A_184 : memref<10240x128xf32, #tpu.memory_space<hbm>>) target(%arg10 : memref<128x128xf32, #tpu.memory_space<vmem>>) offsets(%dma_start3A_177 : memref<128xi32, #tpu.memory_space<vmem>>) semaphore(%arg13 : memref<!tpu.dma_semaphore, #tpu.memory_space<semaphore_mem>>)
      } else {
      }
    }
    %scan3A_63 = arith.constant 20 : i32
    %barrier3A_64 = arith.constant 0 : index
    tpu.barrier barrier_id(%barrier3A_64)
    "tpu.region"() ({
      %run_scoped3A = tpu.sem_alloc : memref<!tpu.dma_semaphore, #tpu.memory_space<semaphore_mem>>
      %dma_start3A_134 = arith.constant 0 : i32
      %dma_start3A_135 = arith.constant 0 : i32
      %dma_start3A_136 = tpu.memref_slice %arg6[%add3A_3, %dma_start3A_134, %dma_start3A_135] : memref<4x10240x128xf32, #tpu.memory_space<hbm>> -> memref<1x10240x128xf32, #tpu.memory_space<hbm>>
      %dma_start3A_137 = tpu.memref_squeeze %dma_start3A_136 : memref<1x10240x128xf32, #tpu.memory_space<hbm>> -> memref<10240x128xf32, #tpu.memory_space<hbm>>
      %dma_start3A_138 = arith.constant 0 : i32
      %dma_start3A_139 = tpu.memref_slice %dma_start3A_137[%mul3A_0, %dma_start3A_138] : memref<10240x128xf32, #tpu.memory_space<hbm>> -> memref<640x128xf32, #tpu.memory_space<hbm>>
      %dma_start3A_140 = arith.constant 0 : i32
      %dma_start3A_141 = tpu.memref_slice %arg11[%mul3A_0, %dma_start3A_140] : memref<10240x128xf32, #tpu.memory_space<vmem_shared>> -> memref<640x128xf32, #tpu.memory_space<vmem_shared>>
      tpu.enqueue_dma source(%dma_start3A_141 : memref<640x128xf32, #tpu.memory_space<vmem_shared>>) target(%dma_start3A_139 : memref<640x128xf32, #tpu.memory_space<hbm>>) target_semaphore(%run_scoped3A : memref<!tpu.dma_semaphore, #tpu.memory_space<semaphore_mem>>)
      %dma_wait3A = arith.constant 0 : i32
      %dma_wait3A_142 = arith.constant 0 : i32
      %dma_wait3A_143 = tpu.memref_slice %arg6[%add3A_3, %dma_wait3A, %dma_wait3A_142] : memref<4x10240x128xf32, #tpu.memory_space<hbm>> -> memref<1x10240x128xf32, #tpu.memory_space<hbm>>
      %dma_wait3A_144 = tpu.memref_squeeze %dma_wait3A_143 : memref<1x10240x128xf32, #tpu.memory_space<hbm>> -> memref<10240x128xf32, #tpu.memory_space<hbm>>
      %dma_wait3A_145 = arith.constant 0 : i32
      %dma_wait3A_146 = tpu.memref_slice %dma_wait3A_144[%mul3A_0, %dma_wait3A_145] : memref<10240x128xf32, #tpu.memory_space<hbm>> -> memref<640x128xf32, #tpu.memory_space<hbm>>
      %dma_wait3A_147 = arith.constant 0 : i32
      %dma_wait3A_148 = tpu.memref_slice %arg11[%mul3A_0, %dma_wait3A_147] : memref<10240x128xf32, #tpu.memory_space<vmem_shared>> -> memref<640x128xf32, #tpu.memory_space<vmem_shared>>
      tpu.wait_dma2 semaphore(%run_scoped3A : memref<!tpu.dma_semaphore, #tpu.memory_space<semaphore_mem>>) src(%dma_wait3A_148 : memref<640x128xf32, #tpu.memory_space<vmem_shared>>) dst(%dma_wait3A_146 : memref<640x128xf32, #tpu.memory_space<hbm>>)
      tpu.yield
    }) : () -> ()
    %barrier3A_65 = arith.constant 0 : index
    tpu.barrier barrier_id(%barrier3A_65)
    %mul3A_66 = arith.constant 2 : i32
    %mul3A_67 = arith.muli %arg0, %mul3A_66 : i32
    %add3A_68 = arith.constant 1 : i32
    %add3A_69 = arith.addi %mul3A_67, %add3A_68 : i32
    "tpu.region"() ({
      %run_scoped3A = tpu.sem_alloc : memref<!tpu.dma_semaphore, #tpu.memory_space<semaphore_mem>>
      tpu.enqueue_dma source(%arg5 : memref<128x128xf32, #tpu.memory_space<hbm>>) target(%arg9 : memref<128x128xf32, #tpu.memory_space<vmem>>) target_semaphore(%run_scoped3A : memref<!tpu.dma_semaphore, #tpu.memory_space<semaphore_mem>>)
      tpu.wait_dma2 semaphore(%run_scoped3A : memref<!tpu.dma_semaphore, #tpu.memory_space<semaphore_mem>>) src(%arg5 : memref<128x128xf32, #tpu.memory_space<hbm>>) dst(%arg9 : memref<128x128xf32, #tpu.memory_space<vmem>>)
      tpu.yield
    }) : () -> ()
    %scan3A_70 = arith.constant 0 : i32
    %scan3A_71 = arith.constant 0 : i32
    %scan3A_72 = arith.constant 5 : i32
    %scan3A_73 = arith.addi %scan3A_71, %scan3A_72 : i32
    %scan3A_74 = arith.constant 1 : i32
    scf.for %scan3A_134 = %scan3A_71 to %scan3A_73 step %scan3A_74  : i32 {
      %mul3A_135 = arith.constant 128 : i32
      %mul3A_136 = arith.muli %scan3A_134, %mul3A_135 : i32
      %add3A_137 = arith.addi %mul3A_0, %mul3A_136 : i32
      "tpu.region"() ({
        %run_scoped3A = tpu.sem_alloc : memref<!tpu.dma_semaphore, #tpu.memory_space<semaphore_mem>>
        %dma_start3A_138 = arith.constant 0 : i32
        %dma_start3A_139 = tpu.memref_slice %arg11[%add3A_137, %dma_start3A_138] : memref<10240x128xf32, #tpu.memory_space<vmem_shared>> -> memref<128x128xf32, #tpu.memory_space<vmem_shared>>
        %dma_start3A_140 = arith.constant 0 : i32
        %dma_start3A_141 = tpu.memref_slice %arg11[%add3A_137, %dma_start3A_140] : memref<10240x128xf32, #tpu.memory_space<vmem_shared>> -> memref<128x128xf32, #tpu.memory_space<vmem_shared>>
        tpu.enqueue_dma source(%arg9 : memref<128x128xf32, #tpu.memory_space<vmem>>) target(%dma_start3A_141 : memref<128x128xf32, #tpu.memory_space<vmem_shared>>) target_semaphore(%run_scoped3A : memref<!tpu.dma_semaphore, #tpu.memory_space<semaphore_mem>>)
        %dma_wait3A = arith.constant 0 : i32
        %dma_wait3A_142 = tpu.memref_slice %arg11[%add3A_137, %dma_wait3A] : memref<10240x128xf32, #tpu.memory_space<vmem_shared>> -> memref<128x128xf32, #tpu.memory_space<vmem_shared>>
        %dma_wait3A_143 = arith.constant 0 : i32
        %dma_wait3A_144 = tpu.memref_slice %arg11[%add3A_137, %dma_wait3A_143] : memref<10240x128xf32, #tpu.memory_space<vmem_shared>> -> memref<128x128xf32, #tpu.memory_space<vmem_shared>>
        tpu.wait_dma2 semaphore(%run_scoped3A : memref<!tpu.dma_semaphore, #tpu.memory_space<semaphore_mem>>) src(%arg9 : memref<128x128xf32, #tpu.memory_space<vmem>>) dst(%dma_wait3A_144 : memref<128x128xf32, #tpu.memory_space<vmem_shared>>)
        tpu.yield
      }) : () -> ()
    }
    %scan3A_75 = arith.constant 5 : i32
    %barrier3A_76 = arith.constant 0 : index
    tpu.barrier barrier_id(%barrier3A_76)
    "tpu.region"() ({
      %run_scoped3A = tpu.sem_alloc : memref<!tpu.dma_semaphore, #tpu.memory_space<semaphore_mem>>
      %dma_start3A_134 = arith.constant 0 : i32
      %dma_start3A_135 = arith.constant 0 : i32
      %dma_start3A_136 = tpu.memref_slice %arg3[%arg1, %dma_start3A_134, %dma_start3A_135] : memref<16x80x128xi32, #tpu.memory_space<hbm>> -> memref<1x80x128xi32, #tpu.memory_space<hbm>>
      %dma_start3A_137 = tpu.memref_squeeze %dma_start3A_136 : memref<1x80x128xi32, #tpu.memory_space<hbm>> -> memref<80x128xi32, #tpu.memory_space<hbm>>
      %dma_start3A_138 = arith.constant 0 : i32
      %dma_start3A_139 = arith.constant 0 : i32
      %dma_start3A_140 = tpu.memref_slice %dma_start3A_137[%dma_start3A_138, %dma_start3A_139] : memref<80x128xi32, #tpu.memory_space<hbm>> -> memref<40x128xi32, #tpu.memory_space<hbm>>
      %dma_start3A_141 = arith.constant 0 : i32
      %dma_start3A_142 = arith.constant 0 : i32
      %dma_start3A_143 = tpu.memref_slice %arg3[%arg1, %dma_start3A_141, %dma_start3A_142] : memref<16x80x128xi32, #tpu.memory_space<hbm>> -> memref<1x80x128xi32, #tpu.memory_space<hbm>>
      %dma_start3A_144 = tpu.memref_squeeze %dma_start3A_143 : memref<1x80x128xi32, #tpu.memory_space<hbm>> -> memref<80x128xi32, #tpu.memory_space<hbm>>
      %dma_start3A_145 = arith.constant 0 : i32
      %dma_start3A_146 = arith.constant 0 : i32
      %dma_start3A_147 = tpu.memref_slice %dma_start3A_144[%dma_start3A_145, %dma_start3A_146] : memref<80x128xi32, #tpu.memory_space<hbm>> -> memref<40x128xi32, #tpu.memory_space<hbm>>
      tpu.enqueue_dma source(%dma_start3A_147 : memref<40x128xi32, #tpu.memory_space<hbm>>) target(%arg7 : memref<40x128xi32, #tpu.memory_space<vmem>>) target_semaphore(%run_scoped3A : memref<!tpu.dma_semaphore, #tpu.memory_space<semaphore_mem>>)
      %dma_wait3A = arith.constant 0 : i32
      %dma_wait3A_148 = arith.constant 0 : i32
      %dma_wait3A_149 = tpu.memref_slice %arg3[%arg1, %dma_wait3A, %dma_wait3A_148] : memref<16x80x128xi32, #tpu.memory_space<hbm>> -> memref<1x80x128xi32, #tpu.memory_space<hbm>>
      %dma_wait3A_150 = tpu.memref_squeeze %dma_wait3A_149 : memref<1x80x128xi32, #tpu.memory_space<hbm>> -> memref<80x128xi32, #tpu.memory_space<hbm>>
      %dma_wait3A_151 = arith.constant 0 : i32
      %dma_wait3A_152 = arith.constant 0 : i32
      %dma_wait3A_153 = tpu.memref_slice %dma_wait3A_150[%dma_wait3A_151, %dma_wait3A_152] : memref<80x128xi32, #tpu.memory_space<hbm>> -> memref<40x128xi32, #tpu.memory_space<hbm>>
      %dma_wait3A_154 = arith.constant 0 : i32
      %dma_wait3A_155 = arith.constant 0 : i32
      %dma_wait3A_156 = tpu.memref_slice %arg3[%arg1, %dma_wait3A_154, %dma_wait3A_155] : memref<16x80x128xi32, #tpu.memory_space<hbm>> -> memref<1x80x128xi32, #tpu.memory_space<hbm>>
      %dma_wait3A_157 = tpu.memref_squeeze %dma_wait3A_156 : memref<1x80x128xi32, #tpu.memory_space<hbm>> -> memref<80x128xi32, #tpu.memory_space<hbm>>
      %dma_wait3A_158 = arith.constant 0 : i32
      %dma_wait3A_159 = arith.constant 0 : i32
      %dma_wait3A_160 = tpu.memref_slice %dma_wait3A_157[%dma_wait3A_158, %dma_wait3A_159] : memref<80x128xi32, #tpu.memory_space<hbm>> -> memref<40x128xi32, #tpu.memory_space<hbm>>
      tpu.wait_dma2 semaphore(%run_scoped3A : memref<!tpu.dma_semaphore, #tpu.memory_space<semaphore_mem>>) src(%dma_wait3A_160 : memref<40x128xi32, #tpu.memory_space<hbm>>) dst(%arg7 : memref<40x128xi32, #tpu.memory_space<vmem>>)
      tpu.yield
    }) : () -> ()
    "tpu.region"() ({
      %run_scoped3A = tpu.sem_alloc : memref<!tpu.dma_semaphore, #tpu.memory_space<semaphore_mem>>
      %dma_start3A_134 = arith.constant 0 : i32
      %dma_start3A_135 = arith.constant 0 : i32
      %dma_start3A_136 = tpu.memref_slice %arg4[%arg1, %dma_start3A_134, %dma_start3A_135] : memref<16x80x128xi32, #tpu.memory_space<hbm>> -> memref<1x80x128xi32, #tpu.memory_space<hbm>>
      %dma_start3A_137 = tpu.memref_squeeze %dma_start3A_136 : memref<1x80x128xi32, #tpu.memory_space<hbm>> -> memref<80x128xi32, #tpu.memory_space<hbm>>
      %dma_start3A_138 = arith.constant 0 : i32
      %dma_start3A_139 = arith.constant 0 : i32
      %dma_start3A_140 = tpu.memref_slice %dma_start3A_137[%dma_start3A_138, %dma_start3A_139] : memref<80x128xi32, #tpu.memory_space<hbm>> -> memref<40x128xi32, #tpu.memory_space<hbm>>
      %dma_start3A_141 = arith.constant 0 : i32
      %dma_start3A_142 = arith.constant 0 : i32
      %dma_start3A_143 = tpu.memref_slice %arg4[%arg1, %dma_start3A_141, %dma_start3A_142] : memref<16x80x128xi32, #tpu.memory_space<hbm>> -> memref<1x80x128xi32, #tpu.memory_space<hbm>>
      %dma_start3A_144 = tpu.memref_squeeze %dma_start3A_143 : memref<1x80x128xi32, #tpu.memory_space<hbm>> -> memref<80x128xi32, #tpu.memory_space<hbm>>
      %dma_start3A_145 = arith.constant 0 : i32
      %dma_start3A_146 = arith.constant 0 : i32
      %dma_start3A_147 = tpu.memref_slice %dma_start3A_144[%dma_start3A_145, %dma_start3A_146] : memref<80x128xi32, #tpu.memory_space<hbm>> -> memref<40x128xi32, #tpu.memory_space<hbm>>
      tpu.enqueue_dma source(%dma_start3A_147 : memref<40x128xi32, #tpu.memory_space<hbm>>) target(%arg8 : memref<40x128xi32, #tpu.memory_space<vmem>>) target_semaphore(%run_scoped3A : memref<!tpu.dma_semaphore, #tpu.memory_space<semaphore_mem>>)
      %dma_wait3A = arith.constant 0 : i32
      %dma_wait3A_148 = arith.constant 0 : i32
      %dma_wait3A_149 = tpu.memref_slice %arg4[%arg1, %dma_wait3A, %dma_wait3A_148] : memref<16x80x128xi32, #tpu.memory_space<hbm>> -> memref<1x80x128xi32, #tpu.memory_space<hbm>>
      %dma_wait3A_150 = tpu.memref_squeeze %dma_wait3A_149 : memref<1x80x128xi32, #tpu.memory_space<hbm>> -> memref<80x128xi32, #tpu.memory_space<hbm>>
      %dma_wait3A_151 = arith.constant 0 : i32
      %dma_wait3A_152 = arith.constant 0 : i32
      %dma_wait3A_153 = tpu.memref_slice %dma_wait3A_150[%dma_wait3A_151, %dma_wait3A_152] : memref<80x128xi32, #tpu.memory_space<hbm>> -> memref<40x128xi32, #tpu.memory_space<hbm>>
      %dma_wait3A_154 = arith.constant 0 : i32
      %dma_wait3A_155 = arith.constant 0 : i32
      %dma_wait3A_156 = tpu.memref_slice %arg4[%arg1, %dma_wait3A_154, %dma_wait3A_155] : memref<16x80x128xi32, #tpu.memory_space<hbm>> -> memref<1x80x128xi32, #tpu.memory_space<hbm>>
      %dma_wait3A_157 = tpu.memref_squeeze %dma_wait3A_156 : memref<1x80x128xi32, #tpu.memory_space<hbm>> -> memref<80x128xi32, #tpu.memory_space<hbm>>
      %dma_wait3A_158 = arith.constant 0 : i32
      %dma_wait3A_159 = arith.constant 0 : i32
      %dma_wait3A_160 = tpu.memref_slice %dma_wait3A_157[%dma_wait3A_158, %dma_wait3A_159] : memref<80x128xi32, #tpu.memory_space<hbm>> -> memref<40x128xi32, #tpu.memory_space<hbm>>
      tpu.wait_dma2 semaphore(%run_scoped3A : memref<!tpu.dma_semaphore, #tpu.memory_space<semaphore_mem>>) src(%dma_wait3A_160 : memref<40x128xi32, #tpu.memory_space<hbm>>) dst(%arg8 : memref<40x128xi32, #tpu.memory_space<vmem>>)
      tpu.yield
    }) : () -> ()
    %dma_start3A_77 = arith.constant 0 : i32
    %dma_start3A_78 = arith.constant 0 : i32
    %dma_start3A_79 = tpu.memref_slice %arg7[%dma_start3A_77, %dma_start3A_78] : memref<40x128xi32, #tpu.memory_space<vmem>> -> memref<1x128xi32, #tpu.memory_space<vmem>>
    %dma_start3A_80 = tpu.memref_squeeze %dma_start3A_79 : memref<1x128xi32, #tpu.memory_space<vmem>> -> memref<128xi32, #tpu.memory_space<vmem>>
    %dma_start3A_81 = arith.constant 0 : i32
    %dma_start3A_82 = arith.constant 0 : i32
    %dma_start3A_83 = tpu.memref_slice %arg2[%add3A_69, %dma_start3A_81, %dma_start3A_82] : memref<4x10240x128xf32, #tpu.memory_space<hbm>> -> memref<1x10240x128xf32, #tpu.memory_space<hbm>>
    %dma_start3A_84 = tpu.memref_squeeze %dma_start3A_83 : memref<1x10240x128xf32, #tpu.memory_space<hbm>> -> memref<10240x128xf32, #tpu.memory_space<hbm>>
    %dma_start3A_85 = arith.constant 0 : i32
    %dma_start3A_86 = arith.constant 0 : i32
    %dma_start3A_87 = tpu.memref_slice %dma_start3A_84[%dma_start3A_85, %dma_start3A_86] : memref<10240x128xf32, #tpu.memory_space<hbm>> -> memref<10240x128xf32, #tpu.memory_space<hbm>>
    tpu.enqueue_indirect_dma source(%dma_start3A_87 : memref<10240x128xf32, #tpu.memory_space<hbm>>) target(%arg9 : memref<128x128xf32, #tpu.memory_space<vmem>>) offsets(%dma_start3A_80 : memref<128xi32, #tpu.memory_space<vmem>>) semaphore(%arg12 : memref<!tpu.dma_semaphore, #tpu.memory_space<semaphore_mem>>)
    %dma_start3A_88 = arith.constant 1 : i32
    %dma_start3A_89 = arith.constant 0 : i32
    %dma_start3A_90 = tpu.memref_slice %arg7[%dma_start3A_88, %dma_start3A_89] : memref<40x128xi32, #tpu.memory_space<vmem>> -> memref<1x128xi32, #tpu.memory_space<vmem>>
    %dma_start3A_91 = tpu.memref_squeeze %dma_start3A_90 : memref<1x128xi32, #tpu.memory_space<vmem>> -> memref<128xi32, #tpu.memory_space<vmem>>
    %dma_start3A_92 = arith.constant 0 : i32
    %dma_start3A_93 = arith.constant 0 : i32
    %dma_start3A_94 = tpu.memref_slice %arg2[%add3A_69, %dma_start3A_92, %dma_start3A_93] : memref<4x10240x128xf32, #tpu.memory_space<hbm>> -> memref<1x10240x128xf32, #tpu.memory_space<hbm>>
    %dma_start3A_95 = tpu.memref_squeeze %dma_start3A_94 : memref<1x10240x128xf32, #tpu.memory_space<hbm>> -> memref<10240x128xf32, #tpu.memory_space<hbm>>
    %dma_start3A_96 = arith.constant 0 : i32
    %dma_start3A_97 = arith.constant 0 : i32
    %dma_start3A_98 = tpu.memref_slice %dma_start3A_95[%dma_start3A_96, %dma_start3A_97] : memref<10240x128xf32, #tpu.memory_space<hbm>> -> memref<10240x128xf32, #tpu.memory_space<hbm>>
    tpu.enqueue_indirect_dma source(%dma_start3A_98 : memref<10240x128xf32, #tpu.memory_space<hbm>>) target(%arg10 : memref<128x128xf32, #tpu.memory_space<vmem>>) offsets(%dma_start3A_91 : memref<128xi32, #tpu.memory_space<vmem>>) semaphore(%arg13 : memref<!tpu.dma_semaphore, #tpu.memory_space<semaphore_mem>>)
    %scan3A_99 = arith.constant 0 : i32
    %scan3A_100 = arith.constant 0 : i32
    %scan3A_101 = arith.constant 20 : i32
    %scan3A_102 = arith.addi %scan3A_100, %scan3A_101 : i32
    %scan3A_103 = arith.constant 1 : i32
    scf.for %scan3A_134 = %scan3A_100 to %scan3A_102 step %scan3A_103  : i32 {
      %mul3A_135 = arith.constant 2 : i32
      %mul3A_136 = arith.muli %mul3A_135, %scan3A_134 : i32
      %add3A_137 = arith.constant 0 : i32
      %add3A_138 = arith.addi %mul3A_136, %add3A_137 : i32
      %dma_wait3A = arith.constant 0 : i32
      %dma_wait3A_139 = tpu.memref_slice %arg7[%add3A_138, %dma_wait3A] : memref<40x128xi32, #tpu.memory_space<vmem>> -> memref<1x128xi32, #tpu.memory_space<vmem>>
      %dma_wait3A_140 = tpu.memref_squeeze %dma_wait3A_139 : memref<1x128xi32, #tpu.memory_space<vmem>> -> memref<128xi32, #tpu.memory_space<vmem>>
      %dma_wait3A_141 = arith.constant 0 : i32
      %dma_wait3A_142 = arith.constant 0 : i32
      %dma_wait3A_143 = tpu.memref_slice %arg2[%add3A_69, %dma_wait3A_141, %dma_wait3A_142] : memref<4x10240x128xf32, #tpu.memory_space<hbm>> -> memref<1x10240x128xf32, #tpu.memory_space<hbm>>
      %dma_wait3A_144 = tpu.memref_squeeze %dma_wait3A_143 : memref<1x10240x128xf32, #tpu.memory_space<hbm>> -> memref<10240x128xf32, #tpu.memory_space<hbm>>
      %dma_wait3A_145 = arith.constant 0 : i32
      %dma_wait3A_146 = arith.constant 0 : i32
      %dma_wait3A_147 = tpu.memref_slice %dma_wait3A_144[%dma_wait3A_145, %dma_wait3A_146] : memref<10240x128xf32, #tpu.memory_space<hbm>> -> memref<10240x128xf32, #tpu.memory_space<hbm>>
      tpu.wait_indirect_dma semaphore(%arg12 : memref<!tpu.dma_semaphore, #tpu.memory_space<semaphore_mem>>) src(%dma_wait3A_147 : memref<10240x128xf32, #tpu.memory_space<hbm>>) dst(%arg9 : memref<128x128xf32, #tpu.memory_space<vmem>>)
      "tpu.region"() ({
        %run_scoped3A = tpu.sem_alloc : memref<!tpu.dma_semaphore, #tpu.memory_space<semaphore_mem>>
        %dma_start3A_173 = arith.constant 0 : i32
        %dma_start3A_174 = tpu.memref_slice %arg8[%add3A_138, %dma_start3A_173] : memref<40x128xi32, #tpu.memory_space<vmem>> -> memref<1x128xi32, #tpu.memory_space<vmem>>
        %dma_start3A_175 = tpu.memref_squeeze %dma_start3A_174 : memref<1x128xi32, #tpu.memory_space<vmem>> -> memref<128xi32, #tpu.memory_space<vmem>>
        %dma_start3A_176 = arith.constant 0 : i32
        %dma_start3A_177 = arith.constant 0 : i32
        %dma_start3A_178 = tpu.memref_slice %arg11[%dma_start3A_176, %dma_start3A_177] : memref<10240x128xf32, #tpu.memory_space<vmem_shared>> -> memref<10240x128xf32, #tpu.memory_space<vmem_shared>>
        tpu.enqueue_indirect_dma source(%arg9 : memref<128x128xf32, #tpu.memory_space<vmem>>) target(%dma_start3A_178 : memref<10240x128xf32, #tpu.memory_space<vmem_shared>>) offsets(%dma_start3A_175 : memref<128xi32, #tpu.memory_space<vmem>>) semaphore(%run_scoped3A : memref<!tpu.dma_semaphore, #tpu.memory_space<semaphore_mem>>) {add = true}
        %dma_wait3A_179 = arith.constant 0 : i32
        %dma_wait3A_180 = tpu.memref_slice %arg8[%add3A_138, %dma_wait3A_179] : memref<40x128xi32, #tpu.memory_space<vmem>> -> memref<1x128xi32, #tpu.memory_space<vmem>>
        %dma_wait3A_181 = tpu.memref_squeeze %dma_wait3A_180 : memref<1x128xi32, #tpu.memory_space<vmem>> -> memref<128xi32, #tpu.memory_space<vmem>>
        %dma_wait3A_182 = arith.constant 0 : i32
        %dma_wait3A_183 = arith.constant 0 : i32
        %dma_wait3A_184 = tpu.memref_slice %arg11[%dma_wait3A_182, %dma_wait3A_183] : memref<10240x128xf32, #tpu.memory_space<vmem_shared>> -> memref<10240x128xf32, #tpu.memory_space<vmem_shared>>
        tpu.wait_indirect_dma semaphore(%run_scoped3A : memref<!tpu.dma_semaphore, #tpu.memory_space<semaphore_mem>>) src(%arg9 : memref<128x128xf32, #tpu.memory_space<vmem>>) dst(%dma_wait3A_184 : memref<10240x128xf32, #tpu.memory_space<vmem_shared>>)
        tpu.yield
      }) : () -> ()
      %add3A_148 = arith.constant 2 : i32
      %add3A_149 = arith.addi %add3A_138, %add3A_148 : i32
      %lt3A = arith.constant 40 : i32
      %lt3A_150 = arith.cmpi slt, %add3A_149, %lt3A : i32
      %convert_element_type3A = arith.extui %lt3A_150 : i1 to i32
      %cond3A = arith.constant 0 : i32
      %cond3A_151 = arith.cmpi ne, %convert_element_type3A, %cond3A : i32
      scf.if %cond3A_151 {
        %add3A_173 = arith.constant 2 : i32
        %add3A_174 = arith.addi %add3A_138, %add3A_173 : i32
        %dma_start3A_175 = arith.constant 0 : i32
        %dma_start3A_176 = tpu.memref_slice %arg7[%add3A_174, %dma_start3A_175] : memref<40x128xi32, #tpu.memory_space<vmem>> -> memref<1x128xi32, #tpu.memory_space<vmem>>
        %dma_start3A_177 = tpu.memref_squeeze %dma_start3A_176 : memref<1x128xi32, #tpu.memory_space<vmem>> -> memref<128xi32, #tpu.memory_space<vmem>>
        %dma_start3A_178 = arith.constant 0 : i32
        %dma_start3A_179 = arith.constant 0 : i32
        %dma_start3A_180 = tpu.memref_slice %arg2[%add3A_69, %dma_start3A_178, %dma_start3A_179] : memref<4x10240x128xf32, #tpu.memory_space<hbm>> -> memref<1x10240x128xf32, #tpu.memory_space<hbm>>
        %dma_start3A_181 = tpu.memref_squeeze %dma_start3A_180 : memref<1x10240x128xf32, #tpu.memory_space<hbm>> -> memref<10240x128xf32, #tpu.memory_space<hbm>>
        %dma_start3A_182 = arith.constant 0 : i32
        %dma_start3A_183 = arith.constant 0 : i32
        %dma_start3A_184 = tpu.memref_slice %dma_start3A_181[%dma_start3A_182, %dma_start3A_183] : memref<10240x128xf32, #tpu.memory_space<hbm>> -> memref<10240x128xf32, #tpu.memory_space<hbm>>
        tpu.enqueue_indirect_dma source(%dma_start3A_184 : memref<10240x128xf32, #tpu.memory_space<hbm>>) target(%arg9 : memref<128x128xf32, #tpu.memory_space<vmem>>) offsets(%dma_start3A_177 : memref<128xi32, #tpu.memory_space<vmem>>) semaphore(%arg12 : memref<!tpu.dma_semaphore, #tpu.memory_space<semaphore_mem>>)
      } else {
      }
      %mul3A_152 = arith.constant 2 : i32
      %mul3A_153 = arith.muli %mul3A_152, %scan3A_134 : i32
      %add3A_154 = arith.constant 1 : i32
      %add3A_155 = arith.addi %mul3A_153, %add3A_154 : i32
      %dma_wait3A_156 = arith.constant 0 : i32
      %dma_wait3A_157 = tpu.memref_slice %arg7[%add3A_155, %dma_wait3A_156] : memref<40x128xi32, #tpu.memory_space<vmem>> -> memref<1x128xi32, #tpu.memory_space<vmem>>
      %dma_wait3A_158 = tpu.memref_squeeze %dma_wait3A_157 : memref<1x128xi32, #tpu.memory_space<vmem>> -> memref<128xi32, #tpu.memory_space<vmem>>
      %dma_wait3A_159 = arith.constant 0 : i32
      %dma_wait3A_160 = arith.constant 0 : i32
      %dma_wait3A_161 = tpu.memref_slice %arg2[%add3A_69, %dma_wait3A_159, %dma_wait3A_160] : memref<4x10240x128xf32, #tpu.memory_space<hbm>> -> memref<1x10240x128xf32, #tpu.memory_space<hbm>>
      %dma_wait3A_162 = tpu.memref_squeeze %dma_wait3A_161 : memref<1x10240x128xf32, #tpu.memory_space<hbm>> -> memref<10240x128xf32, #tpu.memory_space<hbm>>
      %dma_wait3A_163 = arith.constant 0 : i32
      %dma_wait3A_164 = arith.constant 0 : i32
      %dma_wait3A_165 = tpu.memref_slice %dma_wait3A_162[%dma_wait3A_163, %dma_wait3A_164] : memref<10240x128xf32, #tpu.memory_space<hbm>> -> memref<10240x128xf32, #tpu.memory_space<hbm>>
      tpu.wait_indirect_dma semaphore(%arg13 : memref<!tpu.dma_semaphore, #tpu.memory_space<semaphore_mem>>) src(%dma_wait3A_165 : memref<10240x128xf32, #tpu.memory_space<hbm>>) dst(%arg10 : memref<128x128xf32, #tpu.memory_space<vmem>>)
      "tpu.region"() ({
        %run_scoped3A = tpu.sem_alloc : memref<!tpu.dma_semaphore, #tpu.memory_space<semaphore_mem>>
        %dma_start3A_173 = arith.constant 0 : i32
        %dma_start3A_174 = tpu.memref_slice %arg8[%add3A_155, %dma_start3A_173] : memref<40x128xi32, #tpu.memory_space<vmem>> -> memref<1x128xi32, #tpu.memory_space<vmem>>
        %dma_start3A_175 = tpu.memref_squeeze %dma_start3A_174 : memref<1x128xi32, #tpu.memory_space<vmem>> -> memref<128xi32, #tpu.memory_space<vmem>>
        %dma_start3A_176 = arith.constant 0 : i32
        %dma_start3A_177 = arith.constant 0 : i32
        %dma_start3A_178 = tpu.memref_slice %arg11[%dma_start3A_176, %dma_start3A_177] : memref<10240x128xf32, #tpu.memory_space<vmem_shared>> -> memref<10240x128xf32, #tpu.memory_space<vmem_shared>>
        tpu.enqueue_indirect_dma source(%arg10 : memref<128x128xf32, #tpu.memory_space<vmem>>) target(%dma_start3A_178 : memref<10240x128xf32, #tpu.memory_space<vmem_shared>>) offsets(%dma_start3A_175 : memref<128xi32, #tpu.memory_space<vmem>>) semaphore(%run_scoped3A : memref<!tpu.dma_semaphore, #tpu.memory_space<semaphore_mem>>) {add = true}
        %dma_wait3A_179 = arith.constant 0 : i32
        %dma_wait3A_180 = tpu.memref_slice %arg8[%add3A_155, %dma_wait3A_179] : memref<40x128xi32, #tpu.memory_space<vmem>> -> memref<1x128xi32, #tpu.memory_space<vmem>>
        %dma_wait3A_181 = tpu.memref_squeeze %dma_wait3A_180 : memref<1x128xi32, #tpu.memory_space<vmem>> -> memref<128xi32, #tpu.memory_space<vmem>>
        %dma_wait3A_182 = arith.constant 0 : i32
        %dma_wait3A_183 = arith.constant 0 : i32
        %dma_wait3A_184 = tpu.memref_slice %arg11[%dma_wait3A_182, %dma_wait3A_183] : memref<10240x128xf32, #tpu.memory_space<vmem_shared>> -> memref<10240x128xf32, #tpu.memory_space<vmem_shared>>
        tpu.wait_indirect_dma semaphore(%run_scoped3A : memref<!tpu.dma_semaphore, #tpu.memory_space<semaphore_mem>>) src(%arg10 : memref<128x128xf32, #tpu.memory_space<vmem>>) dst(%dma_wait3A_184 : memref<10240x128xf32, #tpu.memory_space<vmem_shared>>)
        tpu.yield
      }) : () -> ()
      %add3A_166 = arith.constant 2 : i32
      %add3A_167 = arith.addi %add3A_155, %add3A_166 : i32
      %lt3A_168 = arith.constant 40 : i32
      %lt3A_169 = arith.cmpi slt, %add3A_167, %lt3A_168 : i32
      %convert_element_type3A_170 = arith.extui %lt3A_169 : i1 to i32
      %cond3A_171 = arith.constant 0 : i32
      %cond3A_172 = arith.cmpi ne, %convert_element_type3A_170, %cond3A_171 : i32
      scf.if %cond3A_172 {
        %add3A_173 = arith.constant 2 : i32
        %add3A_174 = arith.addi %add3A_155, %add3A_173 : i32
        %dma_start3A_175 = arith.constant 0 : i32
        %dma_start3A_176 = tpu.memref_slice %arg7[%add3A_174, %dma_start3A_175] : memref<40x128xi32, #tpu.memory_space<vmem>> -> memref<1x128xi32, #tpu.memory_space<vmem>>
        %dma_start3A_177 = tpu.memref_squeeze %dma_start3A_176 : memref<1x128xi32, #tpu.memory_space<vmem>> -> memref<128xi32, #tpu.memory_space<vmem>>
        %dma_start3A_178 = arith.constant 0 : i32
        %dma_start3A_179 = arith.constant 0 : i32
        %dma_start3A_180 = tpu.memref_slice %arg2[%add3A_69, %dma_start3A_178, %dma_start3A_179] : memref<4x10240x128xf32, #tpu.memory_space<hbm>> -> memref<1x10240x128xf32, #tpu.memory_space<hbm>>
        %dma_start3A_181 = tpu.memref_squeeze %dma_start3A_180 : memref<1x10240x128xf32, #tpu.memory_space<hbm>> -> memref<10240x128xf32, #tpu.memory_space<hbm>>
        %dma_start3A_182 = arith.constant 0 : i32
        %dma_start3A_183 = arith.constant 0 : i32
        %dma_start3A_184 = tpu.memref_slice %dma_start3A_181[%dma_start3A_182, %dma_start3A_183] : memref<10240x128xf32, #tpu.memory_space<hbm>> -> memref<10240x128xf32, #tpu.memory_space<hbm>>
        tpu.enqueue_indirect_dma source(%dma_start3A_184 : memref<10240x128xf32, #tpu.memory_space<hbm>>) target(%arg10 : memref<128x128xf32, #tpu.memory_space<vmem>>) offsets(%dma_start3A_177 : memref<128xi32, #tpu.memory_space<vmem>>) semaphore(%arg13 : memref<!tpu.dma_semaphore, #tpu.memory_space<semaphore_mem>>)
      } else {
      }
    }
    %scan3A_104 = arith.constant 20 : i32
    "tpu.region"() ({
      %run_scoped3A = tpu.sem_alloc : memref<!tpu.dma_semaphore, #tpu.memory_space<semaphore_mem>>
      %dma_start3A_134 = arith.constant 0 : i32
      %dma_start3A_135 = arith.constant 0 : i32
      %dma_start3A_136 = tpu.memref_slice %arg3[%arg1, %dma_start3A_134, %dma_start3A_135] : memref<16x80x128xi32, #tpu.memory_space<hbm>> -> memref<1x80x128xi32, #tpu.memory_space<hbm>>
      %dma_start3A_137 = tpu.memref_squeeze %dma_start3A_136 : memref<1x80x128xi32, #tpu.memory_space<hbm>> -> memref<80x128xi32, #tpu.memory_space<hbm>>
      %dma_start3A_138 = arith.constant 40 : i32
      %dma_start3A_139 = arith.constant 0 : i32
      %dma_start3A_140 = tpu.memref_slice %dma_start3A_137[%dma_start3A_138, %dma_start3A_139] : memref<80x128xi32, #tpu.memory_space<hbm>> -> memref<40x128xi32, #tpu.memory_space<hbm>>
      %dma_start3A_141 = arith.constant 0 : i32
      %dma_start3A_142 = arith.constant 0 : i32
      %dma_start3A_143 = tpu.memref_slice %arg3[%arg1, %dma_start3A_141, %dma_start3A_142] : memref<16x80x128xi32, #tpu.memory_space<hbm>> -> memref<1x80x128xi32, #tpu.memory_space<hbm>>
      %dma_start3A_144 = tpu.memref_squeeze %dma_start3A_143 : memref<1x80x128xi32, #tpu.memory_space<hbm>> -> memref<80x128xi32, #tpu.memory_space<hbm>>
      %dma_start3A_145 = arith.constant 40 : i32
      %dma_start3A_146 = arith.constant 0 : i32
      %dma_start3A_147 = tpu.memref_slice %dma_start3A_144[%dma_start3A_145, %dma_start3A_146] : memref<80x128xi32, #tpu.memory_space<hbm>> -> memref<40x128xi32, #tpu.memory_space<hbm>>
      tpu.enqueue_dma source(%dma_start3A_147 : memref<40x128xi32, #tpu.memory_space<hbm>>) target(%arg7 : memref<40x128xi32, #tpu.memory_space<vmem>>) target_semaphore(%run_scoped3A : memref<!tpu.dma_semaphore, #tpu.memory_space<semaphore_mem>>)
      %dma_wait3A = arith.constant 0 : i32
      %dma_wait3A_148 = arith.constant 0 : i32
      %dma_wait3A_149 = tpu.memref_slice %arg3[%arg1, %dma_wait3A, %dma_wait3A_148] : memref<16x80x128xi32, #tpu.memory_space<hbm>> -> memref<1x80x128xi32, #tpu.memory_space<hbm>>
      %dma_wait3A_150 = tpu.memref_squeeze %dma_wait3A_149 : memref<1x80x128xi32, #tpu.memory_space<hbm>> -> memref<80x128xi32, #tpu.memory_space<hbm>>
      %dma_wait3A_151 = arith.constant 40 : i32
      %dma_wait3A_152 = arith.constant 0 : i32
      %dma_wait3A_153 = tpu.memref_slice %dma_wait3A_150[%dma_wait3A_151, %dma_wait3A_152] : memref<80x128xi32, #tpu.memory_space<hbm>> -> memref<40x128xi32, #tpu.memory_space<hbm>>
      %dma_wait3A_154 = arith.constant 0 : i32
      %dma_wait3A_155 = arith.constant 0 : i32
      %dma_wait3A_156 = tpu.memref_slice %arg3[%arg1, %dma_wait3A_154, %dma_wait3A_155] : memref<16x80x128xi32, #tpu.memory_space<hbm>> -> memref<1x80x128xi32, #tpu.memory_space<hbm>>
      %dma_wait3A_157 = tpu.memref_squeeze %dma_wait3A_156 : memref<1x80x128xi32, #tpu.memory_space<hbm>> -> memref<80x128xi32, #tpu.memory_space<hbm>>
      %dma_wait3A_158 = arith.constant 40 : i32
      %dma_wait3A_159 = arith.constant 0 : i32
      %dma_wait3A_160 = tpu.memref_slice %dma_wait3A_157[%dma_wait3A_158, %dma_wait3A_159] : memref<80x128xi32, #tpu.memory_space<hbm>> -> memref<40x128xi32, #tpu.memory_space<hbm>>
      tpu.wait_dma2 semaphore(%run_scoped3A : memref<!tpu.dma_semaphore, #tpu.memory_space<semaphore_mem>>) src(%dma_wait3A_160 : memref<40x128xi32, #tpu.memory_space<hbm>>) dst(%arg7 : memref<40x128xi32, #tpu.memory_space<vmem>>)
      tpu.yield
    }) : () -> ()
    "tpu.region"() ({
      %run_scoped3A = tpu.sem_alloc : memref<!tpu.dma_semaphore, #tpu.memory_space<semaphore_mem>>
      %dma_start3A_134 = arith.constant 0 : i32
      %dma_start3A_135 = arith.constant 0 : i32
      %dma_start3A_136 = tpu.memref_slice %arg4[%arg1, %dma_start3A_134, %dma_start3A_135] : memref<16x80x128xi32, #tpu.memory_space<hbm>> -> memref<1x80x128xi32, #tpu.memory_space<hbm>>
      %dma_start3A_137 = tpu.memref_squeeze %dma_start3A_136 : memref<1x80x128xi32, #tpu.memory_space<hbm>> -> memref<80x128xi32, #tpu.memory_space<hbm>>
      %dma_start3A_138 = arith.constant 40 : i32
      %dma_start3A_139 = arith.constant 0 : i32
      %dma_start3A_140 = tpu.memref_slice %dma_start3A_137[%dma_start3A_138, %dma_start3A_139] : memref<80x128xi32, #tpu.memory_space<hbm>> -> memref<40x128xi32, #tpu.memory_space<hbm>>
      %dma_start3A_141 = arith.constant 0 : i32
      %dma_start3A_142 = arith.constant 0 : i32
      %dma_start3A_143 = tpu.memref_slice %arg4[%arg1, %dma_start3A_141, %dma_start3A_142] : memref<16x80x128xi32, #tpu.memory_space<hbm>> -> memref<1x80x128xi32, #tpu.memory_space<hbm>>
      %dma_start3A_144 = tpu.memref_squeeze %dma_start3A_143 : memref<1x80x128xi32, #tpu.memory_space<hbm>> -> memref<80x128xi32, #tpu.memory_space<hbm>>
      %dma_start3A_145 = arith.constant 40 : i32
      %dma_start3A_146 = arith.constant 0 : i32
      %dma_start3A_147 = tpu.memref_slice %dma_start3A_144[%dma_start3A_145, %dma_start3A_146] : memref<80x128xi32, #tpu.memory_space<hbm>> -> memref<40x128xi32, #tpu.memory_space<hbm>>
      tpu.enqueue_dma source(%dma_start3A_147 : memref<40x128xi32, #tpu.memory_space<hbm>>) target(%arg8 : memref<40x128xi32, #tpu.memory_space<vmem>>) target_semaphore(%run_scoped3A : memref<!tpu.dma_semaphore, #tpu.memory_space<semaphore_mem>>)
      %dma_wait3A = arith.constant 0 : i32
      %dma_wait3A_148 = arith.constant 0 : i32
      %dma_wait3A_149 = tpu.memref_slice %arg4[%arg1, %dma_wait3A, %dma_wait3A_148] : memref<16x80x128xi32, #tpu.memory_space<hbm>> -> memref<1x80x128xi32, #tpu.memory_space<hbm>>
      %dma_wait3A_150 = tpu.memref_squeeze %dma_wait3A_149 : memref<1x80x128xi32, #tpu.memory_space<hbm>> -> memref<80x128xi32, #tpu.memory_space<hbm>>
      %dma_wait3A_151 = arith.constant 40 : i32
      %dma_wait3A_152 = arith.constant 0 : i32
      %dma_wait3A_153 = tpu.memref_slice %dma_wait3A_150[%dma_wait3A_151, %dma_wait3A_152] : memref<80x128xi32, #tpu.memory_space<hbm>> -> memref<40x128xi32, #tpu.memory_space<hbm>>
      %dma_wait3A_154 = arith.constant 0 : i32
      %dma_wait3A_155 = arith.constant 0 : i32
      %dma_wait3A_156 = tpu.memref_slice %arg4[%arg1, %dma_wait3A_154, %dma_wait3A_155] : memref<16x80x128xi32, #tpu.memory_space<hbm>> -> memref<1x80x128xi32, #tpu.memory_space<hbm>>
      %dma_wait3A_157 = tpu.memref_squeeze %dma_wait3A_156 : memref<1x80x128xi32, #tpu.memory_space<hbm>> -> memref<80x128xi32, #tpu.memory_space<hbm>>
      %dma_wait3A_158 = arith.constant 40 : i32
      %dma_wait3A_159 = arith.constant 0 : i32
      %dma_wait3A_160 = tpu.memref_slice %dma_wait3A_157[%dma_wait3A_158, %dma_wait3A_159] : memref<80x128xi32, #tpu.memory_space<hbm>> -> memref<40x128xi32, #tpu.memory_space<hbm>>
      tpu.wait_dma2 semaphore(%run_scoped3A : memref<!tpu.dma_semaphore, #tpu.memory_space<semaphore_mem>>) src(%dma_wait3A_160 : memref<40x128xi32, #tpu.memory_space<hbm>>) dst(%arg8 : memref<40x128xi32, #tpu.memory_space<vmem>>)
      tpu.yield
    }) : () -> ()
    %dma_start3A_105 = arith.constant 0 : i32
    %dma_start3A_106 = arith.constant 0 : i32
    %dma_start3A_107 = tpu.memref_slice %arg7[%dma_start3A_105, %dma_start3A_106] : memref<40x128xi32, #tpu.memory_space<vmem>> -> memref<1x128xi32, #tpu.memory_space<vmem>>
    %dma_start3A_108 = tpu.memref_squeeze %dma_start3A_107 : memref<1x128xi32, #tpu.memory_space<vmem>> -> memref<128xi32, #tpu.memory_space<vmem>>
    %dma_start3A_109 = arith.constant 0 : i32
    %dma_start3A_110 = arith.constant 0 : i32
    %dma_start3A_111 = tpu.memref_slice %arg2[%add3A_69, %dma_start3A_109, %dma_start3A_110] : memref<4x10240x128xf32, #tpu.memory_space<hbm>> -> memref<1x10240x128xf32, #tpu.memory_space<hbm>>
    %dma_start3A_112 = tpu.memref_squeeze %dma_start3A_111 : memref<1x10240x128xf32, #tpu.memory_space<hbm>> -> memref<10240x128xf32, #tpu.memory_space<hbm>>
    %dma_start3A_113 = arith.constant 0 : i32
    %dma_start3A_114 = arith.constant 0 : i32
    %dma_start3A_115 = tpu.memref_slice %dma_start3A_112[%dma_start3A_113, %dma_start3A_114] : memref<10240x128xf32, #tpu.memory_space<hbm>> -> memref<10240x128xf32, #tpu.memory_space<hbm>>
    tpu.enqueue_indirect_dma source(%dma_start3A_115 : memref<10240x128xf32, #tpu.memory_space<hbm>>) target(%arg9 : memref<128x128xf32, #tpu.memory_space<vmem>>) offsets(%dma_start3A_108 : memref<128xi32, #tpu.memory_space<vmem>>) semaphore(%arg12 : memref<!tpu.dma_semaphore, #tpu.memory_space<semaphore_mem>>)
    %dma_start3A_116 = arith.constant 1 : i32
    %dma_start3A_117 = arith.constant 0 : i32
    %dma_start3A_118 = tpu.memref_slice %arg7[%dma_start3A_116, %dma_start3A_117] : memref<40x128xi32, #tpu.memory_space<vmem>> -> memref<1x128xi32, #tpu.memory_space<vmem>>
    %dma_start3A_119 = tpu.memref_squeeze %dma_start3A_118 : memref<1x128xi32, #tpu.memory_space<vmem>> -> memref<128xi32, #tpu.memory_space<vmem>>
    %dma_start3A_120 = arith.constant 0 : i32
    %dma_start3A_121 = arith.constant 0 : i32
    %dma_start3A_122 = tpu.memref_slice %arg2[%add3A_69, %dma_start3A_120, %dma_start3A_121] : memref<4x10240x128xf32, #tpu.memory_space<hbm>> -> memref<1x10240x128xf32, #tpu.memory_space<hbm>>
    %dma_start3A_123 = tpu.memref_squeeze %dma_start3A_122 : memref<1x10240x128xf32, #tpu.memory_space<hbm>> -> memref<10240x128xf32, #tpu.memory_space<hbm>>
    %dma_start3A_124 = arith.constant 0 : i32
    %dma_start3A_125 = arith.constant 0 : i32
    %dma_start3A_126 = tpu.memref_slice %dma_start3A_123[%dma_start3A_124, %dma_start3A_125] : memref<10240x128xf32, #tpu.memory_space<hbm>> -> memref<10240x128xf32, #tpu.memory_space<hbm>>
    tpu.enqueue_indirect_dma source(%dma_start3A_126 : memref<10240x128xf32, #tpu.memory_space<hbm>>) target(%arg10 : memref<128x128xf32, #tpu.memory_space<vmem>>) offsets(%dma_start3A_119 : memref<128xi32, #tpu.memory_space<vmem>>) semaphore(%arg13 : memref<!tpu.dma_semaphore, #tpu.memory_space<semaphore_mem>>)
    %scan3A_127 = arith.constant 0 : i32
    %scan3A_128 = arith.constant 0 : i32
    %scan3A_129 = arith.constant 20 : i32
    %scan3A_130 = arith.addi %scan3A_128, %scan3A_129 : i32
    %scan3A_131 = arith.constant 1 : i32
    scf.for %scan3A_134 = %scan3A_128 to %scan3A_130 step %scan3A_131  : i32 {
      %mul3A_135 = arith.constant 2 : i32
      %mul3A_136 = arith.muli %mul3A_135, %scan3A_134 : i32
      %add3A_137 = arith.constant 0 : i32
      %add3A_138 = arith.addi %mul3A_136, %add3A_137 : i32
      %dma_wait3A = arith.constant 0 : i32
      %dma_wait3A_139 = tpu.memref_slice %arg7[%add3A_138, %dma_wait3A] : memref<40x128xi32, #tpu.memory_space<vmem>> -> memref<1x128xi32, #tpu.memory_space<vmem>>
      %dma_wait3A_140 = tpu.memref_squeeze %dma_wait3A_139 : memref<1x128xi32, #tpu.memory_space<vmem>> -> memref<128xi32, #tpu.memory_space<vmem>>
      %dma_wait3A_141 = arith.constant 0 : i32
      %dma_wait3A_142 = arith.constant 0 : i32
      %dma_wait3A_143 = tpu.memref_slice %arg2[%add3A_69, %dma_wait3A_141, %dma_wait3A_142] : memref<4x10240x128xf32, #tpu.memory_space<hbm>> -> memref<1x10240x128xf32, #tpu.memory_space<hbm>>
      %dma_wait3A_144 = tpu.memref_squeeze %dma_wait3A_143 : memref<1x10240x128xf32, #tpu.memory_space<hbm>> -> memref<10240x128xf32, #tpu.memory_space<hbm>>
      %dma_wait3A_145 = arith.constant 0 : i32
      %dma_wait3A_146 = arith.constant 0 : i32
      %dma_wait3A_147 = tpu.memref_slice %dma_wait3A_144[%dma_wait3A_145, %dma_wait3A_146] : memref<10240x128xf32, #tpu.memory_space<hbm>> -> memref<10240x128xf32, #tpu.memory_space<hbm>>
      tpu.wait_indirect_dma semaphore(%arg12 : memref<!tpu.dma_semaphore, #tpu.memory_space<semaphore_mem>>) src(%dma_wait3A_147 : memref<10240x128xf32, #tpu.memory_space<hbm>>) dst(%arg9 : memref<128x128xf32, #tpu.memory_space<vmem>>)
      "tpu.region"() ({
        %run_scoped3A = tpu.sem_alloc : memref<!tpu.dma_semaphore, #tpu.memory_space<semaphore_mem>>
        %dma_start3A_173 = arith.constant 0 : i32
        %dma_start3A_174 = tpu.memref_slice %arg8[%add3A_138, %dma_start3A_173] : memref<40x128xi32, #tpu.memory_space<vmem>> -> memref<1x128xi32, #tpu.memory_space<vmem>>
        %dma_start3A_175 = tpu.memref_squeeze %dma_start3A_174 : memref<1x128xi32, #tpu.memory_space<vmem>> -> memref<128xi32, #tpu.memory_space<vmem>>
        %dma_start3A_176 = arith.constant 0 : i32
        %dma_start3A_177 = arith.constant 0 : i32
        %dma_start3A_178 = tpu.memref_slice %arg11[%dma_start3A_176, %dma_start3A_177] : memref<10240x128xf32, #tpu.memory_space<vmem_shared>> -> memref<10240x128xf32, #tpu.memory_space<vmem_shared>>
        tpu.enqueue_indirect_dma source(%arg9 : memref<128x128xf32, #tpu.memory_space<vmem>>) target(%dma_start3A_178 : memref<10240x128xf32, #tpu.memory_space<vmem_shared>>) offsets(%dma_start3A_175 : memref<128xi32, #tpu.memory_space<vmem>>) semaphore(%run_scoped3A : memref<!tpu.dma_semaphore, #tpu.memory_space<semaphore_mem>>) {add = true}
        %dma_wait3A_179 = arith.constant 0 : i32
        %dma_wait3A_180 = tpu.memref_slice %arg8[%add3A_138, %dma_wait3A_179] : memref<40x128xi32, #tpu.memory_space<vmem>> -> memref<1x128xi32, #tpu.memory_space<vmem>>
        %dma_wait3A_181 = tpu.memref_squeeze %dma_wait3A_180 : memref<1x128xi32, #tpu.memory_space<vmem>> -> memref<128xi32, #tpu.memory_space<vmem>>
        %dma_wait3A_182 = arith.constant 0 : i32
        %dma_wait3A_183 = arith.constant 0 : i32
        %dma_wait3A_184 = tpu.memref_slice %arg11[%dma_wait3A_182, %dma_wait3A_183] : memref<10240x128xf32, #tpu.memory_space<vmem_shared>> -> memref<10240x128xf32, #tpu.memory_space<vmem_shared>>
        tpu.wait_indirect_dma semaphore(%run_scoped3A : memref<!tpu.dma_semaphore, #tpu.memory_space<semaphore_mem>>) src(%arg9 : memref<128x128xf32, #tpu.memory_space<vmem>>) dst(%dma_wait3A_184 : memref<10240x128xf32, #tpu.memory_space<vmem_shared>>)
        tpu.yield
      }) : () -> ()
      %add3A_148 = arith.constant 2 : i32
      %add3A_149 = arith.addi %add3A_138, %add3A_148 : i32
      %lt3A = arith.constant 40 : i32
      %lt3A_150 = arith.cmpi slt, %add3A_149, %lt3A : i32
      %convert_element_type3A = arith.extui %lt3A_150 : i1 to i32
      %cond3A = arith.constant 0 : i32
      %cond3A_151 = arith.cmpi ne, %convert_element_type3A, %cond3A : i32
      scf.if %cond3A_151 {
        %add3A_173 = arith.constant 2 : i32
        %add3A_174 = arith.addi %add3A_138, %add3A_173 : i32
        %dma_start3A_175 = arith.constant 0 : i32
        %dma_start3A_176 = tpu.memref_slice %arg7[%add3A_174, %dma_start3A_175] : memref<40x128xi32, #tpu.memory_space<vmem>> -> memref<1x128xi32, #tpu.memory_space<vmem>>
        %dma_start3A_177 = tpu.memref_squeeze %dma_start3A_176 : memref<1x128xi32, #tpu.memory_space<vmem>> -> memref<128xi32, #tpu.memory_space<vmem>>
        %dma_start3A_178 = arith.constant 0 : i32
        %dma_start3A_179 = arith.constant 0 : i32
        %dma_start3A_180 = tpu.memref_slice %arg2[%add3A_69, %dma_start3A_178, %dma_start3A_179] : memref<4x10240x128xf32, #tpu.memory_space<hbm>> -> memref<1x10240x128xf32, #tpu.memory_space<hbm>>
        %dma_start3A_181 = tpu.memref_squeeze %dma_start3A_180 : memref<1x10240x128xf32, #tpu.memory_space<hbm>> -> memref<10240x128xf32, #tpu.memory_space<hbm>>
        %dma_start3A_182 = arith.constant 0 : i32
        %dma_start3A_183 = arith.constant 0 : i32
        %dma_start3A_184 = tpu.memref_slice %dma_start3A_181[%dma_start3A_182, %dma_start3A_183] : memref<10240x128xf32, #tpu.memory_space<hbm>> -> memref<10240x128xf32, #tpu.memory_space<hbm>>
        tpu.enqueue_indirect_dma source(%dma_start3A_184 : memref<10240x128xf32, #tpu.memory_space<hbm>>) target(%arg9 : memref<128x128xf32, #tpu.memory_space<vmem>>) offsets(%dma_start3A_177 : memref<128xi32, #tpu.memory_space<vmem>>) semaphore(%arg12 : memref<!tpu.dma_semaphore, #tpu.memory_space<semaphore_mem>>)
      } else {
      }
      %mul3A_152 = arith.constant 2 : i32
      %mul3A_153 = arith.muli %mul3A_152, %scan3A_134 : i32
      %add3A_154 = arith.constant 1 : i32
      %add3A_155 = arith.addi %mul3A_153, %add3A_154 : i32
      %dma_wait3A_156 = arith.constant 0 : i32
      %dma_wait3A_157 = tpu.memref_slice %arg7[%add3A_155, %dma_wait3A_156] : memref<40x128xi32, #tpu.memory_space<vmem>> -> memref<1x128xi32, #tpu.memory_space<vmem>>
      %dma_wait3A_158 = tpu.memref_squeeze %dma_wait3A_157 : memref<1x128xi32, #tpu.memory_space<vmem>> -> memref<128xi32, #tpu.memory_space<vmem>>
      %dma_wait3A_159 = arith.constant 0 : i32
      %dma_wait3A_160 = arith.constant 0 : i32
      %dma_wait3A_161 = tpu.memref_slice %arg2[%add3A_69, %dma_wait3A_159, %dma_wait3A_160] : memref<4x10240x128xf32, #tpu.memory_space<hbm>> -> memref<1x10240x128xf32, #tpu.memory_space<hbm>>
      %dma_wait3A_162 = tpu.memref_squeeze %dma_wait3A_161 : memref<1x10240x128xf32, #tpu.memory_space<hbm>> -> memref<10240x128xf32, #tpu.memory_space<hbm>>
      %dma_wait3A_163 = arith.constant 0 : i32
      %dma_wait3A_164 = arith.constant 0 : i32
      %dma_wait3A_165 = tpu.memref_slice %dma_wait3A_162[%dma_wait3A_163, %dma_wait3A_164] : memref<10240x128xf32, #tpu.memory_space<hbm>> -> memref<10240x128xf32, #tpu.memory_space<hbm>>
      tpu.wait_indirect_dma semaphore(%arg13 : memref<!tpu.dma_semaphore, #tpu.memory_space<semaphore_mem>>) src(%dma_wait3A_165 : memref<10240x128xf32, #tpu.memory_space<hbm>>) dst(%arg10 : memref<128x128xf32, #tpu.memory_space<vmem>>)
      "tpu.region"() ({
        %run_scoped3A = tpu.sem_alloc : memref<!tpu.dma_semaphore, #tpu.memory_space<semaphore_mem>>
        %dma_start3A_173 = arith.constant 0 : i32
        %dma_start3A_174 = tpu.memref_slice %arg8[%add3A_155, %dma_start3A_173] : memref<40x128xi32, #tpu.memory_space<vmem>> -> memref<1x128xi32, #tpu.memory_space<vmem>>
        %dma_start3A_175 = tpu.memref_squeeze %dma_start3A_174 : memref<1x128xi32, #tpu.memory_space<vmem>> -> memref<128xi32, #tpu.memory_space<vmem>>
        %dma_start3A_176 = arith.constant 0 : i32
        %dma_start3A_177 = arith.constant 0 : i32
        %dma_start3A_178 = tpu.memref_slice %arg11[%dma_start3A_176, %dma_start3A_177] : memref<10240x128xf32, #tpu.memory_space<vmem_shared>> -> memref<10240x128xf32, #tpu.memory_space<vmem_shared>>
        tpu.enqueue_indirect_dma source(%arg10 : memref<128x128xf32, #tpu.memory_space<vmem>>) target(%dma_start3A_178 : memref<10240x128xf32, #tpu.memory_space<vmem_shared>>) offsets(%dma_start3A_175 : memref<128xi32, #tpu.memory_space<vmem>>) semaphore(%run_scoped3A : memref<!tpu.dma_semaphore, #tpu.memory_space<semaphore_mem>>) {add = true}
        %dma_wait3A_179 = arith.constant 0 : i32
        %dma_wait3A_180 = tpu.memref_slice %arg8[%add3A_155, %dma_wait3A_179] : memref<40x128xi32, #tpu.memory_space<vmem>> -> memref<1x128xi32, #tpu.memory_space<vmem>>
        %dma_wait3A_181 = tpu.memref_squeeze %dma_wait3A_180 : memref<1x128xi32, #tpu.memory_space<vmem>> -> memref<128xi32, #tpu.memory_space<vmem>>
        %dma_wait3A_182 = arith.constant 0 : i32
        %dma_wait3A_183 = arith.constant 0 : i32
        %dma_wait3A_184 = tpu.memref_slice %arg11[%dma_wait3A_182, %dma_wait3A_183] : memref<10240x128xf32, #tpu.memory_space<vmem_shared>> -> memref<10240x128xf32, #tpu.memory_space<vmem_shared>>
        tpu.wait_indirect_dma semaphore(%run_scoped3A : memref<!tpu.dma_semaphore, #tpu.memory_space<semaphore_mem>>) src(%arg10 : memref<128x128xf32, #tpu.memory_space<vmem>>) dst(%dma_wait3A_184 : memref<10240x128xf32, #tpu.memory_space<vmem_shared>>)
        tpu.yield
      }) : () -> ()
      %add3A_166 = arith.constant 2 : i32
      %add3A_167 = arith.addi %add3A_155, %add3A_166 : i32
      %lt3A_168 = arith.constant 40 : i32
      %lt3A_169 = arith.cmpi slt, %add3A_167, %lt3A_168 : i32
      %convert_element_type3A_170 = arith.extui %lt3A_169 : i1 to i32
      %cond3A_171 = arith.constant 0 : i32
      %cond3A_172 = arith.cmpi ne, %convert_element_type3A_170, %cond3A_171 : i32
      scf.if %cond3A_172 {
        %add3A_173 = arith.constant 2 : i32
        %add3A_174 = arith.addi %add3A_155, %add3A_173 : i32
        %dma_start3A_175 = arith.constant 0 : i32
        %dma_start3A_176 = tpu.memref_slice %arg7[%add3A_174, %dma_start3A_175] : memref<40x128xi32, #tpu.memory_space<vmem>> -> memref<1x128xi32, #tpu.memory_space<vmem>>
        %dma_start3A_177 = tpu.memref_squeeze %dma_start3A_176 : memref<1x128xi32, #tpu.memory_space<vmem>> -> memref<128xi32, #tpu.memory_space<vmem>>
        %dma_start3A_178 = arith.constant 0 : i32
        %dma_start3A_179 = arith.constant 0 : i32
        %dma_start3A_180 = tpu.memref_slice %arg2[%add3A_69, %dma_start3A_178, %dma_start3A_179] : memref<4x10240x128xf32, #tpu.memory_space<hbm>> -> memref<1x10240x128xf32, #tpu.memory_space<hbm>>
        %dma_start3A_181 = tpu.memref_squeeze %dma_start3A_180 : memref<1x10240x128xf32, #tpu.memory_space<hbm>> -> memref<10240x128xf32, #tpu.memory_space<hbm>>
        %dma_start3A_182 = arith.constant 0 : i32
        %dma_start3A_183 = arith.constant 0 : i32
        %dma_start3A_184 = tpu.memref_slice %dma_start3A_181[%dma_start3A_182, %dma_start3A_183] : memref<10240x128xf32, #tpu.memory_space<hbm>> -> memref<10240x128xf32, #tpu.memory_space<hbm>>
        tpu.enqueue_indirect_dma source(%dma_start3A_184 : memref<10240x128xf32, #tpu.memory_space<hbm>>) target(%arg10 : memref<128x128xf32, #tpu.memory_space<vmem>>) offsets(%dma_start3A_177 : memref<128xi32, #tpu.memory_space<vmem>>) semaphore(%arg13 : memref<!tpu.dma_semaphore, #tpu.memory_space<semaphore_mem>>)
      } else {
      }
    }
    %scan3A_132 = arith.constant 20 : i32
    %barrier3A_133 = arith.constant 0 : index
    tpu.barrier barrier_id(%barrier3A_133)
    "tpu.region"() ({
      %run_scoped3A = tpu.sem_alloc : memref<!tpu.dma_semaphore, #tpu.memory_space<semaphore_mem>>
      %dma_start3A_134 = arith.constant 0 : i32
      %dma_start3A_135 = arith.constant 0 : i32
      %dma_start3A_136 = tpu.memref_slice %arg6[%add3A_69, %dma_start3A_134, %dma_start3A_135] : memref<4x10240x128xf32, #tpu.memory_space<hbm>> -> memref<1x10240x128xf32, #tpu.memory_space<hbm>>
      %dma_start3A_137 = tpu.memref_squeeze %dma_start3A_136 : memref<1x10240x128xf32, #tpu.memory_space<hbm>> -> memref<10240x128xf32, #tpu.memory_space<hbm>>
      %dma_start3A_138 = arith.constant 0 : i32
      %dma_start3A_139 = tpu.memref_slice %dma_start3A_137[%mul3A_0, %dma_start3A_138] : memref<10240x128xf32, #tpu.memory_space<hbm>> -> memref<640x128xf32, #tpu.memory_space<hbm>>
      %dma_start3A_140 = arith.constant 0 : i32
      %dma_start3A_141 = tpu.memref_slice %arg11[%mul3A_0, %dma_start3A_140] : memref<10240x128xf32, #tpu.memory_space<vmem_shared>> -> memref<640x128xf32, #tpu.memory_space<vmem_shared>>
      tpu.enqueue_dma source(%dma_start3A_141 : memref<640x128xf32, #tpu.memory_space<vmem_shared>>) target(%dma_start3A_139 : memref<640x128xf32, #tpu.memory_space<hbm>>) target_semaphore(%run_scoped3A : memref<!tpu.dma_semaphore, #tpu.memory_space<semaphore_mem>>)
      %dma_wait3A = arith.constant 0 : i32
      %dma_wait3A_142 = arith.constant 0 : i32
      %dma_wait3A_143 = tpu.memref_slice %arg6[%add3A_69, %dma_wait3A, %dma_wait3A_142] : memref<4x10240x128xf32, #tpu.memory_space<hbm>> -> memref<1x10240x128xf32, #tpu.memory_space<hbm>>
      %dma_wait3A_144 = tpu.memref_squeeze %dma_wait3A_143 : memref<1x10240x128xf32, #tpu.memory_space<hbm>> -> memref<10240x128xf32, #tpu.memory_space<hbm>>
      %dma_wait3A_145 = arith.constant 0 : i32
      %dma_wait3A_146 = tpu.memref_slice %dma_wait3A_144[%mul3A_0, %dma_wait3A_145] : memref<10240x128xf32, #tpu.memory_space<hbm>> -> memref<640x128xf32, #tpu.memory_space<hbm>>
      %dma_wait3A_147 = arith.constant 0 : i32
      %dma_wait3A_148 = tpu.memref_slice %arg11[%mul3A_0, %dma_wait3A_147] : memref<10240x128xf32, #tpu.memory_space<vmem_shared>> -> memref<640x128xf32, #tpu.memory_space<vmem_shared>>
      tpu.wait_dma2 semaphore(%run_scoped3A : memref<!tpu.dma_semaphore, #tpu.memory_space<semaphore_mem>>) src(%dma_wait3A_148 : memref<640x128xf32, #tpu.memory_space<vmem_shared>>) dst(%dma_wait3A_146 : memref<640x128xf32, #tpu.memory_space<hbm>>)
      tpu.yield
    }) : () -> ()
    return
  }
}

#map = affine_map<(d0, d1) -> (0, 0)>
#map1 = affine_map<(d0, d1) -> (0, 0, 0)>
module attributes {stable_mosaic.version = 14 : i64} {
  func.func @k(%arg0: i32, %arg1: i32, %arg2: memref<10240x128xf32, #tpu.memory_space<hbm>>, %arg3: memref<32x40x128xi32, #tpu.memory_space<hbm>>, %arg4: memref<32x40x128xi32, #tpu.memory_space<hbm>>, %arg5: memref<128x128xf32, #tpu.memory_space<hbm>>, %arg6: memref<2x10240x128xf32, #tpu.memory_space<hbm>>, %arg7: memref<40x128xi32, #tpu.memory_space<vmem>>, %arg8: memref<40x128xi32, #tpu.memory_space<vmem>>, %arg9: memref<128x128xf32, #tpu.memory_space<vmem>>, %arg10: memref<128x128xf32, #tpu.memory_space<vmem>>, %arg11: memref<10240x128xf32, #tpu.memory_space<vmem_shared>>, %arg12: memref<!tpu.dma_semaphore, #tpu.memory_space<semaphore_mem>>, %arg13: memref<!tpu.dma_semaphore, #tpu.memory_space<semaphore_mem>>) attributes {dimension_semantics = [#tpu.dimension_semantics<core_parallel>, #tpu.dimension_semantics<subcore_parallel>], iteration_bounds = array<i64: 2, 16>, scalar_prefetch = 0 : i64, scratch_operands = 7 : i64, tpu.core_type = #tpu.core_type<sc_vector_subcore>, window_params = [{transform_indices = #map}, {transform_indices = #map1}, {transform_indices = #map1}, {transform_indices = #map}, {transform_indices = #map1}]} {
    %mul3A = arith.constant 16 : i32
    %mul3A_0 = arith.muli %arg0, %mul3A : i32
    %add3A = arith.addi %mul3A_0, %arg1 : i32
    "tpu.region"() ({
      %run_scoped3A = tpu.sem_alloc : memref<!tpu.dma_semaphore, #tpu.memory_space<semaphore_mem>>
      %dma_start3A_28 = arith.constant 0 : i32
      %dma_start3A_29 = arith.constant 0 : i32
      %dma_start3A_30 = tpu.memref_slice %arg3[%add3A, %dma_start3A_28, %dma_start3A_29] : memref<32x40x128xi32, #tpu.memory_space<hbm>> -> memref<1x40x128xi32, #tpu.memory_space<hbm>>
      %dma_start3A_31 = tpu.memref_squeeze %dma_start3A_30 : memref<1x40x128xi32, #tpu.memory_space<hbm>> -> memref<40x128xi32, #tpu.memory_space<hbm>>
      %dma_start3A_32 = arith.constant 0 : i32
      %dma_start3A_33 = arith.constant 0 : i32
      %dma_start3A_34 = tpu.memref_slice %arg3[%add3A, %dma_start3A_32, %dma_start3A_33] : memref<32x40x128xi32, #tpu.memory_space<hbm>> -> memref<1x40x128xi32, #tpu.memory_space<hbm>>
      %dma_start3A_35 = tpu.memref_squeeze %dma_start3A_34 : memref<1x40x128xi32, #tpu.memory_space<hbm>> -> memref<40x128xi32, #tpu.memory_space<hbm>>
      tpu.enqueue_dma source(%dma_start3A_35 : memref<40x128xi32, #tpu.memory_space<hbm>>) target(%arg7 : memref<40x128xi32, #tpu.memory_space<vmem>>) target_semaphore(%run_scoped3A : memref<!tpu.dma_semaphore, #tpu.memory_space<semaphore_mem>>)
      %dma_wait3A = arith.constant 0 : i32
      %dma_wait3A_36 = arith.constant 0 : i32
      %dma_wait3A_37 = tpu.memref_slice %arg3[%add3A, %dma_wait3A, %dma_wait3A_36] : memref<32x40x128xi32, #tpu.memory_space<hbm>> -> memref<1x40x128xi32, #tpu.memory_space<hbm>>
      %dma_wait3A_38 = tpu.memref_squeeze %dma_wait3A_37 : memref<1x40x128xi32, #tpu.memory_space<hbm>> -> memref<40x128xi32, #tpu.memory_space<hbm>>
      %dma_wait3A_39 = arith.constant 0 : i32
      %dma_wait3A_40 = arith.constant 0 : i32
      %dma_wait3A_41 = tpu.memref_slice %arg3[%add3A, %dma_wait3A_39, %dma_wait3A_40] : memref<32x40x128xi32, #tpu.memory_space<hbm>> -> memref<1x40x128xi32, #tpu.memory_space<hbm>>
      %dma_wait3A_42 = tpu.memref_squeeze %dma_wait3A_41 : memref<1x40x128xi32, #tpu.memory_space<hbm>> -> memref<40x128xi32, #tpu.memory_space<hbm>>
      tpu.wait_dma2 semaphore(%run_scoped3A : memref<!tpu.dma_semaphore, #tpu.memory_space<semaphore_mem>>) src(%dma_wait3A_42 : memref<40x128xi32, #tpu.memory_space<hbm>>) dst(%arg7 : memref<40x128xi32, #tpu.memory_space<vmem>>)
      tpu.yield
    }) : () -> ()
    "tpu.region"() ({
      %run_scoped3A = tpu.sem_alloc : memref<!tpu.dma_semaphore, #tpu.memory_space<semaphore_mem>>
      %dma_start3A_28 = arith.constant 0 : i32
      %dma_start3A_29 = arith.constant 0 : i32
      %dma_start3A_30 = tpu.memref_slice %arg4[%add3A, %dma_start3A_28, %dma_start3A_29] : memref<32x40x128xi32, #tpu.memory_space<hbm>> -> memref<1x40x128xi32, #tpu.memory_space<hbm>>
      %dma_start3A_31 = tpu.memref_squeeze %dma_start3A_30 : memref<1x40x128xi32, #tpu.memory_space<hbm>> -> memref<40x128xi32, #tpu.memory_space<hbm>>
      %dma_start3A_32 = arith.constant 0 : i32
      %dma_start3A_33 = arith.constant 0 : i32
      %dma_start3A_34 = tpu.memref_slice %arg4[%add3A, %dma_start3A_32, %dma_start3A_33] : memref<32x40x128xi32, #tpu.memory_space<hbm>> -> memref<1x40x128xi32, #tpu.memory_space<hbm>>
      %dma_start3A_35 = tpu.memref_squeeze %dma_start3A_34 : memref<1x40x128xi32, #tpu.memory_space<hbm>> -> memref<40x128xi32, #tpu.memory_space<hbm>>
      tpu.enqueue_dma source(%dma_start3A_35 : memref<40x128xi32, #tpu.memory_space<hbm>>) target(%arg8 : memref<40x128xi32, #tpu.memory_space<vmem>>) target_semaphore(%run_scoped3A : memref<!tpu.dma_semaphore, #tpu.memory_space<semaphore_mem>>)
      %dma_wait3A = arith.constant 0 : i32
      %dma_wait3A_36 = arith.constant 0 : i32
      %dma_wait3A_37 = tpu.memref_slice %arg4[%add3A, %dma_wait3A, %dma_wait3A_36] : memref<32x40x128xi32, #tpu.memory_space<hbm>> -> memref<1x40x128xi32, #tpu.memory_space<hbm>>
      %dma_wait3A_38 = tpu.memref_squeeze %dma_wait3A_37 : memref<1x40x128xi32, #tpu.memory_space<hbm>> -> memref<40x128xi32, #tpu.memory_space<hbm>>
      %dma_wait3A_39 = arith.constant 0 : i32
      %dma_wait3A_40 = arith.constant 0 : i32
      %dma_wait3A_41 = tpu.memref_slice %arg4[%add3A, %dma_wait3A_39, %dma_wait3A_40] : memref<32x40x128xi32, #tpu.memory_space<hbm>> -> memref<1x40x128xi32, #tpu.memory_space<hbm>>
      %dma_wait3A_42 = tpu.memref_squeeze %dma_wait3A_41 : memref<1x40x128xi32, #tpu.memory_space<hbm>> -> memref<40x128xi32, #tpu.memory_space<hbm>>
      tpu.wait_dma2 semaphore(%run_scoped3A : memref<!tpu.dma_semaphore, #tpu.memory_space<semaphore_mem>>) src(%dma_wait3A_42 : memref<40x128xi32, #tpu.memory_space<hbm>>) dst(%arg8 : memref<40x128xi32, #tpu.memory_space<vmem>>)
      tpu.yield
    }) : () -> ()
    %mul3A_1 = arith.constant 640 : i32
    %mul3A_2 = arith.muli %arg1, %mul3A_1 : i32
    "tpu.region"() ({
      %run_scoped3A = tpu.sem_alloc : memref<!tpu.dma_semaphore, #tpu.memory_space<semaphore_mem>>
      tpu.enqueue_dma source(%arg5 : memref<128x128xf32, #tpu.memory_space<hbm>>) target(%arg9 : memref<128x128xf32, #tpu.memory_space<vmem>>) target_semaphore(%run_scoped3A : memref<!tpu.dma_semaphore, #tpu.memory_space<semaphore_mem>>)
      tpu.wait_dma2 semaphore(%run_scoped3A : memref<!tpu.dma_semaphore, #tpu.memory_space<semaphore_mem>>) src(%arg5 : memref<128x128xf32, #tpu.memory_space<hbm>>) dst(%arg9 : memref<128x128xf32, #tpu.memory_space<vmem>>)
      tpu.yield
    }) : () -> ()
    %scan3A = arith.constant 0 : i32
    %scan3A_3 = arith.constant 0 : i32
    %scan3A_4 = arith.constant 5 : i32
    %scan3A_5 = arith.addi %scan3A_3, %scan3A_4 : i32
    %scan3A_6 = arith.constant 1 : i32
    scf.for %scan3A_28 = %scan3A_3 to %scan3A_5 step %scan3A_6  : i32 {
      %mul3A_29 = arith.constant 128 : i32
      %mul3A_30 = arith.muli %scan3A_28, %mul3A_29 : i32
      %add3A_31 = arith.addi %mul3A_2, %mul3A_30 : i32
      "tpu.region"() ({
        %run_scoped3A = tpu.sem_alloc : memref<!tpu.dma_semaphore, #tpu.memory_space<semaphore_mem>>
        %dma_start3A_32 = arith.constant 0 : i32
        %dma_start3A_33 = tpu.memref_slice %arg11[%add3A_31, %dma_start3A_32] : memref<10240x128xf32, #tpu.memory_space<vmem_shared>> -> memref<128x128xf32, #tpu.memory_space<vmem_shared>>
        %dma_start3A_34 = arith.constant 0 : i32
        %dma_start3A_35 = tpu.memref_slice %arg11[%add3A_31, %dma_start3A_34] : memref<10240x128xf32, #tpu.memory_space<vmem_shared>> -> memref<128x128xf32, #tpu.memory_space<vmem_shared>>
        tpu.enqueue_dma source(%arg9 : memref<128x128xf32, #tpu.memory_space<vmem>>) target(%dma_start3A_35 : memref<128x128xf32, #tpu.memory_space<vmem_shared>>) target_semaphore(%run_scoped3A : memref<!tpu.dma_semaphore, #tpu.memory_space<semaphore_mem>>)
        %dma_wait3A = arith.constant 0 : i32
        %dma_wait3A_36 = tpu.memref_slice %arg11[%add3A_31, %dma_wait3A] : memref<10240x128xf32, #tpu.memory_space<vmem_shared>> -> memref<128x128xf32, #tpu.memory_space<vmem_shared>>
        %dma_wait3A_37 = arith.constant 0 : i32
        %dma_wait3A_38 = tpu.memref_slice %arg11[%add3A_31, %dma_wait3A_37] : memref<10240x128xf32, #tpu.memory_space<vmem_shared>> -> memref<128x128xf32, #tpu.memory_space<vmem_shared>>
        tpu.wait_dma2 semaphore(%run_scoped3A : memref<!tpu.dma_semaphore, #tpu.memory_space<semaphore_mem>>) src(%arg9 : memref<128x128xf32, #tpu.memory_space<vmem>>) dst(%dma_wait3A_38 : memref<128x128xf32, #tpu.memory_space<vmem_shared>>)
        tpu.yield
      }) : () -> ()
    }
    %scan3A_7 = arith.constant 5 : i32
    %barrier3A = arith.constant 0 : index
    tpu.barrier barrier_id(%barrier3A)
    %dma_start3A = arith.constant 0 : i32
    %dma_start3A_8 = arith.constant 0 : i32
    %dma_start3A_9 = tpu.memref_slice %arg7[%dma_start3A, %dma_start3A_8] : memref<40x128xi32, #tpu.memory_space<vmem>> -> memref<1x128xi32, #tpu.memory_space<vmem>>
    %dma_start3A_10 = tpu.memref_squeeze %dma_start3A_9 : memref<1x128xi32, #tpu.memory_space<vmem>> -> memref<128xi32, #tpu.memory_space<vmem>>
    %dma_start3A_11 = arith.constant 0 : i32
    %dma_start3A_12 = arith.constant 0 : i32
    %dma_start3A_13 = tpu.memref_slice %arg2[%dma_start3A_11, %dma_start3A_12] : memref<10240x128xf32, #tpu.memory_space<hbm>> -> memref<10240x128xf32, #tpu.memory_space<hbm>>
    tpu.enqueue_indirect_dma source(%dma_start3A_13 : memref<10240x128xf32, #tpu.memory_space<hbm>>) target(%arg9 : memref<128x128xf32, #tpu.memory_space<vmem>>) offsets(%dma_start3A_10 : memref<128xi32, #tpu.memory_space<vmem>>) semaphore(%arg12 : memref<!tpu.dma_semaphore, #tpu.memory_space<semaphore_mem>>)
    %dma_start3A_14 = arith.constant 1 : i32
    %dma_start3A_15 = arith.constant 0 : i32
    %dma_start3A_16 = tpu.memref_slice %arg7[%dma_start3A_14, %dma_start3A_15] : memref<40x128xi32, #tpu.memory_space<vmem>> -> memref<1x128xi32, #tpu.memory_space<vmem>>
    %dma_start3A_17 = tpu.memref_squeeze %dma_start3A_16 : memref<1x128xi32, #tpu.memory_space<vmem>> -> memref<128xi32, #tpu.memory_space<vmem>>
    %dma_start3A_18 = arith.constant 0 : i32
    %dma_start3A_19 = arith.constant 0 : i32
    %dma_start3A_20 = tpu.memref_slice %arg2[%dma_start3A_18, %dma_start3A_19] : memref<10240x128xf32, #tpu.memory_space<hbm>> -> memref<10240x128xf32, #tpu.memory_space<hbm>>
    tpu.enqueue_indirect_dma source(%dma_start3A_20 : memref<10240x128xf32, #tpu.memory_space<hbm>>) target(%arg10 : memref<128x128xf32, #tpu.memory_space<vmem>>) offsets(%dma_start3A_17 : memref<128xi32, #tpu.memory_space<vmem>>) semaphore(%arg13 : memref<!tpu.dma_semaphore, #tpu.memory_space<semaphore_mem>>)
    %scan3A_21 = arith.constant 0 : i32
    %scan3A_22 = arith.constant 0 : i32
    %scan3A_23 = arith.constant 20 : i32
    %scan3A_24 = arith.addi %scan3A_22, %scan3A_23 : i32
    %scan3A_25 = arith.constant 1 : i32
    scf.for %scan3A_28 = %scan3A_22 to %scan3A_24 step %scan3A_25  : i32 {
      %mul3A_29 = arith.constant 2 : i32
      %mul3A_30 = arith.muli %mul3A_29, %scan3A_28 : i32
      %add3A_31 = arith.constant 0 : i32
      %add3A_32 = arith.addi %mul3A_30, %add3A_31 : i32
      %dma_wait3A = arith.constant 0 : i32
      %dma_wait3A_33 = tpu.memref_slice %arg7[%add3A_32, %dma_wait3A] : memref<40x128xi32, #tpu.memory_space<vmem>> -> memref<1x128xi32, #tpu.memory_space<vmem>>
      %dma_wait3A_34 = tpu.memref_squeeze %dma_wait3A_33 : memref<1x128xi32, #tpu.memory_space<vmem>> -> memref<128xi32, #tpu.memory_space<vmem>>
      %dma_wait3A_35 = arith.constant 0 : i32
      %dma_wait3A_36 = arith.constant 0 : i32
      %dma_wait3A_37 = tpu.memref_slice %arg2[%dma_wait3A_35, %dma_wait3A_36] : memref<10240x128xf32, #tpu.memory_space<hbm>> -> memref<10240x128xf32, #tpu.memory_space<hbm>>
      tpu.wait_indirect_dma semaphore(%arg12 : memref<!tpu.dma_semaphore, #tpu.memory_space<semaphore_mem>>) src(%dma_wait3A_37 : memref<10240x128xf32, #tpu.memory_space<hbm>>) dst(%arg9 : memref<128x128xf32, #tpu.memory_space<vmem>>)
      "tpu.region"() ({
        %run_scoped3A = tpu.sem_alloc : memref<!tpu.dma_semaphore, #tpu.memory_space<semaphore_mem>>
        %dma_start3A_59 = arith.constant 0 : i32
        %dma_start3A_60 = tpu.memref_slice %arg8[%add3A_32, %dma_start3A_59] : memref<40x128xi32, #tpu.memory_space<vmem>> -> memref<1x128xi32, #tpu.memory_space<vmem>>
        %dma_start3A_61 = tpu.memref_squeeze %dma_start3A_60 : memref<1x128xi32, #tpu.memory_space<vmem>> -> memref<128xi32, #tpu.memory_space<vmem>>
        %dma_start3A_62 = arith.constant 0 : i32
        %dma_start3A_63 = arith.constant 0 : i32
        %dma_start3A_64 = tpu.memref_slice %arg11[%dma_start3A_62, %dma_start3A_63] : memref<10240x128xf32, #tpu.memory_space<vmem_shared>> -> memref<10240x128xf32, #tpu.memory_space<vmem_shared>>
        tpu.enqueue_indirect_dma source(%arg9 : memref<128x128xf32, #tpu.memory_space<vmem>>) target(%dma_start3A_64 : memref<10240x128xf32, #tpu.memory_space<vmem_shared>>) offsets(%dma_start3A_61 : memref<128xi32, #tpu.memory_space<vmem>>) semaphore(%run_scoped3A : memref<!tpu.dma_semaphore, #tpu.memory_space<semaphore_mem>>) {add = true}
        %dma_wait3A_65 = arith.constant 0 : i32
        %dma_wait3A_66 = tpu.memref_slice %arg8[%add3A_32, %dma_wait3A_65] : memref<40x128xi32, #tpu.memory_space<vmem>> -> memref<1x128xi32, #tpu.memory_space<vmem>>
        %dma_wait3A_67 = tpu.memref_squeeze %dma_wait3A_66 : memref<1x128xi32, #tpu.memory_space<vmem>> -> memref<128xi32, #tpu.memory_space<vmem>>
        %dma_wait3A_68 = arith.constant 0 : i32
        %dma_wait3A_69 = arith.constant 0 : i32
        %dma_wait3A_70 = tpu.memref_slice %arg11[%dma_wait3A_68, %dma_wait3A_69] : memref<10240x128xf32, #tpu.memory_space<vmem_shared>> -> memref<10240x128xf32, #tpu.memory_space<vmem_shared>>
        tpu.wait_indirect_dma semaphore(%run_scoped3A : memref<!tpu.dma_semaphore, #tpu.memory_space<semaphore_mem>>) src(%arg9 : memref<128x128xf32, #tpu.memory_space<vmem>>) dst(%dma_wait3A_70 : memref<10240x128xf32, #tpu.memory_space<vmem_shared>>)
        tpu.yield
      }) : () -> ()
      %add3A_38 = arith.constant 2 : i32
      %add3A_39 = arith.addi %add3A_32, %add3A_38 : i32
      %lt3A = arith.constant 40 : i32
      %lt3A_40 = arith.cmpi slt, %add3A_39, %lt3A : i32
      %convert_element_type3A = arith.extui %lt3A_40 : i1 to i32
      %cond3A = arith.constant 0 : i32
      %cond3A_41 = arith.cmpi ne, %convert_element_type3A, %cond3A : i32
      scf.if %cond3A_41 {
        %add3A_59 = arith.constant 2 : i32
        %add3A_60 = arith.addi %add3A_32, %add3A_59 : i32
        %dma_start3A_61 = arith.constant 0 : i32
        %dma_start3A_62 = tpu.memref_slice %arg7[%add3A_60, %dma_start3A_61] : memref<40x128xi32, #tpu.memory_space<vmem>> -> memref<1x128xi32, #tpu.memory_space<vmem>>
        %dma_start3A_63 = tpu.memref_squeeze %dma_start3A_62 : memref<1x128xi32, #tpu.memory_space<vmem>> -> memref<128xi32, #tpu.memory_space<vmem>>
        %dma_start3A_64 = arith.constant 0 : i32
        %dma_start3A_65 = arith.constant 0 : i32
        %dma_start3A_66 = tpu.memref_slice %arg2[%dma_start3A_64, %dma_start3A_65] : memref<10240x128xf32, #tpu.memory_space<hbm>> -> memref<10240x128xf32, #tpu.memory_space<hbm>>
        tpu.enqueue_indirect_dma source(%dma_start3A_66 : memref<10240x128xf32, #tpu.memory_space<hbm>>) target(%arg9 : memref<128x128xf32, #tpu.memory_space<vmem>>) offsets(%dma_start3A_63 : memref<128xi32, #tpu.memory_space<vmem>>) semaphore(%arg12 : memref<!tpu.dma_semaphore, #tpu.memory_space<semaphore_mem>>)
      } else {
      }
      %mul3A_42 = arith.constant 2 : i32
      %mul3A_43 = arith.muli %mul3A_42, %scan3A_28 : i32
      %add3A_44 = arith.constant 1 : i32
      %add3A_45 = arith.addi %mul3A_43, %add3A_44 : i32
      %dma_wait3A_46 = arith.constant 0 : i32
      %dma_wait3A_47 = tpu.memref_slice %arg7[%add3A_45, %dma_wait3A_46] : memref<40x128xi32, #tpu.memory_space<vmem>> -> memref<1x128xi32, #tpu.memory_space<vmem>>
      %dma_wait3A_48 = tpu.memref_squeeze %dma_wait3A_47 : memref<1x128xi32, #tpu.memory_space<vmem>> -> memref<128xi32, #tpu.memory_space<vmem>>
      %dma_wait3A_49 = arith.constant 0 : i32
      %dma_wait3A_50 = arith.constant 0 : i32
      %dma_wait3A_51 = tpu.memref_slice %arg2[%dma_wait3A_49, %dma_wait3A_50] : memref<10240x128xf32, #tpu.memory_space<hbm>> -> memref<10240x128xf32, #tpu.memory_space<hbm>>
      tpu.wait_indirect_dma semaphore(%arg13 : memref<!tpu.dma_semaphore, #tpu.memory_space<semaphore_mem>>) src(%dma_wait3A_51 : memref<10240x128xf32, #tpu.memory_space<hbm>>) dst(%arg10 : memref<128x128xf32, #tpu.memory_space<vmem>>)
      "tpu.region"() ({
        %run_scoped3A = tpu.sem_alloc : memref<!tpu.dma_semaphore, #tpu.memory_space<semaphore_mem>>
        %dma_start3A_59 = arith.constant 0 : i32
        %dma_start3A_60 = tpu.memref_slice %arg8[%add3A_45, %dma_start3A_59] : memref<40x128xi32, #tpu.memory_space<vmem>> -> memref<1x128xi32, #tpu.memory_space<vmem>>
        %dma_start3A_61 = tpu.memref_squeeze %dma_start3A_60 : memref<1x128xi32, #tpu.memory_space<vmem>> -> memref<128xi32, #tpu.memory_space<vmem>>
        %dma_start3A_62 = arith.constant 0 : i32
        %dma_start3A_63 = arith.constant 0 : i32
        %dma_start3A_64 = tpu.memref_slice %arg11[%dma_start3A_62, %dma_start3A_63] : memref<10240x128xf32, #tpu.memory_space<vmem_shared>> -> memref<10240x128xf32, #tpu.memory_space<vmem_shared>>
        tpu.enqueue_indirect_dma source(%arg10 : memref<128x128xf32, #tpu.memory_space<vmem>>) target(%dma_start3A_64 : memref<10240x128xf32, #tpu.memory_space<vmem_shared>>) offsets(%dma_start3A_61 : memref<128xi32, #tpu.memory_space<vmem>>) semaphore(%run_scoped3A : memref<!tpu.dma_semaphore, #tpu.memory_space<semaphore_mem>>) {add = true}
        %dma_wait3A_65 = arith.constant 0 : i32
        %dma_wait3A_66 = tpu.memref_slice %arg8[%add3A_45, %dma_wait3A_65] : memref<40x128xi32, #tpu.memory_space<vmem>> -> memref<1x128xi32, #tpu.memory_space<vmem>>
        %dma_wait3A_67 = tpu.memref_squeeze %dma_wait3A_66 : memref<1x128xi32, #tpu.memory_space<vmem>> -> memref<128xi32, #tpu.memory_space<vmem>>
        %dma_wait3A_68 = arith.constant 0 : i32
        %dma_wait3A_69 = arith.constant 0 : i32
        %dma_wait3A_70 = tpu.memref_slice %arg11[%dma_wait3A_68, %dma_wait3A_69] : memref<10240x128xf32, #tpu.memory_space<vmem_shared>> -> memref<10240x128xf32, #tpu.memory_space<vmem_shared>>
        tpu.wait_indirect_dma semaphore(%run_scoped3A : memref<!tpu.dma_semaphore, #tpu.memory_space<semaphore_mem>>) src(%arg10 : memref<128x128xf32, #tpu.memory_space<vmem>>) dst(%dma_wait3A_70 : memref<10240x128xf32, #tpu.memory_space<vmem_shared>>)
        tpu.yield
      }) : () -> ()
      %add3A_52 = arith.constant 2 : i32
      %add3A_53 = arith.addi %add3A_45, %add3A_52 : i32
      %lt3A_54 = arith.constant 40 : i32
      %lt3A_55 = arith.cmpi slt, %add3A_53, %lt3A_54 : i32
      %convert_element_type3A_56 = arith.extui %lt3A_55 : i1 to i32
      %cond3A_57 = arith.constant 0 : i32
      %cond3A_58 = arith.cmpi ne, %convert_element_type3A_56, %cond3A_57 : i32
      scf.if %cond3A_58 {
        %add3A_59 = arith.constant 2 : i32
        %add3A_60 = arith.addi %add3A_45, %add3A_59 : i32
        %dma_start3A_61 = arith.constant 0 : i32
        %dma_start3A_62 = tpu.memref_slice %arg7[%add3A_60, %dma_start3A_61] : memref<40x128xi32, #tpu.memory_space<vmem>> -> memref<1x128xi32, #tpu.memory_space<vmem>>
        %dma_start3A_63 = tpu.memref_squeeze %dma_start3A_62 : memref<1x128xi32, #tpu.memory_space<vmem>> -> memref<128xi32, #tpu.memory_space<vmem>>
        %dma_start3A_64 = arith.constant 0 : i32
        %dma_start3A_65 = arith.constant 0 : i32
        %dma_start3A_66 = tpu.memref_slice %arg2[%dma_start3A_64, %dma_start3A_65] : memref<10240x128xf32, #tpu.memory_space<hbm>> -> memref<10240x128xf32, #tpu.memory_space<hbm>>
        tpu.enqueue_indirect_dma source(%dma_start3A_66 : memref<10240x128xf32, #tpu.memory_space<hbm>>) target(%arg10 : memref<128x128xf32, #tpu.memory_space<vmem>>) offsets(%dma_start3A_63 : memref<128xi32, #tpu.memory_space<vmem>>) semaphore(%arg13 : memref<!tpu.dma_semaphore, #tpu.memory_space<semaphore_mem>>)
      } else {
      }
    }
    %scan3A_26 = arith.constant 20 : i32
    %barrier3A_27 = arith.constant 0 : index
    tpu.barrier barrier_id(%barrier3A_27)
    "tpu.region"() ({
      %run_scoped3A = tpu.sem_alloc : memref<!tpu.dma_semaphore, #tpu.memory_space<semaphore_mem>>
      %dma_start3A_28 = arith.constant 0 : i32
      %dma_start3A_29 = arith.constant 0 : i32
      %dma_start3A_30 = tpu.memref_slice %arg6[%arg0, %dma_start3A_28, %dma_start3A_29] : memref<2x10240x128xf32, #tpu.memory_space<hbm>> -> memref<1x10240x128xf32, #tpu.memory_space<hbm>>
      %dma_start3A_31 = tpu.memref_squeeze %dma_start3A_30 : memref<1x10240x128xf32, #tpu.memory_space<hbm>> -> memref<10240x128xf32, #tpu.memory_space<hbm>>
      %dma_start3A_32 = arith.constant 0 : i32
      %dma_start3A_33 = tpu.memref_slice %dma_start3A_31[%mul3A_2, %dma_start3A_32] : memref<10240x128xf32, #tpu.memory_space<hbm>> -> memref<640x128xf32, #tpu.memory_space<hbm>>
      %dma_start3A_34 = arith.constant 0 : i32
      %dma_start3A_35 = tpu.memref_slice %arg11[%mul3A_2, %dma_start3A_34] : memref<10240x128xf32, #tpu.memory_space<vmem_shared>> -> memref<640x128xf32, #tpu.memory_space<vmem_shared>>
      tpu.enqueue_dma source(%dma_start3A_35 : memref<640x128xf32, #tpu.memory_space<vmem_shared>>) target(%dma_start3A_33 : memref<640x128xf32, #tpu.memory_space<hbm>>) target_semaphore(%run_scoped3A : memref<!tpu.dma_semaphore, #tpu.memory_space<semaphore_mem>>)
      %dma_wait3A = arith.constant 0 : i32
      %dma_wait3A_36 = arith.constant 0 : i32
      %dma_wait3A_37 = tpu.memref_slice %arg6[%arg0, %dma_wait3A, %dma_wait3A_36] : memref<2x10240x128xf32, #tpu.memory_space<hbm>> -> memref<1x10240x128xf32, #tpu.memory_space<hbm>>
      %dma_wait3A_38 = tpu.memref_squeeze %dma_wait3A_37 : memref<1x10240x128xf32, #tpu.memory_space<hbm>> -> memref<10240x128xf32, #tpu.memory_space<hbm>>
      %dma_wait3A_39 = arith.constant 0 : i32
      %dma_wait3A_40 = tpu.memref_slice %dma_wait3A_38[%mul3A_2, %dma_wait3A_39] : memref<10240x128xf32, #tpu.memory_space<hbm>> -> memref<640x128xf32, #tpu.memory_space<hbm>>
      %dma_wait3A_41 = arith.constant 0 : i32
      %dma_wait3A_42 = tpu.memref_slice %arg11[%mul3A_2, %dma_wait3A_41] : memref<10240x128xf32, #tpu.memory_space<vmem_shared>> -> memref<640x128xf32, #tpu.memory_space<vmem_shared>>
      tpu.wait_dma2 semaphore(%run_scoped3A : memref<!tpu.dma_semaphore, #tpu.memory_space<semaphore_mem>>) src(%dma_wait3A_42 : memref<640x128xf32, #tpu.memory_space<vmem_shared>>) dst(%dma_wait3A_40 : memref<640x128xf32, #tpu.memory_space<hbm>>)
      tpu.yield
    }) : () -> ()
    return
  }
}

module attributes {stable_mosaic.version = 14 : i64} {
  func.func @body(%arg0: i32, %arg1: i32, %arg2: memref<256x128xf32, #tpu.memory_space<vmem>>, %arg3: memref<2x256x128xf32, #tpu.memory_space<vmem>>, %arg4: memref<1x256x128xf32, #tpu.memory_space<vmem>>, %arg5: memref<256x1xf32, #tpu.memory_space<vmem>>, %arg6: memref<256x1xf32, #tpu.memory_space<vmem>>) attributes {dimension_semantics = [#tpu.dimension_semantics<arbitrary>, #tpu.dimension_semantics<arbitrary>], iteration_bounds = array<i64: 40, 2>, scalar_prefetch = 0 : i64, scratch_operands = 0 : i64, tpu.core_type = #tpu.core_type<tc>, window_params = [{transform_indices = @transform_0, window_bounds = array<i64: 256, 128>}, {transform_indices = @transform_1, window_bounds = array<i64: 2, 256, 128>}, {transform_indices = @transform_2, window_bounds = array<i64: 1, 256, 128>}, {transform_indices = @transform_3, window_bounds = array<i64: 256, 1>}, {transform_indices = @transform_4, window_bounds = array<i64: 256, 1>}]} {
    %get3A = arith.constant 0 : index
    %get3A_0 = arith.constant 0 : index
    %get3A_1 = arith.constant 0 : index
    %get3A_2 = vector.load %arg3[%get3A, %get3A_0, %get3A_1] : memref<2x256x128xf32, #tpu.memory_space<vmem>>, vector<1x256x1xf32>
    %get3A_3 = vector.shape_cast %get3A_2 : vector<1x256x1xf32> to vector<256xf32>
    %get3A_4 = arith.constant 1 : index
    %get3A_5 = arith.constant 0 : index
    %get3A_6 = arith.constant 0 : index
    %get3A_7 = vector.load %arg3[%get3A_4, %get3A_5, %get3A_6] : memref<2x256x128xf32, #tpu.memory_space<vmem>>, vector<1x256x1xf32>
    %get3A_8 = vector.shape_cast %get3A_7 : vector<1x256x1xf32> to vector<256xf32>
    %add3A = arith.addf %get3A_3, %get3A_8 : vector<256xf32>
    %get3A_9 = arith.constant 0 : index
    %get3A_10 = arith.constant 0 : index
    %get3A_11 = arith.constant 1 : index
    %get3A_12 = vector.load %arg3[%get3A_9, %get3A_10, %get3A_11] : memref<2x256x128xf32, #tpu.memory_space<vmem>>, vector<1x256x1xf32>
    %get3A_13 = vector.shape_cast %get3A_12 : vector<1x256x1xf32> to vector<256xf32>
    %get3A_14 = arith.constant 1 : index
    %get3A_15 = arith.constant 0 : index
    %get3A_16 = arith.constant 1 : index
    %get3A_17 = vector.load %arg3[%get3A_14, %get3A_15, %get3A_16] : memref<2x256x128xf32, #tpu.memory_space<vmem>>, vector<1x256x1xf32>
    %get3A_18 = vector.shape_cast %get3A_17 : vector<1x256x1xf32> to vector<256xf32>
    %add3A_19 = arith.addf %get3A_13, %get3A_18 : vector<256xf32>
    %max3A = arith.constant 1.000000e+00 : f32
    %max3A_20 = vector.broadcast %max3A : f32 to vector<256xf32>
    %max3A_21 = arith.maximumf %add3A, %max3A_20 : vector<256xf32>
    %rsqrt3A = math.rsqrt %max3A_21 : vector<256xf32>
    %max3A_22 = arith.constant 1.000000e+00 : f32
    %max3A_23 = vector.broadcast %max3A_22 : f32 to vector<256xf32>
    %max3A_24 = arith.maximumf %add3A_19, %max3A_23 : vector<256xf32>
    %rsqrt3A_25 = math.rsqrt %max3A_24 : vector<256xf32>
    %broadcast_in_dim3A = vector.shape_cast %rsqrt3A : vector<256xf32> to vector<256x1xf32>
    %swap3A = arith.constant 0 : index
    %swap3A_26 = arith.constant 0 : index
    %swap3A_27 = vector.load %arg5[%swap3A, %swap3A_26] : memref<256x1xf32, #tpu.memory_space<vmem>>, vector<256x1xf32>
    tpu.vector_store %arg5[%swap3A, %swap3A_26], %broadcast_in_dim3A {strides = array<i32>} : memref<256x1xf32, #tpu.memory_space<vmem>>, vector<256x1xf32>,
    %broadcast_in_dim3A_28 = vector.shape_cast %rsqrt3A_25 : vector<256xf32> to vector<256x1xf32>
    %swap3A_29 = arith.constant 0 : index
    %swap3A_30 = arith.constant 0 : index
    %swap3A_31 = vector.load %arg6[%swap3A_29, %swap3A_30] : memref<256x1xf32, #tpu.memory_space<vmem>>, vector<256x1xf32>
    tpu.vector_store %arg6[%swap3A_29, %swap3A_30], %broadcast_in_dim3A_28 {strides = array<i32>} : memref<256x1xf32, #tpu.memory_space<vmem>>, vector<256x1xf32>,
    %get3A_32 = arith.constant 0 : index
    %get3A_33 = arith.constant 0 : index
    %get3A_34 = vector.load %arg2[%get3A_32, %get3A_33] : memref<256x128xf32, #tpu.memory_space<vmem>>, vector<256x128xf32>
    %broadcast_in_dim3A_35 = vector.shape_cast %rsqrt3A : vector<256xf32> to vector<256x1xf32>
    %mul3A = vector.broadcast %broadcast_in_dim3A_35 : vector<256x1xf32> to vector<256x128xf32>
    %mul3A_36 = arith.mulf %get3A_34, %mul3A : vector<256x128xf32>
    %swap3A_37 = arith.constant 0 : index
    %swap3A_38 = arith.constant 0 : index
    %swap3A_39 = arith.constant 0 : index
    %swap3A_40 = vector.load %arg4[%swap3A_37, %swap3A_38, %swap3A_39] : memref<1x256x128xf32, #tpu.memory_space<vmem>>, vector<1x256x128xf32>
    %swap3A_41 = vector.shape_cast %swap3A_40 : vector<1x256x128xf32> to vector<256x128xf32>
    %swap3A_42 = vector.shape_cast %mul3A_36 : vector<256x128xf32> to vector<1x256x128xf32>
    tpu.vector_store %arg4[%swap3A_37, %swap3A_38, %swap3A_39], %swap3A_42 {strides = array<i32>} : memref<1x256x128xf32, #tpu.memory_space<vmem>>, vector<1x256x128xf32>,
    return
  }
  func.func @transform_0(%arg0: i32, %arg1: i32) -> (i32, i32) {
    %c0_i32 = arith.constant 0 : i32
    return %arg0, %arg1 : i32, i32
  }
  func.func @transform_1(%arg0: i32, %arg1: i32) -> (i32, i32, i32) {
    %c0_i32 = arith.constant 0 : i32
    %c0_i32_0 = arith.constant 0 : i32
    %c0_i32_1 = arith.constant 0 : i32
    return %c0_i32, %arg0, %c0_i32_0 : i32, i32, i32
  }
  func.func @transform_2(%arg0: i32, %arg1: i32) -> (i32, i32, i32) {
    %c0_i32 = arith.constant 0 : i32
    %c0_i32_0 = arith.constant 0 : i32
    return %arg1, %arg0, %c0_i32 : i32, i32, i32
  }
  func.func @transform_3(%arg0: i32, %arg1: i32) -> (i32, i32) {
    %c0_i32 = arith.constant 0 : i32
    %c0_i32_0 = arith.constant 0 : i32
    return %arg0, %c0_i32 : i32, i32
  }
  func.func @transform_4(%arg0: i32, %arg1: i32) -> (i32, i32) {
    %c0_i32 = arith.constant 0 : i32
    %c0_i32_0 = arith.constant 0 : i32
    return %arg0, %c0_i32 : i32, i32
  }
}

module attributes {stable_mosaic.version = 14 : i64} {
  func.func @body(%arg0: i32, %arg1: i32, %arg2: memref<2x256x128xf32, #tpu.memory_space<vmem>>, %arg3: memref<256x1xf32, #tpu.memory_space<vmem>>, %arg4: memref<256x1xf32, #tpu.memory_space<vmem>>, %arg5: memref<256x128xf32, #tpu.memory_space<vmem>>, %arg6: memref<1x1x128xf32, #tpu.memory_space<vmem>>, %arg7: memref<1x256x128xf32, #tpu.memory_space<vmem>>) attributes {dimension_semantics = [#tpu.dimension_semantics<arbitrary>, #tpu.dimension_semantics<arbitrary>], iteration_bounds = array<i64: 40, 4>, scalar_prefetch = 0 : i64, scratch_operands = 0 : i64, tpu.core_type = #tpu.core_type<tc>, window_params = [{transform_indices = @transform_0, window_bounds = array<i64: 2, 256, 128>}, {transform_indices = @transform_1, window_bounds = array<i64: 256, 1>}, {transform_indices = @transform_2, window_bounds = array<i64: 256, 1>}, {transform_indices = @transform_3, window_bounds = array<i64: 256, 128>}, {transform_indices = @transform_4, window_bounds = array<i64: 1, 1, 128>}, {transform_indices = @transform_5, window_bounds = array<i64: 1, 256, 128>}]} {
    %broadcast_in_dim3A = arith.constant 0.000000e+00 : f32
    %broadcast_in_dim3A_0 = vector.broadcast %broadcast_in_dim3A : f32 to vector<256x128xf32>
    %get3A = arith.constant 0 : index
    %get3A_1 = arith.constant 0 : index
    %get3A_2 = arith.constant 0 : index
    %get3A_3 = vector.load %arg2[%get3A, %get3A_1, %get3A_2] : memref<2x256x128xf32, #tpu.memory_space<vmem>>, vector<1x256x128xf32>
    %get3A_4 = vector.shape_cast %get3A_3 : vector<1x256x128xf32> to vector<256x128xf32>
    %get3A_5 = arith.constant 0 : index
    %get3A_6 = arith.constant 0 : index
    %get3A_7 = vector.load %arg5[%get3A_5, %get3A_6] : memref<256x128xf32, #tpu.memory_space<vmem>>, vector<128x128xf32>
    %dot_general3A = arith.constant dense<0.000000e+00> : vector<256x128xf32>
    %dot_general3A_8 = tpu.matmul %get3A_4, %get3A_7, %dot_general3A {dimension_numbers = #tpu.dot_dimension_numbers<[1], [0], [0], [1], [0, 0, 1, 1], [], []>, transpose_lhs_hint = false} : vector<256x128xf32>, vector<128x128xf32>, vector<256x128xf32> -> vector<256x128xf32>
    %add3A = arith.addf %broadcast_in_dim3A_0, %dot_general3A_8 : vector<256x128xf32>
    %get3A_9 = arith.constant 1 : index
    %get3A_10 = arith.constant 0 : index
    %get3A_11 = arith.constant 0 : index
    %get3A_12 = vector.load %arg2[%get3A_9, %get3A_10, %get3A_11] : memref<2x256x128xf32, #tpu.memory_space<vmem>>, vector<1x256x128xf32>
    %get3A_13 = vector.shape_cast %get3A_12 : vector<1x256x128xf32> to vector<256x128xf32>
    %get3A_14 = arith.constant 128 : index
    %get3A_15 = arith.constant 0 : index
    %get3A_16 = vector.load %arg5[%get3A_14, %get3A_15] : memref<256x128xf32, #tpu.memory_space<vmem>>, vector<128x128xf32>
    %dot_general3A_17 = arith.constant dense<0.000000e+00> : vector<256x128xf32>
    %dot_general3A_18 = tpu.matmul %get3A_13, %get3A_16, %dot_general3A_17 {dimension_numbers = #tpu.dot_dimension_numbers<[1], [0], [0], [1], [0, 0, 1, 1], [], []>, transpose_lhs_hint = false} : vector<256x128xf32>, vector<128x128xf32>, vector<256x128xf32> -> vector<256x128xf32>
    %add3A_19 = arith.addf %add3A, %dot_general3A_18 : vector<256x128xf32>
    %get3A_20 = arith.constant 0 : index
    %get3A_21 = arith.constant 0 : index
    %get3A_22 = vector.load %arg3[%get3A_20, %get3A_21] : memref<256x1xf32, #tpu.memory_space<vmem>>, vector<256x1xf32>
    %mul3A = vector.broadcast %get3A_22 : vector<256x1xf32> to vector<256x128xf32>
    %mul3A_23 = arith.mulf %add3A_19, %mul3A : vector<256x128xf32>
    %get3A_24 = arith.constant 0 : index
    %get3A_25 = arith.constant 0 : index
    %get3A_26 = arith.constant 0 : index
    %get3A_27 = vector.load %arg6[%get3A_24, %get3A_25, %get3A_26] : memref<1x1x128xf32, #tpu.memory_space<vmem>>, vector<1x1x128xf32>
    %get3A_28 = vector.shape_cast %get3A_27 : vector<1x1x128xf32> to vector<1x128xf32>
    %add3A_29 = vector.broadcast %get3A_28 : vector<1x128xf32> to vector<256x128xf32>
    %add3A_30 = arith.addf %mul3A_23, %add3A_29 : vector<256x128xf32>
    %max3A = arith.constant 0.000000e+00 : f32
    %max3A_31 = vector.broadcast %max3A : f32 to vector<256x128xf32>
    %max3A_32 = arith.maximumf %add3A_30, %max3A_31 : vector<256x128xf32>
    %get3A_33 = arith.constant 0 : index
    %get3A_34 = arith.constant 0 : index
    %get3A_35 = vector.load %arg4[%get3A_33, %get3A_34] : memref<256x1xf32, #tpu.memory_space<vmem>>, vector<256x1xf32>
    %mul3A_36 = vector.broadcast %get3A_35 : vector<256x1xf32> to vector<256x128xf32>
    %mul3A_37 = arith.mulf %max3A_32, %mul3A_36 : vector<256x128xf32>
    %swap3A = arith.constant 0 : index
    %swap3A_38 = arith.constant 0 : index
    %swap3A_39 = arith.constant 0 : index
    %swap3A_40 = vector.load %arg7[%swap3A, %swap3A_38, %swap3A_39] : memref<1x256x128xf32, #tpu.memory_space<vmem>>, vector<1x256x128xf32>
    %swap3A_41 = vector.shape_cast %swap3A_40 : vector<1x256x128xf32> to vector<256x128xf32>
    %swap3A_42 = vector.shape_cast %mul3A_37 : vector<256x128xf32> to vector<1x256x128xf32>
    tpu.vector_store %arg7[%swap3A, %swap3A_38, %swap3A_39], %swap3A_42 {strides = array<i32>} : memref<1x256x128xf32, #tpu.memory_space<vmem>>, vector<1x256x128xf32>,
    return
  }
  func.func @transform_0(%arg0: i32, %arg1: i32) -> (i32, i32, i32) {
    %c0_i32 = arith.constant 0 : i32
    %c0_i32_0 = arith.constant 0 : i32
    %c0_i32_1 = arith.constant 0 : i32
    return %c0_i32, %arg0, %c0_i32_0 : i32, i32, i32
  }
  func.func @transform_1(%arg0: i32, %arg1: i32) -> (i32, i32) {
    %c0_i32 = arith.constant 0 : i32
    %c0_i32_0 = arith.constant 0 : i32
    return %arg0, %c0_i32 : i32, i32
  }
  func.func @transform_2(%arg0: i32, %arg1: i32) -> (i32, i32) {
    %c0_i32 = arith.constant 0 : i32
    %c0_i32_0 = arith.constant 0 : i32
    return %arg0, %c0_i32 : i32, i32
  }
  func.func @transform_3(%arg0: i32, %arg1: i32) -> (i32, i32) {
    %c0_i32 = arith.constant 0 : i32
    %c0_i32_0 = arith.constant 0 : i32
    return %c0_i32, %arg1 : i32, i32
  }
  func.func @transform_4(%arg0: i32, %arg1: i32) -> (i32, i32, i32) {
    %c0_i32 = arith.constant 0 : i32
    %c0_i32_0 = arith.constant 0 : i32
    %c0_i32_1 = arith.constant 0 : i32
    return %arg1, %c0_i32, %c0_i32_0 : i32, i32, i32
  }
  func.func @transform_5(%arg0: i32, %arg1: i32) -> (i32, i32, i32) {
    %c0_i32 = arith.constant 0 : i32
    %c0_i32_0 = arith.constant 0 : i32
    return %arg1, %arg0, %c0_i32 : i32, i32, i32
  }
}

module attributes {stable_mosaic.version = 14 : i64} {
  func.func @body(%arg0: i32, %arg1: memref<4x256x128xf32, #tpu.memory_space<vmem>>, %arg2: memref<256x1xf32, #tpu.memory_space<vmem>>, %arg3: memref<256x1xf32, #tpu.memory_space<vmem>>, %arg4: memref<512x512xf32, #tpu.memory_space<vmem>>, %arg5: memref<1x512xf32, #tpu.memory_space<vmem>>, %arg6: memref<512x128xf32, #tpu.memory_space<vmem>>, %arg7: memref<256x128xf32, #tpu.memory_space<vmem>>) attributes {dimension_semantics = [#tpu.dimension_semantics<arbitrary>], iteration_bounds = array<i64: 40>, scalar_prefetch = 0 : i64, scratch_operands = 0 : i64, tpu.core_type = #tpu.core_type<tc>, window_params = [{transform_indices = @transform_0, window_bounds = array<i64: 4, 256, 128>}, {transform_indices = @transform_1, window_bounds = array<i64: 256, 1>}, {transform_indices = @transform_2, window_bounds = array<i64: 256, 1>}, {pipeline_mode = #tpu.pipeline_mode<synchronous>, transform_indices = @transform_3, window_bounds = array<i64: 512, 512>}, {pipeline_mode = #tpu.pipeline_mode<synchronous>, transform_indices = @transform_4, window_bounds = array<i64: 1, 512>}, {pipeline_mode = #tpu.pipeline_mode<synchronous>, transform_indices = @transform_5, window_bounds = array<i64: 512, 128>}, {transform_indices = @transform_6, window_bounds = array<i64: 256, 128>}]} {
    %broadcast_in_dim3A = arith.constant 0.000000e+00 : f32
    %broadcast_in_dim3A_0 = vector.broadcast %broadcast_in_dim3A : f32 to vector<256x512xf32>
    %get3A = arith.constant 0 : index
    %get3A_1 = arith.constant 0 : index
    %get3A_2 = arith.constant 0 : index
    %get3A_3 = vector.load %arg1[%get3A, %get3A_1, %get3A_2] : memref<4x256x128xf32, #tpu.memory_space<vmem>>, vector<1x256x128xf32>
    %get3A_4 = vector.shape_cast %get3A_3 : vector<1x256x128xf32> to vector<256x128xf32>
    %get3A_5 = arith.constant 0 : index
    %get3A_6 = arith.constant 0 : index
    %get3A_7 = vector.load %arg4[%get3A_5, %get3A_6] : memref<512x512xf32, #tpu.memory_space<vmem>>, vector<128x512xf32>
    %dot_general3A = arith.constant dense<0.000000e+00> : vector<256x512xf32>
    %dot_general3A_8 = tpu.matmul %get3A_4, %get3A_7, %dot_general3A {dimension_numbers = #tpu.dot_dimension_numbers<[1], [0], [0], [1], [0, 0, 1, 1], [], []>, transpose_lhs_hint = false} : vector<256x128xf32>, vector<128x512xf32>, vector<256x512xf32> -> vector<256x512xf32>
    %add3A = arith.addf %broadcast_in_dim3A_0, %dot_general3A_8 : vector<256x512xf32>
    %get3A_9 = arith.constant 1 : index
    %get3A_10 = arith.constant 0 : index
    %get3A_11 = arith.constant 0 : index
    %get3A_12 = vector.load %arg1[%get3A_9, %get3A_10, %get3A_11] : memref<4x256x128xf32, #tpu.memory_space<vmem>>, vector<1x256x128xf32>
    %get3A_13 = vector.shape_cast %get3A_12 : vector<1x256x128xf32> to vector<256x128xf32>
    %get3A_14 = arith.constant 128 : index
    %get3A_15 = arith.constant 0 : index
    %get3A_16 = vector.load %arg4[%get3A_14, %get3A_15] : memref<512x512xf32, #tpu.memory_space<vmem>>, vector<128x512xf32>
    %dot_general3A_17 = arith.constant dense<0.000000e+00> : vector<256x512xf32>
    %dot_general3A_18 = tpu.matmul %get3A_13, %get3A_16, %dot_general3A_17 {dimension_numbers = #tpu.dot_dimension_numbers<[1], [0], [0], [1], [0, 0, 1, 1], [], []>, transpose_lhs_hint = false} : vector<256x128xf32>, vector<128x512xf32>, vector<256x512xf32> -> vector<256x512xf32>
    %add3A_19 = arith.addf %add3A, %dot_general3A_18 : vector<256x512xf32>
    %get3A_20 = arith.constant 2 : index
    %get3A_21 = arith.constant 0 : index
    %get3A_22 = arith.constant 0 : index
    %get3A_23 = vector.load %arg1[%get3A_20, %get3A_21, %get3A_22] : memref<4x256x128xf32, #tpu.memory_space<vmem>>, vector<1x256x128xf32>
    %get3A_24 = vector.shape_cast %get3A_23 : vector<1x256x128xf32> to vector<256x128xf32>
    %get3A_25 = arith.constant 256 : index
    %get3A_26 = arith.constant 0 : index
    %get3A_27 = vector.load %arg4[%get3A_25, %get3A_26] : memref<512x512xf32, #tpu.memory_space<vmem>>, vector<128x512xf32>
    %dot_general3A_28 = arith.constant dense<0.000000e+00> : vector<256x512xf32>
    %dot_general3A_29 = tpu.matmul %get3A_24, %get3A_27, %dot_general3A_28 {dimension_numbers = #tpu.dot_dimension_numbers<[1], [0], [0], [1], [0, 0, 1, 1], [], []>, transpose_lhs_hint = false} : vector<256x128xf32>, vector<128x512xf32>, vector<256x512xf32> -> vector<256x512xf32>
    %add3A_30 = arith.addf %add3A_19, %dot_general3A_29 : vector<256x512xf32>
    %get3A_31 = arith.constant 3 : index
    %get3A_32 = arith.constant 0 : index
    %get3A_33 = arith.constant 0 : index
    %get3A_34 = vector.load %arg1[%get3A_31, %get3A_32, %get3A_33] : memref<4x256x128xf32, #tpu.memory_space<vmem>>, vector<1x256x128xf32>
    %get3A_35 = vector.shape_cast %get3A_34 : vector<1x256x128xf32> to vector<256x128xf32>
    %get3A_36 = arith.constant 384 : index
    %get3A_37 = arith.constant 0 : index
    %get3A_38 = vector.load %arg4[%get3A_36, %get3A_37] : memref<512x512xf32, #tpu.memory_space<vmem>>, vector<128x512xf32>
    %dot_general3A_39 = arith.constant dense<0.000000e+00> : vector<256x512xf32>
    %dot_general3A_40 = tpu.matmul %get3A_35, %get3A_38, %dot_general3A_39 {dimension_numbers = #tpu.dot_dimension_numbers<[1], [0], [0], [1], [0, 0, 1, 1], [], []>, transpose_lhs_hint = false} : vector<256x128xf32>, vector<128x512xf32>, vector<256x512xf32> -> vector<256x512xf32>
    %add3A_41 = arith.addf %add3A_30, %dot_general3A_40 : vector<256x512xf32>
    %get3A_42 = arith.constant 0 : index
    %get3A_43 = arith.constant 0 : index
    %get3A_44 = vector.load %arg2[%get3A_42, %get3A_43] : memref<256x1xf32, #tpu.memory_space<vmem>>, vector<256x1xf32>
    %mul3A = vector.broadcast %get3A_44 : vector<256x1xf32> to vector<256x512xf32>
    %mul3A_45 = arith.mulf %add3A_41, %mul3A : vector<256x512xf32>
    %get3A_46 = arith.constant 0 : index
    %get3A_47 = arith.constant 0 : index
    %get3A_48 = vector.load %arg5[%get3A_46, %get3A_47] : memref<1x512xf32, #tpu.memory_space<vmem>>, vector<1x512xf32>
    %add3A_49 = vector.broadcast %get3A_48 : vector<1x512xf32> to vector<256x512xf32>
    %add3A_50 = arith.addf %mul3A_45, %add3A_49 : vector<256x512xf32>
    %max3A = arith.constant 0.000000e+00 : f32
    %max3A_51 = vector.broadcast %max3A : f32 to vector<256x512xf32>
    %max3A_52 = arith.maximumf %add3A_50, %max3A_51 : vector<256x512xf32>
    %get3A_53 = arith.constant 0 : index
    %get3A_54 = arith.constant 0 : index
    %get3A_55 = vector.load %arg3[%get3A_53, %get3A_54] : memref<256x1xf32, #tpu.memory_space<vmem>>, vector<256x1xf32>
    %mul3A_56 = vector.broadcast %get3A_55 : vector<256x1xf32> to vector<256x512xf32>
    %mul3A_57 = arith.mulf %max3A_52, %mul3A_56 : vector<256x512xf32>
    %get3A_58 = arith.constant 0 : index
    %get3A_59 = arith.constant 0 : index
    %get3A_60 = vector.load %arg6[%get3A_58, %get3A_59] : memref<512x128xf32, #tpu.memory_space<vmem>>, vector<512x128xf32>
    %dot_general3A_61 = arith.constant dense<0.000000e+00> : vector<256x128xf32>
    %dot_general3A_62 = tpu.matmul %mul3A_57, %get3A_60, %dot_general3A_61 {dimension_numbers = #tpu.dot_dimension_numbers<[1], [0], [0], [1], [0, 0, 1, 1], [], []>, transpose_lhs_hint = false} : vector<256x512xf32>, vector<512x128xf32>, vector<256x128xf32> -> vector<256x128xf32>
    %swap3A = arith.constant 0 : index
    %swap3A_63 = arith.constant 0 : index
    %swap3A_64 = vector.load %arg7[%swap3A, %swap3A_63] : memref<256x128xf32, #tpu.memory_space<vmem>>, vector<256x128xf32>
    tpu.vector_store %arg7[%swap3A, %swap3A_63], %dot_general3A_62 {strides = array<i32>} : memref<256x128xf32, #tpu.memory_space<vmem>>, vector<256x128xf32>,
    return
  }
  func.func @transform_0(%arg0: i32) -> (i32, i32, i32) {
    %c0_i32 = arith.constant 0 : i32
    %c0_i32_0 = arith.constant 0 : i32
    %c0_i32_1 = arith.constant 0 : i32
    return %c0_i32, %arg0, %c0_i32_0 : i32, i32, i32
  }
  func.func @transform_1(%arg0: i32) -> (i32, i32) {
    %c0_i32 = arith.constant 0 : i32
    %c0_i32_0 = arith.constant 0 : i32
    return %arg0, %c0_i32 : i32, i32
  }
  func.func @transform_2(%arg0: i32) -> (i32, i32) {
    %c0_i32 = arith.constant 0 : i32
    %c0_i32_0 = arith.constant 0 : i32
    return %arg0, %c0_i32 : i32, i32
  }
  func.func @transform_3(%arg0: i32) -> (i32, i32) {
    %c0_i32 = arith.constant 0 : i32
    %c0_i32_0 = arith.constant 0 : i32
    %c0_i32_1 = arith.constant 0 : i32
    return %c0_i32, %c0_i32_0 : i32, i32
  }
  func.func @transform_4(%arg0: i32) -> (i32, i32) {
    %c0_i32 = arith.constant 0 : i32
    %c0_i32_0 = arith.constant 0 : i32
    %c0_i32_1 = arith.constant 0 : i32
    return %c0_i32, %c0_i32_0 : i32, i32
  }
  func.func @transform_5(%arg0: i32) -> (i32, i32) {
    %c0_i32 = arith.constant 0 : i32
    %c0_i32_0 = arith.constant 0 : i32
    %c0_i32_1 = arith.constant 0 : i32
    return %c0_i32, %c0_i32_0 : i32, i32
  }
  func.func @transform_6(%arg0: i32) -> (i32, i32) {
    %c0_i32 = arith.constant 0 : i32
    %c0_i32_0 = arith.constant 0 : i32
    return %arg0, %c0_i32 : i32, i32
  }
}

module attributes {stable_mosaic.version = 14 : i64} {
  func.func @body(%arg0: i32, %arg1: memref<2x256x128xf32, #tpu.memory_space<vmem>>, %arg2: memref<256x1xf32, #tpu.memory_space<vmem>>, %arg3: memref<1x64xf32, #tpu.memory_space<vmem>>, %arg4: memref<256x64xf32, #tpu.memory_space<vmem>>) attributes {dimension_semantics = [#tpu.dimension_semantics<arbitrary>], iteration_bounds = array<i64: 40>, scalar_prefetch = 0 : i64, scratch_operands = 0 : i64, tpu.core_type = #tpu.core_type<tc>, window_params = [{transform_indices = @transform_0, window_bounds = array<i64: 2, 256, 128>}, {transform_indices = @transform_1, window_bounds = array<i64: 256, 1>}, {pipeline_mode = #tpu.pipeline_mode<synchronous>, transform_indices = @transform_2, window_bounds = array<i64: 1, 64>}, {transform_indices = @transform_3, window_bounds = array<i64: 256, 64>}]} {
    %get3A = arith.constant 0 : index
    %get3A_0 = arith.constant 0 : index
    %get3A_1 = arith.constant 0 : index
    %get3A_2 = vector.load %arg1[%get3A, %get3A_0, %get3A_1] : memref<2x256x128xf32, #tpu.memory_space<vmem>>, vector<1x256x64xf32>
    %get3A_3 = vector.shape_cast %get3A_2 : vector<1x256x64xf32> to vector<256x64xf32>
    %get3A_4 = arith.constant 1 : index
    %get3A_5 = arith.constant 0 : index
    %get3A_6 = arith.constant 0 : index
    %get3A_7 = vector.load %arg1[%get3A_4, %get3A_5, %get3A_6] : memref<2x256x128xf32, #tpu.memory_space<vmem>>, vector<1x256x64xf32>
    %get3A_8 = vector.shape_cast %get3A_7 : vector<1x256x64xf32> to vector<256x64xf32>
    %add3A = arith.addf %get3A_3, %get3A_8 : vector<256x64xf32>
    %get3A_9 = arith.constant 0 : index
    %get3A_10 = arith.constant 0 : index
    %get3A_11 = vector.load %arg2[%get3A_9, %get3A_10] : memref<256x1xf32, #tpu.memory_space<vmem>>, vector<256x1xf32>
    %mul3A = vector.broadcast %get3A_11 : vector<256x1xf32> to vector<256x64xf32>
    %mul3A_12 = arith.mulf %add3A, %mul3A : vector<256x64xf32>
    %get3A_13 = arith.constant 0 : index
    %get3A_14 = arith.constant 0 : index
    %get3A_15 = vector.load %arg3[%get3A_13, %get3A_14] : memref<1x64xf32, #tpu.memory_space<vmem>>, vector<1x64xf32>
    %add3A_16 = vector.broadcast %get3A_15 : vector<1x64xf32> to vector<256x64xf32>
    %add3A_17 = arith.addf %mul3A_12, %add3A_16 : vector<256x64xf32>
    %reduce_max3A = arith.constant dense<0xFF800000> : vector<256xf32>
    %reduce_max3A_18 = vector.multi_reduction <maximumf>, %add3A_17, %reduce_max3A [1] : vector<256x64xf32> to vector<256xf32>
    %broadcast_in_dim3A = vector.shape_cast %reduce_max3A_18 : vector<256xf32> to vector<256x1xf32>
    %sub3A = vector.broadcast %broadcast_in_dim3A : vector<256x1xf32> to vector<256x64xf32>
    %sub3A_19 = arith.subf %add3A_17, %sub3A : vector<256x64xf32>
    %exp3A = math.exp %sub3A_19 : vector<256x64xf32>
    %reduce_sum3A = arith.constant dense<0.000000e+00> : vector<256xf32>
    %reduce_sum3A_20 = vector.multi_reduction <add>, %exp3A, %reduce_sum3A [1] : vector<256x64xf32> to vector<256xf32>
    %broadcast_in_dim3A_21 = vector.shape_cast %reduce_sum3A_20 : vector<256xf32> to vector<256x1xf32>
    %div3A = vector.broadcast %broadcast_in_dim3A_21 : vector<256x1xf32> to vector<256x64xf32>
    %div3A_22 = arith.divf %exp3A, %div3A : vector<256x64xf32>
    %swap3A = arith.constant 0 : index
    %swap3A_23 = arith.constant 0 : index
    %swap3A_24 = vector.load %arg4[%swap3A, %swap3A_23] : memref<256x64xf32, #tpu.memory_space<vmem>>, vector<256x64xf32>
    tpu.vector_store %arg4[%swap3A, %swap3A_23], %div3A_22 {strides = array<i32>} : memref<256x64xf32, #tpu.memory_space<vmem>>, vector<256x64xf32>,
    return
  }
  func.func @transform_0(%arg0: i32) -> (i32, i32, i32) {
    %c0_i32 = arith.constant 0 : i32
    %c0_i32_0 = arith.constant 0 : i32
    %c0_i32_1 = arith.constant 0 : i32
    return %c0_i32, %arg0, %c0_i32_0 : i32, i32, i32
  }
  func.func @transform_1(%arg0: i32) -> (i32, i32) {
    %c0_i32 = arith.constant 0 : i32
    %c0_i32_0 = arith.constant 0 : i32
    return %arg0, %c0_i32 : i32, i32
  }
  func.func @transform_2(%arg0: i32) -> (i32, i32) {
    %c0_i32 = arith.constant 0 : i32
    %c0_i32_0 = arith.constant 0 : i32
    %c0_i32_1 = arith.constant 0 : i32
    return %c0_i32, %c0_i32_0 : i32, i32
  }
  func.func @transform_3(%arg0: i32) -> (i32, i32) {
    %c0_i32 = arith.constant 0 : i32
    %c0_i32_0 = arith.constant 0 : i32
    return %arg0, %c0_i32 : i32, i32
  }
}

</mosaic_0001>

<sc_bundles>
// kernel: kernel.10.cloned.1.call-start
scs
__scs_entry_jumppad:
0x0: {  	(pc) =	sbr.rel $0x88, $3  }
0x1: {  	(tag) =	ssettag $0x0;
	lr =	simm.s32 $0x1  }
0x2: {  	[smem:$0x3F99] =	sst lr;
	_ =	strace $0xD0000000  }
0x3: {  	_ = 	snop  }
0x4: {  	_ = 	snop  }
0x5: {  	_ = 	snop  }
0x6: {  	_ = 	snop  }
0x7: {  	_ = 	snop  }
__scs_overlays_trampoline_lowered:
0x8: {  	[smem:$0x3FA8] =	sst s0  }
0x9: {  	[smem:$0x3FA9] =	sst s1  }
0xa: {  	[smem:$0x3FAA] =	sst s2  }
0xb: {  	[smem:$0x3FAB] =	sst s3  }
0xc: {  	[smem:$0x3FAC] =	sst s4  }
0xd: {  	[smem:$0x3FAD] =	sst s5  }
0xe: {  	[smem:$0x3FAE] =	sst s6  }
0xf: {  	[smem:$0x3FAF] =	sst s7  }
0x10: {  	[smem:$0x3FB0] =	sst s8  }
0x11: {  	[smem:$0x3FB1] =	sst s9;
	s0 =	simm.s32 @!p0 $0x0  }
0x12: {  	s1 =	sld [smem:$0x3F97];
	s0 =	simm.s32 @p0 $0x1  }
0x13: {  	[smem:$0x3FB2] =	sst s0;
	s0 =	simm.s32 @!p1 $0x0  }
0x14: {  	s2 =	sld [smem:$0x3F96];
	s0 =	simm.s32 @p1 $0x1  }
0x15: {  	[smem:$0x3FB3] =	sst s0;
	s0 =	simm.s32 @!p2 $0x0  }
0x16: {  	s3 =	sld [smem:$0x3FDB];
	s0 =	simm.s32 @p2 $0x1  }
0x17: {  	s4 =	simm.s32 $0x1BF5;
	[smem:$0x3FB5] =	sst s0  }
0x18: {  	s0 =	sld [smem:$0x3F98];
	_ =	swait.ge [sflag:s4], $0x0  }
0x19: {  	s7 =	sld [smem:$0x3F99]  }
0x1a: {  	s8 =	sadd.s32 $0xFFFFE003, lr  }
0x1b: {  	s9 =	sadd.s32 $0xFFFFFEF7, lr;
	s5 =	simm.s32 $0xFFFFFFFF;
	p2 =	slt.u32 s8, $0xFFFFF086  }
0x1c: {  	p1 =	slt.u32 s9, $0xF7A;
	s5 =	simm.s32 @!p2 $0x0  }
0x1d: {  	s5 =	simm.s32 @p1 $0x1;
	p0 =	seq.s32 s7, s2  }
0x1e: {  	s7 =	smul.u32 @!p0 $0xF7A, s2;
	p2 =	seq.s32 @!p0 s5, $0x0  }
0x1f: {  	s9 =	smul.u32 $0xF7A, s1;
	s8 =	simm.s32 @!p0 $0x1BF5;
	p2 =	por !p2, p0  }
0x20: {  	[sflag:s8] =	ssyncset.s32 @!p0 $0xFFFFF086;
	s6 =	sadd.s32 @!p0 s3, s7;
	s7 =	simm.s32 @!p0 $0x108  }
0x21: {  	s3 =	sadd.s32 s3, s9;
	s6 =	sadd.s32 @!p0 $0x88, s6;
	s7 =	simm.s32 @p2 $0x1082  }
0x22: {  	[simem:s7], [sflag:s8] =	dma.local @!p0 [hbm:s6], $0xF7A  }
0x23: {  	s9 =	sor.u32 $0xD0000000, s2;
	s6 =	simm.s32 $0x108;
	_ =	swait.ge @!p0 [sflag:s8], $0x0  }
0x24: {  	s3 =	sadd.s32 $0x88, s3;
	s6 =	simm.s32 @!p1 $0x1082;
	[sflag:s4] =	ssyncset.s32 $0xFFFFF086  }
0x25: {  	[simem:s6], [sflag:s4] =	dma.local [hbm:s3], $0xF7A  }
0x26: {  	[smem:$0x3F99] =	sst s1;
	(tag) =	ssettag s2;
	_ =	strace s9  }
0x27: {  	s1 =	sld [smem:$0x3FA9]  }
0x28: {  	s2 =	sld [smem:$0x3FAA]  }
0x29: {  	s4 =	sld [smem:$0x3FAC]  }
0x2a: {  	p0 =	seq.s32 s5, $0x0;
	s5 =	sld [smem:$0x3FAD]  }
0x2b: {  	s6 =	sld [smem:$0x3FAE]  }
0x2c: {  	s7 =	sld [smem:$0x3FAF]  }
0x2d: {  	s3 =	simm.s32 $0x108;
	s8 =	sld [smem:$0x3FB0]  }
0x2e: {  	s3 =	simm.s32 @!p0 $0x1082;
	s9 =	sld [smem:$0x3FB1]  }
0x2f: {  	lr =	sadd.s32 s0, s3;
	s0 =	sld [smem:$0x3FA8]  }
0x30: {  	s3 =	sld [smem:$0x3FAB]  }
0x31: {  	[smem:$0x3FB4] =	sst s10  }
0x32: {  	s10 =	sld [smem:$0x3FB2];
	_ =	sdelay $0x3  }
0x33: {  	p0 =	seq.s32 s10, $0x1;
	s10 =	sld [smem:$0x3FB4];
	_ =	sdelay $0x3  }
0x34: {  	[smem:$0x3FB4] =	sst s10  }
0x35: {  	s10 =	sld [smem:$0x3FB3];
	_ =	sdelay $0x3  }
0x36: {  	p1 =	seq.s32 s10, $0x1;
	s10 =	sld [smem:$0x3FB4];
	_ =	sdelay $0x3  }
0x37: {  	[smem:$0x3FB4] =	sst s10  }
0x38: {  	s10 =	sld [smem:$0x3FB5]  }
0x39: {  	_ = 	snop;
	(pc) =	sbr.ind lr, $3  }
0x3a: {  	_ = 	snop  }
0x3b: {  	_ = 	snop  }
0x3c: {  	p2 =	seq.s32 s10, $0x1;
	s10 =	sld [smem:$0x3FB4]  }
0x3d: {  	_ =	shalt  }
0x3e: {  	_ =	shalt  }
0x3f: {  	_ =	shalt  }
0x40: {  	_ =	shalt  }
0x41: {  	_ =	shalt  }
0x42: {  	_ =	shalt  }
0x43: {  	_ =	shalt  }
0x44: {  	_ =	shalt  }
0x45: {  	_ =	shalt  }
0x46: {  	_ =	shalt  }
0x47: {  	_ =	shalt  }
0x48: {  	_ =	shalt  }
0x49: {  	_ =	shalt  }
0x4a: {  	_ =	shalt  }
0x4b: {  	_ =	shalt  }
0x4c: {  	_ =	shalt  }
0x4d: {  	_ =	shalt  }
0x4e: {  	_ =	shalt  }
0x4f: {  	_ =	shalt  }
0x50: {  	_ =	shalt  }
0x51: {  	_ =	shalt  }
0x52: {  	_ =	shalt  }
0x53: {  	_ =	shalt  }
0x54: {  	_ =	shalt  }
0x55: {  	_ =	shalt  }
0x56: {  	_ =	shalt  }
0x57: {  	_ =	shalt  }
0x58: {  	_ =	shalt  }
0x59: {  	_ =	shalt  }
0x5a: {  	_ =	shalt  }
0x5b: {  	_ =	shalt  }
0x5c: {  	_ =	shalt  }
0x5d: {  	_ =	shalt  }
0x5e: {  	_ =	shalt  }
0x5f: {  	_ =	shalt  }
0x60: {  	_ =	shalt  }
0x61: {  	_ =	shalt  }
0x62: {  	_ =	shalt  }
0x63: {  	_ =	shalt  }
0x64: {  	_ =	shalt  }
0x65: {  	_ =	shalt  }
0x66: {  	_ =	shalt  }
0x67: {  	_ =	shalt  }
0x68: {  	_ =	shalt  }
0x69: {  	_ =	shalt  }
0x6a: {  	_ =	shalt  }
0x6b: {  	_ =	shalt  }
0x6c: {  	_ =	shalt  }
0x6d: {  	_ =	shalt  }
0x6e: {  	_ =	shalt  }
0x6f: {  	_ =	shalt  }
0x70: {  	_ =	shalt  }
0x71: {  	_ =	shalt  }
0x72: {  	_ =	shalt  }
0x73: {  	_ =	shalt  }
0x74: {  	_ =	shalt  }
0x75: {  	_ =	shalt  }
0x76: {  	_ =	shalt  }
0x77: {  	_ =	shalt  }
0x78: {  	_ =	shalt  }
0x79: {  	_ =	shalt  }
0x7a: {  	_ =	shalt  }
0x7b: {  	_ =	shalt  }
0x7c: {  	_ =	shalt  }
0x7d: {  	_ =	shalt  }
0x7e: {  	_ =	shalt  }
0x7f: {  	_ =	shalt  }
0x80: {  	_ =	shalt  }
0x81: {  	_ =	shalt  }
0x82: {  	_ =	shalt  }
0x83: {  	_ =	shalt  }
0x84: {  	_ =	shalt  }
0x85: {  	_ =	shalt  }
0x86: {  	_ =	shalt  }
0x87: {  	_ =	shalt  }
.Lfunc_end0:
.L_simem_size_0:
called_computation_lowered:
.L_overlay_start_0:
0x88: {  	s2 =	sld [smem:$0x3FD9]  }
0x89: {  	s3 =	sld [smem:$0x3FFE];
	_ =	sdelay $0x1  }
0x8a: {  	s1 =	srdreg.scid  }
0x8b: {  	s0 =	sand.u32 $0x1, s1  }
0x8c: {  	s17 =	sshll.u32 s0, $0xA;
	s2 =	sadd.s32 s3, s2  }
0x8d: {  	s2 =	sadd.s32 s2, s17  }
0x8e: {  	[smem:$0x3FC0] =	sst s2  }
0x8f: {  	_ = 	snop  }
0x90: {  	s2 =	sld [smem:$0x3FD0];
	(tm) =	ssettm $0x1  }
0x91: {  	s18 =	sld [smem:$0x3FFB];
	_ =	sdelay $0x3  }
0x92: {  	_ =	strace s18  }
0x93: {  	s3 =	sld [smem:$0x3FFC];
	_ =	sdelay $0x3  }
0x94: {  	_ =	strace s3  }
0x95: {  	s3 =	sld [smem:$0x3FFD];
	_ =	sdelay $0x3  }
0x96: {  	_ =	strace s3  }
0x97: {  	_ =	strace $0x8FFFFFFF  }
0x98: {  	s19 =	sld [smem:$0x3FDB];
	_ =	sdelay $0x1  }
0x99: {  	s4 =	simm.s32 $_scs_section_size  }
0x9a: {  	s5 =	simm.s32 $_size__tile_overlayer_lowered;
	s6 =	simm.s32 $_tile_overlayer_lowered  }
0x9b: {  	s22 =	simm.s32 $0x1BFF;
	s21 =	sshll.u32 s6, $0x1;
	s3 =	sadd.s32 s4, s19  }
0x9c: {  	s7 =	simm.s32 $0x0;
	s20 =	sshll.u32 s5, $0x1;
	s5 =	sadd.s32 s21, s3  }
0x9d: {  	[timem:s7], [sflag:s22] =	dma.local [hbm:s5], s20  }
0x9e: {  	_ =	swait.ge [sflag:s22], s20  }
0x9f: {  	s4 =	ssub.s32 $0x0, s20;
	[sflag:s22] =	ssyncset.done $0x0  }
0xa0: {  	[sflag:s22] =	ssyncadd.s32 s4;
	_ =	sdelay $0x1  }
0xa1: {  	s23 =	simm.s32 $0x1B8B  }
0xa2: {  	_ =	swait.ge [sflag:s23], $0x1  }
0xa3: {  	[sflag:s23] =	ssyncset.done $0x0  }
0xa4: {  	s25 =	simm.s32 $0x1B8E;
	s24 =	sld [smem:$0x3FFE];
	[sflag:s23] =	ssyncadd.s32 $0xFFFFFFFF  }
0xa5: {  	s26 =	simm.s32 $execute0_lowered;
	[smem:$0x3FD2] =	sst s25  }
0xa6: {  	s5 =	sshll.u32 s26, $0x1;
	_ =	strace $0x80000046;
	[dreg:$0x1] =	wrdreg $0xFFFFFFFF  }
0xa7: {  	s28 =	simm.s32 $_size_execute0_lowered;
	s3 =	sadd.s32 s3, s5;
	[dreg:$0x0] =	wrdreg $0x0  }
0xa8: {  	s5 =	sshll.u32 s28, $0x1;
	[dreg:$0x2] =	wrdreg s3  }
0xa9: {  	[dreg:$0x3] =	wrdreg s5  }
0xaa: {  	[dreg:$0x4] =	wrdreg $0xC0  }
0xab: {  	_ =	task [dreg:s7], $0x5FFFF  }
0xac: {  	[dreg:$0x1] =	wrdreg $0xFFFFFFFF  }
0xad: {  	[dreg:$0x0] =	wrdreg $0x60  }
0xae: {  	[dreg:$0x2] =	wrdreg s2  }
0xaf: {  	[dreg:$0x3] =	wrdreg s24  }
0xb0: {  	[dreg:$0x4] =	wrdreg $0xA8000  }
0xb1: {  	[dreg:$0x5] =	wrdreg $0x9  }
0xb2: {  	_ =	task.clear_ibuf [dreg:s7], $0x6FFFF;
	_ =	strace $0x90000046  }
0xb3: {  	s29 =	simm.s32 $0x9;
	_ =	strace $0x80000048  }
0xb4: {  	_ =	swait.ge [sflag:s29], $0x1  }
0xb5: {  	[sflag:s29] =	ssyncadd.s32 $0xFFFFFFFF  }
0xb6: {  	_ =	strace $0x90000048  }
0xb7: {  	_ =	sfence  }
0xb8: {  	s30 =	sld [smem:$0x0];
	_ =	sdelay $0x2  }
0xb9: {  	s31 =	sshll.u32 s1, $0xD;
	s1 =	sshrl.u32 s1, $0x2  }
0xba: {  	s3 =	sand.u32 $0x4000, s31;
	s1 =	sadd.s32 s1, s30  }
0xbb: {  	s0 =	sor.u32 s3, s0;
	s1 =	sshll.u32 s1, $0x11  }
0xbc: {  	s0 =	sor.u32 s1, s0  }
0xbd: {  	s0 =	sadd.s32 $0x8F2B, s0  }
0xbe: {  	[sflag:s0] =	ssyncadd.remote.s32 $0x1  }
0xbf: {  	_ =	sfence.sel $0xFFFF  }
0xc0: {  	[dreg:$0x0] =	wrdreg $0xFFFFFFFF;
	(pc) =	sbr.abs _section_cstart, $3  }
0xc1: {  	[dreg:$0x1] =	wrdreg $0xFFFFFFFF  }
0xc2: {  	_ =	task.clear_ibuf [dreg:s7], $0x2FFFF;
	_ =	strace $0x9FFFFFFF  }
0xc3: {  	(tm) =	ssettm $0x7FFFFFFF  }
tec
execute0_lowered:
.L_overlay_start_1:
0x0: {  	(tag) =	ssettag $0x1  }
0x1: {  	s7 =	rddreg [dreg:$0x0]  }
0x2: {  	s0 =	srdreg.scid;
	s8 =	rddreg [dreg:$0x1]  }
0x3: {  	s2 =	rddreg [dreg:$0x2];
	s3 =	simm.s32 $0x0;
	s20 =	simm.s32 $0x80  }
0x4: {  	s5 =	sand.u32 $0x1, s0;
	s0 =	stileid.u32;
	[smem:$0x7FF] =	sst s3  }
0x5: {  	s6 =	sadd.s32 $0x8200, s8;
	s1 =	sshll.u32 s5, $0x4;
	s11 =	smul.u32 $0x28000, s5  }
0x6: {  	s12 =	ssub.s32 $0x2, s5;
	s13 =	smul.u32 $0x50000, s0;
	s5 =	sadd.s32 $0x7A00, s8  }
0x7: {  	s22 =	smul.u32 $0x2800, s0;
	s31 =	sshll.u32 s0, $0x6;
	s4 =	sor.u32 s0, s1  }
0x8: {  	s1 =	rddreg [dreg:$0x3];
	_ =	strace $0x80000047;
	s14 =	sshrl.u32 s12, $0x1  }
0x9: {  	s9 =	smul.u32 $0x280, s4;
	s4 =	sadd.s32 $0x7200, s8;
	s11 =	sadd.s32 s11, s8  }
0xa: {  	s12 =	ssub.s32 s12, s14;
	s13 =	sshrl.u32 s13, $0x2;
	s14 =	sor.u32 $0x1C01, s31  }
0xb: {  	s15 =	sadd.s32 s13, s2;
	s21 =	sadd.s32 $0x8A00, s11;
	s11 =	simm.s32 $0x1400  }
0xc: {  	s13 =	simm.s32 $0x6800;
	s10 =	sadd.s32 s9, s8;
	s7 =	sadd.s32 s7, s9  }
0xd: {  	s9 =	smax.u32 s12, $0x1;
	s16 =	sadd.s32 $0x4000, s15;
	s17 =	sadd.s32 $0x8000, s15  }
0xe: {  	s18 =	sadd.s32 $0xC000, s15;
	s19 =	sadd.s32 $0x10000, s15;
	s12 =	simm.s32 $0x2800  }
0xf: {  	s15 =	sshrl.u32 s15, $0x3;
	s21 =	sadd.s32 s22, s21;
	s22 =	simm.s32 $0x0  }
0x10: {  	s8 =	sadd.s32 $0x2200, s10;
	s10 =	simm.s32 $0x1;
	s16 =	sshrl.u32 s16, $0x3  }
0x11: {  	s17 =	sshrl.u32 s17, $0x3;
	s18 =	sshrl.u32 s18, $0x3;
	s19 =	sshrl.u32 s19, $0x3  }
.LBB2_1:
0x12: {  	[tilespmem:s3], [sflag:$0x1] =	stream.linear.gather [hbm4b:s7+s3], $0x1400, $0x38;
	[tilespmem:$0x1E800] =	vst v63  }
0x13: {  	_ =	swait.ge [sflag:s10], $0x1400  }
0x14: {  	[sflag:s10] =	ssyncset.done $0x0  }
0x15: {  	[sflag:s10] =	ssyncadd.s32 $0xFFFFEC00  }
0x16: {  	[tilespmem:s11], [sflag:$0x1] =	stream.linear.gather [hbm4b:s8+s3], $0x1400, $0x38;
	[tilespmem:$0x1E800] =	vst v63  }
0x17: {  	_ =	swait.ge [sflag:s10], $0x1400  }
0x18: {  	[sflag:s10] =	ssyncset.done $0x0  }
0x19: {  	[sflag:s10] =	ssyncadd.s32 $0xFFFFEC00  }
0x1a: {  	[tilespmem:s12], [sflag:$0x1] =	stream.linear.gather [hbm4b:s4+s3], $0x4000, $0x38;
	[tilespmem:$0x1E800] =	vst v63  }
0x1b: {  	_ =	swait.ge [sflag:s10], $0x4000  }
0x1c: {  	[sflag:s10] =	ssyncset.done $0x0  }
0x1d: {  	[sflag:s10] =	ssyncadd.s32 $0xFFFFC000  }
0x1e: {  	[tilespmem:s13], [sflag:$0x1] =	stream.linear.gather [hbm4b:s5+s3], $0x4000, $0x38;
	[tilespmem:$0x1E800] =	vst v63  }
0x1f: {  	_ =	swait.ge [sflag:s10], $0x4000  }
0x20: {  	[sflag:s10] =	ssyncset.done $0x0  }
0x21: {  	[sflag:s10] =	ssyncadd.s32 $0xFFFFC000  }
0x22: {  	[spmem:s15], [sflag:s14] =	dma.local [hbm:s6], $0x800  }
0x23: {  	_ =	swait.ge [sflag:s10], $0x800  }
0x24: {  	[sflag:s10] =	ssyncset.done $0x0  }
0x25: {  	[sflag:s10] =	ssyncadd.s32 $0xFFFFF800  }
0x26: {  	[spmem:s16], [sflag:s14] =	dma.local [hbm:s6], $0x800  }
0x27: {  	_ =	swait.ge [sflag:s10], $0x800  }
0x28: {  	[sflag:s10] =	ssyncset.done $0x0  }
0x29: {  	[sflag:s10] =	ssyncadd.s32 $0xFFFFF800  }
0x2a: {  	[spmem:s17], [sflag:s14] =	dma.local [hbm:s6], $0x800  }
0x2b: {  	_ =	swait.ge [sflag:s10], $0x800  }
0x2c: {  	[sflag:s10] =	ssyncset.done $0x0  }
0x2d: {  	[sflag:s10] =	ssyncadd.s32 $0xFFFFF800  }
0x2e: {  	[spmem:s18], [sflag:s14] =	dma.local [hbm:s6], $0x800  }
0x2f: {  	_ =	swait.ge [sflag:s10], $0x800  }
0x30: {  	[sflag:s10] =	ssyncset.done $0x0  }
0x31: {  	[sflag:s10] =	ssyncadd.s32 $0xFFFFF800  }
0x32: {  	[spmem:s19], [sflag:s14] =	dma.local [hbm:s6], $0x800  }
0x33: {  	_ =	swait.ge [sflag:s10], $0x800  }
0x34: {  	[sflag:s10] =	ssyncset.done $0x0  }
0x35: {  	[sflag:s10] =	ssyncadd.s32 $0xFFFFF800  }
0x36: {  	s23 =	simm.s32 $0x0;
	[bflag:$0x0] =	sbarrier.arrive $0xFFFF  }
0x37: {  	[spmem:s2] =	stream.indirect.scatter.add.f32 [tilespmem:s12], [sflag:$0x1], $0x80, s23, s20, $0xb8;
	[tilespmem:$0x1E800] =	vst v63  }
0x38: {  	_ =	swait.ge [sflag:s10], $0x4000  }
0x39: {  	[sflag:s10] =	ssyncset.done $0x0  }
0x3a: {  	s31 =	simm.s32 $0x1400;
	[sflag:s10] =	ssyncadd.s32 $0xFFFFC000  }
0x3b: {  	[spmem:s2] =	stream.indirect.scatter.add.f32 [tilespmem:s13], [sflag:$0x1], $0x80, s31, s20, $0xb8;
	[tilespmem:$0x1E800] =	vst v63  }
0x3c: {  	_ =	swait.ge [sflag:s10], $0x4000  }
0x3d: {  	s24 =	simm.s32 $0x400;
	s23 =	simm.s32 $0x200;
	[sflag:s10] =	ssyncset.done $0x0  }
.LBB2_2:
0x3e: {  	s25 =	sshra.s32 s23, $0x2  }
0x3f: {  	[sflag:s10] =	ssyncadd.s32 $0xFFFFC000;
	s23 =	smov.u32 s24;
	s26 =	sadd.s32 $0x200, s24  }
0x40: {  	[spmem:s2] =	stream.indirect.scatter.add.f32 [tilespmem:s12], [sflag:$0x1], $0x80, s25, s20, $0xb8;
	[tilespmem:$0x1E800] =	vst v63  }
0x41: {  	p0 =	sne.s32 s24, $0x4E00;
	_ =	swait.ge [sflag:s10], $0x4000  }
.Ltmp0:
0x42: {  	[sflag:s10] =	ssyncset.done $0x0;
	(pc) =	sbr.rel @p0 .LBB2_2-.Ltmp0, $4  }
0x43: {  	s24 =	sadd.s32 $0x1400, s25;
	[sflag:s10] =	ssyncadd.s32 $0xFFFFC000  }
0x44: {  	[spmem:s2] =	stream.indirect.scatter.add.f32 [tilespmem:s13], [sflag:$0x1], $0x80, s24, s20, $0xb8;
	[tilespmem:$0x1E800] =	vst v63  }
0x45: {  	_ =	swait.ge [sflag:s10], $0x4000  }
0x46: {  	s24 =	smov.u32 s26;
	[sflag:s10] =	ssyncset.done $0x0  }
0x47: {  	s23 =	sshra.s32 s23, $0x2;
	[sflag:s10] =	ssyncadd.s32 $0xFFFFC000  }
0x48: {  	[spmem:s2] =	stream.indirect.scatter.add.f32 [tilespmem:s12], [sflag:$0x1], $0x80, s23, s20, $0xb8;
	[tilespmem:$0x1E800] =	vst v63  }
0x49: {  	_ =	swait.ge [sflag:s10], $0x4000  }
0x4a: {  	[sflag:s10] =	ssyncset.done $0x0  }
0x4b: {  	s23 =	sadd.s32 $0x1400, s23;
	[sflag:s10] =	ssyncadd.s32 $0xFFFFC000  }
0x4c: {  	[spmem:s2] =	stream.indirect.scatter.add.f32 [tilespmem:s13], [sflag:$0x1], $0x80, s23, s20, $0xb8;
	[tilespmem:$0x1E800] =	vst v63  }
0x4d: {  	_ =	swait.ge [sflag:s10], $0x4000  }
0x4e: {  	s22 =	sadd.s32 $0x1, s22;
	[sflag:s10] =	ssyncset.done $0x0  }
0x4f: {  	p0 =	sne.s32 s22, s9;
	[sflag:s10] =	ssyncadd.s32 $0xFFFFC000  }
.Ltmp1:
0x50: {  	[bflag:$0x0] =	sbarrier.arrive $0xFFFF;
	(pc) =	sbr.rel @p0 .LBB2_1-.Ltmp1, $4  }
0x51: {  	[hbm:s21], [sflag:s14] =	dma.local [spmem:s15], $0x2800  }
0x52: {  	_ =	swait.ge [sflag:s10], $0x2800  }
0x53: {  	[sflag:s10] =	ssyncset.done $0x0  }
0x54: {  	[sflag:s10] =	ssyncadd.s32 $0xFFFFD800  }
0x55: {  	_ =	sfence.sel $0x180000  }
0x56: {  	[bflag:$0x0] =	sbarrier.arrive $0xFFFF  }
0x57: {  	p0 =	sne.s32 s0, $0x0;
	_ =	strace $0x90000047  }
0x58: {  	s0 =	sadd.s32 @!p0 $0x100000, s1;
	[bflag:$0x2] =	sbarrier.arrive $0xFFFF  }
0x59: {  	[sflag:s0] =	ssyncadd.tile.s32 @!p0 $0x1;
	_ =	shalt  }
.Lfunc_end2:
_tile_overlayer_lowered:
.L_overlay_start_2:
0x5a: {  	(tag) =	ssettag $0x2  }
0x5b: {  	s0 =	rddreg [dreg:$0x0];
	s2 =	stileid.u32  }
0x5c: {  	s1 =	rddreg [dreg:$0x1];
	p0 =	sne.s32 s2, $0x0  }
0x5d: {  	s3 =	rddreg [dreg:$0x2];
	[bflag:$0x3] =	sbarrier.arrive $0xFFFF;
	s2 =	simm.s32 @!p0 $0x1C01  }
0x5e: {  	[timem:s3], [sflag:s2] =	dma.local @!p0 [hbm:s0], s1  }
0x5f: {  	s0 =	simm.s32 @!p0 $0x1  }
0x60: {  	_ =	swait.ge @!p0 [sflag:s0], s1  }
0x61: {  	s1 =	ssub.s32 @!p0 $0x0, s1;
	[sflag:s0] =	ssyncset.done @!p0 $0x0  }
0x62: {  	[sflag:s0] =	ssyncadd.s32 @!p0 s1  }
0x63: {  	[bflag:$0x3] =	sbarrier.arrive $0xFFFF  }
0x64: {  	_ =	shalt  }

// kernel: kernel.13.cloned.1.call-start
scs
__scs_entry_jumppad:
0x0: {  	(pc) =	sbr.rel $0x88, $3  }
0x1: {  	(tag) =	ssettag $0x0;
	lr =	simm.s32 $0x1  }
0x2: {  	[smem:$0x3F99] =	sst lr;
	_ =	strace $0xD0000000  }
0x3: {  	_ = 	snop  }
0x4: {  	_ = 	snop  }
0x5: {  	_ = 	snop  }
0x6: {  	_ = 	snop  }
0x7: {  	_ = 	snop  }
__scs_overlays_trampoline_lowered:
0x8: {  	[smem:$0x3FA8] =	sst s0  }
0x9: {  	[smem:$0x3FA9] =	sst s1  }
0xa: {  	[smem:$0x3FAA] =	sst s2  }
0xb: {  	[smem:$0x3FAB] =	sst s3  }
0xc: {  	[smem:$0x3FAC] =	sst s4  }
0xd: {  	[smem:$0x3FAD] =	sst s5  }
0xe: {  	[smem:$0x3FAE] =	sst s6  }
0xf: {  	[smem:$0x3FAF] =	sst s7  }
0x10: {  	[smem:$0x3FB0] =	sst s8  }
0x11: {  	[smem:$0x3FB1] =	sst s9;
	s0 =	simm.s32 @!p0 $0x0  }
0x12: {  	s1 =	sld [smem:$0x3F97];
	s0 =	simm.s32 @p0 $0x1  }
0x13: {  	[smem:$0x3FB2] =	sst s0;
	s0 =	simm.s32 @!p1 $0x0  }
0x14: {  	s2 =	sld [smem:$0x3F96];
	s0 =	simm.s32 @p1 $0x1  }
0x15: {  	[smem:$0x3FB3] =	sst s0;
	s0 =	simm.s32 @!p2 $0x0  }
0x16: {  	s3 =	sld [smem:$0x3FDB];
	s0 =	simm.s32 @p2 $0x1  }
0x17: {  	s4 =	simm.s32 $0x1BF5;
	[smem:$0x3FB5] =	sst s0  }
0x18: {  	s0 =	sld [smem:$0x3F98];
	_ =	swait.ge [sflag:s4], $0x0  }
0x19: {  	s7 =	sld [smem:$0x3F99]  }
0x1a: {  	s8 =	sadd.s32 $0xFFFFE003, lr  }
0x1b: {  	s9 =	sadd.s32 $0xFFFFFEF7, lr;
	s5 =	simm.s32 $0xFFFFFFFF;
	p2 =	slt.u32 s8, $0xFFFFF086  }
0x1c: {  	p1 =	slt.u32 s9, $0xF7A;
	s5 =	simm.s32 @!p2 $0x0  }
0x1d: {  	s5 =	simm.s32 @p1 $0x1;
	p0 =	seq.s32 s7, s2  }
0x1e: {  	s7 =	smul.u32 @!p0 $0xF7A, s2;
	p2 =	seq.s32 @!p0 s5, $0x0  }
0x1f: {  	s9 =	smul.u32 $0xF7A, s1;
	s8 =	simm.s32 @!p0 $0x1BF5;
	p2 =	por !p2, p0  }
0x20: {  	[sflag:s8] =	ssyncset.s32 @!p0 $0xFFFFF086;
	s6 =	sadd.s32 @!p0 s3, s7;
	s7 =	simm.s32 @!p0 $0x108  }
0x21: {  	s3 =	sadd.s32 s3, s9;
	s6 =	sadd.s32 @!p0 $0x88, s6;
	s7 =	simm.s32 @p2 $0x1082  }
0x22: {  	[simem:s7], [sflag:s8] =	dma.local @!p0 [hbm:s6], $0xF7A  }
0x23: {  	s9 =	sor.u32 $0xD0000000, s2;
	s6 =	simm.s32 $0x108;
	_ =	swait.ge @!p0 [sflag:s8], $0x0  }
0x24: {  	s3 =	sadd.s32 $0x88, s3;
	s6 =	simm.s32 @!p1 $0x1082;
	[sflag:s4] =	ssyncset.s32 $0xFFFFF086  }
0x25: {  	[simem:s6], [sflag:s4] =	dma.local [hbm:s3], $0xF7A  }
0x26: {  	[smem:$0x3F99] =	sst s1;
	(tag) =	ssettag s2;
	_ =	strace s9  }
0x27: {  	s1 =	sld [smem:$0x3FA9]  }
0x28: {  	s2 =	sld [smem:$0x3FAA]  }
0x29: {  	s4 =	sld [smem:$0x3FAC]  }
0x2a: {  	p0 =	seq.s32 s5, $0x0;
	s5 =	sld [smem:$0x3FAD]  }
0x2b: {  	s6 =	sld [smem:$0x3FAE]  }
0x2c: {  	s7 =	sld [smem:$0x3FAF]  }
0x2d: {  	s3 =	simm.s32 $0x108;
	s8 =	sld [smem:$0x3FB0]  }
0x2e: {  	s3 =	simm.s32 @!p0 $0x1082;
	s9 =	sld [smem:$0x3FB1]  }
0x2f: {  	lr =	sadd.s32 s0, s3;
	s0 =	sld [smem:$0x3FA8]  }
0x30: {  	s3 =	sld [smem:$0x3FAB]  }
0x31: {  	[smem:$0x3FB4] =	sst s10  }
0x32: {  	s10 =	sld [smem:$0x3FB2];
	_ =	sdelay $0x3  }
0x33: {  	p0 =	seq.s32 s10, $0x1;
	s10 =	sld [smem:$0x3FB4];
	_ =	sdelay $0x3  }
0x34: {  	[smem:$0x3FB4] =	sst s10  }
0x35: {  	s10 =	sld [smem:$0x3FB3];
	_ =	sdelay $0x3  }
0x36: {  	p1 =	seq.s32 s10, $0x1;
	s10 =	sld [smem:$0x3FB4];
	_ =	sdelay $0x3  }
0x37: {  	[smem:$0x3FB4] =	sst s10  }
0x38: {  	s10 =	sld [smem:$0x3FB5]  }
0x39: {  	_ = 	snop;
	(pc) =	sbr.ind lr, $3  }
0x3a: {  	_ = 	snop  }
0x3b: {  	_ = 	snop  }
0x3c: {  	p2 =	seq.s32 s10, $0x1;
	s10 =	sld [smem:$0x3FB4]  }
0x3d: {  	_ =	shalt  }
0x3e: {  	_ =	shalt  }
0x3f: {  	_ =	shalt  }
0x40: {  	_ =	shalt  }
0x41: {  	_ =	shalt  }
0x42: {  	_ =	shalt  }
0x43: {  	_ =	shalt  }
0x44: {  	_ =	shalt  }
0x45: {  	_ =	shalt  }
0x46: {  	_ =	shalt  }
0x47: {  	_ =	shalt  }
0x48: {  	_ =	shalt  }
0x49: {  	_ =	shalt  }
0x4a: {  	_ =	shalt  }
0x4b: {  	_ =	shalt  }
0x4c: {  	_ =	shalt  }
0x4d: {  	_ =	shalt  }
0x4e: {  	_ =	shalt  }
0x4f: {  	_ =	shalt  }
0x50: {  	_ =	shalt  }
0x51: {  	_ =	shalt  }
0x52: {  	_ =	shalt  }
0x53: {  	_ =	shalt  }
0x54: {  	_ =	shalt  }
0x55: {  	_ =	shalt  }
0x56: {  	_ =	shalt  }
0x57: {  	_ =	shalt  }
0x58: {  	_ =	shalt  }
0x59: {  	_ =	shalt  }
0x5a: {  	_ =	shalt  }
0x5b: {  	_ =	shalt  }
0x5c: {  	_ =	shalt  }
0x5d: {  	_ =	shalt  }
0x5e: {  	_ =	shalt  }
0x5f: {  	_ =	shalt  }
0x60: {  	_ =	shalt  }
0x61: {  	_ =	shalt  }
0x62: {  	_ =	shalt  }
0x63: {  	_ =	shalt  }
0x64: {  	_ =	shalt  }
0x65: {  	_ =	shalt  }
0x66: {  	_ =	shalt  }
0x67: {  	_ =	shalt  }
0x68: {  	_ =	shalt  }
0x69: {  	_ =	shalt  }
0x6a: {  	_ =	shalt  }
0x6b: {  	_ =	shalt  }
0x6c: {  	_ =	shalt  }
0x6d: {  	_ =	shalt  }
0x6e: {  	_ =	shalt  }
0x6f: {  	_ =	shalt  }
0x70: {  	_ =	shalt  }
0x71: {  	_ =	shalt  }
0x72: {  	_ =	shalt  }
0x73: {  	_ =	shalt  }
0x74: {  	_ =	shalt  }
0x75: {  	_ =	shalt  }
0x76: {  	_ =	shalt  }
0x77: {  	_ =	shalt  }
0x78: {  	_ =	shalt  }
0x79: {  	_ =	shalt  }
0x7a: {  	_ =	shalt  }
0x7b: {  	_ =	shalt  }
0x7c: {  	_ =	shalt  }
0x7d: {  	_ =	shalt  }
0x7e: {  	_ =	shalt  }
0x7f: {  	_ =	shalt  }
0x80: {  	_ =	shalt  }
0x81: {  	_ =	shalt  }
0x82: {  	_ =	shalt  }
0x83: {  	_ =	shalt  }
0x84: {  	_ =	shalt  }
0x85: {  	_ =	shalt  }
0x86: {  	_ =	shalt  }
0x87: {  	_ =	shalt  }
.Lfunc_end0:
.L_simem_size_0:
called_computation.1_lowered:
.L_overlay_start_0:
0x88: {  	s2 =	sld [smem:$0x3FD9]  }
0x89: {  	s3 =	sld [smem:$0x3FFE];
	_ =	sdelay $0x1  }
0x8a: {  	s1 =	srdreg.scid  }
0x8b: {  	s0 =	sand.u32 $0x1, s1  }
0x8c: {  	s17 =	sshll.u32 s0, $0xA;
	s2 =	sadd.s32 s3, s2  }
0x8d: {  	s2 =	sadd.s32 s2, s17  }
0x8e: {  	[smem:$0x3FC0] =	sst s2  }
0x8f: {  	_ = 	snop  }
0x90: {  	s2 =	sld [smem:$0x3FD0];
	(tm) =	ssettm $0x1  }
0x91: {  	s18 =	sld [smem:$0x3FFB];
	_ =	sdelay $0x3  }
0x92: {  	_ =	strace s18  }
0x93: {  	s3 =	sld [smem:$0x3FFC];
	_ =	sdelay $0x3  }
0x94: {  	_ =	strace s3  }
0x95: {  	s3 =	sld [smem:$0x3FFD];
	_ =	sdelay $0x3  }
0x96: {  	_ =	strace s3  }
0x97: {  	_ =	strace $0x8FFFFFFF  }
0x98: {  	s19 =	sld [smem:$0x3FDB];
	_ =	sdelay $0x1  }
0x99: {  	s4 =	simm.s32 $_scs_section_size  }
0x9a: {  	s5 =	simm.s32 $_size__tile_overlayer_lowered;
	s6 =	simm.s32 $_tile_overlayer_lowered  }
0x9b: {  	s22 =	simm.s32 $0x1BFF;
	s21 =	sshll.u32 s6, $0x1;
	s3 =	sadd.s32 s4, s19  }
0x9c: {  	s7 =	simm.s32 $0x0;
	s20 =	sshll.u32 s5, $0x1;
	s5 =	sadd.s32 s21, s3  }
0x9d: {  	[timem:s7], [sflag:s22] =	dma.local [hbm:s5], s20  }
0x9e: {  	_ =	swait.ge [sflag:s22], s20  }
0x9f: {  	s4 =	ssub.s32 $0x0, s20;
	[sflag:s22] =	ssyncset.done $0x0  }
0xa0: {  	[sflag:s22] =	ssyncadd.s32 s4;
	_ =	sdelay $0x1  }
0xa1: {  	s23 =	simm.s32 $0x1B8B  }
0xa2: {  	_ =	swait.ge [sflag:s23], $0x1  }
0xa3: {  	[sflag:s23] =	ssyncset.done $0x0  }
0xa4: {  	s25 =	simm.s32 $0x1B8E;
	s24 =	sld [smem:$0x3FFE];
	[sflag:s23] =	ssyncadd.s32 $0xFFFFFFFF  }
0xa5: {  	s26 =	simm.s32 $execute0_lowered;
	[smem:$0x3FD2] =	sst s25  }
0xa6: {  	s5 =	sshll.u32 s26, $0x1;
	_ =	strace $0x80000049;
	[dreg:$0x1] =	wrdreg $0xFFFFFFFF  }
0xa7: {  	s28 =	simm.s32 $_size_execute0_lowered;
	s3 =	sadd.s32 s3, s5;
	[dreg:$0x0] =	wrdreg $0x0  }
0xa8: {  	s5 =	sshll.u32 s28, $0x1;
	[dreg:$0x2] =	wrdreg s3  }
0xa9: {  	[dreg:$0x3] =	wrdreg s5  }
0xaa: {  	[dreg:$0x4] =	wrdreg $0xC0  }
0xab: {  	_ =	task [dreg:s7], $0x5FFFF  }
0xac: {  	[dreg:$0x1] =	wrdreg $0xFFFFFFFF  }
0xad: {  	[dreg:$0x0] =	wrdreg $0x60  }
0xae: {  	[dreg:$0x2] =	wrdreg s24  }
0xaf: {  	[dreg:$0x3] =	wrdreg s2  }
0xb0: {  	[dreg:$0x4] =	wrdreg $0xA8000  }
0xb1: {  	[dreg:$0x5] =	wrdreg $0x9  }
0xb2: {  	_ =	task.clear_ibuf [dreg:s7], $0x6FFFF;
	_ =	strace $0x90000049  }
0xb3: {  	s29 =	simm.s32 $0x9;
	_ =	strace $0x8000004B  }
0xb4: {  	_ =	swait.ge [sflag:s29], $0x1  }
0xb5: {  	[sflag:s29] =	ssyncadd.s32 $0xFFFFFFFF  }
0xb6: {  	_ =	strace $0x9000004B  }
0xb7: {  	_ =	sfence  }
0xb8: {  	s30 =	sld [smem:$0x0];
	_ =	sdelay $0x2  }
0xb9: {  	s31 =	sshll.u32 s1, $0xD;
	s1 =	sshrl.u32 s1, $0x2  }
0xba: {  	s3 =	sand.u32 $0x4000, s31;
	s1 =	sadd.s32 s1, s30  }
0xbb: {  	s0 =	sor.u32 s3, s0;
	s1 =	sshll.u32 s1, $0x11  }
0xbc: {  	s0 =	sor.u32 s1, s0  }
0xbd: {  	s0 =	sadd.s32 $0x8F2B, s0  }
0xbe: {  	[sflag:s0] =	ssyncadd.remote.s32 $0x1  }
0xbf: {  	_ =	sfence.sel $0xFFFF  }
0xc0: {  	[dreg:$0x0] =	wrdreg $0xFFFFFFFF;
	(pc) =	sbr.abs _section_cstart, $3  }
0xc1: {  	[dreg:$0x1] =	wrdreg $0xFFFFFFFF  }
0xc2: {  	_ =	task.clear_ibuf [dreg:s7], $0x2FFFF;
	_ =	strace $0x9FFFFFFF  }
0xc3: {  	(tm) =	ssettm $0x7FFFFFFF  }
tec
execute0_lowered:
.L_overlay_start_1:
0x0: {  	(tag) =	ssettag $0x1  }
0x1: {  	s5 =	rddreg [dreg:$0x0]  }
0x2: {  	s6 =	rddreg [dreg:$0x1]  }
0x3: {  	s2 =	rddreg [dreg:$0x2]  }
0x4: {  	s0 =	rddreg [dreg:$0x3];
	s3 =	simm.s32 $0x0;
	s1 =	stileid.u32  }
0x5: {  	s4 =	srdreg.scid;
	s14 =	simm.s32 $0x2800;
	s15 =	simm.s32 $0x3  }
0x6: {  	s16 =	simm.s32 $0x1400;
	s17 =	simm.s32 $0x80;
	s18 =	simm.s32 $0x6800  }
0x7: {  	s19 =	simm.s32 $0x1;
	s20 =	simm.s32 $0x2;
	s21 =	simm.s32 $0x2700  }
0x8: {  	s22 =	simm.s32 $0x2780;
	s26 =	simm.s32 $0x0;
	s7 =	smul.u32 $0x500, s1  }
0x9: {  	[smem:$0x7FF] =	sst s3;
	s4 =	sand.u32 $0x1, s4;
	s8 =	smul.u32 $0x50000, s1  }
0xa: {  	s24 =	smul.u32 $0x2800, s1;
	s25 =	sshll.u32 s1, $0x6;
	_ =	strace $0x8000004A  }
0xb: {  	s10 =	smul.u32 $0x28000, s4;
	s11 =	ssub.s32 $0x2, s4;
	s4 =	sadd.s32 $0x8200, s5  }
0xc: {  	s25 =	sor.u32 $0x1C03, s25;
	s9 =	sadd.s32 s7, s5;
	s12 =	sshrl.u32 s11, $0x1  }
0xd: {  	s8 =	sshrl.u32 s8, $0x2;
	s6 =	sadd.s32 s6, s7;
	s10 =	sadd.s32 s10, s5  }
0xe: {  	s11 =	ssub.s32 s11, s12;
	s5 =	sadd.s32 s8, s2;
	s7 =	sadd.s32 $0x2200, s9  }
0xf: {  	s8 =	sadd.s32 $0x8A00, s10;
	s23 =	sadd.s32 $0x58A00, s10;
	s9 =	smax.u32 s11, $0x1  }
0x10: {  	s10 =	sadd.s32 $0x4000, s5;
	s11 =	sadd.s32 $0x8000, s5;
	s12 =	sadd.s32 $0xC000, s5  }
0x11: {  	s13 =	sadd.s32 $0x10000, s5;
	s23 =	sadd.s32 s24, s23;
	s24 =	sadd.s32 $0x280, s6  }
.LBB2_1:
0x12: {  	[tilespmem:s14], [sflag:$0x3] =	stream.linear.gather [hbm4b:s4+s3], $0x4000, $0x38;
	[tilespmem:$0x1E800] =	vst v63  }
0x13: {  	_ =	swait.ge [sflag:s15], $0x4000  }
0x14: {  	[sflag:s15] =	ssyncset.done $0x0  }
0x15: {  	[sflag:s15] =	ssyncadd.s32 $0xFFFFC000  }
0x16: {  	[spmem:s5] =	stream.linear.scatter [tilespmem:s14], [sflag:$0x3], $0x4000, $0x38;
	[tilespmem:$0x1E800] =	vst v63  }
0x17: {  	_ =	swait.ge [sflag:s15], $0x4000  }
0x18: {  	[sflag:s15] =	ssyncset.done $0x0  }
0x19: {  	[sflag:s15] =	ssyncadd.s32 $0xFFFFC000  }
0x1a: {  	[spmem:s10] =	stream.linear.scatter [tilespmem:s14], [sflag:$0x3], $0x4000, $0x38;
	[tilespmem:$0x1E800] =	vst v63  }
0x1b: {  	_ =	swait.ge [sflag:s15], $0x4000  }
0x1c: {  	[sflag:s15] =	ssyncset.done $0x0  }
0x1d: {  	[sflag:s15] =	ssyncadd.s32 $0xFFFFC000  }
0x1e: {  	[spmem:s11] =	stream.linear.scatter [tilespmem:s14], [sflag:$0x3], $0x4000, $0x38;
	[tilespmem:$0x1E800] =	vst v63  }
0x1f: {  	_ =	swait.ge [sflag:s15], $0x4000  }
0x20: {  	[sflag:s15] =	ssyncset.done $0x0  }
0x21: {  	[sflag:s15] =	ssyncadd.s32 $0xFFFFC000  }
0x22: {  	[spmem:s12] =	stream.linear.scatter [tilespmem:s14], [sflag:$0x3], $0x4000, $0x38;
	[tilespmem:$0x1E800] =	vst v63  }
0x23: {  	_ =	swait.ge [sflag:s15], $0x4000  }
0x24: {  	[sflag:s15] =	ssyncset.done $0x0  }
0x25: {  	[sflag:s15] =	ssyncadd.s32 $0xFFFFC000  }
0x26: {  	[spmem:s13] =	stream.linear.scatter [tilespmem:s14], [sflag:$0x3], $0x4000, $0x38;
	[tilespmem:$0x1E800] =	vst v63  }
0x27: {  	_ =	swait.ge [sflag:s15], $0x4000  }
0x28: {  	[sflag:s15] =	ssyncset.done $0x0  }
0x29: {  	[sflag:s15] =	ssyncadd.s32 $0xFFFFC000  }
0x2a: {  	[bflag:$0x0] =	sbarrier.arrive $0xFFFF  }
0x2b: {  	[tilespmem:s3], [sflag:$0x3] =	stream.linear.gather [hbm4b:s6+s3], $0x1400, $0x38;
	[tilespmem:$0x1E800] =	vst v63  }
0x2c: {  	_ =	swait.ge [sflag:s15], $0x1400  }
0x2d: {  	[sflag:s15] =	ssyncset.done $0x0  }
0x2e: {  	[sflag:s15] =	ssyncadd.s32 $0xFFFFEC00  }
0x2f: {  	[tilespmem:s16], [sflag:$0x3] =	stream.linear.gather [hbm4b:s7+s3], $0x1400, $0x38;
	[tilespmem:$0x1E800] =	vst v63  }
0x30: {  	_ =	swait.ge [sflag:s15], $0x1400  }
0x31: {  	[sflag:s15] =	ssyncset.done $0x0  }
0x32: {  	[sflag:s15] =	ssyncadd.s32 $0xFFFFEC00  }
0x33: {  	[tilespmem:s14], [sflag:$0x1] =	stream.indirect.gather [hbm4b:s8+s17], $0x80, s3, s17, $0xb8;
	[tilespmem:$0x1E800] =	vst v63  }
0x34: {  	_ = 	snop  }
0x35: {  	[tilespmem:s18], [sflag:$0x2] =	stream.indirect.gather [hbm4b:s8+s17], $0x80, s17, s17, $0xb8;
	[tilespmem:$0x1E800] =	vst v63  }
0x36: {  	_ =	swait.ge [sflag:s19], $0x4000  }
0x37: {  	[sflag:s19] =	ssyncset.done $0x0  }
0x38: {  	s28 =	simm.s32 $0x1400;
	[sflag:s19] =	ssyncadd.s32 $0xFFFFC000  }
0x39: {  	[spmem:s2] =	stream.indirect.scatter.add.f32 [tilespmem:s14], [sflag:$0x3], $0x80, s28, s17, $0xb8;
	[tilespmem:$0x1E800] =	vst v63  }
0x3a: {  	_ =	swait.ge [sflag:s15], $0x4000  }
0x3b: {  	[sflag:s15] =	ssyncset.done $0x0  }
0x3c: {  	s28 =	simm.s32 $0x100;
	[sflag:s15] =	ssyncadd.s32 $0xFFFFC000  }
0x3d: {  	[tilespmem:s14], [sflag:$0x1] =	stream.indirect.gather [hbm4b:s8+s17], $0x80, s28, s17, $0xb8;
	[tilespmem:$0x1E800] =	vst v63  }
0x3e: {  	_ =	swait.ge [sflag:s20], $0x4000  }
0x3f: {  	[sflag:s20] =	ssyncset.done $0x0  }
0x40: {  	s28 =	simm.s32 $0x1480;
	[sflag:s20] =	ssyncadd.s32 $0xFFFFC000  }
0x41: {  	[spmem:s2] =	stream.indirect.scatter.add.f32 [tilespmem:s18], [sflag:$0x3], $0x80, s28, s17, $0xb8;
	[tilespmem:$0x1E800] =	vst v63  }
0x42: {  	_ =	swait.ge [sflag:s15], $0x4000  }
0x43: {  	[sflag:s15] =	ssyncset.done $0x0  }
0x44: {  	s29 =	simm.s32 $0x180;
	s28 =	simm.s32 $0x400;
	[sflag:s15] =	ssyncadd.s32 $0xFFFFC000  }
.LBB2_2:
0x45: {  	[tilespmem:s18], [sflag:$0x2] =	stream.indirect.gather [hbm4b:s8+s17], $0x80, s29, s17, $0xb8;
	[tilespmem:$0x1E800] =	vst v63  }
0x46: {  	s29 =	smov.u32 s28  }
0x47: {  	p0 =	sne.s32 s28, $0x4800;
	s28 =	sadd.s32 $0x400, s28;
	_ =	swait.ge [sflag:s19], $0x4000  }
0x48: {  	s29 =	sshra.s32 s29, $0x2;
	[sflag:s19] =	ssyncset.done $0x0  }
0x49: {  	s30 =	sadd.s32 $0x1400, s29;
	[sflag:s19] =	ssyncadd.s32 $0xFFFFC000  }
0x4a: {  	[spmem:s2] =	stream.indirect.scatter.add.f32 [tilespmem:s14], [sflag:$0x3], $0x80, s30, s17, $0xb8;
	[tilespmem:$0x1E800] =	vst v63  }
0x4b: {  	_ =	swait.ge [sflag:s15], $0x4000  }
0x4c: {  	[sflag:s15] =	ssyncset.done $0x0  }
0x4d: {  	s30 =	sadd.s32 $0x100, s29;
	[sflag:s15] =	ssyncadd.s32 $0xFFFFC000  }
0x4e: {  	[tilespmem:s14], [sflag:$0x1] =	stream.indirect.gather [hbm4b:s8+s17], $0x80, s30, s17, $0xb8;
	[tilespmem:$0x1E800] =	vst v63  }
0x4f: {  	_ =	swait.ge [sflag:s20], $0x4000  }
0x50: {  	[sflag:s20] =	ssyncset.done $0x0  }
.Ltmp0:
0x51: {  	s30 =	sadd.s32 $0x1480, s29;
	[sflag:s20] =	ssyncadd.s32 $0xFFFFC000;
	(pc) =	sbr.rel @p0 .LBB2_2-.Ltmp0, $4  }
0x52: {  	[spmem:s2] =	stream.indirect.scatter.add.f32 [tilespmem:s18], [sflag:$0x3], $0x80, s30, s17, $0xb8;
	[tilespmem:$0x1E800] =	vst v63  }
0x53: {  	_ =	swait.ge [sflag:s15], $0x4000  }
0x54: {  	[sflag:s15] =	ssyncset.done $0x0  }
0x55: {  	s29 =	sadd.s32 $0x180, s29;
	[sflag:s15] =	ssyncadd.s32 $0xFFFFC000  }
0x56: {  	[tilespmem:s18], [sflag:$0x2] =	stream.indirect.gather [hbm4b:s8+s17], $0x80, s29, s17, $0xb8;
	[tilespmem:$0x1E800] =	vst v63  }
0x57: {  	_ =	swait.ge [sflag:s19], $0x4000  }
0x58: {  	[sflag:s19] =	ssyncset.done $0x0  }
0x59: {  	[sflag:s19] =	ssyncadd.s32 $0xFFFFC000  }
0x5a: {  	[spmem:s2] =	stream.indirect.scatter.add.f32 [tilespmem:s14], [sflag:$0x3], $0x80, s21, s17, $0xb8;
	[tilespmem:$0x1E800] =	vst v63  }
0x5b: {  	_ =	swait.ge [sflag:s15], $0x4000  }
0x5c: {  	[sflag:s15] =	ssyncset.done $0x0  }
0x5d: {  	[sflag:s15] =	ssyncadd.s32 $0xFFFFC000  }
0x5e: {  	_ =	swait.ge [sflag:s20], $0x4000  }
0x5f: {  	[sflag:s20] =	ssyncset.done $0x0  }
0x60: {  	[sflag:s20] =	ssyncadd.s32 $0xFFFFC000  }
0x61: {  	[spmem:s2] =	stream.indirect.scatter.add.f32 [tilespmem:s18], [sflag:$0x3], $0x80, s22, s17, $0xb8;
	[tilespmem:$0x1E800] =	vst v63  }
0x62: {  	_ =	swait.ge [sflag:s15], $0x4000  }
0x63: {  	[sflag:s15] =	ssyncset.done $0x0  }
0x64: {  	s28 =	simm.s32 $0x0;
	[sflag:s15] =	ssyncadd.s32 $0xFFFFC000  }
0x65: {  	[tilespmem:s28], [sflag:$0x3] =	stream.linear.gather [hbm4b:s24+s28], $0x1400, $0x38;
	[tilespmem:$0x1E800] =	vst v63  }
0x66: {  	_ =	swait.ge [sflag:s15], $0x1400  }
0x67: {  	[sflag:s15] =	ssyncset.done $0x0  }
0x68: {  	s29 =	sadd.s32 $0x280, s7;
	[sflag:s15] =	ssyncadd.s32 $0xFFFFEC00  }
0x69: {  	[tilespmem:s16], [sflag:$0x3] =	stream.linear.gather [hbm4b:s29+s28], $0x1400, $0x38;
	[tilespmem:$0x1E800] =	vst v63  }
0x6a: {  	_ =	swait.ge [sflag:s15], $0x1400  }
0x6b: {  	[sflag:s15] =	ssyncset.done $0x0  }
0x6c: {  	[sflag:s15] =	ssyncadd.s32 $0xFFFFEC00  }
0x6d: {  	[tilespmem:s14], [sflag:$0x1] =	stream.indirect.gather [hbm4b:s8+s17], $0x80, s28, s17, $0xb8;
	[tilespmem:$0x1E800] =	vst v63  }
0x6e: {  	_ = 	snop  }
0x6f: {  	[tilespmem:s18], [sflag:$0x2] =	stream.indirect.gather [hbm4b:s8+s17], $0x80, s17, s17, $0xb8;
	[tilespmem:$0x1E800] =	vst v63  }
0x70: {  	_ =	swait.ge [sflag:s19], $0x4000  }
0x71: {  	[sflag:s19] =	ssyncset.done $0x0  }
0x72: {  	s28 =	simm.s32 $0x1400;
	[sflag:s19] =	ssyncadd.s32 $0xFFFFC000  }
0x73: {  	[spmem:s2] =	stream.indirect.scatter.add.f32 [tilespmem:s14], [sflag:$0x3], $0x80, s28, s17, $0xb8;
	[tilespmem:$0x1E800] =	vst v63  }
0x74: {  	_ =	swait.ge [sflag:s15], $0x4000  }
0x75: {  	[sflag:s15] =	ssyncset.done $0x0  }
0x76: {  	s28 =	simm.s32 $0x100;
	[sflag:s15] =	ssyncadd.s32 $0xFFFFC000  }
0x77: {  	[tilespmem:s14], [sflag:$0x1] =	stream.indirect.gather [hbm4b:s8+s17], $0x80, s28, s17, $0xb8;
	[tilespmem:$0x1E800] =	vst v63  }
0x78: {  	_ =	swait.ge [sflag:s20], $0x4000  }
0x79: {  	[sflag:s20] =	ssyncset.done $0x0  }
0x7a: {  	s28 =	simm.s32 $0x1480;
	[sflag:s20] =	ssyncadd.s32 $0xFFFFC000  }
0x7b: {  	[spmem:s2] =	stream.indirect.scatter.add.f32 [tilespmem:s18], [sflag:$0x3], $0x80, s28, s17, $0xb8;
	[tilespmem:$0x1E800] =	vst v63  }
0x7c: {  	_ =	swait.ge [sflag:s15], $0x4000  }
0x7d: {  	[sflag:s15] =	ssyncset.done $0x0  }
0x7e: {  	s29 =	simm.s32 $0x180;
	s28 =	simm.s32 $0x400;
	[sflag:s15] =	ssyncadd.s32 $0xFFFFC000  }
.LBB2_4:
0x7f: {  	[tilespmem:s18], [sflag:$0x2] =	stream.indirect.gather [hbm4b:s8+s17], $0x80, s29, s17, $0xb8;
	[tilespmem:$0x1E800] =	vst v63  }
0x80: {  	s29 =	smov.u32 s28  }
0x81: {  	p0 =	sne.s32 s28, $0x4800;
	s28 =	sadd.s32 $0x400, s28;
	_ =	swait.ge [sflag:s19], $0x4000  }
0x82: {  	s29 =	sshra.s32 s29, $0x2;
	[sflag:s19] =	ssyncset.done $0x0  }
0x83: {  	s30 =	sadd.s32 $0x1400, s29;
	[sflag:s19] =	ssyncadd.s32 $0xFFFFC000  }
0x84: {  	[spmem:s2] =	stream.indirect.scatter.add.f32 [tilespmem:s14], [sflag:$0x3], $0x80, s30, s17, $0xb8;
	[tilespmem:$0x1E800] =	vst v63  }
0x85: {  	_ =	swait.ge [sflag:s15], $0x4000  }
0x86: {  	[sflag:s15] =	ssyncset.done $0x0  }
0x87: {  	s30 =	sadd.s32 $0x100, s29;
	[sflag:s15] =	ssyncadd.s32 $0xFFFFC000  }
0x88: {  	[tilespmem:s14], [sflag:$0x1] =	stream.indirect.gather [hbm4b:s8+s17], $0x80, s30, s17, $0xb8;
	[tilespmem:$0x1E800] =	vst v63  }
0x89: {  	_ =	swait.ge [sflag:s20], $0x4000  }
0x8a: {  	[sflag:s20] =	ssyncset.done $0x0  }
.Ltmp1:
0x8b: {  	s30 =	sadd.s32 $0x1480, s29;
	[sflag:s20] =	ssyncadd.s32 $0xFFFFC000;
	(pc) =	sbr.rel @p0 .LBB2_4-.Ltmp1, $4  }
0x8c: {  	[spmem:s2] =	stream.indirect.scatter.add.f32 [tilespmem:s18], [sflag:$0x3], $0x80, s30, s17, $0xb8;
	[tilespmem:$0x1E800] =	vst v63  }
0x8d: {  	_ =	swait.ge [sflag:s15], $0x4000  }
0x8e: {  	[sflag:s15] =	ssyncset.done $0x0  }
0x8f: {  	s29 =	sadd.s32 $0x180, s29;
	[sflag:s15] =	ssyncadd.s32 $0xFFFFC000  }
0x90: {  	[tilespmem:s18], [sflag:$0x2] =	stream.indirect.gather [hbm4b:s8+s17], $0x80, s29, s17, $0xb8;
	[tilespmem:$0x1E800] =	vst v63  }
0x91: {  	_ =	swait.ge [sflag:s19], $0x4000  }
0x92: {  	[sflag:s19] =	ssyncset.done $0x0  }
0x93: {  	[sflag:s19] =	ssyncadd.s32 $0xFFFFC000  }
0x94: {  	[spmem:s2] =	stream.indirect.scatter.add.f32 [tilespmem:s14], [sflag:$0x3], $0x80, s21, s17, $0xb8;
	[tilespmem:$0x1E800] =	vst v63  }
0x95: {  	_ =	swait.ge [sflag:s15], $0x4000  }
0x96: {  	[sflag:s15] =	ssyncset.done $0x0  }
0x97: {  	[sflag:s15] =	ssyncadd.s32 $0xFFFFC000  }
0x98: {  	_ =	swait.ge [sflag:s20], $0x4000  }
0x99: {  	[sflag:s20] =	ssyncset.done $0x0  }
0x9a: {  	[sflag:s20] =	ssyncadd.s32 $0xFFFFC000  }
0x9b: {  	[spmem:s2] =	stream.indirect.scatter.add.f32 [tilespmem:s18], [sflag:$0x3], $0x80, s22, s17, $0xb8;
	[tilespmem:$0x1E800] =	vst v63  }
0x9c: {  	_ =	swait.ge [sflag:s15], $0x4000  }
0x9d: {  	s26 =	sadd.s32 $0x1, s26;
	[sflag:s15] =	ssyncset.done $0x0  }
0x9e: {  	p0 =	sne.s32 s26, s9;
	[sflag:s15] =	ssyncadd.s32 $0xFFFFC000  }
.Ltmp2:
0x9f: {  	s28 =	sshrl.u32 s5, $0x3;
	[bflag:$0x0] =	sbarrier.arrive $0xFFFF;
	(pc) =	sbr.rel @p0 .LBB2_1-.Ltmp2, $4  }
0xa0: {  	[hbm:s23], [sflag:s25] =	dma.local [spmem:s28], $0x2800  }
0xa1: {  	_ =	swait.ge [sflag:s15], $0x2800  }
0xa2: {  	[sflag:s15] =	ssyncset.done $0x0  }
0xa3: {  	[sflag:s15] =	ssyncadd.s32 $0xFFFFD800  }
0xa4: {  	_ =	sfence.sel $0x180000  }
0xa5: {  	[bflag:$0x0] =	sbarrier.arrive $0xFFFF  }
0xa6: {  	p0 =	sne.s32 s1, $0x0;
	_ =	strace $0x9000004A  }
0xa7: {  	s0 =	sadd.s32 @!p0 $0x100000, s0;
	[bflag:$0x2] =	sbarrier.arrive $0xFFFF  }
0xa8: {  	[sflag:s0] =	ssyncadd.tile.s32 @!p0 $0x1;
	_ =	shalt  }
.Lfunc_end2:
_tile_overlayer_lowered:
.L_overlay_start_2:
0xa9: {  	(tag) =	ssettag $0x2  }
0xaa: {  	s0 =	rddreg [dreg:$0x0];
	s2 =	stileid.u32  }
0xab: {  	s1 =	rddreg [dreg:$0x1];
	p0 =	sne.s32 s2, $0x0  }
0xac: {  	s3 =	rddreg [dreg:$0x2];
	[bflag:$0x3] =	sbarrier.arrive $0xFFFF;
	s2 =	simm.s32 @!p0 $0x1C03  }
0xad: {  	[timem:s3], [sflag:s2] =	dma.local @!p0 [hbm:s0], s1  }
0xae: {  	s0 =	simm.s32 @!p0 $0x3  }
0xaf: {  	_ =	swait.ge @!p0 [sflag:s0], s1  }
0xb0: {  	s1 =	ssub.s32 @!p0 $0x0, s1;
	[sflag:s0] =	ssyncset.done @!p0 $0x0  }
0xb1: {  	[sflag:s0] =	ssyncadd.s32 @!p0 s1  }
0xb2: {  	[bflag:$0x3] =	sbarrier.arrive $0xFFFF  }
0xb3: {  	_ =	shalt  }

// kernel: kernel.16.cloned.1.call-start
scs
__scs_entry_jumppad:
0x0: {  	(pc) =	sbr.rel $0x88, $3  }
0x1: {  	(tag) =	ssettag $0x0;
	lr =	simm.s32 $0x1  }
0x2: {  	[smem:$0x3F99] =	sst lr;
	_ =	strace $0xD0000000  }
0x3: {  	_ = 	snop  }
0x4: {  	_ = 	snop  }
0x5: {  	_ = 	snop  }
0x6: {  	_ = 	snop  }
0x7: {  	_ = 	snop  }
__scs_overlays_trampoline_lowered:
0x8: {  	[smem:$0x3FA8] =	sst s0  }
0x9: {  	[smem:$0x3FA9] =	sst s1  }
0xa: {  	[smem:$0x3FAA] =	sst s2  }
0xb: {  	[smem:$0x3FAB] =	sst s3  }
0xc: {  	[smem:$0x3FAC] =	sst s4  }
0xd: {  	[smem:$0x3FAD] =	sst s5  }
0xe: {  	[smem:$0x3FAE] =	sst s6  }
0xf: {  	[smem:$0x3FAF] =	sst s7  }
0x10: {  	[smem:$0x3FB0] =	sst s8  }
0x11: {  	[smem:$0x3FB1] =	sst s9;
	s0 =	simm.s32 @!p0 $0x0  }
0x12: {  	s1 =	sld [smem:$0x3F97];
	s0 =	simm.s32 @p0 $0x1  }
0x13: {  	[smem:$0x3FB2] =	sst s0;
	s0 =	simm.s32 @!p1 $0x0  }
0x14: {  	s2 =	sld [smem:$0x3F96];
	s0 =	simm.s32 @p1 $0x1  }
0x15: {  	[smem:$0x3FB3] =	sst s0;
	s0 =	simm.s32 @!p2 $0x0  }
0x16: {  	s3 =	sld [smem:$0x3FDB];
	s0 =	simm.s32 @p2 $0x1  }
0x17: {  	s4 =	simm.s32 $0x1BF5;
	[smem:$0x3FB5] =	sst s0  }
0x18: {  	s0 =	sld [smem:$0x3F98];
	_ =	swait.ge [sflag:s4], $0x0  }
0x19: {  	s7 =	sld [smem:$0x3F99]  }
0x1a: {  	s8 =	sadd.s32 $0xFFFFE003, lr  }
0x1b: {  	s9 =	sadd.s32 $0xFFFFFEF7, lr;
	s5 =	simm.s32 $0xFFFFFFFF;
	p2 =	slt.u32 s8, $0xFFFFF086  }
0x1c: {  	p1 =	slt.u32 s9, $0xF7A;
	s5 =	simm.s32 @!p2 $0x0  }
0x1d: {  	s5 =	simm.s32 @p1 $0x1;
	p0 =	seq.s32 s7, s2  }
0x1e: {  	s7 =	smul.u32 @!p0 $0xF7A, s2;
	p2 =	seq.s32 @!p0 s5, $0x0  }
0x1f: {  	s9 =	smul.u32 $0xF7A, s1;
	s8 =	simm.s32 @!p0 $0x1BF5;
	p2 =	por !p2, p0  }
0x20: {  	[sflag:s8] =	ssyncset.s32 @!p0 $0xFFFFF086;
	s6 =	sadd.s32 @!p0 s3, s7;
	s7 =	simm.s32 @!p0 $0x108  }
0x21: {  	s3 =	sadd.s32 s3, s9;
	s6 =	sadd.s32 @!p0 $0x88, s6;
	s7 =	simm.s32 @p2 $0x1082  }
0x22: {  	[simem:s7], [sflag:s8] =	dma.local @!p0 [hbm:s6], $0xF7A  }
0x23: {  	s9 =	sor.u32 $0xD0000000, s2;
	s6 =	simm.s32 $0x108;
	_ =	swait.ge @!p0 [sflag:s8], $0x0  }
0x24: {  	s3 =	sadd.s32 $0x88, s3;
	s6 =	simm.s32 @!p1 $0x1082;
	[sflag:s4] =	ssyncset.s32 $0xFFFFF086  }
0x25: {  	[simem:s6], [sflag:s4] =	dma.local [hbm:s3], $0xF7A  }
0x26: {  	[smem:$0x3F99] =	sst s1;
	(tag) =	ssettag s2;
	_ =	strace s9  }
0x27: {  	s1 =	sld [smem:$0x3FA9]  }
0x28: {  	s2 =	sld [smem:$0x3FAA]  }
0x29: {  	s4 =	sld [smem:$0x3FAC]  }
0x2a: {  	p0 =	seq.s32 s5, $0x0;
	s5 =	sld [smem:$0x3FAD]  }
0x2b: {  	s6 =	sld [smem:$0x3FAE]  }
0x2c: {  	s7 =	sld [smem:$0x3FAF]  }
0x2d: {  	s3 =	simm.s32 $0x108;
	s8 =	sld [smem:$0x3FB0]  }
0x2e: {  	s3 =	simm.s32 @!p0 $0x1082;
	s9 =	sld [smem:$0x3FB1]  }
0x2f: {  	lr =	sadd.s32 s0, s3;
	s0 =	sld [smem:$0x3FA8]  }
0x30: {  	s3 =	sld [smem:$0x3FAB]  }
0x31: {  	[smem:$0x3FB4] =	sst s10  }
0x32: {  	s10 =	sld [smem:$0x3FB2];
	_ =	sdelay $0x3  }
0x33: {  	p0 =	seq.s32 s10, $0x1;
	s10 =	sld [smem:$0x3FB4];
	_ =	sdelay $0x3  }
0x34: {  	[smem:$0x3FB4] =	sst s10  }
0x35: {  	s10 =	sld [smem:$0x3FB3];
	_ =	sdelay $0x3  }
0x36: {  	p1 =	seq.s32 s10, $0x1;
	s10 =	sld [smem:$0x3FB4];
	_ =	sdelay $0x3  }
0x37: {  	[smem:$0x3FB4] =	sst s10  }
0x38: {  	s10 =	sld [smem:$0x3FB5]  }
0x39: {  	_ = 	snop;
	(pc) =	sbr.ind lr, $3  }
0x3a: {  	_ = 	snop  }
0x3b: {  	_ = 	snop  }
0x3c: {  	p2 =	seq.s32 s10, $0x1;
	s10 =	sld [smem:$0x3FB4]  }
0x3d: {  	_ =	shalt  }
0x3e: {  	_ =	shalt  }
0x3f: {  	_ =	shalt  }
0x40: {  	_ =	shalt  }
0x41: {  	_ =	shalt  }
0x42: {  	_ =	shalt  }
0x43: {  	_ =	shalt  }
0x44: {  	_ =	shalt  }
0x45: {  	_ =	shalt  }
0x46: {  	_ =	shalt  }
0x47: {  	_ =	shalt  }
0x48: {  	_ =	shalt  }
0x49: {  	_ =	shalt  }
0x4a: {  	_ =	shalt  }
0x4b: {  	_ =	shalt  }
0x4c: {  	_ =	shalt  }
0x4d: {  	_ =	shalt  }
0x4e: {  	_ =	shalt  }
0x4f: {  	_ =	shalt  }
0x50: {  	_ =	shalt  }
0x51: {  	_ =	shalt  }
0x52: {  	_ =	shalt  }
0x53: {  	_ =	shalt  }
0x54: {  	_ =	shalt  }
0x55: {  	_ =	shalt  }
0x56: {  	_ =	shalt  }
0x57: {  	_ =	shalt  }
0x58: {  	_ =	shalt  }
0x59: {  	_ =	shalt  }
0x5a: {  	_ =	shalt  }
0x5b: {  	_ =	shalt  }
0x5c: {  	_ =	shalt  }
0x5d: {  	_ =	shalt  }
0x5e: {  	_ =	shalt  }
0x5f: {  	_ =	shalt  }
0x60: {  	_ =	shalt  }
0x61: {  	_ =	shalt  }
0x62: {  	_ =	shalt  }
0x63: {  	_ =	shalt  }
0x64: {  	_ =	shalt  }
0x65: {  	_ =	shalt  }
0x66: {  	_ =	shalt  }
0x67: {  	_ =	shalt  }
0x68: {  	_ =	shalt  }
0x69: {  	_ =	shalt  }
0x6a: {  	_ =	shalt  }
0x6b: {  	_ =	shalt  }
0x6c: {  	_ =	shalt  }
0x6d: {  	_ =	shalt  }
0x6e: {  	_ =	shalt  }
0x6f: {  	_ =	shalt  }
0x70: {  	_ =	shalt  }
0x71: {  	_ =	shalt  }
0x72: {  	_ =	shalt  }
0x73: {  	_ =	shalt  }
0x74: {  	_ =	shalt  }
0x75: {  	_ =	shalt  }
0x76: {  	_ =	shalt  }
0x77: {  	_ =	shalt  }
0x78: {  	_ =	shalt  }
0x79: {  	_ =	shalt  }
0x7a: {  	_ =	shalt  }
0x7b: {  	_ =	shalt  }
0x7c: {  	_ =	shalt  }
0x7d: {  	_ =	shalt  }
0x7e: {  	_ =	shalt  }
0x7f: {  	_ =	shalt  }
0x80: {  	_ =	shalt  }
0x81: {  	_ =	shalt  }
0x82: {  	_ =	shalt  }
0x83: {  	_ =	shalt  }
0x84: {  	_ =	shalt  }
0x85: {  	_ =	shalt  }
0x86: {  	_ =	shalt  }
0x87: {  	_ =	shalt  }
.Lfunc_end0:
.L_simem_size_0:
called_computation.2_lowered:
.L_overlay_start_0:
0x88: {  	s2 =	sld [smem:$0x3FD9]  }
0x89: {  	s3 =	sld [smem:$0x3FFE];
	_ =	sdelay $0x1  }
0x8a: {  	s1 =	srdreg.scid  }
0x8b: {  	s0 =	sand.u32 $0x1, s1  }
0x8c: {  	s17 =	sshll.u32 s0, $0xA;
	s2 =	sadd.s32 s3, s2  }
0x8d: {  	s2 =	sadd.s32 s2, s17  }
0x8e: {  	[smem:$0x3FC0] =	sst s2  }
0x8f: {  	_ = 	snop  }
0x90: {  	s2 =	sld [smem:$0x3FD0];
	(tm) =	ssettm $0x1  }
0x91: {  	s18 =	sld [smem:$0x3FFB];
	_ =	sdelay $0x3  }
0x92: {  	_ =	strace s18  }
0x93: {  	s3 =	sld [smem:$0x3FFC];
	_ =	sdelay $0x3  }
0x94: {  	_ =	strace s3  }
0x95: {  	s3 =	sld [smem:$0x3FFD];
	_ =	sdelay $0x3  }
0x96: {  	_ =	strace s3  }
0x97: {  	_ =	strace $0x8FFFFFFF  }
0x98: {  	s19 =	sld [smem:$0x3FDB];
	_ =	sdelay $0x1  }
0x99: {  	s4 =	simm.s32 $_scs_section_size  }
0x9a: {  	s5 =	simm.s32 $_size__tile_overlayer_lowered;
	s6 =	simm.s32 $_tile_overlayer_lowered  }
0x9b: {  	s22 =	simm.s32 $0x1BFF;
	s21 =	sshll.u32 s6, $0x1;
	s3 =	sadd.s32 s4, s19  }
0x9c: {  	s7 =	simm.s32 $0x0;
	s20 =	sshll.u32 s5, $0x1;
	s5 =	sadd.s32 s21, s3  }
0x9d: {  	[timem:s7], [sflag:s22] =	dma.local [hbm:s5], s20  }
0x9e: {  	_ =	swait.ge [sflag:s22], s20  }
0x9f: {  	s4 =	ssub.s32 $0x0, s20;
	[sflag:s22] =	ssyncset.done $0x0  }
0xa0: {  	[sflag:s22] =	ssyncadd.s32 s4;
	_ =	sdelay $0x1  }
0xa1: {  	s23 =	simm.s32 $0x1B8B  }
0xa2: {  	_ =	swait.ge [sflag:s23], $0x1  }
0xa3: {  	[sflag:s23] =	ssyncset.done $0x0  }
0xa4: {  	s25 =	simm.s32 $0x1B8E;
	s24 =	sld [smem:$0x3FFE];
	[sflag:s23] =	ssyncadd.s32 $0xFFFFFFFF  }
0xa5: {  	s26 =	simm.s32 $execute0_lowered;
	[smem:$0x3FD2] =	sst s25  }
0xa6: {  	s5 =	sshll.u32 s26, $0x1;
	_ =	strace $0x8000004C;
	[dreg:$0x1] =	wrdreg $0xFFFFFFFF  }
0xa7: {  	s28 =	simm.s32 $_size_execute0_lowered;
	s3 =	sadd.s32 s3, s5;
	[dreg:$0x0] =	wrdreg $0x0  }
0xa8: {  	s5 =	sshll.u32 s28, $0x1;
	[dreg:$0x2] =	wrdreg s3  }
0xa9: {  	[dreg:$0x3] =	wrdreg s5  }
0xaa: {  	[dreg:$0x4] =	wrdreg $0xC0  }
0xab: {  	_ =	task [dreg:s7], $0x5FFFF  }
0xac: {  	[dreg:$0x1] =	wrdreg $0xFFFFFFFF  }
0xad: {  	[dreg:$0x0] =	wrdreg $0x60  }
0xae: {  	[dreg:$0x2] =	wrdreg s24  }
0xaf: {  	[dreg:$0x3] =	wrdreg s2  }
0xb0: {  	[dreg:$0x4] =	wrdreg $0xA8000  }
0xb1: {  	[dreg:$0x5] =	wrdreg $0x9  }
0xb2: {  	_ =	task.clear_ibuf [dreg:s7], $0x6FFFF;
	_ =	strace $0x9000004C  }
0xb3: {  	s29 =	simm.s32 $0x9;
	_ =	strace $0x8000004E  }
0xb4: {  	_ =	swait.ge [sflag:s29], $0x1  }
0xb5: {  	[sflag:s29] =	ssyncadd.s32 $0xFFFFFFFF  }
0xb6: {  	_ =	strace $0x9000004E  }
0xb7: {  	_ =	sfence  }
0xb8: {  	s30 =	sld [smem:$0x0];
	_ =	sdelay $0x2  }
0xb9: {  	s31 =	sshll.u32 s1, $0xD;
	s1 =	sshrl.u32 s1, $0x2  }
0xba: {  	s3 =	sand.u32 $0x4000, s31;
	s1 =	sadd.s32 s1, s30  }
0xbb: {  	s0 =	sor.u32 s3, s0;
	s1 =	sshll.u32 s1, $0x11  }
0xbc: {  	s0 =	sor.u32 s1, s0  }
0xbd: {  	s0 =	sadd.s32 $0x8F2B, s0  }
0xbe: {  	[sflag:s0] =	ssyncadd.remote.s32 $0x1  }
0xbf: {  	_ =	sfence.sel $0xFFFF  }
0xc0: {  	[dreg:$0x0] =	wrdreg $0xFFFFFFFF;
	(pc) =	sbr.abs _section_cstart, $3  }
0xc1: {  	[dreg:$0x1] =	wrdreg $0xFFFFFFFF  }
0xc2: {  	_ =	task.clear_ibuf [dreg:s7], $0x2FFFF;
	_ =	strace $0x9FFFFFFF  }
0xc3: {  	(tm) =	ssettm $0x7FFFFFFF  }
tec
execute0_lowered:
.L_overlay_start_1:
0x0: {  	(tag) =	ssettag $0x1  }
0x1: {  	s0 =	rddreg [dreg:$0x0]  }
0x2: {  	s1 =	rddreg [dreg:$0x1]  }
0x3: {  	s2 =	rddreg [dreg:$0x2];
	s3 =	simm.s32 $0x0  }
0x4: {  	s13 =	stileid.u32;
	s4 =	srdreg.scid;
	s15 =	simm.s32 $0x2800  }
0x5: {  	s16 =	simm.s32 $0x3;
	s17 =	simm.s32 $0x1400;
	s18 =	simm.s32 $0x80  }
0x6: {  	s19 =	simm.s32 $0x6800;
	s20 =	simm.s32 $0x1;
	s21 =	simm.s32 $0x2  }
0x7: {  	s22 =	simm.s32 $0x2700;
	s25 =	simm.s32 $0x2780;
	s6 =	smul.u32 $0x500, s13  }
0x8: {  	s26 =	simm.s32 $0x0;
	[smem:$0x7FF] =	sst s3;
	s10 =	smul.u32 $0x50000, s13  }
0x9: {  	s9 =	sadd.s32 $0x8A00, s0;
	s5 =	sand.u32 $0x1, s4;
	s24 =	smul.u32 $0x2800, s13  }
0xa: {  	s4 =	sadd.s32 $0x8200, s0;
	_ =	strace $0x8000004D;
	s12 =	smul.u32 $0x280000, s5  }
0xb: {  	s8 =	ssub.s32 $0x2, s5;
	s29 =	smul.u32 $0x50000, s5;
	s7 =	sadd.s32 s6, s0  }
0xc: {  	s0 =	sadd.s32 $0xA8A00, s0;
	s11 =	sshrl.u32 s8, $0x1;
	s28 =	sshrl.u32 s10, $0x2  }
0xd: {  	s6 =	sadd.s32 s1, s6;
	s11 =	ssub.s32 s8, s11;
	s5 =	sadd.s32 s28, s2  }
0xe: {  	s30 =	sshrl.u32 s12, $0x3;
	s7 =	sadd.s32 $0x2200, s7;
	s8 =	sadd.s32 s9, s29  }
0xf: {  	s23 =	sadd.s32 s0, s29;
	s1 =	sadd.s32 $0x28000, s30;
	s31 =	smax.u32 s11, $0x1  }
0x10: {  	s11 =	sadd.s32 $0x4000, s5;
	s12 =	sadd.s32 $0x8000, s5;
	s13 =	sadd.s32 $0xC000, s5  }
0x11: {  	s14 =	sadd.s32 $0x10000, s5;
	s23 =	sadd.s32 s24, s23;
	s0 =	sadd.s32 s0, s1  }
0x12: {  	s9 =	sadd.s32 s9, s1;
	[dreg:$0x4] =	wrdreg s31;
	s24 =	sadd.s32 s24, s0  }
.LBB2_1:
0x13: {  	[tilespmem:s15], [sflag:$0x3] =	stream.linear.gather [hbm4b:s4+s3], $0x4000, $0x38;
	[tilespmem:$0x1E800] =	vst v63  }
0x14: {  	_ =	swait.ge [sflag:s16], $0x4000  }
0x15: {  	[sflag:s16] =	ssyncset.done $0x0  }
0x16: {  	[sflag:s16] =	ssyncadd.s32 $0xFFFFC000  }
0x17: {  	[spmem:s5] =	stream.linear.scatter [tilespmem:s15], [sflag:$0x3], $0x4000, $0x38;
	[tilespmem:$0x1E800] =	vst v63  }
0x18: {  	_ =	swait.ge [sflag:s16], $0x4000  }
0x19: {  	[sflag:s16] =	ssyncset.done $0x0  }
0x1a: {  	[sflag:s16] =	ssyncadd.s32 $0xFFFFC000  }
0x1b: {  	[spmem:s11] =	stream.linear.scatter [tilespmem:s15], [sflag:$0x3], $0x4000, $0x38;
	[tilespmem:$0x1E800] =	vst v63  }
0x1c: {  	_ =	swait.ge [sflag:s16], $0x4000  }
0x1d: {  	[sflag:s16] =	ssyncset.done $0x0  }
0x1e: {  	[sflag:s16] =	ssyncadd.s32 $0xFFFFC000  }
0x1f: {  	[spmem:s12] =	stream.linear.scatter [tilespmem:s15], [sflag:$0x3], $0x4000, $0x38;
	[tilespmem:$0x1E800] =	vst v63  }
0x20: {  	_ =	swait.ge [sflag:s16], $0x4000  }
0x21: {  	[sflag:s16] =	ssyncset.done $0x0  }
0x22: {  	[sflag:s16] =	ssyncadd.s32 $0xFFFFC000  }
0x23: {  	[spmem:s13] =	stream.linear.scatter [tilespmem:s15], [sflag:$0x3], $0x4000, $0x38;
	[tilespmem:$0x1E800] =	vst v63  }
0x24: {  	_ =	swait.ge [sflag:s16], $0x4000  }
0x25: {  	[sflag:s16] =	ssyncset.done $0x0  }
0x26: {  	[sflag:s16] =	ssyncadd.s32 $0xFFFFC000  }
0x27: {  	[spmem:s14] =	stream.linear.scatter [tilespmem:s15], [sflag:$0x3], $0x4000, $0x38;
	[tilespmem:$0x1E800] =	vst v63  }
0x28: {  	_ =	swait.ge [sflag:s16], $0x4000  }
0x29: {  	[sflag:s16] =	ssyncset.done $0x0  }
0x2a: {  	[sflag:s16] =	ssyncadd.s32 $0xFFFFC000  }
0x2b: {  	[bflag:$0x0] =	sbarrier.arrive $0xFFFF  }
0x2c: {  	[tilespmem:s3], [sflag:$0x3] =	stream.linear.gather [hbm4b:s6+s3], $0x1400, $0x38;
	[tilespmem:$0x1E800] =	vst v63  }
0x2d: {  	_ =	swait.ge [sflag:s16], $0x1400  }
0x2e: {  	[sflag:s16] =	ssyncset.done $0x0  }
0x2f: {  	[sflag:s16] =	ssyncadd.s32 $0xFFFFEC00  }
0x30: {  	[tilespmem:s17], [sflag:$0x3] =	stream.linear.gather [hbm4b:s7+s3], $0x1400, $0x38;
	[tilespmem:$0x1E800] =	vst v63  }
0x31: {  	_ =	swait.ge [sflag:s16], $0x1400  }
0x32: {  	[sflag:s16] =	ssyncset.done $0x0  }
0x33: {  	[sflag:s16] =	ssyncadd.s32 $0xFFFFEC00  }
0x34: {  	[tilespmem:s15], [sflag:$0x1] =	stream.indirect.gather [hbm4b:s8+s18], $0x80, s3, s18, $0xb8;
	[tilespmem:$0x1E800] =	vst v63  }
0x35: {  	_ = 	snop  }
0x36: {  	[tilespmem:s19], [sflag:$0x2] =	stream.indirect.gather [hbm4b:s8+s18], $0x80, s18, s18, $0xb8;
	[tilespmem:$0x1E800] =	vst v63  }
0x37: {  	_ =	swait.ge [sflag:s20], $0x4000  }
0x38: {  	[sflag:s20] =	ssyncset.done $0x0  }
0x39: {  	s0 =	simm.s32 $0x1400;
	[sflag:s20] =	ssyncadd.s32 $0xFFFFC000  }
0x3a: {  	[spmem:s2] =	stream.indirect.scatter.add.f32 [tilespmem:s15], [sflag:$0x3], $0x80, s0, s18, $0xb8;
	[tilespmem:$0x1E800] =	vst v63  }
0x3b: {  	_ =	swait.ge [sflag:s16], $0x4000  }
0x3c: {  	[sflag:s16] =	ssyncset.done $0x0  }
0x3d: {  	s30 =	simm.s32 $0x100;
	[sflag:s16] =	ssyncadd.s32 $0xFFFFC000  }
0x3e: {  	[tilespmem:s15], [sflag:$0x1] =	stream.indirect.gather [hbm4b:s8+s18], $0x80, s30, s18, $0xb8;
	[tilespmem:$0x1E800] =	vst v63  }
0x3f: {  	_ =	swait.ge [sflag:s21], $0x4000  }
0x40: {  	[sflag:s21] =	ssyncset.done $0x0  }
0x41: {  	s31 =	simm.s32 $0x1480;
	[sflag:s21] =	ssyncadd.s32 $0xFFFFC000  }
0x42: {  	[spmem:s2] =	stream.indirect.scatter.add.f32 [tilespmem:s19], [sflag:$0x3], $0x80, s31, s18, $0xb8;
	[tilespmem:$0x1E800] =	vst v63  }
0x43: {  	_ =	swait.ge [sflag:s16], $0x4000  }
0x44: {  	[sflag:s16] =	ssyncset.done $0x0  }
0x45: {  	s28 =	simm.s32 $0x400;
	s0 =	simm.s32 $0x180;
	[sflag:s16] =	ssyncadd.s32 $0xFFFFC000  }
.LBB2_2:
0x46: {  	[tilespmem:s19], [sflag:$0x2] =	stream.indirect.gather [hbm4b:s8+s18], $0x80, s0, s18, $0xb8;
	[tilespmem:$0x1E800] =	vst v63  }
0x47: {  	s0 =	smov.u32 s28  }
0x48: {  	p0 =	sne.s32 s28, $0x4800;
	s28 =	sadd.s32 $0x400, s28;
	_ =	swait.ge [sflag:s20], $0x4000  }
0x49: {  	s0 =	sshra.s32 s0, $0x2;
	[sflag:s20] =	ssyncset.done $0x0  }
0x4a: {  	s1 =	sadd.s32 $0x1400, s0;
	[sflag:s20] =	ssyncadd.s32 $0xFFFFC000  }
0x4b: {  	[spmem:s2] =	stream.indirect.scatter.add.f32 [tilespmem:s15], [sflag:$0x3], $0x80, s1, s18, $0xb8;
	[tilespmem:$0x1E800] =	vst v63  }
0x4c: {  	_ =	swait.ge [sflag:s16], $0x4000  }
0x4d: {  	[sflag:s16] =	ssyncset.done $0x0  }
0x4e: {  	s1 =	sadd.s32 $0x100, s0;
	[sflag:s16] =	ssyncadd.s32 $0xFFFFC000  }
0x4f: {  	[tilespmem:s15], [sflag:$0x1] =	stream.indirect.gather [hbm4b:s8+s18], $0x80, s1, s18, $0xb8;
	[tilespmem:$0x1E800] =	vst v63  }
0x50: {  	_ =	swait.ge [sflag:s21], $0x4000  }
0x51: {  	[sflag:s21] =	ssyncset.done $0x0  }
.Ltmp0:
0x52: {  	s1 =	sadd.s32 $0x1480, s0;
	[sflag:s21] =	ssyncadd.s32 $0xFFFFC000;
	(pc) =	sbr.rel @p0 .LBB2_2-.Ltmp0, $4  }
0x53: {  	[spmem:s2] =	stream.indirect.scatter.add.f32 [tilespmem:s19], [sflag:$0x3], $0x80, s1, s18, $0xb8;
	[tilespmem:$0x1E800] =	vst v63  }
0x54: {  	_ =	swait.ge [sflag:s16], $0x4000  }
0x55: {  	[sflag:s16] =	ssyncset.done $0x0  }
0x56: {  	s0 =	sadd.s32 $0x180, s0;
	[sflag:s16] =	ssyncadd.s32 $0xFFFFC000  }
0x57: {  	[tilespmem:s19], [sflag:$0x2] =	stream.indirect.gather [hbm4b:s8+s18], $0x80, s0, s18, $0xb8;
	[tilespmem:$0x1E800] =	vst v63  }
0x58: {  	_ =	swait.ge [sflag:s20], $0x4000  }
0x59: {  	[sflag:s20] =	ssyncset.done $0x0  }
0x5a: {  	[sflag:s20] =	ssyncadd.s32 $0xFFFFC000  }
0x5b: {  	[spmem:s2] =	stream.indirect.scatter.add.f32 [tilespmem:s15], [sflag:$0x3], $0x80, s22, s18, $0xb8;
	[tilespmem:$0x1E800] =	vst v63  }
0x5c: {  	_ =	swait.ge [sflag:s16], $0x4000  }
0x5d: {  	[sflag:s16] =	ssyncset.done $0x0  }
0x5e: {  	[sflag:s16] =	ssyncadd.s32 $0xFFFFC000  }
0x5f: {  	_ =	swait.ge [sflag:s21], $0x4000  }
0x60: {  	[sflag:s21] =	ssyncset.done $0x0  }
0x61: {  	[sflag:s21] =	ssyncadd.s32 $0xFFFFC000  }
0x62: {  	[spmem:s2] =	stream.indirect.scatter.add.f32 [tilespmem:s19], [sflag:$0x3], $0x80, s25, s18, $0xb8;
	[tilespmem:$0x1E800] =	vst v63  }
0x63: {  	_ =	swait.ge [sflag:s16], $0x4000  }
0x64: {  	[sflag:s16] =	ssyncset.done $0x0  }
0x65: {  	s28 =	sadd.s32 $0x280, s6;
	s31 =	simm.s32 $0x0;
	[sflag:s16] =	ssyncadd.s32 $0xFFFFC000  }
0x66: {  	[tilespmem:s31], [sflag:$0x3] =	stream.linear.gather [hbm4b:s28+s31], $0x1400, $0x38;
	[tilespmem:$0x1E800] =	vst v63  }
0x67: {  	_ =	swait.ge [sflag:s16], $0x1400  }
0x68: {  	[sflag:s16] =	ssyncset.done $0x0  }
0x69: {  	s29 =	sadd.s32 $0x280, s7;
	[sflag:s16] =	ssyncadd.s32 $0xFFFFEC00  }
0x6a: {  	[tilespmem:s17], [sflag:$0x3] =	stream.linear.gather [hbm4b:s29+s31], $0x1400, $0x38;
	[tilespmem:$0x1E800] =	vst v63  }
0x6b: {  	_ =	swait.ge [sflag:s16], $0x1400  }
0x6c: {  	[sflag:s16] =	ssyncset.done $0x0  }
0x6d: {  	[sflag:s16] =	ssyncadd.s32 $0xFFFFEC00  }
0x6e: {  	[tilespmem:s15], [sflag:$0x1] =	stream.indirect.gather [hbm4b:s8+s18], $0x80, s31, s18, $0xb8;
	[tilespmem:$0x1E800] =	vst v63  }
0x6f: {  	_ = 	snop  }
0x70: {  	[tilespmem:s19], [sflag:$0x2] =	stream.indirect.gather [hbm4b:s8+s18], $0x80, s18, s18, $0xb8;
	[tilespmem:$0x1E800] =	vst v63  }
0x71: {  	_ =	swait.ge [sflag:s20], $0x4000  }
0x72: {  	[sflag:s20] =	ssyncset.done $0x0  }
0x73: {  	s1 =	simm.s32 $0x1400;
	[sflag:s20] =	ssyncadd.s32 $0xFFFFC000  }
0x74: {  	[spmem:s2] =	stream.indirect.scatter.add.f32 [tilespmem:s15], [sflag:$0x3], $0x80, s1, s18, $0xb8;
	[tilespmem:$0x1E800] =	vst v63  }
0x75: {  	_ =	swait.ge [sflag:s16], $0x4000  }
0x76: {  	[sflag:s16] =	ssyncset.done $0x0  }
0x77: {  	s10 =	simm.s32 $0x100;
	[sflag:s16] =	ssyncadd.s32 $0xFFFFC000  }
0x78: {  	[tilespmem:s15], [sflag:$0x1] =	stream.indirect.gather [hbm4b:s8+s18], $0x80, s10, s18, $0xb8;
	[tilespmem:$0x1E800] =	vst v63  }
0x79: {  	_ =	swait.ge [sflag:s21], $0x4000  }
0x7a: {  	[sflag:s21] =	ssyncset.done $0x0  }
0x7b: {  	s31 =	simm.s32 $0x1480;
	[sflag:s21] =	ssyncadd.s32 $0xFFFFC000  }
0x7c: {  	[spmem:s2] =	stream.indirect.scatter.add.f32 [tilespmem:s19], [sflag:$0x3], $0x80, s31, s18, $0xb8;
	[tilespmem:$0x1E800] =	vst v63  }
0x7d: {  	_ =	swait.ge [sflag:s16], $0x4000  }
0x7e: {  	[sflag:s16] =	ssyncset.done $0x0  }
0x7f: {  	s30 =	simm.s32 $0x400;
	s0 =	simm.s32 $0x180;
	[sflag:s16] =	ssyncadd.s32 $0xFFFFC000  }
.LBB2_4:
0x80: {  	[tilespmem:s19], [sflag:$0x2] =	stream.indirect.gather [hbm4b:s8+s18], $0x80, s0, s18, $0xb8;
	[tilespmem:$0x1E800] =	vst v63  }
0x81: {  	s0 =	smov.u32 s30  }
0x82: {  	p0 =	sne.s32 s30, $0x4800;
	s30 =	sadd.s32 $0x400, s30;
	_ =	swait.ge [sflag:s20], $0x4000  }
0x83: {  	s0 =	sshra.s32 s0, $0x2;
	[sflag:s20] =	ssyncset.done $0x0  }
0x84: {  	s1 =	sadd.s32 $0x1400, s0;
	[sflag:s20] =	ssyncadd.s32 $0xFFFFC000  }
0x85: {  	[spmem:s2] =	stream.indirect.scatter.add.f32 [tilespmem:s15], [sflag:$0x3], $0x80, s1, s18, $0xb8;
	[tilespmem:$0x1E800] =	vst v63  }
0x86: {  	_ =	swait.ge [sflag:s16], $0x4000  }
0x87: {  	[sflag:s16] =	ssyncset.done $0x0  }
0x88: {  	s1 =	sadd.s32 $0x100, s0;
	[sflag:s16] =	ssyncadd.s32 $0xFFFFC000  }
0x89: {  	[tilespmem:s15], [sflag:$0x1] =	stream.indirect.gather [hbm4b:s8+s18], $0x80, s1, s18, $0xb8;
	[tilespmem:$0x1E800] =	vst v63  }
0x8a: {  	_ =	swait.ge [sflag:s21], $0x4000  }
0x8b: {  	[sflag:s21] =	ssyncset.done $0x0  }
.Ltmp1:
0x8c: {  	s1 =	sadd.s32 $0x1480, s0;
	[sflag:s21] =	ssyncadd.s32 $0xFFFFC000;
	(pc) =	sbr.rel @p0 .LBB2_4-.Ltmp1, $4  }
0x8d: {  	[spmem:s2] =	stream.indirect.scatter.add.f32 [tilespmem:s19], [sflag:$0x3], $0x80, s1, s18, $0xb8;
	[tilespmem:$0x1E800] =	vst v63  }
0x8e: {  	_ =	swait.ge [sflag:s16], $0x4000  }
0x8f: {  	[sflag:s16] =	ssyncset.done $0x0  }
0x90: {  	s0 =	sadd.s32 $0x180, s0;
	[sflag:s16] =	ssyncadd.s32 $0xFFFFC000  }
0x91: {  	[tilespmem:s19], [sflag:$0x2] =	stream.indirect.gather [hbm4b:s8+s18], $0x80, s0, s18, $0xb8;
	[tilespmem:$0x1E800] =	vst v63  }
0x92: {  	_ =	swait.ge [sflag:s20], $0x4000  }
0x93: {  	[sflag:s20] =	ssyncset.done $0x0  }
0x94: {  	[sflag:s20] =	ssyncadd.s32 $0xFFFFC000  }
0x95: {  	[spmem:s2] =	stream.indirect.scatter.add.f32 [tilespmem:s15], [sflag:$0x3], $0x80, s22, s18, $0xb8;
	[tilespmem:$0x1E800] =	vst v63  }
0x96: {  	_ =	swait.ge [sflag:s16], $0x4000  }
0x97: {  	[sflag:s16] =	ssyncset.done $0x0  }
0x98: {  	[sflag:s16] =	ssyncadd.s32 $0xFFFFC000  }
0x99: {  	_ =	swait.ge [sflag:s21], $0x4000  }
0x9a: {  	[sflag:s21] =	ssyncset.done $0x0  }
0x9b: {  	[sflag:s21] =	ssyncadd.s32 $0xFFFFC000  }
0x9c: {  	[spmem:s2] =	stream.indirect.scatter.add.f32 [tilespmem:s19], [sflag:$0x3], $0x80, s25, s18, $0xb8;
	[tilespmem:$0x1E800] =	vst v63  }
0x9d: {  	_ =	swait.ge [sflag:s16], $0x4000  }
0x9e: {  	s10 =	stileid.u32;
	[sflag:s16] =	ssyncset.done $0x0  }
0x9f: {  	s0 =	sshll.u32 s10, $0x6;
	[sflag:s16] =	ssyncadd.s32 $0xFFFFC000  }
0xa0: {  	s31 =	sshrl.u32 s5, $0x3;
	s30 =	sor.u32 $0x1C03, s0;
	[bflag:$0x0] =	sbarrier.arrive $0xFFFF  }
0xa1: {  	[hbm:s23], [sflag:s30] =	dma.local [spmem:s31], $0x2800  }
0xa2: {  	_ =	swait.ge [sflag:s16], $0x2800  }
0xa3: {  	[sflag:s16] =	ssyncset.done $0x0  }
0xa4: {  	[sflag:s16] =	ssyncadd.s32 $0xFFFFD800  }
0xa5: {  	s1 =	simm.s32 $0x0;
	[bflag:$0x0] =	sbarrier.arrive $0xFFFF  }
0xa6: {  	[tilespmem:s15], [sflag:$0x3] =	stream.linear.gather [hbm4b:s4+s1], $0x4000, $0x38;
	[tilespmem:$0x1E800] =	vst v63  }
0xa7: {  	_ =	swait.ge [sflag:s16], $0x4000  }
0xa8: {  	[sflag:s16] =	ssyncset.done $0x0  }
0xa9: {  	[sflag:s16] =	ssyncadd.s32 $0xFFFFC000  }
0xaa: {  	[spmem:s5] =	stream.linear.scatter [tilespmem:s15], [sflag:$0x3], $0x4000, $0x38;
	[tilespmem:$0x1E800] =	vst v63  }
0xab: {  	_ =	swait.ge [sflag:s16], $0x4000  }
0xac: {  	[sflag:s16] =	ssyncset.done $0x0  }
0xad: {  	[sflag:s16] =	ssyncadd.s32 $0xFFFFC000  }
0xae: {  	[spmem:s11] =	stream.linear.scatter [tilespmem:s15], [sflag:$0x3], $0x4000, $0x38;
	[tilespmem:$0x1E800] =	vst v63  }
0xaf: {  	_ =	swait.ge [sflag:s16], $0x4000  }
0xb0: {  	[sflag:s16] =	ssyncset.done $0x0  }
0xb1: {  	[sflag:s16] =	ssyncadd.s32 $0xFFFFC000  }
0xb2: {  	[spmem:s12] =	stream.linear.scatter [tilespmem:s15], [sflag:$0x3], $0x4000, $0x38;
	[tilespmem:$0x1E800] =	vst v63  }
0xb3: {  	_ =	swait.ge [sflag:s16], $0x4000  }
0xb4: {  	[sflag:s16] =	ssyncset.done $0x0  }
0xb5: {  	[sflag:s16] =	ssyncadd.s32 $0xFFFFC000  }
0xb6: {  	[spmem:s13] =	stream.linear.scatter [tilespmem:s15], [sflag:$0x3], $0x4000, $0x38;
	[tilespmem:$0x1E800] =	vst v63  }
0xb7: {  	_ =	swait.ge [sflag:s16], $0x4000  }
0xb8: {  	[sflag:s16] =	ssyncset.done $0x0  }
0xb9: {  	[sflag:s16] =	ssyncadd.s32 $0xFFFFC000  }
0xba: {  	[spmem:s14] =	stream.linear.scatter [tilespmem:s15], [sflag:$0x3], $0x4000, $0x38;
	[tilespmem:$0x1E800] =	vst v63  }
0xbb: {  	_ =	swait.ge [sflag:s16], $0x4000  }
0xbc: {  	[sflag:s16] =	ssyncset.done $0x0  }
0xbd: {  	[sflag:s16] =	ssyncadd.s32 $0xFFFFC000  }
0xbe: {  	[bflag:$0x0] =	sbarrier.arrive $0xFFFF  }
0xbf: {  	[tilespmem:s1], [sflag:$0x3] =	stream.linear.gather [hbm4b:s6+s1], $0x1400, $0x38;
	[tilespmem:$0x1E800] =	vst v63  }
0xc0: {  	_ =	swait.ge [sflag:s16], $0x1400  }
0xc1: {  	[sflag:s16] =	ssyncset.done $0x0  }
0xc2: {  	[sflag:s16] =	ssyncadd.s32 $0xFFFFEC00  }
0xc3: {  	[tilespmem:s17], [sflag:$0x3] =	stream.linear.gather [hbm4b:s7+s1], $0x1400, $0x38;
	[tilespmem:$0x1E800] =	vst v63  }
0xc4: {  	_ =	swait.ge [sflag:s16], $0x1400  }
0xc5: {  	[sflag:s16] =	ssyncset.done $0x0  }
0xc6: {  	[sflag:s16] =	ssyncadd.s32 $0xFFFFEC00  }
0xc7: {  	[tilespmem:s15], [sflag:$0x1] =	stream.indirect.gather [hbm4b:s9+s18], $0x80, s1, s18, $0xb8;
	[tilespmem:$0x1E800] =	vst v63  }
0xc8: {  	_ = 	snop  }
0xc9: {  	[tilespmem:s19], [sflag:$0x2] =	stream.indirect.gather [hbm4b:s9+s18], $0x80, s18, s18, $0xb8;
	[tilespmem:$0x1E800] =	vst v63  }
0xca: {  	_ =	swait.ge [sflag:s20], $0x4000  }
0xcb: {  	[sflag:s20] =	ssyncset.done $0x0  }
0xcc: {  	s10 =	simm.s32 $0x1400;
	[sflag:s20] =	ssyncadd.s32 $0xFFFFC000  }
0xcd: {  	[spmem:s2] =	stream.indirect.scatter.add.f32 [tilespmem:s15], [sflag:$0x3], $0x80, s10, s18, $0xb8;
	[tilespmem:$0x1E800] =	vst v63  }
0xce: {  	_ =	swait.ge [sflag:s16], $0x4000  }
0xcf: {  	[sflag:s16] =	ssyncset.done $0x0  }
0xd0: {  	s1 =	simm.s32 $0x100;
	[sflag:s16] =	ssyncadd.s32 $0xFFFFC000  }
0xd1: {  	[tilespmem:s15], [sflag:$0x1] =	stream.indirect.gather [hbm4b:s9+s18], $0x80, s1, s18, $0xb8;
	[tilespmem:$0x1E800] =	vst v63  }
0xd2: {  	_ =	swait.ge [sflag:s21], $0x4000  }
0xd3: {  	[sflag:s21] =	ssyncset.done $0x0  }
0xd4: {  	s10 =	simm.s32 $0x1480;
	[sflag:s21] =	ssyncadd.s32 $0xFFFFC000  }
0xd5: {  	[spmem:s2] =	stream.indirect.scatter.add.f32 [tilespmem:s19], [sflag:$0x3], $0x80, s10, s18, $0xb8;
	[tilespmem:$0x1E800] =	vst v63  }
0xd6: {  	_ =	swait.ge [sflag:s16], $0x4000  }
0xd7: {  	[sflag:s16] =	ssyncset.done $0x0  }
0xd8: {  	s0 =	simm.s32 $0x400;
	s1 =	simm.s32 $0x180;
	[sflag:s16] =	ssyncadd.s32 $0xFFFFC000  }
.LBB2_6:
0xd9: {  	[tilespmem:s19], [sflag:$0x2] =	stream.indirect.gather [hbm4b:s9+s18], $0x80, s1, s18, $0xb8;
	[tilespmem:$0x1E800] =	vst v63  }
0xda: {  	s1 =	smov.u32 s0  }
0xdb: {  	p0 =	sne.s32 s0, $0x4800;
	s0 =	sadd.s32 $0x400, s0;
	_ =	swait.ge [sflag:s20], $0x4000  }
0xdc: {  	s1 =	sshra.s32 s1, $0x2;
	[sflag:s20] =	ssyncset.done $0x0  }
0xdd: {  	s10 =	sadd.s32 $0x1400, s1;
	[sflag:s20] =	ssyncadd.s32 $0xFFFFC000  }
0xde: {  	[spmem:s2] =	stream.indirect.scatter.add.f32 [tilespmem:s15], [sflag:$0x3], $0x80, s10, s18, $0xb8;
	[tilespmem:$0x1E800] =	vst v63  }
0xdf: {  	_ =	swait.ge [sflag:s16], $0x4000  }
0xe0: {  	[sflag:s16] =	ssyncset.done $0x0  }
0xe1: {  	s10 =	sadd.s32 $0x100, s1;
	[sflag:s16] =	ssyncadd.s32 $0xFFFFC000  }
0xe2: {  	[tilespmem:s15], [sflag:$0x1] =	stream.indirect.gather [hbm4b:s9+s18], $0x80, s10, s18, $0xb8;
	[tilespmem:$0x1E800] =	vst v63  }
0xe3: {  	_ =	swait.ge [sflag:s21], $0x4000  }
0xe4: {  	[sflag:s21] =	ssyncset.done $0x0  }
.Ltmp2:
0xe5: {  	s10 =	sadd.s32 $0x1480, s1;
	[sflag:s21] =	ssyncadd.s32 $0xFFFFC000;
	(pc) =	sbr.rel @p0 .LBB2_6-.Ltmp2, $4  }
0xe6: {  	[spmem:s2] =	stream.indirect.scatter.add.f32 [tilespmem:s19], [sflag:$0x3], $0x80, s10, s18, $0xb8;
	[tilespmem:$0x1E800] =	vst v63  }
0xe7: {  	_ =	swait.ge [sflag:s16], $0x4000  }
0xe8: {  	[sflag:s16] =	ssyncset.done $0x0  }
0xe9: {  	s1 =	sadd.s32 $0x180, s1;
	[sflag:s16] =	ssyncadd.s32 $0xFFFFC000  }
0xea: {  	[tilespmem:s19], [sflag:$0x2] =	stream.indirect.gather [hbm4b:s9+s18], $0x80, s1, s18, $0xb8;
	[tilespmem:$0x1E800] =	vst v63  }
0xeb: {  	_ =	swait.ge [sflag:s20], $0x4000  }
0xec: {  	[sflag:s20] =	ssyncset.done $0x0  }
0xed: {  	[sflag:s20] =	ssyncadd.s32 $0xFFFFC000  }
0xee: {  	[spmem:s2] =	stream.indirect.scatter.add.f32 [tilespmem:s15], [sflag:$0x3], $0x80, s22, s18, $0xb8;
	[tilespmem:$0x1E800] =	vst v63  }
0xef: {  	_ =	swait.ge [sflag:s16], $0x4000  }
0xf0: {  	[sflag:s16] =	ssyncset.done $0x0  }
0xf1: {  	[sflag:s16] =	ssyncadd.s32 $0xFFFFC000  }
0xf2: {  	_ =	swait.ge [sflag:s21], $0x4000  }
0xf3: {  	[sflag:s21] =	ssyncset.done $0x0  }
0xf4: {  	[sflag:s21] =	ssyncadd.s32 $0xFFFFC000  }
0xf5: {  	[spmem:s2] =	stream.indirect.scatter.add.f32 [tilespmem:s19], [sflag:$0x3], $0x80, s25, s18, $0xb8;
	[tilespmem:$0x1E800] =	vst v63  }
0xf6: {  	_ =	swait.ge [sflag:s16], $0x4000  }
0xf7: {  	[sflag:s16] =	ssyncset.done $0x0  }
0xf8: {  	s0 =	simm.s32 $0x0;
	[sflag:s16] =	ssyncadd.s32 $0xFFFFC000  }
0xf9: {  	[tilespmem:s0], [sflag:$0x3] =	stream.linear.gather [hbm4b:s28+s0], $0x1400, $0x38;
	[tilespmem:$0x1E800] =	vst v63  }
0xfa: {  	_ =	swait.ge [sflag:s16], $0x1400  }
0xfb: {  	[sflag:s16] =	ssyncset.done $0x0  }
0xfc: {  	[sflag:s16] =	ssyncadd.s32 $0xFFFFEC00  }
0xfd: {  	[tilespmem:s17], [sflag:$0x3] =	stream.linear.gather [hbm4b:s29+s0], $0x1400, $0x38;
	[tilespmem:$0x1E800] =	vst v63  }
0xfe: {  	_ =	swait.ge [sflag:s16], $0x1400  }
0xff: {  	[sflag:s16] =	ssyncset.done $0x0  }
0x100: {  	[sflag:s16] =	ssyncadd.s32 $0xFFFFEC00  }
0x101: {  	[tilespmem:s15], [sflag:$0x1] =	stream.indirect.gather [hbm4b:s9+s18], $0x80, s0, s18, $0xb8;
	[tilespmem:$0x1E800] =	vst v63  }
0x102: {  	_ = 	snop  }
0x103: {  	[tilespmem:s19], [sflag:$0x2] =	stream.indirect.gather [hbm4b:s9+s18], $0x80, s18, s18, $0xb8;
	[tilespmem:$0x1E800] =	vst v63  }
0x104: {  	_ =	swait.ge [sflag:s20], $0x4000  }
0x105: {  	[sflag:s20] =	ssyncset.done $0x0  }
0x106: {  	s10 =	simm.s32 $0x1400;
	[sflag:s20] =	ssyncadd.s32 $0xFFFFC000  }
0x107: {  	[spmem:s2] =	stream.indirect.scatter.add.f32 [tilespmem:s15], [sflag:$0x3], $0x80, s10, s18, $0xb8;
	[tilespmem:$0x1E800] =	vst v63  }
0x108: {  	_ =	swait.ge [sflag:s16], $0x4000  }
0x109: {  	[sflag:s16] =	ssyncset.done $0x0  }
0x10a: {  	s28 =	simm.s32 $0x100;
	[sflag:s16] =	ssyncadd.s32 $0xFFFFC000  }
0x10b: {  	[tilespmem:s15], [sflag:$0x1] =	stream.indirect.gather [hbm4b:s9+s18], $0x80, s28, s18, $0xb8;
	[tilespmem:$0x1E800] =	vst v63  }
0x10c: {  	_ =	swait.ge [sflag:s21], $0x4000  }
0x10d: {  	[sflag:s21] =	ssyncset.done $0x0  }
0x10e: {  	s29 =	simm.s32 $0x1480;
	[sflag:s21] =	ssyncadd.s32 $0xFFFFC000  }
0x10f: {  	[spmem:s2] =	stream.indirect.scatter.add.f32 [tilespmem:s19], [sflag:$0x3], $0x80, s29, s18, $0xb8;
	[tilespmem:$0x1E800] =	vst v63  }
0x110: {  	_ =	swait.ge [sflag:s16], $0x4000  }
0x111: {  	[sflag:s16] =	ssyncset.done $0x0  }
0x112: {  	s1 =	simm.s32 $0x180;
	s0 =	simm.s32 $0x400;
	[sflag:s16] =	ssyncadd.s32 $0xFFFFC000  }
.LBB2_8:
0x113: {  	[tilespmem:s19], [sflag:$0x2] =	stream.indirect.gather [hbm4b:s9+s18], $0x80, s1, s18, $0xb8;
	[tilespmem:$0x1E800] =	vst v63  }
0x114: {  	s1 =	smov.u32 s0  }
0x115: {  	p0 =	sne.s32 s0, $0x4800;
	s0 =	sadd.s32 $0x400, s0;
	_ =	swait.ge [sflag:s20], $0x4000  }
0x116: {  	s1 =	sshra.s32 s1, $0x2;
	[sflag:s20] =	ssyncset.done $0x0  }
0x117: {  	s10 =	sadd.s32 $0x1400, s1;
	[sflag:s20] =	ssyncadd.s32 $0xFFFFC000  }
0x118: {  	[spmem:s2] =	stream.indirect.scatter.add.f32 [tilespmem:s15], [sflag:$0x3], $0x80, s10, s18, $0xb8;
	[tilespmem:$0x1E800] =	vst v63  }
0x119: {  	_ =	swait.ge [sflag:s16], $0x4000  }
0x11a: {  	[sflag:s16] =	ssyncset.done $0x0  }
0x11b: {  	s10 =	sadd.s32 $0x100, s1;
	[sflag:s16] =	ssyncadd.s32 $0xFFFFC000  }
0x11c: {  	[tilespmem:s15], [sflag:$0x1] =	stream.indirect.gather [hbm4b:s9+s18], $0x80, s10, s18, $0xb8;
	[tilespmem:$0x1E800] =	vst v63  }
0x11d: {  	_ =	swait.ge [sflag:s21], $0x4000  }
0x11e: {  	[sflag:s21] =	ssyncset.done $0x0  }
.Ltmp3:
0x11f: {  	s10 =	sadd.s32 $0x1480, s1;
	[sflag:s21] =	ssyncadd.s32 $0xFFFFC000;
	(pc) =	sbr.rel @p0 .LBB2_8-.Ltmp3, $4  }
0x120: {  	[spmem:s2] =	stream.indirect.scatter.add.f32 [tilespmem:s19], [sflag:$0x3], $0x80, s10, s18, $0xb8;
	[tilespmem:$0x1E800] =	vst v63  }
0x121: {  	_ =	swait.ge [sflag:s16], $0x4000  }
0x122: {  	[sflag:s16] =	ssyncset.done $0x0  }
0x123: {  	s1 =	sadd.s32 $0x180, s1;
	[sflag:s16] =	ssyncadd.s32 $0xFFFFC000  }
0x124: {  	[tilespmem:s19], [sflag:$0x2] =	stream.indirect.gather [hbm4b:s9+s18], $0x80, s1, s18, $0xb8;
	[tilespmem:$0x1E800] =	vst v63  }
0x125: {  	_ =	swait.ge [sflag:s20], $0x4000  }
0x126: {  	[sflag:s20] =	ssyncset.done $0x0  }
0x127: {  	[sflag:s20] =	ssyncadd.s32 $0xFFFFC000  }
0x128: {  	[spmem:s2] =	stream.indirect.scatter.add.f32 [tilespmem:s15], [sflag:$0x3], $0x80, s22, s18, $0xb8;
	[tilespmem:$0x1E800] =	vst v63  }
0x129: {  	_ =	swait.ge [sflag:s16], $0x4000  }
0x12a: {  	[sflag:s16] =	ssyncset.done $0x0  }
0x12b: {  	[sflag:s16] =	ssyncadd.s32 $0xFFFFC000  }
0x12c: {  	_ =	swait.ge [sflag:s21], $0x4000  }
0x12d: {  	[sflag:s21] =	ssyncset.done $0x0  }
0x12e: {  	[sflag:s21] =	ssyncadd.s32 $0xFFFFC000  }
0x12f: {  	[spmem:s2] =	stream.indirect.scatter.add.f32 [tilespmem:s19], [sflag:$0x3], $0x80, s25, s18, $0xb8;
	[tilespmem:$0x1E800] =	vst v63  }
0x130: {  	_ =	swait.ge [sflag:s16], $0x4000  }
0x131: {  	[sflag:s16] =	ssyncset.done $0x0  }
0x132: {  	[sflag:s16] =	ssyncadd.s32 $0xFFFFC000  }
0x133: {  	[bflag:$0x0] =	sbarrier.arrive $0xFFFF  }
0x134: {  	[hbm:s24], [sflag:s30] =	dma.local [spmem:s31], $0x2800  }
0x135: {  	_ =	swait.ge [sflag:s16], $0x2800  }
0x136: {  	s26 =	sadd.s32 $0x1, s26;
	s0 =	rddreg [dreg:$0x4]  }
0x137: {  	p0 =	sne.s32 s26, s0  }
.Ltmp4:
0x138: {  	_ = 	snop;
	(pc) =	sbr.rel @p0 .LBB2_1-.Ltmp4, $3  }
0x139: {  	_ =	sdelay $0x1  }
0x13a: {  	[sflag:s16] =	ssyncset.done $0x0  }
0x13b: {  	[sflag:s16] =	ssyncadd.s32 $0xFFFFD800  }
0x13c: {  	_ =	sfence.sel $0x180000  }
0x13d: {  	[bflag:$0x0] =	sbarrier.arrive $0xFFFF  }
0x13e: {  	_ =	strace $0x9000004D  }
0x13f: {  	s0 =	stileid.u32;
	[bflag:$0x2] =	sbarrier.arrive $0xFFFF  }
0x140: {  	p0 =	sne.s32 s0, $0x0;
	s0 =	rddreg [dreg:$0x3]  }
0x141: {  	s0 =	sadd.s32 @!p0 $0x100000, s0  }
0x142: {  	[sflag:s0] =	ssyncadd.tile.s32 @!p0 $0x1;
	_ =	shalt  }
.Lfunc_end2:
_tile_overlayer_lowered:
.L_overlay_start_2:
0x143: {  	(tag) =	ssettag $0x2  }
0x144: {  	s0 =	rddreg [dreg:$0x0];
	s2 =	stileid.u32  }
0x145: {  	s1 =	rddreg [dreg:$0x1];
	p0 =	sne.s32 s2, $0x0  }
0x146: {  	s3 =	rddreg [dreg:$0x2];
	[bflag:$0x3] =	sbarrier.arrive $0xFFFF;
	s2 =	simm.s32 @!p0 $0x1C03  }
0x147: {  	[timem:s3], [sflag:s2] =	dma.local @!p0 [hbm:s0], s1  }
0x148: {  	s0 =	simm.s32 @!p0 $0x3  }
0x149: {  	_ =	swait.ge @!p0 [sflag:s0], s1  }
0x14a: {  	s1 =	ssub.s32 @!p0 $0x0, s1;
	[sflag:s0] =	ssyncset.done @!p0 $0x0  }
0x14b: {  	[sflag:s0] =	ssyncadd.s32 @!p0 s1  }
0x14c: {  	[bflag:$0x3] =	sbarrier.arrive $0xFFFF  }
0x14d: {  	_ =	shalt  }

// kernel: kernel.19.cloned.1.call-start
scs
__scs_entry_jumppad:
0x0: {  	(pc) =	sbr.rel $0x88, $3  }
0x1: {  	(tag) =	ssettag $0x0;
	lr =	simm.s32 $0x1  }
0x2: {  	[smem:$0x3F99] =	sst lr;
	_ =	strace $0xD0000000  }
0x3: {  	_ = 	snop  }
0x4: {  	_ = 	snop  }
0x5: {  	_ = 	snop  }
0x6: {  	_ = 	snop  }
0x7: {  	_ = 	snop  }
__scs_overlays_trampoline_lowered:
0x8: {  	[smem:$0x3FA8] =	sst s0  }
0x9: {  	[smem:$0x3FA9] =	sst s1  }
0xa: {  	[smem:$0x3FAA] =	sst s2  }
0xb: {  	[smem:$0x3FAB] =	sst s3  }
0xc: {  	[smem:$0x3FAC] =	sst s4  }
0xd: {  	[smem:$0x3FAD] =	sst s5  }
0xe: {  	[smem:$0x3FAE] =	sst s6  }
0xf: {  	[smem:$0x3FAF] =	sst s7  }
0x10: {  	[smem:$0x3FB0] =	sst s8  }
0x11: {  	[smem:$0x3FB1] =	sst s9;
	s0 =	simm.s32 @!p0 $0x0  }
0x12: {  	s1 =	sld [smem:$0x3F97];
	s0 =	simm.s32 @p0 $0x1  }
0x13: {  	[smem:$0x3FB2] =	sst s0;
	s0 =	simm.s32 @!p1 $0x0  }
0x14: {  	s2 =	sld [smem:$0x3F96];
	s0 =	simm.s32 @p1 $0x1  }
0x15: {  	[smem:$0x3FB3] =	sst s0;
	s0 =	simm.s32 @!p2 $0x0  }
0x16: {  	s3 =	sld [smem:$0x3FDB];
	s0 =	simm.s32 @p2 $0x1  }
0x17: {  	s4 =	simm.s32 $0x1BF5;
	[smem:$0x3FB5] =	sst s0  }
0x18: {  	s0 =	sld [smem:$0x3F98];
	_ =	swait.ge [sflag:s4], $0x0  }
0x19: {  	s7 =	sld [smem:$0x3F99]  }
0x1a: {  	s8 =	sadd.s32 $0xFFFFE003, lr  }
0x1b: {  	s9 =	sadd.s32 $0xFFFFFEF7, lr;
	s5 =	simm.s32 $0xFFFFFFFF;
	p2 =	slt.u32 s8, $0xFFFFF086  }
0x1c: {  	p1 =	slt.u32 s9, $0xF7A;
	s5 =	simm.s32 @!p2 $0x0  }
0x1d: {  	s5 =	simm.s32 @p1 $0x1;
	p0 =	seq.s32 s7, s2  }
0x1e: {  	s7 =	smul.u32 @!p0 $0xF7A, s2;
	p2 =	seq.s32 @!p0 s5, $0x0  }
0x1f: {  	s9 =	smul.u32 $0xF7A, s1;
	s8 =	simm.s32 @!p0 $0x1BF5;
	p2 =	por !p2, p0  }
0x20: {  	[sflag:s8] =	ssyncset.s32 @!p0 $0xFFFFF086;
	s6 =	sadd.s32 @!p0 s3, s7;
	s7 =	simm.s32 @!p0 $0x108  }
0x21: {  	s3 =	sadd.s32 s3, s9;
	s6 =	sadd.s32 @!p0 $0x88, s6;
	s7 =	simm.s32 @p2 $0x1082  }
0x22: {  	[simem:s7], [sflag:s8] =	dma.local @!p0 [hbm:s6], $0xF7A  }
0x23: {  	s9 =	sor.u32 $0xD0000000, s2;
	s6 =	simm.s32 $0x108;
	_ =	swait.ge @!p0 [sflag:s8], $0x0  }
0x24: {  	s3 =	sadd.s32 $0x88, s3;
	s6 =	simm.s32 @!p1 $0x1082;
	[sflag:s4] =	ssyncset.s32 $0xFFFFF086  }
0x25: {  	[simem:s6], [sflag:s4] =	dma.local [hbm:s3], $0xF7A  }
0x26: {  	[smem:$0x3F99] =	sst s1;
	(tag) =	ssettag s2;
	_ =	strace s9  }
0x27: {  	s1 =	sld [smem:$0x3FA9]  }
0x28: {  	s2 =	sld [smem:$0x3FAA]  }
0x29: {  	s4 =	sld [smem:$0x3FAC]  }
0x2a: {  	p0 =	seq.s32 s5, $0x0;
	s5 =	sld [smem:$0x3FAD]  }
0x2b: {  	s6 =	sld [smem:$0x3FAE]  }
0x2c: {  	s7 =	sld [smem:$0x3FAF]  }
0x2d: {  	s3 =	simm.s32 $0x108;
	s8 =	sld [smem:$0x3FB0]  }
0x2e: {  	s3 =	simm.s32 @!p0 $0x1082;
	s9 =	sld [smem:$0x3FB1]  }
0x2f: {  	lr =	sadd.s32 s0, s3;
	s0 =	sld [smem:$0x3FA8]  }
0x30: {  	s3 =	sld [smem:$0x3FAB]  }
0x31: {  	[smem:$0x3FB4] =	sst s10  }
0x32: {  	s10 =	sld [smem:$0x3FB2];
	_ =	sdelay $0x3  }
0x33: {  	p0 =	seq.s32 s10, $0x1;
	s10 =	sld [smem:$0x3FB4];
	_ =	sdelay $0x3  }
0x34: {  	[smem:$0x3FB4] =	sst s10  }
0x35: {  	s10 =	sld [smem:$0x3FB3];
	_ =	sdelay $0x3  }
0x36: {  	p1 =	seq.s32 s10, $0x1;
	s10 =	sld [smem:$0x3FB4];
	_ =	sdelay $0x3  }
0x37: {  	[smem:$0x3FB4] =	sst s10  }
0x38: {  	s10 =	sld [smem:$0x3FB5]  }
0x39: {  	_ = 	snop;
	(pc) =	sbr.ind lr, $3  }
0x3a: {  	_ = 	snop  }
0x3b: {  	_ = 	snop  }
0x3c: {  	p2 =	seq.s32 s10, $0x1;
	s10 =	sld [smem:$0x3FB4]  }
0x3d: {  	_ =	shalt  }
0x3e: {  	_ =	shalt  }
0x3f: {  	_ =	shalt  }
0x40: {  	_ =	shalt  }
0x41: {  	_ =	shalt  }
0x42: {  	_ =	shalt  }
0x43: {  	_ =	shalt  }
0x44: {  	_ =	shalt  }
0x45: {  	_ =	shalt  }
0x46: {  	_ =	shalt  }
0x47: {  	_ =	shalt  }
0x48: {  	_ =	shalt  }
0x49: {  	_ =	shalt  }
0x4a: {  	_ =	shalt  }
0x4b: {  	_ =	shalt  }
0x4c: {  	_ =	shalt  }
0x4d: {  	_ =	shalt  }
0x4e: {  	_ =	shalt  }
0x4f: {  	_ =	shalt  }
0x50: {  	_ =	shalt  }
0x51: {  	_ =	shalt  }
0x52: {  	_ =	shalt  }
0x53: {  	_ =	shalt  }
0x54: {  	_ =	shalt  }
0x55: {  	_ =	shalt  }
0x56: {  	_ =	shalt  }
0x57: {  	_ =	shalt  }
0x58: {  	_ =	shalt  }
0x59: {  	_ =	shalt  }
0x5a: {  	_ =	shalt  }
0x5b: {  	_ =	shalt  }
0x5c: {  	_ =	shalt  }
0x5d: {  	_ =	shalt  }
0x5e: {  	_ =	shalt  }
0x5f: {  	_ =	shalt  }
0x60: {  	_ =	shalt  }
0x61: {  	_ =	shalt  }
0x62: {  	_ =	shalt  }
0x63: {  	_ =	shalt  }
0x64: {  	_ =	shalt  }
0x65: {  	_ =	shalt  }
0x66: {  	_ =	shalt  }
0x67: {  	_ =	shalt  }
0x68: {  	_ =	shalt  }
0x69: {  	_ =	shalt  }
0x6a: {  	_ =	shalt  }
0x6b: {  	_ =	shalt  }
0x6c: {  	_ =	shalt  }
0x6d: {  	_ =	shalt  }
0x6e: {  	_ =	shalt  }
0x6f: {  	_ =	shalt  }
0x70: {  	_ =	shalt  }
0x71: {  	_ =	shalt  }
0x72: {  	_ =	shalt  }
0x73: {  	_ =	shalt  }
0x74: {  	_ =	shalt  }
0x75: {  	_ =	shalt  }
0x76: {  	_ =	shalt  }
0x77: {  	_ =	shalt  }
0x78: {  	_ =	shalt  }
0x79: {  	_ =	shalt  }
0x7a: {  	_ =	shalt  }
0x7b: {  	_ =	shalt  }
0x7c: {  	_ =	shalt  }
0x7d: {  	_ =	shalt  }
0x7e: {  	_ =	shalt  }
0x7f: {  	_ =	shalt  }
0x80: {  	_ =	shalt  }
0x81: {  	_ =	shalt  }
0x82: {  	_ =	shalt  }
0x83: {  	_ =	shalt  }
0x84: {  	_ =	shalt  }
0x85: {  	_ =	shalt  }
0x86: {  	_ =	shalt  }
0x87: {  	_ =	shalt  }
.Lfunc_end0:
.L_simem_size_0:
called_computation.3_lowered:
.L_overlay_start_0:
0x88: {  	s2 =	sld [smem:$0x3FD9]  }
0x89: {  	s3 =	sld [smem:$0x3FFE];
	_ =	sdelay $0x1  }
0x8a: {  	s1 =	srdreg.scid  }
0x8b: {  	s0 =	sand.u32 $0x1, s1  }
0x8c: {  	s17 =	sshll.u32 s0, $0xA;
	s2 =	sadd.s32 s3, s2  }
0x8d: {  	s2 =	sadd.s32 s2, s17  }
0x8e: {  	[smem:$0x3FC0] =	sst s2  }
0x8f: {  	_ = 	snop  }
0x90: {  	s2 =	sld [smem:$0x3FD0];
	(tm) =	ssettm $0x1  }
0x91: {  	s18 =	sld [smem:$0x3FFB];
	_ =	sdelay $0x3  }
0x92: {  	_ =	strace s18  }
0x93: {  	s3 =	sld [smem:$0x3FFC];
	_ =	sdelay $0x3  }
0x94: {  	_ =	strace s3  }
0x95: {  	s3 =	sld [smem:$0x3FFD];
	_ =	sdelay $0x3  }
0x96: {  	_ =	strace s3  }
0x97: {  	_ =	strace $0x8FFFFFFF  }
0x98: {  	s19 =	sld [smem:$0x3FDB];
	_ =	sdelay $0x1  }
0x99: {  	s4 =	simm.s32 $_scs_section_size  }
0x9a: {  	s5 =	simm.s32 $_size__tile_overlayer_lowered;
	s6 =	simm.s32 $_tile_overlayer_lowered  }
0x9b: {  	s22 =	simm.s32 $0x1BFF;
	s21 =	sshll.u32 s6, $0x1;
	s3 =	sadd.s32 s4, s19  }
0x9c: {  	s7 =	simm.s32 $0x0;
	s20 =	sshll.u32 s5, $0x1;
	s5 =	sadd.s32 s21, s3  }
0x9d: {  	[timem:s7], [sflag:s22] =	dma.local [hbm:s5], s20  }
0x9e: {  	_ =	swait.ge [sflag:s22], s20  }
0x9f: {  	s4 =	ssub.s32 $0x0, s20;
	[sflag:s22] =	ssyncset.done $0x0  }
0xa0: {  	[sflag:s22] =	ssyncadd.s32 s4;
	_ =	sdelay $0x1  }
0xa1: {  	s23 =	simm.s32 $0x1B8B  }
0xa2: {  	_ =	swait.ge [sflag:s23], $0x1  }
0xa3: {  	[sflag:s23] =	ssyncset.done $0x0  }
0xa4: {  	s25 =	simm.s32 $0x1B8E;
	s24 =	sld [smem:$0x3FFE];
	[sflag:s23] =	ssyncadd.s32 $0xFFFFFFFF  }
0xa5: {  	s26 =	simm.s32 $execute0_lowered;
	[smem:$0x3FD2] =	sst s25  }
0xa6: {  	s5 =	sshll.u32 s26, $0x1;
	_ =	strace $0x8000004F;
	[dreg:$0x1] =	wrdreg $0xFFFFFFFF  }
0xa7: {  	s28 =	simm.s32 $_size_execute0_lowered;
	s3 =	sadd.s32 s3, s5;
	[dreg:$0x0] =	wrdreg $0x0  }
0xa8: {  	s5 =	sshll.u32 s28, $0x1;
	[dreg:$0x2] =	wrdreg s3  }
0xa9: {  	[dreg:$0x3] =	wrdreg s5  }
0xaa: {  	[dreg:$0x4] =	wrdreg $0xC0  }
0xab: {  	_ =	task [dreg:s7], $0x5FFFF  }
0xac: {  	[dreg:$0x1] =	wrdreg $0xFFFFFFFF  }
0xad: {  	[dreg:$0x0] =	wrdreg $0x60  }
0xae: {  	[dreg:$0x2] =	wrdreg s24  }
0xaf: {  	[dreg:$0x3] =	wrdreg s2  }
0xb0: {  	[dreg:$0x4] =	wrdreg $0xA8000  }
0xb1: {  	[dreg:$0x5] =	wrdreg $0x9  }
0xb2: {  	_ =	task.clear_ibuf [dreg:s7], $0x6FFFF;
	_ =	strace $0x9000004F  }
0xb3: {  	s29 =	simm.s32 $0x9;
	_ =	strace $0x80000051  }
0xb4: {  	_ =	swait.ge [sflag:s29], $0x1  }
0xb5: {  	[sflag:s29] =	ssyncadd.s32 $0xFFFFFFFF  }
0xb6: {  	_ =	strace $0x90000051  }
0xb7: {  	_ =	sfence  }
0xb8: {  	s30 =	sld [smem:$0x0];
	_ =	sdelay $0x2  }
0xb9: {  	s31 =	sshll.u32 s1, $0xD;
	s1 =	sshrl.u32 s1, $0x2  }
0xba: {  	s3 =	sand.u32 $0x4000, s31;
	s1 =	sadd.s32 s1, s30  }
0xbb: {  	s0 =	sor.u32 s3, s0;
	s1 =	sshll.u32 s1, $0x11  }
0xbc: {  	s0 =	sor.u32 s1, s0  }
0xbd: {  	s0 =	sadd.s32 $0x8F2B, s0  }
0xbe: {  	[sflag:s0] =	ssyncadd.remote.s32 $0x1  }
0xbf: {  	_ =	sfence.sel $0xFFFF  }
0xc0: {  	[dreg:$0x0] =	wrdreg $0xFFFFFFFF;
	(pc) =	sbr.abs _section_cstart, $3  }
0xc1: {  	[dreg:$0x1] =	wrdreg $0xFFFFFFFF  }
0xc2: {  	_ =	task.clear_ibuf [dreg:s7], $0x2FFFF;
	_ =	strace $0x9FFFFFFF  }
0xc3: {  	(tm) =	ssettm $0x7FFFFFFF  }
tec
execute0_lowered:
.L_overlay_start_1:
0x0: {  	(tag) =	ssettag $0x1  }
0x1: {  	s6 =	rddreg [dreg:$0x0]  }
0x2: {  	s0 =	srdreg.scid;
	s7 =	rddreg [dreg:$0x1]  }
0x3: {  	s2 =	rddreg [dreg:$0x2];
	s1 =	stileid.u32  }
0x4: {  	s3 =	simm.s32 $0x0;
	s14 =	simm.s32 $0x3;
	s15 =	simm.s32 $0x1400  }
0x5: {  	s16 =	simm.s32 $0x2800;
	s17 =	simm.s32 $0x80;
	s18 =	simm.s32 $0x6800  }
0x6: {  	s19 =	simm.s32 $0x1;
	s20 =	simm.s32 $0x2;
	s21 =	simm.s32 $0x2700  }
0x7: {  	s22 =	simm.s32 $0x2780;
	s5 =	sand.u32 $0x1, s0;
	s0 =	rddreg [dreg:$0x3]  }
0x8: {  	s26 =	simm.s32 $0x0;
	[smem:$0x7FF] =	sst s3;
	s11 =	smul.u32 $0x50000, s1  }
0x9: {  	s24 =	smul.u32 $0x2800, s1;
	s31 =	sshll.u32 s1, $0x6;
	s4 =	sshll.u32 s5, $0x4  }
0xa: {  	_ =	strace $0x80000050;
	s9 =	smul.u32 $0x28000, s5;
	s10 =	ssub.s32 $0x2, s5  }
0xb: {  	s5 =	sadd.s32 $0x8200, s6;
	s4 =	sor.u32 s1, s4;
	s13 =	sshrl.u32 s10, $0x1  }
0xc: {  	s11 =	sshrl.u32 s11, $0x2;
	s8 =	smul.u32 $0x280, s4;
	s9 =	sadd.s32 s9, s6  }
0xd: {  	s4 =	sadd.s32 $0x8A00, s6;
	s10 =	ssub.s32 s10, s13;
	s23 =	sadd.s32 $0x30A00, s9  }
0xe: {  	s9 =	smax.u32 s10, $0x1;
	s12 =	sadd.s32 s8, s6;
	s6 =	sadd.s32 s7, s8  }
0xf: {  	s8 =	sadd.s32 s11, s2;
	s23 =	sadd.s32 s24, s23;
	s24 =	sor.u32 $0x1C03, s31  }
0x10: {  	s7 =	sadd.s32 $0x2200, s12;
	s10 =	sadd.s32 $0x4000, s8;
	s11 =	sadd.s32 $0x8000, s8  }
0x11: {  	s12 =	sadd.s32 $0xC000, s8;
	s13 =	sadd.s32 $0x10000, s8;
	s25 =	sshrl.u32 s8, $0x3  }
.LBB2_1:
0x12: {  	[tilespmem:s3], [sflag:$0x3] =	stream.linear.gather [hbm4b:s6+s3], $0x1400, $0x38;
	[tilespmem:$0x1E800] =	vst v63  }
0x13: {  	_ =	swait.ge [sflag:s14], $0x1400  }
0x14: {  	[sflag:s14] =	ssyncset.done $0x0  }
0x15: {  	[sflag:s14] =	ssyncadd.s32 $0xFFFFEC00  }
0x16: {  	[tilespmem:s15], [sflag:$0x3] =	stream.linear.gather [hbm4b:s7+s3], $0x1400, $0x38;
	[tilespmem:$0x1E800] =	vst v63  }
0x17: {  	_ =	swait.ge [sflag:s14], $0x1400  }
0x18: {  	[sflag:s14] =	ssyncset.done $0x0  }
0x19: {  	[sflag:s14] =	ssyncadd.s32 $0xFFFFEC00  }
0x1a: {  	[tilespmem:s16], [sflag:$0x3] =	stream.linear.gather [hbm4b:s5+s3], $0x4000, $0x38;
	[tilespmem:$0x1E800] =	vst v63  }
0x1b: {  	_ =	swait.ge [sflag:s14], $0x4000  }
0x1c: {  	[sflag:s14] =	ssyncset.done $0x0  }
0x1d: {  	[sflag:s14] =	ssyncadd.s32 $0xFFFFC000  }
0x1e: {  	[spmem:s8] =	stream.linear.scatter [tilespmem:s16], [sflag:$0x3], $0x4000, $0x38;
	[tilespmem:$0x1E800] =	vst v63  }
0x1f: {  	_ =	swait.ge [sflag:s14], $0x4000  }
0x20: {  	[sflag:s14] =	ssyncset.done $0x0  }
0x21: {  	[sflag:s14] =	ssyncadd.s32 $0xFFFFC000  }
0x22: {  	[spmem:s10] =	stream.linear.scatter [tilespmem:s16], [sflag:$0x3], $0x4000, $0x38;
	[tilespmem:$0x1E800] =	vst v63  }
0x23: {  	_ =	swait.ge [sflag:s14], $0x4000  }
0x24: {  	[sflag:s14] =	ssyncset.done $0x0  }
0x25: {  	[sflag:s14] =	ssyncadd.s32 $0xFFFFC000  }
0x26: {  	[spmem:s11] =	stream.linear.scatter [tilespmem:s16], [sflag:$0x3], $0x4000, $0x38;
	[tilespmem:$0x1E800] =	vst v63  }
0x27: {  	_ =	swait.ge [sflag:s14], $0x4000  }
0x28: {  	[sflag:s14] =	ssyncset.done $0x0  }
0x29: {  	[sflag:s14] =	ssyncadd.s32 $0xFFFFC000  }
0x2a: {  	[spmem:s12] =	stream.linear.scatter [tilespmem:s16], [sflag:$0x3], $0x4000, $0x38;
	[tilespmem:$0x1E800] =	vst v63  }
0x2b: {  	_ =	swait.ge [sflag:s14], $0x4000  }
0x2c: {  	[sflag:s14] =	ssyncset.done $0x0  }
0x2d: {  	[sflag:s14] =	ssyncadd.s32 $0xFFFFC000  }
0x2e: {  	[spmem:s13] =	stream.linear.scatter [tilespmem:s16], [sflag:$0x3], $0x4000, $0x38;
	[tilespmem:$0x1E800] =	vst v63  }
0x2f: {  	_ =	swait.ge [sflag:s14], $0x4000  }
0x30: {  	[sflag:s14] =	ssyncset.done $0x0  }
0x31: {  	[sflag:s14] =	ssyncadd.s32 $0xFFFFC000  }
0x32: {  	[bflag:$0x0] =	sbarrier.arrive $0xFFFF  }
0x33: {  	[tilespmem:s16], [sflag:$0x1] =	stream.indirect.gather [hbm4b:s4+s17], $0x80, s3, s17, $0xb8;
	[tilespmem:$0x1E800] =	vst v63  }
0x34: {  	_ = 	snop  }
0x35: {  	[tilespmem:s18], [sflag:$0x2] =	stream.indirect.gather [hbm4b:s4+s17], $0x80, s17, s17, $0xb8;
	[tilespmem:$0x1E800] =	vst v63  }
0x36: {  	_ =	swait.ge [sflag:s19], $0x4000  }
0x37: {  	[sflag:s19] =	ssyncset.done $0x0  }
0x38: {  	s28 =	simm.s32 $0x1400;
	[sflag:s19] =	ssyncadd.s32 $0xFFFFC000  }
0x39: {  	[spmem:s2] =	stream.indirect.scatter.add.f32 [tilespmem:s16], [sflag:$0x3], $0x80, s28, s17, $0xb8;
	[tilespmem:$0x1E800] =	vst v63  }
0x3a: {  	_ =	swait.ge [sflag:s14], $0x4000  }
0x3b: {  	[sflag:s14] =	ssyncset.done $0x0  }
0x3c: {  	s28 =	simm.s32 $0x100;
	[sflag:s14] =	ssyncadd.s32 $0xFFFFC000  }
0x3d: {  	[tilespmem:s16], [sflag:$0x1] =	stream.indirect.gather [hbm4b:s4+s17], $0x80, s28, s17, $0xb8;
	[tilespmem:$0x1E800] =	vst v63  }
0x3e: {  	_ =	swait.ge [sflag:s20], $0x4000  }
0x3f: {  	[sflag:s20] =	ssyncset.done $0x0  }
0x40: {  	s28 =	simm.s32 $0x1480;
	[sflag:s20] =	ssyncadd.s32 $0xFFFFC000  }
0x41: {  	[spmem:s2] =	stream.indirect.scatter.add.f32 [tilespmem:s18], [sflag:$0x3], $0x80, s28, s17, $0xb8;
	[tilespmem:$0x1E800] =	vst v63  }
0x42: {  	_ =	swait.ge [sflag:s14], $0x4000  }
0x43: {  	[sflag:s14] =	ssyncset.done $0x0  }
0x44: {  	s29 =	simm.s32 $0x180;
	s28 =	simm.s32 $0x400;
	[sflag:s14] =	ssyncadd.s32 $0xFFFFC000  }
.LBB2_2:
0x45: {  	[tilespmem:s18], [sflag:$0x2] =	stream.indirect.gather [hbm4b:s4+s17], $0x80, s29, s17, $0xb8;
	[tilespmem:$0x1E800] =	vst v63  }
0x46: {  	s29 =	smov.u32 s28  }
0x47: {  	p0 =	sne.s32 s28, $0x4800;
	s28 =	sadd.s32 $0x400, s28;
	_ =	swait.ge [sflag:s19], $0x4000  }
0x48: {  	s29 =	sshra.s32 s29, $0x2;
	[sflag:s19] =	ssyncset.done $0x0  }
0x49: {  	s30 =	sadd.s32 $0x1400, s29;
	[sflag:s19] =	ssyncadd.s32 $0xFFFFC000  }
0x4a: {  	[spmem:s2] =	stream.indirect.scatter.add.f32 [tilespmem:s16], [sflag:$0x3], $0x80, s30, s17, $0xb8;
	[tilespmem:$0x1E800] =	vst v63  }
0x4b: {  	_ =	swait.ge [sflag:s14], $0x4000  }
0x4c: {  	[sflag:s14] =	ssyncset.done $0x0  }
0x4d: {  	s30 =	sadd.s32 $0x100, s29;
	[sflag:s14] =	ssyncadd.s32 $0xFFFFC000  }
0x4e: {  	[tilespmem:s16], [sflag:$0x1] =	stream.indirect.gather [hbm4b:s4+s17], $0x80, s30, s17, $0xb8;
	[tilespmem:$0x1E800] =	vst v63  }
0x4f: {  	_ =	swait.ge [sflag:s20], $0x4000  }
0x50: {  	[sflag:s20] =	ssyncset.done $0x0  }
.Ltmp0:
0x51: {  	s30 =	sadd.s32 $0x1480, s29;
	[sflag:s20] =	ssyncadd.s32 $0xFFFFC000;
	(pc) =	sbr.rel @p0 .LBB2_2-.Ltmp0, $4  }
0x52: {  	[spmem:s2] =	stream.indirect.scatter.add.f32 [tilespmem:s18], [sflag:$0x3], $0x80, s30, s17, $0xb8;
	[tilespmem:$0x1E800] =	vst v63  }
0x53: {  	_ =	swait.ge [sflag:s14], $0x4000  }
0x54: {  	[sflag:s14] =	ssyncset.done $0x0  }
0x55: {  	s29 =	sadd.s32 $0x180, s29;
	[sflag:s14] =	ssyncadd.s32 $0xFFFFC000  }
0x56: {  	[tilespmem:s18], [sflag:$0x2] =	stream.indirect.gather [hbm4b:s4+s17], $0x80, s29, s17, $0xb8;
	[tilespmem:$0x1E800] =	vst v63  }
0x57: {  	_ =	swait.ge [sflag:s19], $0x4000  }
0x58: {  	[sflag:s19] =	ssyncset.done $0x0  }
0x59: {  	[sflag:s19] =	ssyncadd.s32 $0xFFFFC000  }
0x5a: {  	[spmem:s2] =	stream.indirect.scatter.add.f32 [tilespmem:s16], [sflag:$0x3], $0x80, s21, s17, $0xb8;
	[tilespmem:$0x1E800] =	vst v63  }
0x5b: {  	_ =	swait.ge [sflag:s14], $0x4000  }
0x5c: {  	[sflag:s14] =	ssyncset.done $0x0  }
0x5d: {  	[sflag:s14] =	ssyncadd.s32 $0xFFFFC000  }
0x5e: {  	_ =	swait.ge [sflag:s20], $0x4000  }
0x5f: {  	[sflag:s20] =	ssyncset.done $0x0  }
0x60: {  	[sflag:s20] =	ssyncadd.s32 $0xFFFFC000  }
0x61: {  	[spmem:s2] =	stream.indirect.scatter.add.f32 [tilespmem:s18], [sflag:$0x3], $0x80, s22, s17, $0xb8;
	[tilespmem:$0x1E800] =	vst v63  }
0x62: {  	_ =	swait.ge [sflag:s14], $0x4000  }
0x63: {  	s26 =	sadd.s32 $0x1, s26;
	[sflag:s14] =	ssyncset.done $0x0  }
0x64: {  	p0 =	sne.s32 s26, s9;
	[sflag:s14] =	ssyncadd.s32 $0xFFFFC000  }
.Ltmp1:
0x65: {  	[bflag:$0x0] =	sbarrier.arrive $0xFFFF;
	(pc) =	sbr.rel @p0 .LBB2_1-.Ltmp1, $4  }
0x66: {  	[hbm:s23], [sflag:s24] =	dma.local [spmem:s25], $0x2800  }
0x67: {  	_ =	swait.ge [sflag:s14], $0x2800  }
0x68: {  	[sflag:s14] =	ssyncset.done $0x0  }
0x69: {  	[sflag:s14] =	ssyncadd.s32 $0xFFFFD800  }
0x6a: {  	_ =	sfence.sel $0x180000  }
0x6b: {  	[bflag:$0x0] =	sbarrier.arrive $0xFFFF  }
0x6c: {  	p0 =	sne.s32 s1, $0x0;
	_ =	strace $0x90000050  }
0x6d: {  	s0 =	sadd.s32 @!p0 $0x100000, s0;
	[bflag:$0x2] =	sbarrier.arrive $0xFFFF  }
0x6e: {  	[sflag:s0] =	ssyncadd.tile.s32 @!p0 $0x1;
	_ =	shalt  }
.Lfunc_end2:
_tile_overlayer_lowered:
.L_overlay_start_2:
0x6f: {  	(tag) =	ssettag $0x2  }
0x70: {  	s0 =	rddreg [dreg:$0x0];
	s2 =	stileid.u32  }
0x71: {  	s1 =	rddreg [dreg:$0x1];
	p0 =	sne.s32 s2, $0x0  }
0x72: {  	s3 =	rddreg [dreg:$0x2];
	[bflag:$0x3] =	sbarrier.arrive $0xFFFF;
	s2 =	simm.s32 @!p0 $0x1C03  }
0x73: {  	[timem:s3], [sflag:s2] =	dma.local @!p0 [hbm:s0], s1  }
0x74: {  	s0 =	simm.s32 @!p0 $0x3  }
0x75: {  	_ =	swait.ge @!p0 [sflag:s0], s1  }
0x76: {  	s1 =	ssub.s32 @!p0 $0x0, s1;
	[sflag:s0] =	ssyncset.done @!p0 $0x0  }
0x77: {  	[sflag:s0] =	ssyncadd.s32 @!p0 s1  }
0x78: {  	[bflag:$0x3] =	sbarrier.arrive $0xFFFF  }
0x79: {  	_ =	shalt  }

</sc_bundles>
